<compile_context>
chip_gen: v7x
topology: tpu7x:2x2x1
jax: 0.10.2.dev20260603
libtpu: 0.0.44.dev20260713+nightly
codegen_flags: <defaults>
</compile_context>

<pallas_src>
import functools

import jax
import jax.numpy as jnp
from jax import lax
from jax.experimental import pallas as pl
from jax.experimental.pallas import tpu as pltpu
from jax.experimental.pallas import tpu_sc as plsc

FIELD = 26
K = 16
NPAD = 32
LANES = 128

_P_W1 = 0
_P_W2 = 50
_P_W3 = 65
_P_B0 = 68
_P_B1 = 78
_P_B2 = 83
_P_B3 = 86
_P_W0SC = 87
_P_LEN = 96

_H0, _H1, _H2 = 10, 5, 3


def _fm_body(idx_hbm, w_hbm, vt_hbm, w0t_hbm, par_hbm, out_hbm,
             idx_v, vblk_v, wblk_v, w0t_v, par_v, out_v, sem_v, sem_w):
    cid = lax.axis_index("c")
    sid = lax.axis_index("s")

    @pl.when(jnp.logical_and(cid == 0, sid == 0))
    def _():
        pltpu.sync_copy(idx_hbm, idx_v)
        iv0 = idx_v[pl.ds(0, 16)]
        iv1 = idx_v[pl.ds(16, 16)]
        fm0 = lax.rem(iv0, LANES)
        fm1 = lax.rem(iv1, LANES)
        fb0 = lax.mul(lax.div(iv0, LANES), LANES)
        fb1 = lax.mul(lax.div(iv1, LANES), LANES)

        copies = []
        for i in range(FIELD):
            base = pl.multiple_of(fb0[i] if i < 16 else fb1[i - 16], LANES)
            copies.append(pltpu.async_copy(
                vt_hbm.at[:, pl.ds(base, LANES)], vblk_v.at[i], sem_v))
            copies.append(pltpu.async_copy(
                w_hbm.at[pl.ds(base, LANES)], wblk_v.at[i], sem_w))
        pltpu.sync_copy(w0t_hbm, w0t_v)
        pltpu.sync_copy(par_hbm, par_v)
        for c in copies:
            c.wait()

        pvec = [par_v[pl.ds(c * 16, 16)] for c in range(_P_LEN // 16)]

        def P(i):
            return pvec[i // 16][i % 16]

        rowidx = lax.iota(jnp.int32, 16)
        s = jnp.zeros((K,), jnp.float32)
        ssq = jnp.float32(0.0)
        acc = [jnp.zeros((K,), jnp.float32) for _ in range(_H0)]
        for i in range(FIELD):
            lane = fm0[i] if i < 16 else fm1[i - 16]
            v = plsc.load_gather(
                vblk_v, [jnp.full((16,), i, jnp.int32), rowidx,
                         jnp.full((16,), lane, jnp.int32)])
            s = s + v
            ssq = ssq + jnp.sum(v * v)
            for j in range(_H0):
                acc[j] = acc[j] + v * w0t_v[pl.ds(j * FIELD * K + i * K, K)]
        inter = 0.5 * (jnp.sum(s * s) - ssq)

        wlo = plsc.load_gather(wblk_v, [rowidx, fm0])
        whi = plsc.load_gather(wblk_v, [rowidx + 16, fm1])
        wsum = jnp.sum(wlo + jnp.where(rowidx < (FIELD - K), whi, 0.0))

        h0 = [jnp.maximum(jnp.sum(acc[j]) + P(_P_B0 + j), 0.0)
              for j in range(_H0)]
        h1 = []
        for b in range(_H1):
            t = P(_P_B1 + b)
            for a in range(_H0):
                t = t + h0[a] * P(_P_W1 + a * _H1 + b)
            h1.append(jnp.maximum(t, 0.0))
        h2 = []
        for b in range(_H2):
            t = P(_P_B2 + b)
            for a in range(_H1):
                t = t + h1[a] * P(_P_W2 + a * _H2 + b)
            h2.append(jnp.maximum(t, 0.0))
        dnn = P(_P_B3)
        for a in range(_H2):
            dnn = dnn + h2[a] * P(_P_W3 + a)

        res = inter + wsum + P(_P_W0SC) + dnn
        out_v[...] = jnp.full((16,), res, jnp.float32)
        pltpu.sync_copy(out_v, out_hbm)


_mesh = plsc.VectorSubcoreMesh(core_axis_name="c", subcore_axis_name="s")

_fm_call = functools.partial(
    pl.kernel, mesh=_mesh,
    out_type=jax.ShapeDtypeStruct((16,), jnp.float32),
    compiler_params=pltpu.CompilerParams(
        needs_layout_passes=False, use_tc_tiling_on_sc=True),
    scratch_types=[
        pltpu.VMEM((NPAD,), jnp.int32),
        pltpu.VMEM((FIELD, 16, LANES), jnp.float32),
        pltpu.VMEM((NPAD, LANES), jnp.float32),
        pltpu.VMEM((_H0 * FIELD * K,), jnp.float32),
        pltpu.VMEM((_P_LEN,), jnp.float32),
        pltpu.VMEM((16,), jnp.float32),
        pltpu.SemaphoreType.DMA,
        pltpu.SemaphoreType.DMA,
    ],
)(_fm_body)


def kernel(feature, w_table, v_table, w0, W0, b0, W1, b1, W2, b2, W3, b3):
    idx = jnp.concatenate(
        [feature.astype(jnp.int32), jnp.zeros((NPAD - FIELD,), jnp.int32)])
    params = jnp.concatenate([
        W1.reshape(-1), W2.reshape(-1), W3.reshape(-1),
        b0, b1, b2, b3, w0,
        jnp.zeros((_P_LEN - 88,), jnp.float32)])
    out = _fm_call(idx, w_table.reshape(-1), v_table.T,
                   W0.T.reshape(-1), params)
    return out[:1]

# --- scband reference (transcript-rebuilt; emitter-appended) ---
"""Pipeline reference for scband-deep-fm-63909113365295 (READ-ONLY COPY).

The authoritative reference and input builder live on the scoring server;
editing this copy changes nothing except your own understanding.
"""

import jax, jax.numpy as jnp
import numpy as np

FIELDSIZE = 26
FEASIZE = 1000000
K = 16
HIDDEN = [10, 5, 3]


def setup_inputs(seed: int = 0) -> dict:
    key = jax.random.key(seed)
    ks = jax.random.split(key, 12)
    feature = jax.random.randint(ks[0], (FIELDSIZE,), 0, FEASIZE, dtype=jnp.int64) if jax.config.jax_enable_x64 else jax.random.randint(ks[0], (FIELDSIZE,), 0, FEASIZE, dtype=jnp.int32)
    w_table = jax.random.normal(ks[1], (FEASIZE, 1), dtype=jnp.float32) * 0.05
    v_table = jax.random.normal(ks[2], (FEASIZE, K), dtype=jnp.float32) * 0.05
    w0 = jnp.zeros((1,), dtype=jnp.float32)
    d_in = FIELDSIZE * K
    W0 = jax.random.normal(ks[3], (d_in, HIDDEN[0]), dtype=jnp.float32) * (1.0 / np.sqrt(d_in))
    b0 = jnp.zeros((HIDDEN[0],), dtype=jnp.float32)
    W1 = jax.random.normal(ks[4], (HIDDEN[0], HIDDEN[1]), dtype=jnp.float32) * (1.0 / np.sqrt(HIDDEN[0]))
    b1 = jnp.zeros((HIDDEN[1],), dtype=jnp.float32)
    W2 = jax.random.normal(ks[5], (HIDDEN[1], HIDDEN[2]), dtype=jnp.float32) * (1.0 / np.sqrt(HIDDEN[1]))
    b2 = jnp.zeros((HIDDEN[2],), dtype=jnp.float32)
    W3 = jax.random.normal(ks[6], (HIDDEN[2], 1), dtype=jnp.float32) * (1.0 / np.sqrt(HIDDEN[2]))
    b3 = jnp.zeros((1,), dtype=jnp.float32)
    return {
        'feature': feature,
        'w_table': w_table,
        'v_table': v_table,
        'w0': w0,
        'W0': W0, 'b0': b0,
        'W1': W1, 'b1': b1,
        'W2': W2, 'b2': b2,
        'W3': W3, 'b3': b3,
    }


def reference(feature, w_table, v_table, w0, W0, b0, W1, b1, W2, b2, W3, b3):
    # Embedding gathers (SparseCore-friendly)
    V = jnp.take(v_table, feature, axis=0)            # [fieldsize, k]
    W = jnp.take(w_table, feature, axis=0)            # [fieldsize, 1]
    # Pairwise FM interaction: sum_{i<j} V[i] . V[j]
    # Equivalent to the double loop in the torch module:
    s = jnp.sum(V, axis=0)                            # [k]
    inter = 0.5 * (jnp.dot(s, s) - jnp.sum(V * V))    # scalar
    # Deep part
    x = V.reshape(-1)                                 # [fieldsize*k]
    h = jax.nn.relu(x @ W0 + b0)
    h = jax.nn.relu(h @ W1 + b1)
    h = jax.nn.relu(h @ W2 + b2)
    dnn_out = h @ W3 + b3                             # [1]
    res = jnp.zeros((1,), dtype=jnp.float32)
    res = res + inter
    res = res + jnp.sum(W)
    res = res + w0
    res = res + dnn_out
    return res

if __name__ == "__main__":
    import jax
    _d = setup_inputs()
    print(jax.jit(kernel)(*tuple(_d.values())))

</pallas_src>

<mosaic_0001>
#map = affine_map<(d0, d1) -> (0)>
#map1 = affine_map<(d0, d1) -> (0, 0)>
module attributes {stable_mosaic.version = 14 : i64} {
  func.func @_fm_body(%arg0: i32, %arg1: i32, %arg2: memref<32xi32, #tpu.memory_space<hbm>>, %arg3: memref<1000000xf32, #tpu.memory_space<hbm>>, %arg4: memref<16x1000000xf32, #tpu.memory_space<hbm>>, %arg5: memref<4160xf32, #tpu.memory_space<hbm>>, %arg6: memref<96xf32, #tpu.memory_space<hbm>>, %arg7: memref<16xf32, #tpu.memory_space<hbm>>, %arg8: memref<32xi32, #tpu.memory_space<vmem>>, %arg9: memref<26x16x128xf32, #tpu.memory_space<vmem>>, %arg10: memref<32x128xf32, #tpu.memory_space<vmem>>, %arg11: memref<4160xf32, #tpu.memory_space<vmem>>, %arg12: memref<96xf32, #tpu.memory_space<vmem>>, %arg13: memref<16xf32, #tpu.memory_space<vmem>>, %arg14: memref<!tpu.dma_semaphore, #tpu.memory_space<semaphore_mem>>, %arg15: memref<!tpu.dma_semaphore, #tpu.memory_space<semaphore_mem>>) attributes {dimension_semantics = [#tpu.dimension_semantics<core_parallel>, #tpu.dimension_semantics<subcore_parallel>], iteration_bounds = array<i64: 2, 16>, scalar_prefetch = 0 : i64, scratch_operands = 8 : i64, tpu.core_type = #tpu.core_type<sc_vector_subcore>, window_params = [{transform_indices = #map}, {transform_indices = #map}, {transform_indices = #map1}, {transform_indices = #map}, {transform_indices = #map}, {transform_indices = #map}]} {
    %eq3A = arith.constant 0 : i32
    %eq3A_0 = arith.cmpi eq, %arg0, %eq3A : i32
    %eq3A_1 = arith.constant 0 : i32
    %eq3A_2 = arith.cmpi eq, %arg1, %eq3A_1 : i32
    %and3A = arith.andi %eq3A_0, %eq3A_2 : i1
    %convert_element_type3A = arith.extui %and3A : i1 to i32
    %cond3A = arith.constant 0 : i32
    %cond3A_3 = arith.cmpi ne, %convert_element_type3A, %cond3A : i32
    scf.if %cond3A_3 {
      "tpu.region"() ({
        %run_scoped3A = tpu.sem_alloc : memref<!tpu.dma_semaphore, #tpu.memory_space<semaphore_mem>>
        tpu.enqueue_dma source(%arg2 : memref<32xi32, #tpu.memory_space<hbm>>) target(%arg8 : memref<32xi32, #tpu.memory_space<vmem>>) target_semaphore(%run_scoped3A : memref<!tpu.dma_semaphore, #tpu.memory_space<semaphore_mem>>)
        tpu.wait_dma2 semaphore(%run_scoped3A : memref<!tpu.dma_semaphore, #tpu.memory_space<semaphore_mem>>) src(%arg2 : memref<32xi32, #tpu.memory_space<hbm>>) dst(%arg8 : memref<32xi32, #tpu.memory_space<vmem>>)
        tpu.yield
      }) : () -> ()
      %get3A = arith.constant 0 : index
      %get3A_4 = tpu.vector_load %arg8[%get3A] {strides = array<i32>} : memref<32xi32, #tpu.memory_space<vmem>>, vector<16xi32>,
      %get3A_5 = arith.constant 16 : index
      %get3A_6 = tpu.vector_load %arg8[%get3A_5] {strides = array<i32>} : memref<32xi32, #tpu.memory_space<vmem>>, vector<16xi32>,
      %rem3A = arith.constant 128 : i32
      %rem3A_7 = vector.broadcast %rem3A : i32 to vector<16xi32>
      %rem3A_8 = arith.remsi %get3A_4, %rem3A_7 : vector<16xi32>
      %rem3A_9 = arith.constant 128 : i32
      %rem3A_10 = vector.broadcast %rem3A_9 : i32 to vector<16xi32>
      %rem3A_11 = arith.remsi %get3A_6, %rem3A_10 : vector<16xi32>
      %div3A = arith.constant 128 : i32
      %div3A_12 = vector.broadcast %div3A : i32 to vector<16xi32>
      %div3A_13 = arith.divsi %get3A_4, %div3A_12 : vector<16xi32>
      %mul3A = arith.constant 128 : i32
      %mul3A_14 = vector.broadcast %mul3A : i32 to vector<16xi32>
      %mul3A_15 = arith.muli %div3A_13, %mul3A_14 : vector<16xi32>
      %div3A_16 = arith.constant 128 : i32
      %div3A_17 = vector.broadcast %div3A_16 : i32 to vector<16xi32>
      %div3A_18 = arith.divsi %get3A_6, %div3A_17 : vector<16xi32>
      %mul3A_19 = arith.constant 128 : i32
      %mul3A_20 = vector.broadcast %mul3A_19 : i32 to vector<16xi32>
      %mul3A_21 = arith.muli %div3A_18, %mul3A_20 : vector<16xi32>
      %slice3A = vector.extract_strided_slice %mul3A_15 {offsets = [0], sizes = [1], strides = [1]} : vector<16xi32> to vector<1xi32>
      %squeeze3A = vector.extract %slice3A[0] : i32 from vector<1xi32>
      %multiple_of3A = tpu.assume_multiple %squeeze3A, 128 : i32
      %dma_start3A = arith.constant 0 : i32
      %dma_start3A_22 = arith.constant 0 : i32
      %dma_start3A_23 = arith.constant 0 : i32
      %dma_start3A_24 = tpu.memref_slice %arg9[%dma_start3A, %dma_start3A_22, %dma_start3A_23] : memref<26x16x128xf32, #tpu.memory_space<vmem>> -> memref<1x16x128xf32, #tpu.memory_space<vmem>>
      %dma_start3A_25 = tpu.memref_squeeze %dma_start3A_24 : memref<1x16x128xf32, #tpu.memory_space<vmem>> -> memref<16x128xf32, #tpu.memory_space<vmem>>
      %dma_start3A_26 = arith.constant 0 : i32
      %dma_start3A_27 = tpu.memref_slice %arg4[%dma_start3A_26, %multiple_of3A] : memref<16x1000000xf32, #tpu.memory_space<hbm>> -> memref<16x128xf32, #tpu.memory_space<hbm>>
      %dma_start3A_28 = arith.constant 0 : i32
      %dma_start3A_29 = arith.constant 0 : i32
      %dma_start3A_30 = tpu.memref_slice %arg9[%dma_start3A, %dma_start3A_28, %dma_start3A_29] : memref<26x16x128xf32, #tpu.memory_space<vmem>> -> memref<1x16x128xf32, #tpu.memory_space<vmem>>
      %dma_start3A_31 = tpu.memref_squeeze %dma_start3A_30 : memref<1x16x128xf32, #tpu.memory_space<vmem>> -> memref<16x128xf32, #tpu.memory_space<vmem>>
      %dma_start3A_32 = arith.constant 0 : i32
      %dma_start3A_33 = tpu.memref_slice %arg4[%dma_start3A_32, %multiple_of3A] : memref<16x1000000xf32, #tpu.memory_space<hbm>> -> memref<16x128xf32, #tpu.memory_space<hbm>>
      tpu.enqueue_dma source(%dma_start3A_33 : memref<16x128xf32, #tpu.memory_space<hbm>>) target(%dma_start3A_31 : memref<16x128xf32, #tpu.memory_space<vmem>>) target_semaphore(%arg14 : memref<!tpu.dma_semaphore, #tpu.memory_space<semaphore_mem>>)
      %dma_start3A_34 = arith.constant 0 : i32
      %dma_start3A_35 = arith.constant 0 : i32
      %dma_start3A_36 = tpu.memref_slice %arg10[%dma_start3A_34, %dma_start3A_35] : memref<32x128xf32, #tpu.memory_space<vmem>> -> memref<1x128xf32, #tpu.memory_space<vmem>>
      %dma_start3A_37 = tpu.memref_squeeze %dma_start3A_36 : memref<1x128xf32, #tpu.memory_space<vmem>> -> memref<128xf32, #tpu.memory_space<vmem>>
      %dma_start3A_38 = tpu.memref_slice %arg3[%multiple_of3A] : memref<1000000xf32, #tpu.memory_space<hbm>> -> memref<128xf32, #tpu.memory_space<hbm>>
      %dma_start3A_39 = arith.constant 0 : i32
      %dma_start3A_40 = tpu.memref_slice %arg10[%dma_start3A_34, %dma_start3A_39] : memref<32x128xf32, #tpu.memory_space<vmem>> -> memref<1x128xf32, #tpu.memory_space<vmem>>
      %dma_start3A_41 = tpu.memref_squeeze %dma_start3A_40 : memref<1x128xf32, #tpu.memory_space<vmem>> -> memref<128xf32, #tpu.memory_space<vmem>>
      %dma_start3A_42 = tpu.memref_slice %arg3[%multiple_of3A] : memref<1000000xf32, #tpu.memory_space<hbm>> -> memref<128xf32, #tpu.memory_space<hbm>>
      tpu.enqueue_dma source(%dma_start3A_42 : memref<128xf32, #tpu.memory_space<hbm>>) target(%dma_start3A_41 : memref<128xf32, #tpu.memory_space<vmem>>) target_semaphore(%arg15 : memref<!tpu.dma_semaphore, #tpu.memory_space<semaphore_mem>>)
      %slice3A_43 = vector.extract_strided_slice %mul3A_15 {offsets = [1], sizes = [1], strides = [1]} : vector<16xi32> to vector<1xi32>
      %squeeze3A_44 = vector.extract %slice3A_43[0] : i32 from vector<1xi32>
      %multiple_of3A_45 = tpu.assume_multiple %squeeze3A_44, 128 : i32
      %dma_start3A_46 = arith.constant 1 : i32
      %dma_start3A_47 = arith.constant 0 : i32
      %dma_start3A_48 = arith.constant 0 : i32
      %dma_start3A_49 = tpu.memref_slice %arg9[%dma_start3A_46, %dma_start3A_47, %dma_start3A_48] : memref<26x16x128xf32, #tpu.memory_space<vmem>> -> memref<1x16x128xf32, #tpu.memory_space<vmem>>
      %dma_start3A_50 = tpu.memref_squeeze %dma_start3A_49 : memref<1x16x128xf32, #tpu.memory_space<vmem>> -> memref<16x128xf32, #tpu.memory_space<vmem>>
      %dma_start3A_51 = arith.constant 0 : i32
      %dma_start3A_52 = tpu.memref_slice %arg4[%dma_start3A_51, %multiple_of3A_45] : memref<16x1000000xf32, #tpu.memory_space<hbm>> -> memref<16x128xf32, #tpu.memory_space<hbm>>
      %dma_start3A_53 = arith.constant 0 : i32
      %dma_start3A_54 = arith.constant 0 : i32
      %dma_start3A_55 = tpu.memref_slice %arg9[%dma_start3A_46, %dma_start3A_53, %dma_start3A_54] : memref<26x16x128xf32, #tpu.memory_space<vmem>> -> memref<1x16x128xf32, #tpu.memory_space<vmem>>
      %dma_start3A_56 = tpu.memref_squeeze %dma_start3A_55 : memref<1x16x128xf32, #tpu.memory_space<vmem>> -> memref<16x128xf32, #tpu.memory_space<vmem>>
      %dma_start3A_57 = arith.constant 0 : i32
      %dma_start3A_58 = tpu.memref_slice %arg4[%dma_start3A_57, %multiple_of3A_45] : memref<16x1000000xf32, #tpu.memory_space<hbm>> -> memref<16x128xf32, #tpu.memory_space<hbm>>
      tpu.enqueue_dma source(%dma_start3A_58 : memref<16x128xf32, #tpu.memory_space<hbm>>) target(%dma_start3A_56 : memref<16x128xf32, #tpu.memory_space<vmem>>) target_semaphore(%arg14 : memref<!tpu.dma_semaphore, #tpu.memory_space<semaphore_mem>>)
      %dma_start3A_59 = arith.constant 1 : i32
      %dma_start3A_60 = arith.constant 0 : i32
      %dma_start3A_61 = tpu.memref_slice %arg10[%dma_start3A_59, %dma_start3A_60] : memref<32x128xf32, #tpu.memory_space<vmem>> -> memref<1x128xf32, #tpu.memory_space<vmem>>
      %dma_start3A_62 = tpu.memref_squeeze %dma_start3A_61 : memref<1x128xf32, #tpu.memory_space<vmem>> -> memref<128xf32, #tpu.memory_space<vmem>>
      %dma_start3A_63 = tpu.memref_slice %arg3[%multiple_of3A_45] : memref<1000000xf32, #tpu.memory_space<hbm>> -> memref<128xf32, #tpu.memory_space<hbm>>
      %dma_start3A_64 = arith.constant 0 : i32
      %dma_start3A_65 = tpu.memref_slice %arg10[%dma_start3A_59, %dma_start3A_64] : memref<32x128xf32, #tpu.memory_space<vmem>> -> memref<1x128xf32, #tpu.memory_space<vmem>>
      %dma_start3A_66 = tpu.memref_squeeze %dma_start3A_65 : memref<1x128xf32, #tpu.memory_space<vmem>> -> memref<128xf32, #tpu.memory_space<vmem>>
      %dma_start3A_67 = tpu.memref_slice %arg3[%multiple_of3A_45] : memref<1000000xf32, #tpu.memory_space<hbm>> -> memref<128xf32, #tpu.memory_space<hbm>>
      tpu.enqueue_dma source(%dma_start3A_67 : memref<128xf32, #tpu.memory_space<hbm>>) target(%dma_start3A_66 : memref<128xf32, #tpu.memory_space<vmem>>) target_semaphore(%arg15 : memref<!tpu.dma_semaphore, #tpu.memory_space<semaphore_mem>>)
      %slice3A_68 = vector.extract_strided_slice %mul3A_15 {offsets = [2], sizes = [1], strides = [1]} : vector<16xi32> to vector<1xi32>
      %squeeze3A_69 = vector.extract %slice3A_68[0] : i32 from vector<1xi32>
      %multiple_of3A_70 = tpu.assume_multiple %squeeze3A_69, 128 : i32
      %dma_start3A_71 = arith.constant 2 : i32
      %dma_start3A_72 = arith.constant 0 : i32
      %dma_start3A_73 = arith.constant 0 : i32
      %dma_start3A_74 = tpu.memref_slice %arg9[%dma_start3A_71, %dma_start3A_72, %dma_start3A_73] : memref<26x16x128xf32, #tpu.memory_space<vmem>> -> memref<1x16x128xf32, #tpu.memory_space<vmem>>
      %dma_start3A_75 = tpu.memref_squeeze %dma_start3A_74 : memref<1x16x128xf32, #tpu.memory_space<vmem>> -> memref<16x128xf32, #tpu.memory_space<vmem>>
      %dma_start3A_76 = arith.constant 0 : i32
      %dma_start3A_77 = tpu.memref_slice %arg4[%dma_start3A_76, %multiple_of3A_70] : memref<16x1000000xf32, #tpu.memory_space<hbm>> -> memref<16x128xf32, #tpu.memory_space<hbm>>
      %dma_start3A_78 = arith.constant 0 : i32
      %dma_start3A_79 = arith.constant 0 : i32
      %dma_start3A_80 = tpu.memref_slice %arg9[%dma_start3A_71, %dma_start3A_78, %dma_start3A_79] : memref<26x16x128xf32, #tpu.memory_space<vmem>> -> memref<1x16x128xf32, #tpu.memory_space<vmem>>
      %dma_start3A_81 = tpu.memref_squeeze %dma_start3A_80 : memref<1x16x128xf32, #tpu.memory_space<vmem>> -> memref<16x128xf32, #tpu.memory_space<vmem>>
      %dma_start3A_82 = arith.constant 0 : i32
      %dma_start3A_83 = tpu.memref_slice %arg4[%dma_start3A_82, %multiple_of3A_70] : memref<16x1000000xf32, #tpu.memory_space<hbm>> -> memref<16x128xf32, #tpu.memory_space<hbm>>
      tpu.enqueue_dma source(%dma_start3A_83 : memref<16x128xf32, #tpu.memory_space<hbm>>) target(%dma_start3A_81 : memref<16x128xf32, #tpu.memory_space<vmem>>) target_semaphore(%arg14 : memref<!tpu.dma_semaphore, #tpu.memory_space<semaphore_mem>>)
      %dma_start3A_84 = arith.constant 2 : i32
      %dma_start3A_85 = arith.constant 0 : i32
      %dma_start3A_86 = tpu.memref_slice %arg10[%dma_start3A_84, %dma_start3A_85] : memref<32x128xf32, #tpu.memory_space<vmem>> -> memref<1x128xf32, #tpu.memory_space<vmem>>
      %dma_start3A_87 = tpu.memref_squeeze %dma_start3A_86 : memref<1x128xf32, #tpu.memory_space<vmem>> -> memref<128xf32, #tpu.memory_space<vmem>>
      %dma_start3A_88 = tpu.memref_slice %arg3[%multiple_of3A_70] : memref<1000000xf32, #tpu.memory_space<hbm>> -> memref<128xf32, #tpu.memory_space<hbm>>
      %dma_start3A_89 = arith.constant 0 : i32
      %dma_start3A_90 = tpu.memref_slice %arg10[%dma_start3A_84, %dma_start3A_89] : memref<32x128xf32, #tpu.memory_space<vmem>> -> memref<1x128xf32, #tpu.memory_space<vmem>>
      %dma_start3A_91 = tpu.memref_squeeze %dma_start3A_90 : memref<1x128xf32, #tpu.memory_space<vmem>> -> memref<128xf32, #tpu.memory_space<vmem>>
      %dma_start3A_92 = tpu.memref_slice %arg3[%multiple_of3A_70] : memref<1000000xf32, #tpu.memory_space<hbm>> -> memref<128xf32, #tpu.memory_space<hbm>>
      tpu.enqueue_dma source(%dma_start3A_92 : memref<128xf32, #tpu.memory_space<hbm>>) target(%dma_start3A_91 : memref<128xf32, #tpu.memory_space<vmem>>) target_semaphore(%arg15 : memref<!tpu.dma_semaphore, #tpu.memory_space<semaphore_mem>>)
      %slice3A_93 = vector.extract_strided_slice %mul3A_15 {offsets = [3], sizes = [1], strides = [1]} : vector<16xi32> to vector<1xi32>
      %squeeze3A_94 = vector.extract %slice3A_93[0] : i32 from vector<1xi32>
      %multiple_of3A_95 = tpu.assume_multiple %squeeze3A_94, 128 : i32
      %dma_start3A_96 = arith.constant 3 : i32
      %dma_start3A_97 = arith.constant 0 : i32
      %dma_start3A_98 = arith.constant 0 : i32
      %dma_start3A_99 = tpu.memref_slice %arg9[%dma_start3A_96, %dma_start3A_97, %dma_start3A_98] : memref<26x16x128xf32, #tpu.memory_space<vmem>> -> memref<1x16x128xf32, #tpu.memory_space<vmem>>
      %dma_start3A_100 = tpu.memref_squeeze %dma_start3A_99 : memref<1x16x128xf32, #tpu.memory_space<vmem>> -> memref<16x128xf32, #tpu.memory_space<vmem>>
      %dma_start3A_101 = arith.constant 0 : i32
      %dma_start3A_102 = tpu.memref_slice %arg4[%dma_start3A_101, %multiple_of3A_95] : memref<16x1000000xf32, #tpu.memory_space<hbm>> -> memref<16x128xf32, #tpu.memory_space<hbm>>
      %dma_start3A_103 = arith.constant 0 : i32
      %dma_start3A_104 = arith.constant 0 : i32
      %dma_start3A_105 = tpu.memref_slice %arg9[%dma_start3A_96, %dma_start3A_103, %dma_start3A_104] : memref<26x16x128xf32, #tpu.memory_space<vmem>> -> memref<1x16x128xf32, #tpu.memory_space<vmem>>
      %dma_start3A_106 = tpu.memref_squeeze %dma_start3A_105 : memref<1x16x128xf32, #tpu.memory_space<vmem>> -> memref<16x128xf32, #tpu.memory_space<vmem>>
      %dma_start3A_107 = arith.constant 0 : i32
      %dma_start3A_108 = tpu.memref_slice %arg4[%dma_start3A_107, %multiple_of3A_95] : memref<16x1000000xf32, #tpu.memory_space<hbm>> -> memref<16x128xf32, #tpu.memory_space<hbm>>
      tpu.enqueue_dma source(%dma_start3A_108 : memref<16x128xf32, #tpu.memory_space<hbm>>) target(%dma_start3A_106 : memref<16x128xf32, #tpu.memory_space<vmem>>) target_semaphore(%arg14 : memref<!tpu.dma_semaphore, #tpu.memory_space<semaphore_mem>>)
      %dma_start3A_109 = arith.constant 3 : i32
      %dma_start3A_110 = arith.constant 0 : i32
      %dma_start3A_111 = tpu.memref_slice %arg10[%dma_start3A_109, %dma_start3A_110] : memref<32x128xf32, #tpu.memory_space<vmem>> -> memref<1x128xf32, #tpu.memory_space<vmem>>
      %dma_start3A_112 = tpu.memref_squeeze %dma_start3A_111 : memref<1x128xf32, #tpu.memory_space<vmem>> -> memref<128xf32, #tpu.memory_space<vmem>>
      %dma_start3A_113 = tpu.memref_slice %arg3[%multiple_of3A_95] : memref<1000000xf32, #tpu.memory_space<hbm>> -> memref<128xf32, #tpu.memory_space<hbm>>
      %dma_start3A_114 = arith.constant 0 : i32
      %dma_start3A_115 = tpu.memref_slice %arg10[%dma_start3A_109, %dma_start3A_114] : memref<32x128xf32, #tpu.memory_space<vmem>> -> memref<1x128xf32, #tpu.memory_space<vmem>>
      %dma_start3A_116 = tpu.memref_squeeze %dma_start3A_115 : memref<1x128xf32, #tpu.memory_space<vmem>> -> memref<128xf32, #tpu.memory_space<vmem>>
      %dma_start3A_117 = tpu.memref_slice %arg3[%multiple_of3A_95] : memref<1000000xf32, #tpu.memory_space<hbm>> -> memref<128xf32, #tpu.memory_space<hbm>>
      tpu.enqueue_dma source(%dma_start3A_117 : memref<128xf32, #tpu.memory_space<hbm>>) target(%dma_start3A_116 : memref<128xf32, #tpu.memory_space<vmem>>) target_semaphore(%arg15 : memref<!tpu.dma_semaphore, #tpu.memory_space<semaphore_mem>>)
      %slice3A_118 = vector.extract_strided_slice %mul3A_15 {offsets = [4], sizes = [1], strides = [1]} : vector<16xi32> to vector<1xi32>
      %squeeze3A_119 = vector.extract %slice3A_118[0] : i32 from vector<1xi32>
      %multiple_of3A_120 = tpu.assume_multiple %squeeze3A_119, 128 : i32
      %dma_start3A_121 = arith.constant 4 : i32
      %dma_start3A_122 = arith.constant 0 : i32
      %dma_start3A_123 = arith.constant 0 : i32
      %dma_start3A_124 = tpu.memref_slice %arg9[%dma_start3A_121, %dma_start3A_122, %dma_start3A_123] : memref<26x16x128xf32, #tpu.memory_space<vmem>> -> memref<1x16x128xf32, #tpu.memory_space<vmem>>
      %dma_start3A_125 = tpu.memref_squeeze %dma_start3A_124 : memref<1x16x128xf32, #tpu.memory_space<vmem>> -> memref<16x128xf32, #tpu.memory_space<vmem>>
      %dma_start3A_126 = arith.constant 0 : i32
      %dma_start3A_127 = tpu.memref_slice %arg4[%dma_start3A_126, %multiple_of3A_120] : memref<16x1000000xf32, #tpu.memory_space<hbm>> -> memref<16x128xf32, #tpu.memory_space<hbm>>
      %dma_start3A_128 = arith.constant 0 : i32
      %dma_start3A_129 = arith.constant 0 : i32
      %dma_start3A_130 = tpu.memref_slice %arg9[%dma_start3A_121, %dma_start3A_128, %dma_start3A_129] : memref<26x16x128xf32, #tpu.memory_space<vmem>> -> memref<1x16x128xf32, #tpu.memory_space<vmem>>
      %dma_start3A_131 = tpu.memref_squeeze %dma_start3A_130 : memref<1x16x128xf32, #tpu.memory_space<vmem>> -> memref<16x128xf32, #tpu.memory_space<vmem>>
      %dma_start3A_132 = arith.constant 0 : i32
      %dma_start3A_133 = tpu.memref_slice %arg4[%dma_start3A_132, %multiple_of3A_120] : memref<16x1000000xf32, #tpu.memory_space<hbm>> -> memref<16x128xf32, #tpu.memory_space<hbm>>
      tpu.enqueue_dma source(%dma_start3A_133 : memref<16x128xf32, #tpu.memory_space<hbm>>) target(%dma_start3A_131 : memref<16x128xf32, #tpu.memory_space<vmem>>) target_semaphore(%arg14 : memref<!tpu.dma_semaphore, #tpu.memory_space<semaphore_mem>>)
      %dma_start3A_134 = arith.constant 4 : i32
      %dma_start3A_135 = arith.constant 0 : i32
      %dma_start3A_136 = tpu.memref_slice %arg10[%dma_start3A_134, %dma_start3A_135] : memref<32x128xf32, #tpu.memory_space<vmem>> -> memref<1x128xf32, #tpu.memory_space<vmem>>
      %dma_start3A_137 = tpu.memref_squeeze %dma_start3A_136 : memref<1x128xf32, #tpu.memory_space<vmem>> -> memref<128xf32, #tpu.memory_space<vmem>>
      %dma_start3A_138 = tpu.memref_slice %arg3[%multiple_of3A_120] : memref<1000000xf32, #tpu.memory_space<hbm>> -> memref<128xf32, #tpu.memory_space<hbm>>
      %dma_start3A_139 = arith.constant 0 : i32
      %dma_start3A_140 = tpu.memref_slice %arg10[%dma_start3A_134, %dma_start3A_139] : memref<32x128xf32, #tpu.memory_space<vmem>> -> memref<1x128xf32, #tpu.memory_space<vmem>>
      %dma_start3A_141 = tpu.memref_squeeze %dma_start3A_140 : memref<1x128xf32, #tpu.memory_space<vmem>> -> memref<128xf32, #tpu.memory_space<vmem>>
      %dma_start3A_142 = tpu.memref_slice %arg3[%multiple_of3A_120] : memref<1000000xf32, #tpu.memory_space<hbm>> -> memref<128xf32, #tpu.memory_space<hbm>>
      tpu.enqueue_dma source(%dma_start3A_142 : memref<128xf32, #tpu.memory_space<hbm>>) target(%dma_start3A_141 : memref<128xf32, #tpu.memory_space<vmem>>) target_semaphore(%arg15 : memref<!tpu.dma_semaphore, #tpu.memory_space<semaphore_mem>>)
      %slice3A_143 = vector.extract_strided_slice %mul3A_15 {offsets = [5], sizes = [1], strides = [1]} : vector<16xi32> to vector<1xi32>
      %squeeze3A_144 = vector.extract %slice3A_143[0] : i32 from vector<1xi32>
      %multiple_of3A_145 = tpu.assume_multiple %squeeze3A_144, 128 : i32
      %dma_start3A_146 = arith.constant 5 : i32
      %dma_start3A_147 = arith.constant 0 : i32
      %dma_start3A_148 = arith.constant 0 : i32
      %dma_start3A_149 = tpu.memref_slice %arg9[%dma_start3A_146, %dma_start3A_147, %dma_start3A_148] : memref<26x16x128xf32, #tpu.memory_space<vmem>> -> memref<1x16x128xf32, #tpu.memory_space<vmem>>
      %dma_start3A_150 = tpu.memref_squeeze %dma_start3A_149 : memref<1x16x128xf32, #tpu.memory_space<vmem>> -> memref<16x128xf32, #tpu.memory_space<vmem>>
      %dma_start3A_151 = arith.constant 0 : i32
      %dma_start3A_152 = tpu.memref_slice %arg4[%dma_start3A_151, %multiple_of3A_145] : memref<16x1000000xf32, #tpu.memory_space<hbm>> -> memref<16x128xf32, #tpu.memory_space<hbm>>
      %dma_start3A_153 = arith.constant 0 : i32
      %dma_start3A_154 = arith.constant 0 : i32
      %dma_start3A_155 = tpu.memref_slice %arg9[%dma_start3A_146, %dma_start3A_153, %dma_start3A_154] : memref<26x16x128xf32, #tpu.memory_space<vmem>> -> memref<1x16x128xf32, #tpu.memory_space<vmem>>
      %dma_start3A_156 = tpu.memref_squeeze %dma_start3A_155 : memref<1x16x128xf32, #tpu.memory_space<vmem>> -> memref<16x128xf32, #tpu.memory_space<vmem>>
      %dma_start3A_157 = arith.constant 0 : i32
      %dma_start3A_158 = tpu.memref_slice %arg4[%dma_start3A_157, %multiple_of3A_145] : memref<16x1000000xf32, #tpu.memory_space<hbm>> -> memref<16x128xf32, #tpu.memory_space<hbm>>
      tpu.enqueue_dma source(%dma_start3A_158 : memref<16x128xf32, #tpu.memory_space<hbm>>) target(%dma_start3A_156 : memref<16x128xf32, #tpu.memory_space<vmem>>) target_semaphore(%arg14 : memref<!tpu.dma_semaphore, #tpu.memory_space<semaphore_mem>>)
      %dma_start3A_159 = arith.constant 5 : i32
      %dma_start3A_160 = arith.constant 0 : i32
      %dma_start3A_161 = tpu.memref_slice %arg10[%dma_start3A_159, %dma_start3A_160] : memref<32x128xf32, #tpu.memory_space<vmem>> -> memref<1x128xf32, #tpu.memory_space<vmem>>
      %dma_start3A_162 = tpu.memref_squeeze %dma_start3A_161 : memref<1x128xf32, #tpu.memory_space<vmem>> -> memref<128xf32, #tpu.memory_space<vmem>>
      %dma_start3A_163 = tpu.memref_slice %arg3[%multiple_of3A_145] : memref<1000000xf32, #tpu.memory_space<hbm>> -> memref<128xf32, #tpu.memory_space<hbm>>
      %dma_start3A_164 = arith.constant 0 : i32
      %dma_start3A_165 = tpu.memref_slice %arg10[%dma_start3A_159, %dma_start3A_164] : memref<32x128xf32, #tpu.memory_space<vmem>> -> memref<1x128xf32, #tpu.memory_space<vmem>>
      %dma_start3A_166 = tpu.memref_squeeze %dma_start3A_165 : memref<1x128xf32, #tpu.memory_space<vmem>> -> memref<128xf32, #tpu.memory_space<vmem>>
      %dma_start3A_167 = tpu.memref_slice %arg3[%multiple_of3A_145] : memref<1000000xf32, #tpu.memory_space<hbm>> -> memref<128xf32, #tpu.memory_space<hbm>>
      tpu.enqueue_dma source(%dma_start3A_167 : memref<128xf32, #tpu.memory_space<hbm>>) target(%dma_start3A_166 : memref<128xf32, #tpu.memory_space<vmem>>) target_semaphore(%arg15 : memref<!tpu.dma_semaphore, #tpu.memory_space<semaphore_mem>>)
      %slice3A_168 = vector.extract_strided_slice %mul3A_15 {offsets = [6], sizes = [1], strides = [1]} : vector<16xi32> to vector<1xi32>
      %squeeze3A_169 = vector.extract %slice3A_168[0] : i32 from vector<1xi32>
      %multiple_of3A_170 = tpu.assume_multiple %squeeze3A_169, 128 : i32
      %dma_start3A_171 = arith.constant 6 : i32
      %dma_start3A_172 = arith.constant 0 : i32
      %dma_start3A_173 = arith.constant 0 : i32
      %dma_start3A_174 = tpu.memref_slice %arg9[%dma_start3A_171, %dma_start3A_172, %dma_start3A_173] : memref<26x16x128xf32, #tpu.memory_space<vmem>> -> memref<1x16x128xf32, #tpu.memory_space<vmem>>
      %dma_start3A_175 = tpu.memref_squeeze %dma_start3A_174 : memref<1x16x128xf32, #tpu.memory_space<vmem>> -> memref<16x128xf32, #tpu.memory_space<vmem>>
      %dma_start3A_176 = arith.constant 0 : i32
      %dma_start3A_177 = tpu.memref_slice %arg4[%dma_start3A_176, %multiple_of3A_170] : memref<16x1000000xf32, #tpu.memory_space<hbm>> -> memref<16x128xf32, #tpu.memory_space<hbm>>
      %dma_start3A_178 = arith.constant 0 : i32
      %dma_start3A_179 = arith.constant 0 : i32
      %dma_start3A_180 = tpu.memref_slice %arg9[%dma_start3A_171, %dma_start3A_178, %dma_start3A_179] : memref<26x16x128xf32, #tpu.memory_space<vmem>> -> memref<1x16x128xf32, #tpu.memory_space<vmem>>
      %dma_start3A_181 = tpu.memref_squeeze %dma_start3A_180 : memref<1x16x128xf32, #tpu.memory_space<vmem>> -> memref<16x128xf32, #tpu.memory_space<vmem>>
      %dma_start3A_182 = arith.constant 0 : i32
      %dma_start3A_183 = tpu.memref_slice %arg4[%dma_start3A_182, %multiple_of3A_170] : memref<16x1000000xf32, #tpu.memory_space<hbm>> -> memref<16x128xf32, #tpu.memory_space<hbm>>
      tpu.enqueue_dma source(%dma_start3A_183 : memref<16x128xf32, #tpu.memory_space<hbm>>) target(%dma_start3A_181 : memref<16x128xf32, #tpu.memory_space<vmem>>) target_semaphore(%arg14 : memref<!tpu.dma_semaphore, #tpu.memory_space<semaphore_mem>>)
      %dma_start3A_184 = arith.constant 6 : i32
      %dma_start3A_185 = arith.constant 0 : i32
      %dma_start3A_186 = tpu.memref_slice %arg10[%dma_start3A_184, %dma_start3A_185] : memref<32x128xf32, #tpu.memory_space<vmem>> -> memref<1x128xf32, #tpu.memory_space<vmem>>
      %dma_start3A_187 = tpu.memref_squeeze %dma_start3A_186 : memref<1x128xf32, #tpu.memory_space<vmem>> -> memref<128xf32, #tpu.memory_space<vmem>>
      %dma_start3A_188 = tpu.memref_slice %arg3[%multiple_of3A_170] : memref<1000000xf32, #tpu.memory_space<hbm>> -> memref<128xf32, #tpu.memory_space<hbm>>
      %dma_start3A_189 = arith.constant 0 : i32
      %dma_start3A_190 = tpu.memref_slice %arg10[%dma_start3A_184, %dma_start3A_189] : memref<32x128xf32, #tpu.memory_space<vmem>> -> memref<1x128xf32, #tpu.memory_space<vmem>>
      %dma_start3A_191 = tpu.memref_squeeze %dma_start3A_190 : memref<1x128xf32, #tpu.memory_space<vmem>> -> memref<128xf32, #tpu.memory_space<vmem>>
      %dma_start3A_192 = tpu.memref_slice %arg3[%multiple_of3A_170] : memref<1000000xf32, #tpu.memory_space<hbm>> -> memref<128xf32, #tpu.memory_space<hbm>>
      tpu.enqueue_dma source(%dma_start3A_192 : memref<128xf32, #tpu.memory_space<hbm>>) target(%dma_start3A_191 : memref<128xf32, #tpu.memory_space<vmem>>) target_semaphore(%arg15 : memref<!tpu.dma_semaphore, #tpu.memory_space<semaphore_mem>>)
      %slice3A_193 = vector.extract_strided_slice %mul3A_15 {offsets = [7], sizes = [1], strides = [1]} : vector<16xi32> to vector<1xi32>
      %squeeze3A_194 = vector.extract %slice3A_193[0] : i32 from vector<1xi32>
      %multiple_of3A_195 = tpu.assume_multiple %squeeze3A_194, 128 : i32
      %dma_start3A_196 = arith.constant 7 : i32
      %dma_start3A_197 = arith.constant 0 : i32
      %dma_start3A_198 = arith.constant 0 : i32
      %dma_start3A_199 = tpu.memref_slice %arg9[%dma_start3A_196, %dma_start3A_197, %dma_start3A_198] : memref<26x16x128xf32, #tpu.memory_space<vmem>> -> memref<1x16x128xf32, #tpu.memory_space<vmem>>
      %dma_start3A_200 = tpu.memref_squeeze %dma_start3A_199 : memref<1x16x128xf32, #tpu.memory_space<vmem>> -> memref<16x128xf32, #tpu.memory_space<vmem>>
      %dma_start3A_201 = arith.constant 0 : i32
      %dma_start3A_202 = tpu.memref_slice %arg4[%dma_start3A_201, %multiple_of3A_195] : memref<16x1000000xf32, #tpu.memory_space<hbm>> -> memref<16x128xf32, #tpu.memory_space<hbm>>
      %dma_start3A_203 = arith.constant 0 : i32
      %dma_start3A_204 = arith.constant 0 : i32
      %dma_start3A_205 = tpu.memref_slice %arg9[%dma_start3A_196, %dma_start3A_203, %dma_start3A_204] : memref<26x16x128xf32, #tpu.memory_space<vmem>> -> memref<1x16x128xf32, #tpu.memory_space<vmem>>
      %dma_start3A_206 = tpu.memref_squeeze %dma_start3A_205 : memref<1x16x128xf32, #tpu.memory_space<vmem>> -> memref<16x128xf32, #tpu.memory_space<vmem>>
      %dma_start3A_207 = arith.constant 0 : i32
      %dma_start3A_208 = tpu.memref_slice %arg4[%dma_start3A_207, %multiple_of3A_195] : memref<16x1000000xf32, #tpu.memory_space<hbm>> -> memref<16x128xf32, #tpu.memory_space<hbm>>
      tpu.enqueue_dma source(%dma_start3A_208 : memref<16x128xf32, #tpu.memory_space<hbm>>) target(%dma_start3A_206 : memref<16x128xf32, #tpu.memory_space<vmem>>) target_semaphore(%arg14 : memref<!tpu.dma_semaphore, #tpu.memory_space<semaphore_mem>>)
      %dma_start3A_209 = arith.constant 7 : i32
      %dma_start3A_210 = arith.constant 0 : i32
      %dma_start3A_211 = tpu.memref_slice %arg10[%dma_start3A_209, %dma_start3A_210] : memref<32x128xf32, #tpu.memory_space<vmem>> -> memref<1x128xf32, #tpu.memory_space<vmem>>
      %dma_start3A_212 = tpu.memref_squeeze %dma_start3A_211 : memref<1x128xf32, #tpu.memory_space<vmem>> -> memref<128xf32, #tpu.memory_space<vmem>>
      %dma_start3A_213 = tpu.memref_slice %arg3[%multiple_of3A_195] : memref<1000000xf32, #tpu.memory_space<hbm>> -> memref<128xf32, #tpu.memory_space<hbm>>
      %dma_start3A_214 = arith.constant 0 : i32
      %dma_start3A_215 = tpu.memref_slice %arg10[%dma_start3A_209, %dma_start3A_214] : memref<32x128xf32, #tpu.memory_space<vmem>> -> memref<1x128xf32, #tpu.memory_space<vmem>>
      %dma_start3A_216 = tpu.memref_squeeze %dma_start3A_215 : memref<1x128xf32, #tpu.memory_space<vmem>> -> memref<128xf32, #tpu.memory_space<vmem>>
      %dma_start3A_217 = tpu.memref_slice %arg3[%multiple_of3A_195] : memref<1000000xf32, #tpu.memory_space<hbm>> -> memref<128xf32, #tpu.memory_space<hbm>>
      tpu.enqueue_dma source(%dma_start3A_217 : memref<128xf32, #tpu.memory_space<hbm>>) target(%dma_start3A_216 : memref<128xf32, #tpu.memory_space<vmem>>) target_semaphore(%arg15 : memref<!tpu.dma_semaphore, #tpu.memory_space<semaphore_mem>>)
      %slice3A_218 = vector.extract_strided_slice %mul3A_15 {offsets = [8], sizes = [1], strides = [1]} : vector<16xi32> to vector<1xi32>
      %squeeze3A_219 = vector.extract %slice3A_218[0] : i32 from vector<1xi32>
      %multiple_of3A_220 = tpu.assume_multiple %squeeze3A_219, 128 : i32
      %dma_start3A_221 = arith.constant 8 : i32
      %dma_start3A_222 = arith.constant 0 : i32
      %dma_start3A_223 = arith.constant 0 : i32
      %dma_start3A_224 = tpu.memref_slice %arg9[%dma_start3A_221, %dma_start3A_222, %dma_start3A_223] : memref<26x16x128xf32, #tpu.memory_space<vmem>> -> memref<1x16x128xf32, #tpu.memory_space<vmem>>
      %dma_start3A_225 = tpu.memref_squeeze %dma_start3A_224 : memref<1x16x128xf32, #tpu.memory_space<vmem>> -> memref<16x128xf32, #tpu.memory_space<vmem>>
      %dma_start3A_226 = arith.constant 0 : i32
      %dma_start3A_227 = tpu.memref_slice %arg4[%dma_start3A_226, %multiple_of3A_220] : memref<16x1000000xf32, #tpu.memory_space<hbm>> -> memref<16x128xf32, #tpu.memory_space<hbm>>
      %dma_start3A_228 = arith.constant 0 : i32
      %dma_start3A_229 = arith.constant 0 : i32
      %dma_start3A_230 = tpu.memref_slice %arg9[%dma_start3A_221, %dma_start3A_228, %dma_start3A_229] : memref<26x16x128xf32, #tpu.memory_space<vmem>> -> memref<1x16x128xf32, #tpu.memory_space<vmem>>
      %dma_start3A_231 = tpu.memref_squeeze %dma_start3A_230 : memref<1x16x128xf32, #tpu.memory_space<vmem>> -> memref<16x128xf32, #tpu.memory_space<vmem>>
      %dma_start3A_232 = arith.constant 0 : i32
      %dma_start3A_233 = tpu.memref_slice %arg4[%dma_start3A_232, %multiple_of3A_220] : memref<16x1000000xf32, #tpu.memory_space<hbm>> -> memref<16x128xf32, #tpu.memory_space<hbm>>
      tpu.enqueue_dma source(%dma_start3A_233 : memref<16x128xf32, #tpu.memory_space<hbm>>) target(%dma_start3A_231 : memref<16x128xf32, #tpu.memory_space<vmem>>) target_semaphore(%arg14 : memref<!tpu.dma_semaphore, #tpu.memory_space<semaphore_mem>>)
      %dma_start3A_234 = arith.constant 8 : i32
      %dma_start3A_235 = arith.constant 0 : i32
      %dma_start3A_236 = tpu.memref_slice %arg10[%dma_start3A_234, %dma_start3A_235] : memref<32x128xf32, #tpu.memory_space<vmem>> -> memref<1x128xf32, #tpu.memory_space<vmem>>
      %dma_start3A_237 = tpu.memref_squeeze %dma_start3A_236 : memref<1x128xf32, #tpu.memory_space<vmem>> -> memref<128xf32, #tpu.memory_space<vmem>>
      %dma_start3A_238 = tpu.memref_slice %arg3[%multiple_of3A_220] : memref<1000000xf32, #tpu.memory_space<hbm>> -> memref<128xf32, #tpu.memory_space<hbm>>
      %dma_start3A_239 = arith.constant 0 : i32
      %dma_start3A_240 = tpu.memref_slice %arg10[%dma_start3A_234, %dma_start3A_239] : memref<32x128xf32, #tpu.memory_space<vmem>> -> memref<1x128xf32, #tpu.memory_space<vmem>>
      %dma_start3A_241 = tpu.memref_squeeze %dma_start3A_240 : memref<1x128xf32, #tpu.memory_space<vmem>> -> memref<128xf32, #tpu.memory_space<vmem>>
      %dma_start3A_242 = tpu.memref_slice %arg3[%multiple_of3A_220] : memref<1000000xf32, #tpu.memory_space<hbm>> -> memref<128xf32, #tpu.memory_space<hbm>>
      tpu.enqueue_dma source(%dma_start3A_242 : memref<128xf32, #tpu.memory_space<hbm>>) target(%dma_start3A_241 : memref<128xf32, #tpu.memory_space<vmem>>) target_semaphore(%arg15 : memref<!tpu.dma_semaphore, #tpu.memory_space<semaphore_mem>>)
      %slice3A_243 = vector.extract_strided_slice %mul3A_15 {offsets = [9], sizes = [1], strides = [1]} : vector<16xi32> to vector<1xi32>
      %squeeze3A_244 = vector.extract %slice3A_243[0] : i32 from vector<1xi32>
      %multiple_of3A_245 = tpu.assume_multiple %squeeze3A_244, 128 : i32
      %dma_start3A_246 = arith.constant 9 : i32
      %dma_start3A_247 = arith.constant 0 : i32
      %dma_start3A_248 = arith.constant 0 : i32
      %dma_start3A_249 = tpu.memref_slice %arg9[%dma_start3A_246, %dma_start3A_247, %dma_start3A_248] : memref<26x16x128xf32, #tpu.memory_space<vmem>> -> memref<1x16x128xf32, #tpu.memory_space<vmem>>
      %dma_start3A_250 = tpu.memref_squeeze %dma_start3A_249 : memref<1x16x128xf32, #tpu.memory_space<vmem>> -> memref<16x128xf32, #tpu.memory_space<vmem>>
      %dma_start3A_251 = arith.constant 0 : i32
      %dma_start3A_252 = tpu.memref_slice %arg4[%dma_start3A_251, %multiple_of3A_245] : memref<16x1000000xf32, #tpu.memory_space<hbm>> -> memref<16x128xf32, #tpu.memory_space<hbm>>
      %dma_start3A_253 = arith.constant 0 : i32
      %dma_start3A_254 = arith.constant 0 : i32
      %dma_start3A_255 = tpu.memref_slice %arg9[%dma_start3A_246, %dma_start3A_253, %dma_start3A_254] : memref<26x16x128xf32, #tpu.memory_space<vmem>> -> memref<1x16x128xf32, #tpu.memory_space<vmem>>
      %dma_start3A_256 = tpu.memref_squeeze %dma_start3A_255 : memref<1x16x128xf32, #tpu.memory_space<vmem>> -> memref<16x128xf32, #tpu.memory_space<vmem>>
      %dma_start3A_257 = arith.constant 0 : i32
      %dma_start3A_258 = tpu.memref_slice %arg4[%dma_start3A_257, %multiple_of3A_245] : memref<16x1000000xf32, #tpu.memory_space<hbm>> -> memref<16x128xf32, #tpu.memory_space<hbm>>
      tpu.enqueue_dma source(%dma_start3A_258 : memref<16x128xf32, #tpu.memory_space<hbm>>) target(%dma_start3A_256 : memref<16x128xf32, #tpu.memory_space<vmem>>) target_semaphore(%arg14 : memref<!tpu.dma_semaphore, #tpu.memory_space<semaphore_mem>>)
      %dma_start3A_259 = arith.constant 9 : i32
      %dma_start3A_260 = arith.constant 0 : i32
      %dma_start3A_261 = tpu.memref_slice %arg10[%dma_start3A_259, %dma_start3A_260] : memref<32x128xf32, #tpu.memory_space<vmem>> -> memref<1x128xf32, #tpu.memory_space<vmem>>
      %dma_start3A_262 = tpu.memref_squeeze %dma_start3A_261 : memref<1x128xf32, #tpu.memory_space<vmem>> -> memref<128xf32, #tpu.memory_space<vmem>>
      %dma_start3A_263 = tpu.memref_slice %arg3[%multiple_of3A_245] : memref<1000000xf32, #tpu.memory_space<hbm>> -> memref<128xf32, #tpu.memory_space<hbm>>
      %dma_start3A_264 = arith.constant 0 : i32
      %dma_start3A_265 = tpu.memref_slice %arg10[%dma_start3A_259, %dma_start3A_264] : memref<32x128xf32, #tpu.memory_space<vmem>> -> memref<1x128xf32, #tpu.memory_space<vmem>>
      %dma_start3A_266 = tpu.memref_squeeze %dma_start3A_265 : memref<1x128xf32, #tpu.memory_space<vmem>> -> memref<128xf32, #tpu.memory_space<vmem>>
      %dma_start3A_267 = tpu.memref_slice %arg3[%multiple_of3A_245] : memref<1000000xf32, #tpu.memory_space<hbm>> -> memref<128xf32, #tpu.memory_space<hbm>>
      tpu.enqueue_dma source(%dma_start3A_267 : memref<128xf32, #tpu.memory_space<hbm>>) target(%dma_start3A_266 : memref<128xf32, #tpu.memory_space<vmem>>) target_semaphore(%arg15 : memref<!tpu.dma_semaphore, #tpu.memory_space<semaphore_mem>>)
      %slice3A_268 = vector.extract_strided_slice %mul3A_15 {offsets = [10], sizes = [1], strides = [1]} : vector<16xi32> to vector<1xi32>
      %squeeze3A_269 = vector.extract %slice3A_268[0] : i32 from vector<1xi32>
      %multiple_of3A_270 = tpu.assume_multiple %squeeze3A_269, 128 : i32
      %dma_start3A_271 = arith.constant 10 : i32
      %dma_start3A_272 = arith.constant 0 : i32
      %dma_start3A_273 = arith.constant 0 : i32
      %dma_start3A_274 = tpu.memref_slice %arg9[%dma_start3A_271, %dma_start3A_272, %dma_start3A_273] : memref<26x16x128xf32, #tpu.memory_space<vmem>> -> memref<1x16x128xf32, #tpu.memory_space<vmem>>
      %dma_start3A_275 = tpu.memref_squeeze %dma_start3A_274 : memref<1x16x128xf32, #tpu.memory_space<vmem>> -> memref<16x128xf32, #tpu.memory_space<vmem>>
      %dma_start3A_276 = arith.constant 0 : i32
      %dma_start3A_277 = tpu.memref_slice %arg4[%dma_start3A_276, %multiple_of3A_270] : memref<16x1000000xf32, #tpu.memory_space<hbm>> -> memref<16x128xf32, #tpu.memory_space<hbm>>
      %dma_start3A_278 = arith.constant 0 : i32
      %dma_start3A_279 = arith.constant 0 : i32
      %dma_start3A_280 = tpu.memref_slice %arg9[%dma_start3A_271, %dma_start3A_278, %dma_start3A_279] : memref<26x16x128xf32, #tpu.memory_space<vmem>> -> memref<1x16x128xf32, #tpu.memory_space<vmem>>
      %dma_start3A_281 = tpu.memref_squeeze %dma_start3A_280 : memref<1x16x128xf32, #tpu.memory_space<vmem>> -> memref<16x128xf32, #tpu.memory_space<vmem>>
      %dma_start3A_282 = arith.constant 0 : i32
      %dma_start3A_283 = tpu.memref_slice %arg4[%dma_start3A_282, %multiple_of3A_270] : memref<16x1000000xf32, #tpu.memory_space<hbm>> -> memref<16x128xf32, #tpu.memory_space<hbm>>
      tpu.enqueue_dma source(%dma_start3A_283 : memref<16x128xf32, #tpu.memory_space<hbm>>) target(%dma_start3A_281 : memref<16x128xf32, #tpu.memory_space<vmem>>) target_semaphore(%arg14 : memref<!tpu.dma_semaphore, #tpu.memory_space<semaphore_mem>>)
      %dma_start3A_284 = arith.constant 10 : i32
      %dma_start3A_285 = arith.constant 0 : i32
      %dma_start3A_286 = tpu.memref_slice %arg10[%dma_start3A_284, %dma_start3A_285] : memref<32x128xf32, #tpu.memory_space<vmem>> -> memref<1x128xf32, #tpu.memory_space<vmem>>
      %dma_start3A_287 = tpu.memref_squeeze %dma_start3A_286 : memref<1x128xf32, #tpu.memory_space<vmem>> -> memref<128xf32, #tpu.memory_space<vmem>>
      %dma_start3A_288 = tpu.memref_slice %arg3[%multiple_of3A_270] : memref<1000000xf32, #tpu.memory_space<hbm>> -> memref<128xf32, #tpu.memory_space<hbm>>
      %dma_start3A_289 = arith.constant 0 : i32
      %dma_start3A_290 = tpu.memref_slice %arg10[%dma_start3A_284, %dma_start3A_289] : memref<32x128xf32, #tpu.memory_space<vmem>> -> memref<1x128xf32, #tpu.memory_space<vmem>>
      %dma_start3A_291 = tpu.memref_squeeze %dma_start3A_290 : memref<1x128xf32, #tpu.memory_space<vmem>> -> memref<128xf32, #tpu.memory_space<vmem>>
      %dma_start3A_292 = tpu.memref_slice %arg3[%multiple_of3A_270] : memref<1000000xf32, #tpu.memory_space<hbm>> -> memref<128xf32, #tpu.memory_space<hbm>>
      tpu.enqueue_dma source(%dma_start3A_292 : memref<128xf32, #tpu.memory_space<hbm>>) target(%dma_start3A_291 : memref<128xf32, #tpu.memory_space<vmem>>) target_semaphore(%arg15 : memref<!tpu.dma_semaphore, #tpu.memory_space<semaphore_mem>>)
      %slice3A_293 = vector.extract_strided_slice %mul3A_15 {offsets = [11], sizes = [1], strides = [1]} : vector<16xi32> to vector<1xi32>
      %squeeze3A_294 = vector.extract %slice3A_293[0] : i32 from vector<1xi32>
      %multiple_of3A_295 = tpu.assume_multiple %squeeze3A_294, 128 : i32
      %dma_start3A_296 = arith.constant 11 : i32
      %dma_start3A_297 = arith.constant 0 : i32
      %dma_start3A_298 = arith.constant 0 : i32
      %dma_start3A_299 = tpu.memref_slice %arg9[%dma_start3A_296, %dma_start3A_297, %dma_start3A_298] : memref<26x16x128xf32, #tpu.memory_space<vmem>> -> memref<1x16x128xf32, #tpu.memory_space<vmem>>
      %dma_start3A_300 = tpu.memref_squeeze %dma_start3A_299 : memref<1x16x128xf32, #tpu.memory_space<vmem>> -> memref<16x128xf32, #tpu.memory_space<vmem>>
      %dma_start3A_301 = arith.constant 0 : i32
      %dma_start3A_302 = tpu.memref_slice %arg4[%dma_start3A_301, %multiple_of3A_295] : memref<16x1000000xf32, #tpu.memory_space<hbm>> -> memref<16x128xf32, #tpu.memory_space<hbm>>
      %dma_start3A_303 = arith.constant 0 : i32
      %dma_start3A_304 = arith.constant 0 : i32
      %dma_start3A_305 = tpu.memref_slice %arg9[%dma_start3A_296, %dma_start3A_303, %dma_start3A_304] : memref<26x16x128xf32, #tpu.memory_space<vmem>> -> memref<1x16x128xf32, #tpu.memory_space<vmem>>
      %dma_start3A_306 = tpu.memref_squeeze %dma_start3A_305 : memref<1x16x128xf32, #tpu.memory_space<vmem>> -> memref<16x128xf32, #tpu.memory_space<vmem>>
      %dma_start3A_307 = arith.constant 0 : i32
      %dma_start3A_308 = tpu.memref_slice %arg4[%dma_start3A_307, %multiple_of3A_295] : memref<16x1000000xf32, #tpu.memory_space<hbm>> -> memref<16x128xf32, #tpu.memory_space<hbm>>
      tpu.enqueue_dma source(%dma_start3A_308 : memref<16x128xf32, #tpu.memory_space<hbm>>) target(%dma_start3A_306 : memref<16x128xf32, #tpu.memory_space<vmem>>) target_semaphore(%arg14 : memref<!tpu.dma_semaphore, #tpu.memory_space<semaphore_mem>>)
      %dma_start3A_309 = arith.constant 11 : i32
      %dma_start3A_310 = arith.constant 0 : i32
      %dma_start3A_311 = tpu.memref_slice %arg10[%dma_start3A_309, %dma_start3A_310] : memref<32x128xf32, #tpu.memory_space<vmem>> -> memref<1x128xf32, #tpu.memory_space<vmem>>
      %dma_start3A_312 = tpu.memref_squeeze %dma_start3A_311 : memref<1x128xf32, #tpu.memory_space<vmem>> -> memref<128xf32, #tpu.memory_space<vmem>>
      %dma_start3A_313 = tpu.memref_slice %arg3[%multiple_of3A_295] : memref<1000000xf32, #tpu.memory_space<hbm>> -> memref<128xf32, #tpu.memory_space<hbm>>
      %dma_start3A_314 = arith.constant 0 : i32
      %dma_start3A_315 = tpu.memref_slice %arg10[%dma_start3A_309, %dma_start3A_314] : memref<32x128xf32, #tpu.memory_space<vmem>> -> memref<1x128xf32, #tpu.memory_space<vmem>>
      %dma_start3A_316 = tpu.memref_squeeze %dma_start3A_315 : memref<1x128xf32, #tpu.memory_space<vmem>> -> memref<128xf32, #tpu.memory_space<vmem>>
      %dma_start3A_317 = tpu.memref_slice %arg3[%multiple_of3A_295] : memref<1000000xf32, #tpu.memory_space<hbm>> -> memref<128xf32, #tpu.memory_space<hbm>>
      tpu.enqueue_dma source(%dma_start3A_317 : memref<128xf32, #tpu.memory_space<hbm>>) target(%dma_start3A_316 : memref<128xf32, #tpu.memory_space<vmem>>) target_semaphore(%arg15 : memref<!tpu.dma_semaphore, #tpu.memory_space<semaphore_mem>>)
      %slice3A_318 = vector.extract_strided_slice %mul3A_15 {offsets = [12], sizes = [1], strides = [1]} : vector<16xi32> to vector<1xi32>
      %squeeze3A_319 = vector.extract %slice3A_318[0] : i32 from vector<1xi32>
      %multiple_of3A_320 = tpu.assume_multiple %squeeze3A_319, 128 : i32
      %dma_start3A_321 = arith.constant 12 : i32
      %dma_start3A_322 = arith.constant 0 : i32
      %dma_start3A_323 = arith.constant 0 : i32
      %dma_start3A_324 = tpu.memref_slice %arg9[%dma_start3A_321, %dma_start3A_322, %dma_start3A_323] : memref<26x16x128xf32, #tpu.memory_space<vmem>> -> memref<1x16x128xf32, #tpu.memory_space<vmem>>
      %dma_start3A_325 = tpu.memref_squeeze %dma_start3A_324 : memref<1x16x128xf32, #tpu.memory_space<vmem>> -> memref<16x128xf32, #tpu.memory_space<vmem>>
      %dma_start3A_326 = arith.constant 0 : i32
      %dma_start3A_327 = tpu.memref_slice %arg4[%dma_start3A_326, %multiple_of3A_320] : memref<16x1000000xf32, #tpu.memory_space<hbm>> -> memref<16x128xf32, #tpu.memory_space<hbm>>
      %dma_start3A_328 = arith.constant 0 : i32
      %dma_start3A_329 = arith.constant 0 : i32
      %dma_start3A_330 = tpu.memref_slice %arg9[%dma_start3A_321, %dma_start3A_328, %dma_start3A_329] : memref<26x16x128xf32, #tpu.memory_space<vmem>> -> memref<1x16x128xf32, #tpu.memory_space<vmem>>
      %dma_start3A_331 = tpu.memref_squeeze %dma_start3A_330 : memref<1x16x128xf32, #tpu.memory_space<vmem>> -> memref<16x128xf32, #tpu.memory_space<vmem>>
      %dma_start3A_332 = arith.constant 0 : i32
      %dma_start3A_333 = tpu.memref_slice %arg4[%dma_start3A_332, %multiple_of3A_320] : memref<16x1000000xf32, #tpu.memory_space<hbm>> -> memref<16x128xf32, #tpu.memory_space<hbm>>
      tpu.enqueue_dma source(%dma_start3A_333 : memref<16x128xf32, #tpu.memory_space<hbm>>) target(%dma_start3A_331 : memref<16x128xf32, #tpu.memory_space<vmem>>) target_semaphore(%arg14 : memref<!tpu.dma_semaphore, #tpu.memory_space<semaphore_mem>>)
      %dma_start3A_334 = arith.constant 12 : i32
      %dma_start3A_335 = arith.constant 0 : i32
      %dma_start3A_336 = tpu.memref_slice %arg10[%dma_start3A_334, %dma_start3A_335] : memref<32x128xf32, #tpu.memory_space<vmem>> -> memref<1x128xf32, #tpu.memory_space<vmem>>
      %dma_start3A_337 = tpu.memref_squeeze %dma_start3A_336 : memref<1x128xf32, #tpu.memory_space<vmem>> -> memref<128xf32, #tpu.memory_space<vmem>>
      %dma_start3A_338 = tpu.memref_slice %arg3[%multiple_of3A_320] : memref<1000000xf32, #tpu.memory_space<hbm>> -> memref<128xf32, #tpu.memory_space<hbm>>
      %dma_start3A_339 = arith.constant 0 : i32
      %dma_start3A_340 = tpu.memref_slice %arg10[%dma_start3A_334, %dma_start3A_339] : memref<32x128xf32, #tpu.memory_space<vmem>> -> memref<1x128xf32, #tpu.memory_space<vmem>>
      %dma_start3A_341 = tpu.memref_squeeze %dma_start3A_340 : memref<1x128xf32, #tpu.memory_space<vmem>> -> memref<128xf32, #tpu.memory_space<vmem>>
      %dma_start3A_342 = tpu.memref_slice %arg3[%multiple_of3A_320] : memref<1000000xf32, #tpu.memory_space<hbm>> -> memref<128xf32, #tpu.memory_space<hbm>>
      tpu.enqueue_dma source(%dma_start3A_342 : memref<128xf32, #tpu.memory_space<hbm>>) target(%dma_start3A_341 : memref<128xf32, #tpu.memory_space<vmem>>) target_semaphore(%arg15 : memref<!tpu.dma_semaphore, #tpu.memory_space<semaphore_mem>>)
      %slice3A_343 = vector.extract_strided_slice %mul3A_15 {offsets = [13], sizes = [1], strides = [1]} : vector<16xi32> to vector<1xi32>
      %squeeze3A_344 = vector.extract %slice3A_343[0] : i32 from vector<1xi32>
      %multiple_of3A_345 = tpu.assume_multiple %squeeze3A_344, 128 : i32
      %dma_start3A_346 = arith.constant 13 : i32
      %dma_start3A_347 = arith.constant 0 : i32
      %dma_start3A_348 = arith.constant 0 : i32
      %dma_start3A_349 = tpu.memref_slice %arg9[%dma_start3A_346, %dma_start3A_347, %dma_start3A_348] : memref<26x16x128xf32, #tpu.memory_space<vmem>> -> memref<1x16x128xf32, #tpu.memory_space<vmem>>
      %dma_start3A_350 = tpu.memref_squeeze %dma_start3A_349 : memref<1x16x128xf32, #tpu.memory_space<vmem>> -> memref<16x128xf32, #tpu.memory_space<vmem>>
      %dma_start3A_351 = arith.constant 0 : i32
      %dma_start3A_352 = tpu.memref_slice %arg4[%dma_start3A_351, %multiple_of3A_345] : memref<16x1000000xf32, #tpu.memory_space<hbm>> -> memref<16x128xf32, #tpu.memory_space<hbm>>
      %dma_start3A_353 = arith.constant 0 : i32
      %dma_start3A_354 = arith.constant 0 : i32
      %dma_start3A_355 = tpu.memref_slice %arg9[%dma_start3A_346, %dma_start3A_353, %dma_start3A_354] : memref<26x16x128xf32, #tpu.memory_space<vmem>> -> memref<1x16x128xf32, #tpu.memory_space<vmem>>
      %dma_start3A_356 = tpu.memref_squeeze %dma_start3A_355 : memref<1x16x128xf32, #tpu.memory_space<vmem>> -> memref<16x128xf32, #tpu.memory_space<vmem>>
      %dma_start3A_357 = arith.constant 0 : i32
      %dma_start3A_358 = tpu.memref_slice %arg4[%dma_start3A_357, %multiple_of3A_345] : memref<16x1000000xf32, #tpu.memory_space<hbm>> -> memref<16x128xf32, #tpu.memory_space<hbm>>
      tpu.enqueue_dma source(%dma_start3A_358 : memref<16x128xf32, #tpu.memory_space<hbm>>) target(%dma_start3A_356 : memref<16x128xf32, #tpu.memory_space<vmem>>) target_semaphore(%arg14 : memref<!tpu.dma_semaphore, #tpu.memory_space<semaphore_mem>>)
      %dma_start3A_359 = arith.constant 13 : i32
      %dma_start3A_360 = arith.constant 0 : i32
      %dma_start3A_361 = tpu.memref_slice %arg10[%dma_start3A_359, %dma_start3A_360] : memref<32x128xf32, #tpu.memory_space<vmem>> -> memref<1x128xf32, #tpu.memory_space<vmem>>
      %dma_start3A_362 = tpu.memref_squeeze %dma_start3A_361 : memref<1x128xf32, #tpu.memory_space<vmem>> -> memref<128xf32, #tpu.memory_space<vmem>>
      %dma_start3A_363 = tpu.memref_slice %arg3[%multiple_of3A_345] : memref<1000000xf32, #tpu.memory_space<hbm>> -> memref<128xf32, #tpu.memory_space<hbm>>
      %dma_start3A_364 = arith.constant 0 : i32
      %dma_start3A_365 = tpu.memref_slice %arg10[%dma_start3A_359, %dma_start3A_364] : memref<32x128xf32, #tpu.memory_space<vmem>> -> memref<1x128xf32, #tpu.memory_space<vmem>>
      %dma_start3A_366 = tpu.memref_squeeze %dma_start3A_365 : memref<1x128xf32, #tpu.memory_space<vmem>> -> memref<128xf32, #tpu.memory_space<vmem>>
      %dma_start3A_367 = tpu.memref_slice %arg3[%multiple_of3A_345] : memref<1000000xf32, #tpu.memory_space<hbm>> -> memref<128xf32, #tpu.memory_space<hbm>>
      tpu.enqueue_dma source(%dma_start3A_367 : memref<128xf32, #tpu.memory_space<hbm>>) target(%dma_start3A_366 : memref<128xf32, #tpu.memory_space<vmem>>) target_semaphore(%arg15 : memref<!tpu.dma_semaphore, #tpu.memory_space<semaphore_mem>>)
      %slice3A_368 = vector.extract_strided_slice %mul3A_15 {offsets = [14], sizes = [1], strides = [1]} : vector<16xi32> to vector<1xi32>
      %squeeze3A_369 = vector.extract %slice3A_368[0] : i32 from vector<1xi32>
      %multiple_of3A_370 = tpu.assume_multiple %squeeze3A_369, 128 : i32
      %dma_start3A_371 = arith.constant 14 : i32
      %dma_start3A_372 = arith.constant 0 : i32
      %dma_start3A_373 = arith.constant 0 : i32
      %dma_start3A_374 = tpu.memref_slice %arg9[%dma_start3A_371, %dma_start3A_372, %dma_start3A_373] : memref<26x16x128xf32, #tpu.memory_space<vmem>> -> memref<1x16x128xf32, #tpu.memory_space<vmem>>
      %dma_start3A_375 = tpu.memref_squeeze %dma_start3A_374 : memref<1x16x128xf32, #tpu.memory_space<vmem>> -> memref<16x128xf32, #tpu.memory_space<vmem>>
      %dma_start3A_376 = arith.constant 0 : i32
      %dma_start3A_377 = tpu.memref_slice %arg4[%dma_start3A_376, %multiple_of3A_370] : memref<16x1000000xf32, #tpu.memory_space<hbm>> -> memref<16x128xf32, #tpu.memory_space<hbm>>
      %dma_start3A_378 = arith.constant 0 : i32
      %dma_start3A_379 = arith.constant 0 : i32
      %dma_start3A_380 = tpu.memref_slice %arg9[%dma_start3A_371, %dma_start3A_378, %dma_start3A_379] : memref<26x16x128xf32, #tpu.memory_space<vmem>> -> memref<1x16x128xf32, #tpu.memory_space<vmem>>
      %dma_start3A_381 = tpu.memref_squeeze %dma_start3A_380 : memref<1x16x128xf32, #tpu.memory_space<vmem>> -> memref<16x128xf32, #tpu.memory_space<vmem>>
      %dma_start3A_382 = arith.constant 0 : i32
      %dma_start3A_383 = tpu.memref_slice %arg4[%dma_start3A_382, %multiple_of3A_370] : memref<16x1000000xf32, #tpu.memory_space<hbm>> -> memref<16x128xf32, #tpu.memory_space<hbm>>
      tpu.enqueue_dma source(%dma_start3A_383 : memref<16x128xf32, #tpu.memory_space<hbm>>) target(%dma_start3A_381 : memref<16x128xf32, #tpu.memory_space<vmem>>) target_semaphore(%arg14 : memref<!tpu.dma_semaphore, #tpu.memory_space<semaphore_mem>>)
      %dma_start3A_384 = arith.constant 14 : i32
      %dma_start3A_385 = arith.constant 0 : i32
      %dma_start3A_386 = tpu.memref_slice %arg10[%dma_start3A_384, %dma_start3A_385] : memref<32x128xf32, #tpu.memory_space<vmem>> -> memref<1x128xf32, #tpu.memory_space<vmem>>
      %dma_start3A_387 = tpu.memref_squeeze %dma_start3A_386 : memref<1x128xf32, #tpu.memory_space<vmem>> -> memref<128xf32, #tpu.memory_space<vmem>>
      %dma_start3A_388 = tpu.memref_slice %arg3[%multiple_of3A_370] : memref<1000000xf32, #tpu.memory_space<hbm>> -> memref<128xf32, #tpu.memory_space<hbm>>
      %dma_start3A_389 = arith.constant 0 : i32
      %dma_start3A_390 = tpu.memref_slice %arg10[%dma_start3A_384, %dma_start3A_389] : memref<32x128xf32, #tpu.memory_space<vmem>> -> memref<1x128xf32, #tpu.memory_space<vmem>>
      %dma_start3A_391 = tpu.memref_squeeze %dma_start3A_390 : memref<1x128xf32, #tpu.memory_space<vmem>> -> memref<128xf32, #tpu.memory_space<vmem>>
      %dma_start3A_392 = tpu.memref_slice %arg3[%multiple_of3A_370] : memref<1000000xf32, #tpu.memory_space<hbm>> -> memref<128xf32, #tpu.memory_space<hbm>>
      tpu.enqueue_dma source(%dma_start3A_392 : memref<128xf32, #tpu.memory_space<hbm>>) target(%dma_start3A_391 : memref<128xf32, #tpu.memory_space<vmem>>) target_semaphore(%arg15 : memref<!tpu.dma_semaphore, #tpu.memory_space<semaphore_mem>>)
      %slice3A_393 = vector.extract_strided_slice %mul3A_15 {offsets = [15], sizes = [1], strides = [1]} : vector<16xi32> to vector<1xi32>
      %squeeze3A_394 = vector.extract %slice3A_393[0] : i32 from vector<1xi32>
      %multiple_of3A_395 = tpu.assume_multiple %squeeze3A_394, 128 : i32
      %dma_start3A_396 = arith.constant 15 : i32
      %dma_start3A_397 = arith.constant 0 : i32
      %dma_start3A_398 = arith.constant 0 : i32
      %dma_start3A_399 = tpu.memref_slice %arg9[%dma_start3A_396, %dma_start3A_397, %dma_start3A_398] : memref<26x16x128xf32, #tpu.memory_space<vmem>> -> memref<1x16x128xf32, #tpu.memory_space<vmem>>
      %dma_start3A_400 = tpu.memref_squeeze %dma_start3A_399 : memref<1x16x128xf32, #tpu.memory_space<vmem>> -> memref<16x128xf32, #tpu.memory_space<vmem>>
      %dma_start3A_401 = arith.constant 0 : i32
      %dma_start3A_402 = tpu.memref_slice %arg4[%dma_start3A_401, %multiple_of3A_395] : memref<16x1000000xf32, #tpu.memory_space<hbm>> -> memref<16x128xf32, #tpu.memory_space<hbm>>
      %dma_start3A_403 = arith.constant 0 : i32
      %dma_start3A_404 = arith.constant 0 : i32
      %dma_start3A_405 = tpu.memref_slice %arg9[%dma_start3A_396, %dma_start3A_403, %dma_start3A_404] : memref<26x16x128xf32, #tpu.memory_space<vmem>> -> memref<1x16x128xf32, #tpu.memory_space<vmem>>
      %dma_start3A_406 = tpu.memref_squeeze %dma_start3A_405 : memref<1x16x128xf32, #tpu.memory_space<vmem>> -> memref<16x128xf32, #tpu.memory_space<vmem>>
      %dma_start3A_407 = arith.constant 0 : i32
      %dma_start3A_408 = tpu.memref_slice %arg4[%dma_start3A_407, %multiple_of3A_395] : memref<16x1000000xf32, #tpu.memory_space<hbm>> -> memref<16x128xf32, #tpu.memory_space<hbm>>
      tpu.enqueue_dma source(%dma_start3A_408 : memref<16x128xf32, #tpu.memory_space<hbm>>) target(%dma_start3A_406 : memref<16x128xf32, #tpu.memory_space<vmem>>) target_semaphore(%arg14 : memref<!tpu.dma_semaphore, #tpu.memory_space<semaphore_mem>>)
      %dma_start3A_409 = arith.constant 15 : i32
      %dma_start3A_410 = arith.constant 0 : i32
      %dma_start3A_411 = tpu.memref_slice %arg10[%dma_start3A_409, %dma_start3A_410] : memref<32x128xf32, #tpu.memory_space<vmem>> -> memref<1x128xf32, #tpu.memory_space<vmem>>
      %dma_start3A_412 = tpu.memref_squeeze %dma_start3A_411 : memref<1x128xf32, #tpu.memory_space<vmem>> -> memref<128xf32, #tpu.memory_space<vmem>>
      %dma_start3A_413 = tpu.memref_slice %arg3[%multiple_of3A_395] : memref<1000000xf32, #tpu.memory_space<hbm>> -> memref<128xf32, #tpu.memory_space<hbm>>
      %dma_start3A_414 = arith.constant 0 : i32
      %dma_start3A_415 = tpu.memref_slice %arg10[%dma_start3A_409, %dma_start3A_414] : memref<32x128xf32, #tpu.memory_space<vmem>> -> memref<1x128xf32, #tpu.memory_space<vmem>>
      %dma_start3A_416 = tpu.memref_squeeze %dma_start3A_415 : memref<1x128xf32, #tpu.memory_space<vmem>> -> memref<128xf32, #tpu.memory_space<vmem>>
      %dma_start3A_417 = tpu.memref_slice %arg3[%multiple_of3A_395] : memref<1000000xf32, #tpu.memory_space<hbm>> -> memref<128xf32, #tpu.memory_space<hbm>>
      tpu.enqueue_dma source(%dma_start3A_417 : memref<128xf32, #tpu.memory_space<hbm>>) target(%dma_start3A_416 : memref<128xf32, #tpu.memory_space<vmem>>) target_semaphore(%arg15 : memref<!tpu.dma_semaphore, #tpu.memory_space<semaphore_mem>>)
      %slice3A_418 = vector.extract_strided_slice %mul3A_21 {offsets = [0], sizes = [1], strides = [1]} : vector<16xi32> to vector<1xi32>
      %squeeze3A_419 = vector.extract %slice3A_418[0] : i32 from vector<1xi32>
      %multiple_of3A_420 = tpu.assume_multiple %squeeze3A_419, 128 : i32
      %dma_start3A_421 = arith.constant 16 : i32
      %dma_start3A_422 = arith.constant 0 : i32
      %dma_start3A_423 = arith.constant 0 : i32
      %dma_start3A_424 = tpu.memref_slice %arg9[%dma_start3A_421, %dma_start3A_422, %dma_start3A_423] : memref<26x16x128xf32, #tpu.memory_space<vmem>> -> memref<1x16x128xf32, #tpu.memory_space<vmem>>
      %dma_start3A_425 = tpu.memref_squeeze %dma_start3A_424 : memref<1x16x128xf32, #tpu.memory_space<vmem>> -> memref<16x128xf32, #tpu.memory_space<vmem>>
      %dma_start3A_426 = arith.constant 0 : i32
      %dma_start3A_427 = tpu.memref_slice %arg4[%dma_start3A_426, %multiple_of3A_420] : memref<16x1000000xf32, #tpu.memory_space<hbm>> -> memref<16x128xf32, #tpu.memory_space<hbm>>
      %dma_start3A_428 = arith.constant 0 : i32
      %dma_start3A_429 = arith.constant 0 : i32
      %dma_start3A_430 = tpu.memref_slice %arg9[%dma_start3A_421, %dma_start3A_428, %dma_start3A_429] : memref<26x16x128xf32, #tpu.memory_space<vmem>> -> memref<1x16x128xf32, #tpu.memory_space<vmem>>
      %dma_start3A_431 = tpu.memref_squeeze %dma_start3A_430 : memref<1x16x128xf32, #tpu.memory_space<vmem>> -> memref<16x128xf32, #tpu.memory_space<vmem>>
      %dma_start3A_432 = arith.constant 0 : i32
      %dma_start3A_433 = tpu.memref_slice %arg4[%dma_start3A_432, %multiple_of3A_420] : memref<16x1000000xf32, #tpu.memory_space<hbm>> -> memref<16x128xf32, #tpu.memory_space<hbm>>
      tpu.enqueue_dma source(%dma_start3A_433 : memref<16x128xf32, #tpu.memory_space<hbm>>) target(%dma_start3A_431 : memref<16x128xf32, #tpu.memory_space<vmem>>) target_semaphore(%arg14 : memref<!tpu.dma_semaphore, #tpu.memory_space<semaphore_mem>>)
      %dma_start3A_434 = arith.constant 16 : i32
      %dma_start3A_435 = arith.constant 0 : i32
      %dma_start3A_436 = tpu.memref_slice %arg10[%dma_start3A_434, %dma_start3A_435] : memref<32x128xf32, #tpu.memory_space<vmem>> -> memref<1x128xf32, #tpu.memory_space<vmem>>
      %dma_start3A_437 = tpu.memref_squeeze %dma_start3A_436 : memref<1x128xf32, #tpu.memory_space<vmem>> -> memref<128xf32, #tpu.memory_space<vmem>>
      %dma_start3A_438 = tpu.memref_slice %arg3[%multiple_of3A_420] : memref<1000000xf32, #tpu.memory_space<hbm>> -> memref<128xf32, #tpu.memory_space<hbm>>
      %dma_start3A_439 = arith.constant 0 : i32
      %dma_start3A_440 = tpu.memref_slice %arg10[%dma_start3A_434, %dma_start3A_439] : memref<32x128xf32, #tpu.memory_space<vmem>> -> memref<1x128xf32, #tpu.memory_space<vmem>>
      %dma_start3A_441 = tpu.memref_squeeze %dma_start3A_440 : memref<1x128xf32, #tpu.memory_space<vmem>> -> memref<128xf32, #tpu.memory_space<vmem>>
      %dma_start3A_442 = tpu.memref_slice %arg3[%multiple_of3A_420] : memref<1000000xf32, #tpu.memory_space<hbm>> -> memref<128xf32, #tpu.memory_space<hbm>>
      tpu.enqueue_dma source(%dma_start3A_442 : memref<128xf32, #tpu.memory_space<hbm>>) target(%dma_start3A_441 : memref<128xf32, #tpu.memory_space<vmem>>) target_semaphore(%arg15 : memref<!tpu.dma_semaphore, #tpu.memory_space<semaphore_mem>>)
      %slice3A_443 = vector.extract_strided_slice %mul3A_21 {offsets = [1], sizes = [1], strides = [1]} : vector<16xi32> to vector<1xi32>
      %squeeze3A_444 = vector.extract %slice3A_443[0] : i32 from vector<1xi32>
      %multiple_of3A_445 = tpu.assume_multiple %squeeze3A_444, 128 : i32
      %dma_start3A_446 = arith.constant 17 : i32
      %dma_start3A_447 = arith.constant 0 : i32
      %dma_start3A_448 = arith.constant 0 : i32
      %dma_start3A_449 = tpu.memref_slice %arg9[%dma_start3A_446, %dma_start3A_447, %dma_start3A_448] : memref<26x16x128xf32, #tpu.memory_space<vmem>> -> memref<1x16x128xf32, #tpu.memory_space<vmem>>
      %dma_start3A_450 = tpu.memref_squeeze %dma_start3A_449 : memref<1x16x128xf32, #tpu.memory_space<vmem>> -> memref<16x128xf32, #tpu.memory_space<vmem>>
      %dma_start3A_451 = arith.constant 0 : i32
      %dma_start3A_452 = tpu.memref_slice %arg4[%dma_start3A_451, %multiple_of3A_445] : memref<16x1000000xf32, #tpu.memory_space<hbm>> -> memref<16x128xf32, #tpu.memory_space<hbm>>
      %dma_start3A_453 = arith.constant 0 : i32
      %dma_start3A_454 = arith.constant 0 : i32
      %dma_start3A_455 = tpu.memref_slice %arg9[%dma_start3A_446, %dma_start3A_453, %dma_start3A_454] : memref<26x16x128xf32, #tpu.memory_space<vmem>> -> memref<1x16x128xf32, #tpu.memory_space<vmem>>
      %dma_start3A_456 = tpu.memref_squeeze %dma_start3A_455 : memref<1x16x128xf32, #tpu.memory_space<vmem>> -> memref<16x128xf32, #tpu.memory_space<vmem>>
      %dma_start3A_457 = arith.constant 0 : i32
      %dma_start3A_458 = tpu.memref_slice %arg4[%dma_start3A_457, %multiple_of3A_445] : memref<16x1000000xf32, #tpu.memory_space<hbm>> -> memref<16x128xf32, #tpu.memory_space<hbm>>
      tpu.enqueue_dma source(%dma_start3A_458 : memref<16x128xf32, #tpu.memory_space<hbm>>) target(%dma_start3A_456 : memref<16x128xf32, #tpu.memory_space<vmem>>) target_semaphore(%arg14 : memref<!tpu.dma_semaphore, #tpu.memory_space<semaphore_mem>>)
      %dma_start3A_459 = arith.constant 17 : i32
      %dma_start3A_460 = arith.constant 0 : i32
      %dma_start3A_461 = tpu.memref_slice %arg10[%dma_start3A_459, %dma_start3A_460] : memref<32x128xf32, #tpu.memory_space<vmem>> -> memref<1x128xf32, #tpu.memory_space<vmem>>
      %dma_start3A_462 = tpu.memref_squeeze %dma_start3A_461 : memref<1x128xf32, #tpu.memory_space<vmem>> -> memref<128xf32, #tpu.memory_space<vmem>>
      %dma_start3A_463 = tpu.memref_slice %arg3[%multiple_of3A_445] : memref<1000000xf32, #tpu.memory_space<hbm>> -> memref<128xf32, #tpu.memory_space<hbm>>
      %dma_start3A_464 = arith.constant 0 : i32
      %dma_start3A_465 = tpu.memref_slice %arg10[%dma_start3A_459, %dma_start3A_464] : memref<32x128xf32, #tpu.memory_space<vmem>> -> memref<1x128xf32, #tpu.memory_space<vmem>>
      %dma_start3A_466 = tpu.memref_squeeze %dma_start3A_465 : memref<1x128xf32, #tpu.memory_space<vmem>> -> memref<128xf32, #tpu.memory_space<vmem>>
      %dma_start3A_467 = tpu.memref_slice %arg3[%multiple_of3A_445] : memref<1000000xf32, #tpu.memory_space<hbm>> -> memref<128xf32, #tpu.memory_space<hbm>>
      tpu.enqueue_dma source(%dma_start3A_467 : memref<128xf32, #tpu.memory_space<hbm>>) target(%dma_start3A_466 : memref<128xf32, #tpu.memory_space<vmem>>) target_semaphore(%arg15 : memref<!tpu.dma_semaphore, #tpu.memory_space<semaphore_mem>>)
      %slice3A_468 = vector.extract_strided_slice %mul3A_21 {offsets = [2], sizes = [1], strides = [1]} : vector<16xi32> to vector<1xi32>
      %squeeze3A_469 = vector.extract %slice3A_468[0] : i32 from vector<1xi32>
      %multiple_of3A_470 = tpu.assume_multiple %squeeze3A_469, 128 : i32
      %dma_start3A_471 = arith.constant 18 : i32
      %dma_start3A_472 = arith.constant 0 : i32
      %dma_start3A_473 = arith.constant 0 : i32
      %dma_start3A_474 = tpu.memref_slice %arg9[%dma_start3A_471, %dma_start3A_472, %dma_start3A_473] : memref<26x16x128xf32, #tpu.memory_space<vmem>> -> memref<1x16x128xf32, #tpu.memory_space<vmem>>
      %dma_start3A_475 = tpu.memref_squeeze %dma_start3A_474 : memref<1x16x128xf32, #tpu.memory_space<vmem>> -> memref<16x128xf32, #tpu.memory_space<vmem>>
      %dma_start3A_476 = arith.constant 0 : i32
      %dma_start3A_477 = tpu.memref_slice %arg4[%dma_start3A_476, %multiple_of3A_470] : memref<16x1000000xf32, #tpu.memory_space<hbm>> -> memref<16x128xf32, #tpu.memory_space<hbm>>
      %dma_start3A_478 = arith.constant 0 : i32
      %dma_start3A_479 = arith.constant 0 : i32
      %dma_start3A_480 = tpu.memref_slice %arg9[%dma_start3A_471, %dma_start3A_478, %dma_start3A_479] : memref<26x16x128xf32, #tpu.memory_space<vmem>> -> memref<1x16x128xf32, #tpu.memory_space<vmem>>
      %dma_start3A_481 = tpu.memref_squeeze %dma_start3A_480 : memref<1x16x128xf32, #tpu.memory_space<vmem>> -> memref<16x128xf32, #tpu.memory_space<vmem>>
      %dma_start3A_482 = arith.constant 0 : i32
      %dma_start3A_483 = tpu.memref_slice %arg4[%dma_start3A_482, %multiple_of3A_470] : memref<16x1000000xf32, #tpu.memory_space<hbm>> -> memref<16x128xf32, #tpu.memory_space<hbm>>
      tpu.enqueue_dma source(%dma_start3A_483 : memref<16x128xf32, #tpu.memory_space<hbm>>) target(%dma_start3A_481 : memref<16x128xf32, #tpu.memory_space<vmem>>) target_semaphore(%arg14 : memref<!tpu.dma_semaphore, #tpu.memory_space<semaphore_mem>>)
      %dma_start3A_484 = arith.constant 18 : i32
      %dma_start3A_485 = arith.constant 0 : i32
      %dma_start3A_486 = tpu.memref_slice %arg10[%dma_start3A_484, %dma_start3A_485] : memref<32x128xf32, #tpu.memory_space<vmem>> -> memref<1x128xf32, #tpu.memory_space<vmem>>
      %dma_start3A_487 = tpu.memref_squeeze %dma_start3A_486 : memref<1x128xf32, #tpu.memory_space<vmem>> -> memref<128xf32, #tpu.memory_space<vmem>>
      %dma_start3A_488 = tpu.memref_slice %arg3[%multiple_of3A_470] : memref<1000000xf32, #tpu.memory_space<hbm>> -> memref<128xf32, #tpu.memory_space<hbm>>
      %dma_start3A_489 = arith.constant 0 : i32
      %dma_start3A_490 = tpu.memref_slice %arg10[%dma_start3A_484, %dma_start3A_489] : memref<32x128xf32, #tpu.memory_space<vmem>> -> memref<1x128xf32, #tpu.memory_space<vmem>>
      %dma_start3A_491 = tpu.memref_squeeze %dma_start3A_490 : memref<1x128xf32, #tpu.memory_space<vmem>> -> memref<128xf32, #tpu.memory_space<vmem>>
      %dma_start3A_492 = tpu.memref_slice %arg3[%multiple_of3A_470] : memref<1000000xf32, #tpu.memory_space<hbm>> -> memref<128xf32, #tpu.memory_space<hbm>>
      tpu.enqueue_dma source(%dma_start3A_492 : memref<128xf32, #tpu.memory_space<hbm>>) target(%dma_start3A_491 : memref<128xf32, #tpu.memory_space<vmem>>) target_semaphore(%arg15 : memref<!tpu.dma_semaphore, #tpu.memory_space<semaphore_mem>>)
      %slice3A_493 = vector.extract_strided_slice %mul3A_21 {offsets = [3], sizes = [1], strides = [1]} : vector<16xi32> to vector<1xi32>
      %squeeze3A_494 = vector.extract %slice3A_493[0] : i32 from vector<1xi32>
      %multiple_of3A_495 = tpu.assume_multiple %squeeze3A_494, 128 : i32
      %dma_start3A_496 = arith.constant 19 : i32
      %dma_start3A_497 = arith.constant 0 : i32
      %dma_start3A_498 = arith.constant 0 : i32
      %dma_start3A_499 = tpu.memref_slice %arg9[%dma_start3A_496, %dma_start3A_497, %dma_start3A_498] : memref<26x16x128xf32, #tpu.memory_space<vmem>> -> memref<1x16x128xf32, #tpu.memory_space<vmem>>
      %dma_start3A_500 = tpu.memref_squeeze %dma_start3A_499 : memref<1x16x128xf32, #tpu.memory_space<vmem>> -> memref<16x128xf32, #tpu.memory_space<vmem>>
      %dma_start3A_501 = arith.constant 0 : i32
      %dma_start3A_502 = tpu.memref_slice %arg4[%dma_start3A_501, %multiple_of3A_495] : memref<16x1000000xf32, #tpu.memory_space<hbm>> -> memref<16x128xf32, #tpu.memory_space<hbm>>
      %dma_start3A_503 = arith.constant 0 : i32
      %dma_start3A_504 = arith.constant 0 : i32
      %dma_start3A_505 = tpu.memref_slice %arg9[%dma_start3A_496, %dma_start3A_503, %dma_start3A_504] : memref<26x16x128xf32, #tpu.memory_space<vmem>> -> memref<1x16x128xf32, #tpu.memory_space<vmem>>
      %dma_start3A_506 = tpu.memref_squeeze %dma_start3A_505 : memref<1x16x128xf32, #tpu.memory_space<vmem>> -> memref<16x128xf32, #tpu.memory_space<vmem>>
      %dma_start3A_507 = arith.constant 0 : i32
      %dma_start3A_508 = tpu.memref_slice %arg4[%dma_start3A_507, %multiple_of3A_495] : memref<16x1000000xf32, #tpu.memory_space<hbm>> -> memref<16x128xf32, #tpu.memory_space<hbm>>
      tpu.enqueue_dma source(%dma_start3A_508 : memref<16x128xf32, #tpu.memory_space<hbm>>) target(%dma_start3A_506 : memref<16x128xf32, #tpu.memory_space<vmem>>) target_semaphore(%arg14 : memref<!tpu.dma_semaphore, #tpu.memory_space<semaphore_mem>>)
      %dma_start3A_509 = arith.constant 19 : i32
      %dma_start3A_510 = arith.constant 0 : i32
      %dma_start3A_511 = tpu.memref_slice %arg10[%dma_start3A_509, %dma_start3A_510] : memref<32x128xf32, #tpu.memory_space<vmem>> -> memref<1x128xf32, #tpu.memory_space<vmem>>
      %dma_start3A_512 = tpu.memref_squeeze %dma_start3A_511 : memref<1x128xf32, #tpu.memory_space<vmem>> -> memref<128xf32, #tpu.memory_space<vmem>>
      %dma_start3A_513 = tpu.memref_slice %arg3[%multiple_of3A_495] : memref<1000000xf32, #tpu.memory_space<hbm>> -> memref<128xf32, #tpu.memory_space<hbm>>
      %dma_start3A_514 = arith.constant 0 : i32
      %dma_start3A_515 = tpu.memref_slice %arg10[%dma_start3A_509, %dma_start3A_514] : memref<32x128xf32, #tpu.memory_space<vmem>> -> memref<1x128xf32, #tpu.memory_space<vmem>>
      %dma_start3A_516 = tpu.memref_squeeze %dma_start3A_515 : memref<1x128xf32, #tpu.memory_space<vmem>> -> memref<128xf32, #tpu.memory_space<vmem>>
      %dma_start3A_517 = tpu.memref_slice %arg3[%multiple_of3A_495] : memref<1000000xf32, #tpu.memory_space<hbm>> -> memref<128xf32, #tpu.memory_space<hbm>>
      tpu.enqueue_dma source(%dma_start3A_517 : memref<128xf32, #tpu.memory_space<hbm>>) target(%dma_start3A_516 : memref<128xf32, #tpu.memory_space<vmem>>) target_semaphore(%arg15 : memref<!tpu.dma_semaphore, #tpu.memory_space<semaphore_mem>>)
      %slice3A_518 = vector.extract_strided_slice %mul3A_21 {offsets = [4], sizes = [1], strides = [1]} : vector<16xi32> to vector<1xi32>
      %squeeze3A_519 = vector.extract %slice3A_518[0] : i32 from vector<1xi32>
      %multiple_of3A_520 = tpu.assume_multiple %squeeze3A_519, 128 : i32
      %dma_start3A_521 = arith.constant 20 : i32
      %dma_start3A_522 = arith.constant 0 : i32
      %dma_start3A_523 = arith.constant 0 : i32
      %dma_start3A_524 = tpu.memref_slice %arg9[%dma_start3A_521, %dma_start3A_522, %dma_start3A_523] : memref<26x16x128xf32, #tpu.memory_space<vmem>> -> memref<1x16x128xf32, #tpu.memory_space<vmem>>
      %dma_start3A_525 = tpu.memref_squeeze %dma_start3A_524 : memref<1x16x128xf32, #tpu.memory_space<vmem>> -> memref<16x128xf32, #tpu.memory_space<vmem>>
      %dma_start3A_526 = arith.constant 0 : i32
      %dma_start3A_527 = tpu.memref_slice %arg4[%dma_start3A_526, %multiple_of3A_520] : memref<16x1000000xf32, #tpu.memory_space<hbm>> -> memref<16x128xf32, #tpu.memory_space<hbm>>
      %dma_start3A_528 = arith.constant 0 : i32
      %dma_start3A_529 = arith.constant 0 : i32
      %dma_start3A_530 = tpu.memref_slice %arg9[%dma_start3A_521, %dma_start3A_528, %dma_start3A_529] : memref<26x16x128xf32, #tpu.memory_space<vmem>> -> memref<1x16x128xf32, #tpu.memory_space<vmem>>
      %dma_start3A_531 = tpu.memref_squeeze %dma_start3A_530 : memref<1x16x128xf32, #tpu.memory_space<vmem>> -> memref<16x128xf32, #tpu.memory_space<vmem>>
      %dma_start3A_532 = arith.constant 0 : i32
      %dma_start3A_533 = tpu.memref_slice %arg4[%dma_start3A_532, %multiple_of3A_520] : memref<16x1000000xf32, #tpu.memory_space<hbm>> -> memref<16x128xf32, #tpu.memory_space<hbm>>
      tpu.enqueue_dma source(%dma_start3A_533 : memref<16x128xf32, #tpu.memory_space<hbm>>) target(%dma_start3A_531 : memref<16x128xf32, #tpu.memory_space<vmem>>) target_semaphore(%arg14 : memref<!tpu.dma_semaphore, #tpu.memory_space<semaphore_mem>>)
      %dma_start3A_534 = arith.constant 20 : i32
      %dma_start3A_535 = arith.constant 0 : i32
      %dma_start3A_536 = tpu.memref_slice %arg10[%dma_start3A_534, %dma_start3A_535] : memref<32x128xf32, #tpu.memory_space<vmem>> -> memref<1x128xf32, #tpu.memory_space<vmem>>
      %dma_start3A_537 = tpu.memref_squeeze %dma_start3A_536 : memref<1x128xf32, #tpu.memory_space<vmem>> -> memref<128xf32, #tpu.memory_space<vmem>>
      %dma_start3A_538 = tpu.memref_slice %arg3[%multiple_of3A_520] : memref<1000000xf32, #tpu.memory_space<hbm>> -> memref<128xf32, #tpu.memory_space<hbm>>
      %dma_start3A_539 = arith.constant 0 : i32
      %dma_start3A_540 = tpu.memref_slice %arg10[%dma_start3A_534, %dma_start3A_539] : memref<32x128xf32, #tpu.memory_space<vmem>> -> memref<1x128xf32, #tpu.memory_space<vmem>>
      %dma_start3A_541 = tpu.memref_squeeze %dma_start3A_540 : memref<1x128xf32, #tpu.memory_space<vmem>> -> memref<128xf32, #tpu.memory_space<vmem>>
      %dma_start3A_542 = tpu.memref_slice %arg3[%multiple_of3A_520] : memref<1000000xf32, #tpu.memory_space<hbm>> -> memref<128xf32, #tpu.memory_space<hbm>>
      tpu.enqueue_dma source(%dma_start3A_542 : memref<128xf32, #tpu.memory_space<hbm>>) target(%dma_start3A_541 : memref<128xf32, #tpu.memory_space<vmem>>) target_semaphore(%arg15 : memref<!tpu.dma_semaphore, #tpu.memory_space<semaphore_mem>>)
      %slice3A_543 = vector.extract_strided_slice %mul3A_21 {offsets = [5], sizes = [1], strides = [1]} : vector<16xi32> to vector<1xi32>
      %squeeze3A_544 = vector.extract %slice3A_543[0] : i32 from vector<1xi32>
      %multiple_of3A_545 = tpu.assume_multiple %squeeze3A_544, 128 : i32
      %dma_start3A_546 = arith.constant 21 : i32
      %dma_start3A_547 = arith.constant 0 : i32
      %dma_start3A_548 = arith.constant 0 : i32
      %dma_start3A_549 = tpu.memref_slice %arg9[%dma_start3A_546, %dma_start3A_547, %dma_start3A_548] : memref<26x16x128xf32, #tpu.memory_space<vmem>> -> memref<1x16x128xf32, #tpu.memory_space<vmem>>
      %dma_start3A_550 = tpu.memref_squeeze %dma_start3A_549 : memref<1x16x128xf32, #tpu.memory_space<vmem>> -> memref<16x128xf32, #tpu.memory_space<vmem>>
      %dma_start3A_551 = arith.constant 0 : i32
      %dma_start3A_552 = tpu.memref_slice %arg4[%dma_start3A_551, %multiple_of3A_545] : memref<16x1000000xf32, #tpu.memory_space<hbm>> -> memref<16x128xf32, #tpu.memory_space<hbm>>
      %dma_start3A_553 = arith.constant 0 : i32
      %dma_start3A_554 = arith.constant 0 : i32
      %dma_start3A_555 = tpu.memref_slice %arg9[%dma_start3A_546, %dma_start3A_553, %dma_start3A_554] : memref<26x16x128xf32, #tpu.memory_space<vmem>> -> memref<1x16x128xf32, #tpu.memory_space<vmem>>
      %dma_start3A_556 = tpu.memref_squeeze %dma_start3A_555 : memref<1x16x128xf32, #tpu.memory_space<vmem>> -> memref<16x128xf32, #tpu.memory_space<vmem>>
      %dma_start3A_557 = arith.constant 0 : i32
      %dma_start3A_558 = tpu.memref_slice %arg4[%dma_start3A_557, %multiple_of3A_545] : memref<16x1000000xf32, #tpu.memory_space<hbm>> -> memref<16x128xf32, #tpu.memory_space<hbm>>
      tpu.enqueue_dma source(%dma_start3A_558 : memref<16x128xf32, #tpu.memory_space<hbm>>) target(%dma_start3A_556 : memref<16x128xf32, #tpu.memory_space<vmem>>) target_semaphore(%arg14 : memref<!tpu.dma_semaphore, #tpu.memory_space<semaphore_mem>>)
      %dma_start3A_559 = arith.constant 21 : i32
      %dma_start3A_560 = arith.constant 0 : i32
      %dma_start3A_561 = tpu.memref_slice %arg10[%dma_start3A_559, %dma_start3A_560] : memref<32x128xf32, #tpu.memory_space<vmem>> -> memref<1x128xf32, #tpu.memory_space<vmem>>
      %dma_start3A_562 = tpu.memref_squeeze %dma_start3A_561 : memref<1x128xf32, #tpu.memory_space<vmem>> -> memref<128xf32, #tpu.memory_space<vmem>>
      %dma_start3A_563 = tpu.memref_slice %arg3[%multiple_of3A_545] : memref<1000000xf32, #tpu.memory_space<hbm>> -> memref<128xf32, #tpu.memory_space<hbm>>
      %dma_start3A_564 = arith.constant 0 : i32
      %dma_start3A_565 = tpu.memref_slice %arg10[%dma_start3A_559, %dma_start3A_564] : memref<32x128xf32, #tpu.memory_space<vmem>> -> memref<1x128xf32, #tpu.memory_space<vmem>>
      %dma_start3A_566 = tpu.memref_squeeze %dma_start3A_565 : memref<1x128xf32, #tpu.memory_space<vmem>> -> memref<128xf32, #tpu.memory_space<vmem>>
      %dma_start3A_567 = tpu.memref_slice %arg3[%multiple_of3A_545] : memref<1000000xf32, #tpu.memory_space<hbm>> -> memref<128xf32, #tpu.memory_space<hbm>>
      tpu.enqueue_dma source(%dma_start3A_567 : memref<128xf32, #tpu.memory_space<hbm>>) target(%dma_start3A_566 : memref<128xf32, #tpu.memory_space<vmem>>) target_semaphore(%arg15 : memref<!tpu.dma_semaphore, #tpu.memory_space<semaphore_mem>>)
      %slice3A_568 = vector.extract_strided_slice %mul3A_21 {offsets = [6], sizes = [1], strides = [1]} : vector<16xi32> to vector<1xi32>
      %squeeze3A_569 = vector.extract %slice3A_568[0] : i32 from vector<1xi32>
      %multiple_of3A_570 = tpu.assume_multiple %squeeze3A_569, 128 : i32
      %dma_start3A_571 = arith.constant 22 : i32
      %dma_start3A_572 = arith.constant 0 : i32
      %dma_start3A_573 = arith.constant 0 : i32
      %dma_start3A_574 = tpu.memref_slice %arg9[%dma_start3A_571, %dma_start3A_572, %dma_start3A_573] : memref<26x16x128xf32, #tpu.memory_space<vmem>> -> memref<1x16x128xf32, #tpu.memory_space<vmem>>
      %dma_start3A_575 = tpu.memref_squeeze %dma_start3A_574 : memref<1x16x128xf32, #tpu.memory_space<vmem>> -> memref<16x128xf32, #tpu.memory_space<vmem>>
      %dma_start3A_576 = arith.constant 0 : i32
      %dma_start3A_577 = tpu.memref_slice %arg4[%dma_start3A_576, %multiple_of3A_570] : memref<16x1000000xf32, #tpu.memory_space<hbm>> -> memref<16x128xf32, #tpu.memory_space<hbm>>
      %dma_start3A_578 = arith.constant 0 : i32
      %dma_start3A_579 = arith.constant 0 : i32
      %dma_start3A_580 = tpu.memref_slice %arg9[%dma_start3A_571, %dma_start3A_578, %dma_start3A_579] : memref<26x16x128xf32, #tpu.memory_space<vmem>> -> memref<1x16x128xf32, #tpu.memory_space<vmem>>
      %dma_start3A_581 = tpu.memref_squeeze %dma_start3A_580 : memref<1x16x128xf32, #tpu.memory_space<vmem>> -> memref<16x128xf32, #tpu.memory_space<vmem>>
      %dma_start3A_582 = arith.constant 0 : i32
      %dma_start3A_583 = tpu.memref_slice %arg4[%dma_start3A_582, %multiple_of3A_570] : memref<16x1000000xf32, #tpu.memory_space<hbm>> -> memref<16x128xf32, #tpu.memory_space<hbm>>
      tpu.enqueue_dma source(%dma_start3A_583 : memref<16x128xf32, #tpu.memory_space<hbm>>) target(%dma_start3A_581 : memref<16x128xf32, #tpu.memory_space<vmem>>) target_semaphore(%arg14 : memref<!tpu.dma_semaphore, #tpu.memory_space<semaphore_mem>>)
      %dma_start3A_584 = arith.constant 22 : i32
      %dma_start3A_585 = arith.constant 0 : i32
      %dma_start3A_586 = tpu.memref_slice %arg10[%dma_start3A_584, %dma_start3A_585] : memref<32x128xf32, #tpu.memory_space<vmem>> -> memref<1x128xf32, #tpu.memory_space<vmem>>
      %dma_start3A_587 = tpu.memref_squeeze %dma_start3A_586 : memref<1x128xf32, #tpu.memory_space<vmem>> -> memref<128xf32, #tpu.memory_space<vmem>>
      %dma_start3A_588 = tpu.memref_slice %arg3[%multiple_of3A_570] : memref<1000000xf32, #tpu.memory_space<hbm>> -> memref<128xf32, #tpu.memory_space<hbm>>
      %dma_start3A_589 = arith.constant 0 : i32
      %dma_start3A_590 = tpu.memref_slice %arg10[%dma_start3A_584, %dma_start3A_589] : memref<32x128xf32, #tpu.memory_space<vmem>> -> memref<1x128xf32, #tpu.memory_space<vmem>>
      %dma_start3A_591 = tpu.memref_squeeze %dma_start3A_590 : memref<1x128xf32, #tpu.memory_space<vmem>> -> memref<128xf32, #tpu.memory_space<vmem>>
      %dma_start3A_592 = tpu.memref_slice %arg3[%multiple_of3A_570] : memref<1000000xf32, #tpu.memory_space<hbm>> -> memref<128xf32, #tpu.memory_space<hbm>>
      tpu.enqueue_dma source(%dma_start3A_592 : memref<128xf32, #tpu.memory_space<hbm>>) target(%dma_start3A_591 : memref<128xf32, #tpu.memory_space<vmem>>) target_semaphore(%arg15 : memref<!tpu.dma_semaphore, #tpu.memory_space<semaphore_mem>>)
      %slice3A_593 = vector.extract_strided_slice %mul3A_21 {offsets = [7], sizes = [1], strides = [1]} : vector<16xi32> to vector<1xi32>
      %squeeze3A_594 = vector.extract %slice3A_593[0] : i32 from vector<1xi32>
      %multiple_of3A_595 = tpu.assume_multiple %squeeze3A_594, 128 : i32
      %dma_start3A_596 = arith.constant 23 : i32
      %dma_start3A_597 = arith.constant 0 : i32
      %dma_start3A_598 = arith.constant 0 : i32
      %dma_start3A_599 = tpu.memref_slice %arg9[%dma_start3A_596, %dma_start3A_597, %dma_start3A_598] : memref<26x16x128xf32, #tpu.memory_space<vmem>> -> memref<1x16x128xf32, #tpu.memory_space<vmem>>
      %dma_start3A_600 = tpu.memref_squeeze %dma_start3A_599 : memref<1x16x128xf32, #tpu.memory_space<vmem>> -> memref<16x128xf32, #tpu.memory_space<vmem>>
      %dma_start3A_601 = arith.constant 0 : i32
      %dma_start3A_602 = tpu.memref_slice %arg4[%dma_start3A_601, %multiple_of3A_595] : memref<16x1000000xf32, #tpu.memory_space<hbm>> -> memref<16x128xf32, #tpu.memory_space<hbm>>
      %dma_start3A_603 = arith.constant 0 : i32
      %dma_start3A_604 = arith.constant 0 : i32
      %dma_start3A_605 = tpu.memref_slice %arg9[%dma_start3A_596, %dma_start3A_603, %dma_start3A_604] : memref<26x16x128xf32, #tpu.memory_space<vmem>> -> memref<1x16x128xf32, #tpu.memory_space<vmem>>
      %dma_start3A_606 = tpu.memref_squeeze %dma_start3A_605 : memref<1x16x128xf32, #tpu.memory_space<vmem>> -> memref<16x128xf32, #tpu.memory_space<vmem>>
      %dma_start3A_607 = arith.constant 0 : i32
      %dma_start3A_608 = tpu.memref_slice %arg4[%dma_start3A_607, %multiple_of3A_595] : memref<16x1000000xf32, #tpu.memory_space<hbm>> -> memref<16x128xf32, #tpu.memory_space<hbm>>
      tpu.enqueue_dma source(%dma_start3A_608 : memref<16x128xf32, #tpu.memory_space<hbm>>) target(%dma_start3A_606 : memref<16x128xf32, #tpu.memory_space<vmem>>) target_semaphore(%arg14 : memref<!tpu.dma_semaphore, #tpu.memory_space<semaphore_mem>>)
      %dma_start3A_609 = arith.constant 23 : i32
      %dma_start3A_610 = arith.constant 0 : i32
      %dma_start3A_611 = tpu.memref_slice %arg10[%dma_start3A_609, %dma_start3A_610] : memref<32x128xf32, #tpu.memory_space<vmem>> -> memref<1x128xf32, #tpu.memory_space<vmem>>
      %dma_start3A_612 = tpu.memref_squeeze %dma_start3A_611 : memref<1x128xf32, #tpu.memory_space<vmem>> -> memref<128xf32, #tpu.memory_space<vmem>>
      %dma_start3A_613 = tpu.memref_slice %arg3[%multiple_of3A_595] : memref<1000000xf32, #tpu.memory_space<hbm>> -> memref<128xf32, #tpu.memory_space<hbm>>
      %dma_start3A_614 = arith.constant 0 : i32
      %dma_start3A_615 = tpu.memref_slice %arg10[%dma_start3A_609, %dma_start3A_614] : memref<32x128xf32, #tpu.memory_space<vmem>> -> memref<1x128xf32, #tpu.memory_space<vmem>>
      %dma_start3A_616 = tpu.memref_squeeze %dma_start3A_615 : memref<1x128xf32, #tpu.memory_space<vmem>> -> memref<128xf32, #tpu.memory_space<vmem>>
      %dma_start3A_617 = tpu.memref_slice %arg3[%multiple_of3A_595] : memref<1000000xf32, #tpu.memory_space<hbm>> -> memref<128xf32, #tpu.memory_space<hbm>>
      tpu.enqueue_dma source(%dma_start3A_617 : memref<128xf32, #tpu.memory_space<hbm>>) target(%dma_start3A_616 : memref<128xf32, #tpu.memory_space<vmem>>) target_semaphore(%arg15 : memref<!tpu.dma_semaphore, #tpu.memory_space<semaphore_mem>>)
      %slice3A_618 = vector.extract_strided_slice %mul3A_21 {offsets = [8], sizes = [1], strides = [1]} : vector<16xi32> to vector<1xi32>
      %squeeze3A_619 = vector.extract %slice3A_618[0] : i32 from vector<1xi32>
      %multiple_of3A_620 = tpu.assume_multiple %squeeze3A_619, 128 : i32
      %dma_start3A_621 = arith.constant 24 : i32
      %dma_start3A_622 = arith.constant 0 : i32
      %dma_start3A_623 = arith.constant 0 : i32
      %dma_start3A_624 = tpu.memref_slice %arg9[%dma_start3A_621, %dma_start3A_622, %dma_start3A_623] : memref<26x16x128xf32, #tpu.memory_space<vmem>> -> memref<1x16x128xf32, #tpu.memory_space<vmem>>
      %dma_start3A_625 = tpu.memref_squeeze %dma_start3A_624 : memref<1x16x128xf32, #tpu.memory_space<vmem>> -> memref<16x128xf32, #tpu.memory_space<vmem>>
      %dma_start3A_626 = arith.constant 0 : i32
      %dma_start3A_627 = tpu.memref_slice %arg4[%dma_start3A_626, %multiple_of3A_620] : memref<16x1000000xf32, #tpu.memory_space<hbm>> -> memref<16x128xf32, #tpu.memory_space<hbm>>
      %dma_start3A_628 = arith.constant 0 : i32
      %dma_start3A_629 = arith.constant 0 : i32
      %dma_start3A_630 = tpu.memref_slice %arg9[%dma_start3A_621, %dma_start3A_628, %dma_start3A_629] : memref<26x16x128xf32, #tpu.memory_space<vmem>> -> memref<1x16x128xf32, #tpu.memory_space<vmem>>
      %dma_start3A_631 = tpu.memref_squeeze %dma_start3A_630 : memref<1x16x128xf32, #tpu.memory_space<vmem>> -> memref<16x128xf32, #tpu.memory_space<vmem>>
      %dma_start3A_632 = arith.constant 0 : i32
      %dma_start3A_633 = tpu.memref_slice %arg4[%dma_start3A_632, %multiple_of3A_620] : memref<16x1000000xf32, #tpu.memory_space<hbm>> -> memref<16x128xf32, #tpu.memory_space<hbm>>
      tpu.enqueue_dma source(%dma_start3A_633 : memref<16x128xf32, #tpu.memory_space<hbm>>) target(%dma_start3A_631 : memref<16x128xf32, #tpu.memory_space<vmem>>) target_semaphore(%arg14 : memref<!tpu.dma_semaphore, #tpu.memory_space<semaphore_mem>>)
      %dma_start3A_634 = arith.constant 24 : i32
      %dma_start3A_635 = arith.constant 0 : i32
      %dma_start3A_636 = tpu.memref_slice %arg10[%dma_start3A_634, %dma_start3A_635] : memref<32x128xf32, #tpu.memory_space<vmem>> -> memref<1x128xf32, #tpu.memory_space<vmem>>
      %dma_start3A_637 = tpu.memref_squeeze %dma_start3A_636 : memref<1x128xf32, #tpu.memory_space<vmem>> -> memref<128xf32, #tpu.memory_space<vmem>>
      %dma_start3A_638 = tpu.memref_slice %arg3[%multiple_of3A_620] : memref<1000000xf32, #tpu.memory_space<hbm>> -> memref<128xf32, #tpu.memory_space<hbm>>
      %dma_start3A_639 = arith.constant 0 : i32
      %dma_start3A_640 = tpu.memref_slice %arg10[%dma_start3A_634, %dma_start3A_639] : memref<32x128xf32, #tpu.memory_space<vmem>> -> memref<1x128xf32, #tpu.memory_space<vmem>>
      %dma_start3A_641 = tpu.memref_squeeze %dma_start3A_640 : memref<1x128xf32, #tpu.memory_space<vmem>> -> memref<128xf32, #tpu.memory_space<vmem>>
      %dma_start3A_642 = tpu.memref_slice %arg3[%multiple_of3A_620] : memref<1000000xf32, #tpu.memory_space<hbm>> -> memref<128xf32, #tpu.memory_space<hbm>>
      tpu.enqueue_dma source(%dma_start3A_642 : memref<128xf32, #tpu.memory_space<hbm>>) target(%dma_start3A_641 : memref<128xf32, #tpu.memory_space<vmem>>) target_semaphore(%arg15 : memref<!tpu.dma_semaphore, #tpu.memory_space<semaphore_mem>>)
      %slice3A_643 = vector.extract_strided_slice %mul3A_21 {offsets = [9], sizes = [1], strides = [1]} : vector<16xi32> to vector<1xi32>
      %squeeze3A_644 = vector.extract %slice3A_643[0] : i32 from vector<1xi32>
      %multiple_of3A_645 = tpu.assume_multiple %squeeze3A_644, 128 : i32
      %dma_start3A_646 = arith.constant 25 : i32
      %dma_start3A_647 = arith.constant 0 : i32
      %dma_start3A_648 = arith.constant 0 : i32
      %dma_start3A_649 = tpu.memref_slice %arg9[%dma_start3A_646, %dma_start3A_647, %dma_start3A_648] : memref<26x16x128xf32, #tpu.memory_space<vmem>> -> memref<1x16x128xf32, #tpu.memory_space<vmem>>
      %dma_start3A_650 = tpu.memref_squeeze %dma_start3A_649 : memref<1x16x128xf32, #tpu.memory_space<vmem>> -> memref<16x128xf32, #tpu.memory_space<vmem>>
      %dma_start3A_651 = arith.constant 0 : i32
      %dma_start3A_652 = tpu.memref_slice %arg4[%dma_start3A_651, %multiple_of3A_645] : memref<16x1000000xf32, #tpu.memory_space<hbm>> -> memref<16x128xf32, #tpu.memory_space<hbm>>
      %dma_start3A_653 = arith.constant 0 : i32
      %dma_start3A_654 = arith.constant 0 : i32
      %dma_start3A_655 = tpu.memref_slice %arg9[%dma_start3A_646, %dma_start3A_653, %dma_start3A_654] : memref<26x16x128xf32, #tpu.memory_space<vmem>> -> memref<1x16x128xf32, #tpu.memory_space<vmem>>
      %dma_start3A_656 = tpu.memref_squeeze %dma_start3A_655 : memref<1x16x128xf32, #tpu.memory_space<vmem>> -> memref<16x128xf32, #tpu.memory_space<vmem>>
      %dma_start3A_657 = arith.constant 0 : i32
      %dma_start3A_658 = tpu.memref_slice %arg4[%dma_start3A_657, %multiple_of3A_645] : memref<16x1000000xf32, #tpu.memory_space<hbm>> -> memref<16x128xf32, #tpu.memory_space<hbm>>
      tpu.enqueue_dma source(%dma_start3A_658 : memref<16x128xf32, #tpu.memory_space<hbm>>) target(%dma_start3A_656 : memref<16x128xf32, #tpu.memory_space<vmem>>) target_semaphore(%arg14 : memref<!tpu.dma_semaphore, #tpu.memory_space<semaphore_mem>>)
      %dma_start3A_659 = arith.constant 25 : i32
      %dma_start3A_660 = arith.constant 0 : i32
      %dma_start3A_661 = tpu.memref_slice %arg10[%dma_start3A_659, %dma_start3A_660] : memref<32x128xf32, #tpu.memory_space<vmem>> -> memref<1x128xf32, #tpu.memory_space<vmem>>
      %dma_start3A_662 = tpu.memref_squeeze %dma_start3A_661 : memref<1x128xf32, #tpu.memory_space<vmem>> -> memref<128xf32, #tpu.memory_space<vmem>>
      %dma_start3A_663 = tpu.memref_slice %arg3[%multiple_of3A_645] : memref<1000000xf32, #tpu.memory_space<hbm>> -> memref<128xf32, #tpu.memory_space<hbm>>
      %dma_start3A_664 = arith.constant 0 : i32
      %dma_start3A_665 = tpu.memref_slice %arg10[%dma_start3A_659, %dma_start3A_664] : memref<32x128xf32, #tpu.memory_space<vmem>> -> memref<1x128xf32, #tpu.memory_space<vmem>>
      %dma_start3A_666 = tpu.memref_squeeze %dma_start3A_665 : memref<1x128xf32, #tpu.memory_space<vmem>> -> memref<128xf32, #tpu.memory_space<vmem>>
      %dma_start3A_667 = tpu.memref_slice %arg3[%multiple_of3A_645] : memref<1000000xf32, #tpu.memory_space<hbm>> -> memref<128xf32, #tpu.memory_space<hbm>>
      tpu.enqueue_dma source(%dma_start3A_667 : memref<128xf32, #tpu.memory_space<hbm>>) target(%dma_start3A_666 : memref<128xf32, #tpu.memory_space<vmem>>) target_semaphore(%arg15 : memref<!tpu.dma_semaphore, #tpu.memory_space<semaphore_mem>>)
      "tpu.region"() ({
        %run_scoped3A = tpu.sem_alloc : memref<!tpu.dma_semaphore, #tpu.memory_space<semaphore_mem>>
        tpu.enqueue_dma source(%arg5 : memref<4160xf32, #tpu.memory_space<hbm>>) target(%arg11 : memref<4160xf32, #tpu.memory_space<vmem>>) target_semaphore(%run_scoped3A : memref<!tpu.dma_semaphore, #tpu.memory_space<semaphore_mem>>)
        tpu.wait_dma2 semaphore(%run_scoped3A : memref<!tpu.dma_semaphore, #tpu.memory_space<semaphore_mem>>) src(%arg5 : memref<4160xf32, #tpu.memory_space<hbm>>) dst(%arg11 : memref<4160xf32, #tpu.memory_space<vmem>>)
        tpu.yield
      }) : () -> ()
      "tpu.region"() ({
        %run_scoped3A = tpu.sem_alloc : memref<!tpu.dma_semaphore, #tpu.memory_space<semaphore_mem>>
        tpu.enqueue_dma source(%arg6 : memref<96xf32, #tpu.memory_space<hbm>>) target(%arg12 : memref<96xf32, #tpu.memory_space<vmem>>) target_semaphore(%run_scoped3A : memref<!tpu.dma_semaphore, #tpu.memory_space<semaphore_mem>>)
        tpu.wait_dma2 semaphore(%run_scoped3A : memref<!tpu.dma_semaphore, #tpu.memory_space<semaphore_mem>>) src(%arg6 : memref<96xf32, #tpu.memory_space<hbm>>) dst(%arg12 : memref<96xf32, #tpu.memory_space<vmem>>)
        tpu.yield
      }) : () -> ()
      %dma_wait3A = arith.constant 0 : i32
      %dma_wait3A_668 = arith.constant 0 : i32
      %dma_wait3A_669 = arith.constant 0 : i32
      %dma_wait3A_670 = tpu.memref_slice %arg9[%dma_wait3A, %dma_wait3A_668, %dma_wait3A_669] : memref<26x16x128xf32, #tpu.memory_space<vmem>> -> memref<1x16x128xf32, #tpu.memory_space<vmem>>
      %dma_wait3A_671 = tpu.memref_squeeze %dma_wait3A_670 : memref<1x16x128xf32, #tpu.memory_space<vmem>> -> memref<16x128xf32, #tpu.memory_space<vmem>>
      %dma_wait3A_672 = arith.constant 0 : i32
      %dma_wait3A_673 = tpu.memref_slice %arg4[%dma_wait3A_672, %multiple_of3A] : memref<16x1000000xf32, #tpu.memory_space<hbm>> -> memref<16x128xf32, #tpu.memory_space<hbm>>
      %dma_wait3A_674 = arith.constant 0 : i32
      %dma_wait3A_675 = arith.constant 0 : i32
      %dma_wait3A_676 = tpu.memref_slice %arg9[%dma_wait3A, %dma_wait3A_674, %dma_wait3A_675] : memref<26x16x128xf32, #tpu.memory_space<vmem>> -> memref<1x16x128xf32, #tpu.memory_space<vmem>>
      %dma_wait3A_677 = tpu.memref_squeeze %dma_wait3A_676 : memref<1x16x128xf32, #tpu.memory_space<vmem>> -> memref<16x128xf32, #tpu.memory_space<vmem>>
      %dma_wait3A_678 = arith.constant 0 : i32
      %dma_wait3A_679 = tpu.memref_slice %arg4[%dma_wait3A_678, %multiple_of3A] : memref<16x1000000xf32, #tpu.memory_space<hbm>> -> memref<16x128xf32, #tpu.memory_space<hbm>>
      tpu.wait_dma2 semaphore(%arg14 : memref<!tpu.dma_semaphore, #tpu.memory_space<semaphore_mem>>) src(%dma_wait3A_679 : memref<16x128xf32, #tpu.memory_space<hbm>>) dst(%dma_wait3A_677 : memref<16x128xf32, #tpu.memory_space<vmem>>)
      %dma_wait3A_680 = arith.constant 0 : i32
      %dma_wait3A_681 = arith.constant 0 : i32
      %dma_wait3A_682 = tpu.memref_slice %arg10[%dma_wait3A_680, %dma_wait3A_681] : memref<32x128xf32, #tpu.memory_space<vmem>> -> memref<1x128xf32, #tpu.memory_space<vmem>>
      %dma_wait3A_683 = tpu.memref_squeeze %dma_wait3A_682 : memref<1x128xf32, #tpu.memory_space<vmem>> -> memref<128xf32, #tpu.memory_space<vmem>>
      %dma_wait3A_684 = tpu.memref_slice %arg3[%multiple_of3A] : memref<1000000xf32, #tpu.memory_space<hbm>> -> memref<128xf32, #tpu.memory_space<hbm>>
      %dma_wait3A_685 = arith.constant 0 : i32
      %dma_wait3A_686 = tpu.memref_slice %arg10[%dma_wait3A_680, %dma_wait3A_685] : memref<32x128xf32, #tpu.memory_space<vmem>> -> memref<1x128xf32, #tpu.memory_space<vmem>>
      %dma_wait3A_687 = tpu.memref_squeeze %dma_wait3A_686 : memref<1x128xf32, #tpu.memory_space<vmem>> -> memref<128xf32, #tpu.memory_space<vmem>>
      %dma_wait3A_688 = tpu.memref_slice %arg3[%multiple_of3A] : memref<1000000xf32, #tpu.memory_space<hbm>> -> memref<128xf32, #tpu.memory_space<hbm>>
      tpu.wait_dma2 semaphore(%arg15 : memref<!tpu.dma_semaphore, #tpu.memory_space<semaphore_mem>>) src(%dma_wait3A_688 : memref<128xf32, #tpu.memory_space<hbm>>) dst(%dma_wait3A_687 : memref<128xf32, #tpu.memory_space<vmem>>)
      %dma_wait3A_689 = arith.constant 1 : i32
      %dma_wait3A_690 = arith.constant 0 : i32
      %dma_wait3A_691 = arith.constant 0 : i32
      %dma_wait3A_692 = tpu.memref_slice %arg9[%dma_wait3A_689, %dma_wait3A_690, %dma_wait3A_691] : memref<26x16x128xf32, #tpu.memory_space<vmem>> -> memref<1x16x128xf32, #tpu.memory_space<vmem>>
      %dma_wait3A_693 = tpu.memref_squeeze %dma_wait3A_692 : memref<1x16x128xf32, #tpu.memory_space<vmem>> -> memref<16x128xf32, #tpu.memory_space<vmem>>
      %dma_wait3A_694 = arith.constant 0 : i32
      %dma_wait3A_695 = tpu.memref_slice %arg4[%dma_wait3A_694, %multiple_of3A_45] : memref<16x1000000xf32, #tpu.memory_space<hbm>> -> memref<16x128xf32, #tpu.memory_space<hbm>>
      %dma_wait3A_696 = arith.constant 0 : i32
      %dma_wait3A_697 = arith.constant 0 : i32
      %dma_wait3A_698 = tpu.memref_slice %arg9[%dma_wait3A_689, %dma_wait3A_696, %dma_wait3A_697] : memref<26x16x128xf32, #tpu.memory_space<vmem>> -> memref<1x16x128xf32, #tpu.memory_space<vmem>>
      %dma_wait3A_699 = tpu.memref_squeeze %dma_wait3A_698 : memref<1x16x128xf32, #tpu.memory_space<vmem>> -> memref<16x128xf32, #tpu.memory_space<vmem>>
      %dma_wait3A_700 = arith.constant 0 : i32
      %dma_wait3A_701 = tpu.memref_slice %arg4[%dma_wait3A_700, %multiple_of3A_45] : memref<16x1000000xf32, #tpu.memory_space<hbm>> -> memref<16x128xf32, #tpu.memory_space<hbm>>
      tpu.wait_dma2 semaphore(%arg14 : memref<!tpu.dma_semaphore, #tpu.memory_space<semaphore_mem>>) src(%dma_wait3A_701 : memref<16x128xf32, #tpu.memory_space<hbm>>) dst(%dma_wait3A_699 : memref<16x128xf32, #tpu.memory_space<vmem>>)
      %dma_wait3A_702 = arith.constant 1 : i32
      %dma_wait3A_703 = arith.constant 0 : i32
      %dma_wait3A_704 = tpu.memref_slice %arg10[%dma_wait3A_702, %dma_wait3A_703] : memref<32x128xf32, #tpu.memory_space<vmem>> -> memref<1x128xf32, #tpu.memory_space<vmem>>
      %dma_wait3A_705 = tpu.memref_squeeze %dma_wait3A_704 : memref<1x128xf32, #tpu.memory_space<vmem>> -> memref<128xf32, #tpu.memory_space<vmem>>
      %dma_wait3A_706 = tpu.memref_slice %arg3[%multiple_of3A_45] : memref<1000000xf32, #tpu.memory_space<hbm>> -> memref<128xf32, #tpu.memory_space<hbm>>
      %dma_wait3A_707 = arith.constant 0 : i32
      %dma_wait3A_708 = tpu.memref_slice %arg10[%dma_wait3A_702, %dma_wait3A_707] : memref<32x128xf32, #tpu.memory_space<vmem>> -> memref<1x128xf32, #tpu.memory_space<vmem>>
      %dma_wait3A_709 = tpu.memref_squeeze %dma_wait3A_708 : memref<1x128xf32, #tpu.memory_space<vmem>> -> memref<128xf32, #tpu.memory_space<vmem>>
      %dma_wait3A_710 = tpu.memref_slice %arg3[%multiple_of3A_45] : memref<1000000xf32, #tpu.memory_space<hbm>> -> memref<128xf32, #tpu.memory_space<hbm>>
      tpu.wait_dma2 semaphore(%arg15 : memref<!tpu.dma_semaphore, #tpu.memory_space<semaphore_mem>>) src(%dma_wait3A_710 : memref<128xf32, #tpu.memory_space<hbm>>) dst(%dma_wait3A_709 : memref<128xf32, #tpu.memory_space<vmem>>)
      %dma_wait3A_711 = arith.constant 2 : i32
      %dma_wait3A_712 = arith.constant 0 : i32
      %dma_wait3A_713 = arith.constant 0 : i32
      %dma_wait3A_714 = tpu.memref_slice %arg9[%dma_wait3A_711, %dma_wait3A_712, %dma_wait3A_713] : memref<26x16x128xf32, #tpu.memory_space<vmem>> -> memref<1x16x128xf32, #tpu.memory_space<vmem>>
      %dma_wait3A_715 = tpu.memref_squeeze %dma_wait3A_714 : memref<1x16x128xf32, #tpu.memory_space<vmem>> -> memref<16x128xf32, #tpu.memory_space<vmem>>
      %dma_wait3A_716 = arith.constant 0 : i32
      %dma_wait3A_717 = tpu.memref_slice %arg4[%dma_wait3A_716, %multiple_of3A_70] : memref<16x1000000xf32, #tpu.memory_space<hbm>> -> memref<16x128xf32, #tpu.memory_space<hbm>>
      %dma_wait3A_718 = arith.constant 0 : i32
      %dma_wait3A_719 = arith.constant 0 : i32
      %dma_wait3A_720 = tpu.memref_slice %arg9[%dma_wait3A_711, %dma_wait3A_718, %dma_wait3A_719] : memref<26x16x128xf32, #tpu.memory_space<vmem>> -> memref<1x16x128xf32, #tpu.memory_space<vmem>>
      %dma_wait3A_721 = tpu.memref_squeeze %dma_wait3A_720 : memref<1x16x128xf32, #tpu.memory_space<vmem>> -> memref<16x128xf32, #tpu.memory_space<vmem>>
      %dma_wait3A_722 = arith.constant 0 : i32
      %dma_wait3A_723 = tpu.memref_slice %arg4[%dma_wait3A_722, %multiple_of3A_70] : memref<16x1000000xf32, #tpu.memory_space<hbm>> -> memref<16x128xf32, #tpu.memory_space<hbm>>
      tpu.wait_dma2 semaphore(%arg14 : memref<!tpu.dma_semaphore, #tpu.memory_space<semaphore_mem>>) src(%dma_wait3A_723 : memref<16x128xf32, #tpu.memory_space<hbm>>) dst(%dma_wait3A_721 : memref<16x128xf32, #tpu.memory_space<vmem>>)
      %dma_wait3A_724 = arith.constant 2 : i32
      %dma_wait3A_725 = arith.constant 0 : i32
      %dma_wait3A_726 = tpu.memref_slice %arg10[%dma_wait3A_724, %dma_wait3A_725] : memref<32x128xf32, #tpu.memory_space<vmem>> -> memref<1x128xf32, #tpu.memory_space<vmem>>
      %dma_wait3A_727 = tpu.memref_squeeze %dma_wait3A_726 : memref<1x128xf32, #tpu.memory_space<vmem>> -> memref<128xf32, #tpu.memory_space<vmem>>
      %dma_wait3A_728 = tpu.memref_slice %arg3[%multiple_of3A_70] : memref<1000000xf32, #tpu.memory_space<hbm>> -> memref<128xf32, #tpu.memory_space<hbm>>
      %dma_wait3A_729 = arith.constant 0 : i32
      %dma_wait3A_730 = tpu.memref_slice %arg10[%dma_wait3A_724, %dma_wait3A_729] : memref<32x128xf32, #tpu.memory_space<vmem>> -> memref<1x128xf32, #tpu.memory_space<vmem>>
      %dma_wait3A_731 = tpu.memref_squeeze %dma_wait3A_730 : memref<1x128xf32, #tpu.memory_space<vmem>> -> memref<128xf32, #tpu.memory_space<vmem>>
      %dma_wait3A_732 = tpu.memref_slice %arg3[%multiple_of3A_70] : memref<1000000xf32, #tpu.memory_space<hbm>> -> memref<128xf32, #tpu.memory_space<hbm>>
      tpu.wait_dma2 semaphore(%arg15 : memref<!tpu.dma_semaphore, #tpu.memory_space<semaphore_mem>>) src(%dma_wait3A_732 : memref<128xf32, #tpu.memory_space<hbm>>) dst(%dma_wait3A_731 : memref<128xf32, #tpu.memory_space<vmem>>)
      %dma_wait3A_733 = arith.constant 3 : i32
      %dma_wait3A_734 = arith.constant 0 : i32
      %dma_wait3A_735 = arith.constant 0 : i32
      %dma_wait3A_736 = tpu.memref_slice %arg9[%dma_wait3A_733, %dma_wait3A_734, %dma_wait3A_735] : memref<26x16x128xf32, #tpu.memory_space<vmem>> -> memref<1x16x128xf32, #tpu.memory_space<vmem>>
      %dma_wait3A_737 = tpu.memref_squeeze %dma_wait3A_736 : memref<1x16x128xf32, #tpu.memory_space<vmem>> -> memref<16x128xf32, #tpu.memory_space<vmem>>
      %dma_wait3A_738 = arith.constant 0 : i32
      %dma_wait3A_739 = tpu.memref_slice %arg4[%dma_wait3A_738, %multiple_of3A_95] : memref<16x1000000xf32, #tpu.memory_space<hbm>> -> memref<16x128xf32, #tpu.memory_space<hbm>>
      %dma_wait3A_740 = arith.constant 0 : i32
      %dma_wait3A_741 = arith.constant 0 : i32
      %dma_wait3A_742 = tpu.memref_slice %arg9[%dma_wait3A_733, %dma_wait3A_740, %dma_wait3A_741] : memref<26x16x128xf32, #tpu.memory_space<vmem>> -> memref<1x16x128xf32, #tpu.memory_space<vmem>>
      %dma_wait3A_743 = tpu.memref_squeeze %dma_wait3A_742 : memref<1x16x128xf32, #tpu.memory_space<vmem>> -> memref<16x128xf32, #tpu.memory_space<vmem>>
      %dma_wait3A_744 = arith.constant 0 : i32
      %dma_wait3A_745 = tpu.memref_slice %arg4[%dma_wait3A_744, %multiple_of3A_95] : memref<16x1000000xf32, #tpu.memory_space<hbm>> -> memref<16x128xf32, #tpu.memory_space<hbm>>
      tpu.wait_dma2 semaphore(%arg14 : memref<!tpu.dma_semaphore, #tpu.memory_space<semaphore_mem>>) src(%dma_wait3A_745 : memref<16x128xf32, #tpu.memory_space<hbm>>) dst(%dma_wait3A_743 : memref<16x128xf32, #tpu.memory_space<vmem>>)
      %dma_wait3A_746 = arith.constant 3 : i32
      %dma_wait3A_747 = arith.constant 0 : i32
      %dma_wait3A_748 = tpu.memref_slice %arg10[%dma_wait3A_746, %dma_wait3A_747] : memref<32x128xf32, #tpu.memory_space<vmem>> -> memref<1x128xf32, #tpu.memory_space<vmem>>
      %dma_wait3A_749 = tpu.memref_squeeze %dma_wait3A_748 : memref<1x128xf32, #tpu.memory_space<vmem>> -> memref<128xf32, #tpu.memory_space<vmem>>
      %dma_wait3A_750 = tpu.memref_slice %arg3[%multiple_of3A_95] : memref<1000000xf32, #tpu.memory_space<hbm>> -> memref<128xf32, #tpu.memory_space<hbm>>
      %dma_wait3A_751 = arith.constant 0 : i32
      %dma_wait3A_752 = tpu.memref_slice %arg10[%dma_wait3A_746, %dma_wait3A_751] : memref<32x128xf32, #tpu.memory_space<vmem>> -> memref<1x128xf32, #tpu.memory_space<vmem>>
      %dma_wait3A_753 = tpu.memref_squeeze %dma_wait3A_752 : memref<1x128xf32, #tpu.memory_space<vmem>> -> memref<128xf32, #tpu.memory_space<vmem>>
      %dma_wait3A_754 = tpu.memref_slice %arg3[%multiple_of3A_95] : memref<1000000xf32, #tpu.memory_space<hbm>> -> memref<128xf32, #tpu.memory_space<hbm>>
      tpu.wait_dma2 semaphore(%arg15 : memref<!tpu.dma_semaphore, #tpu.memory_space<semaphore_mem>>) src(%dma_wait3A_754 : memref<128xf32, #tpu.memory_space<hbm>>) dst(%dma_wait3A_753 : memref<128xf32, #tpu.memory_space<vmem>>)
      %dma_wait3A_755 = arith.constant 4 : i32
      %dma_wait3A_756 = arith.constant 0 : i32
      %dma_wait3A_757 = arith.constant 0 : i32
      %dma_wait3A_758 = tpu.memref_slice %arg9[%dma_wait3A_755, %dma_wait3A_756, %dma_wait3A_757] : memref<26x16x128xf32, #tpu.memory_space<vmem>> -> memref<1x16x128xf32, #tpu.memory_space<vmem>>
      %dma_wait3A_759 = tpu.memref_squeeze %dma_wait3A_758 : memref<1x16x128xf32, #tpu.memory_space<vmem>> -> memref<16x128xf32, #tpu.memory_space<vmem>>
      %dma_wait3A_760 = arith.constant 0 : i32
      %dma_wait3A_761 = tpu.memref_slice %arg4[%dma_wait3A_760, %multiple_of3A_120] : memref<16x1000000xf32, #tpu.memory_space<hbm>> -> memref<16x128xf32, #tpu.memory_space<hbm>>
      %dma_wait3A_762 = arith.constant 0 : i32
      %dma_wait3A_763 = arith.constant 0 : i32
      %dma_wait3A_764 = tpu.memref_slice %arg9[%dma_wait3A_755, %dma_wait3A_762, %dma_wait3A_763] : memref<26x16x128xf32, #tpu.memory_space<vmem>> -> memref<1x16x128xf32, #tpu.memory_space<vmem>>
      %dma_wait3A_765 = tpu.memref_squeeze %dma_wait3A_764 : memref<1x16x128xf32, #tpu.memory_space<vmem>> -> memref<16x128xf32, #tpu.memory_space<vmem>>
      %dma_wait3A_766 = arith.constant 0 : i32
      %dma_wait3A_767 = tpu.memref_slice %arg4[%dma_wait3A_766, %multiple_of3A_120] : memref<16x1000000xf32, #tpu.memory_space<hbm>> -> memref<16x128xf32, #tpu.memory_space<hbm>>
      tpu.wait_dma2 semaphore(%arg14 : memref<!tpu.dma_semaphore, #tpu.memory_space<semaphore_mem>>) src(%dma_wait3A_767 : memref<16x128xf32, #tpu.memory_space<hbm>>) dst(%dma_wait3A_765 : memref<16x128xf32, #tpu.memory_space<vmem>>)
      %dma_wait3A_768 = arith.constant 4 : i32
      %dma_wait3A_769 = arith.constant 0 : i32
      %dma_wait3A_770 = tpu.memref_slice %arg10[%dma_wait3A_768, %dma_wait3A_769] : memref<32x128xf32, #tpu.memory_space<vmem>> -> memref<1x128xf32, #tpu.memory_space<vmem>>
      %dma_wait3A_771 = tpu.memref_squeeze %dma_wait3A_770 : memref<1x128xf32, #tpu.memory_space<vmem>> -> memref<128xf32, #tpu.memory_space<vmem>>
      %dma_wait3A_772 = tpu.memref_slice %arg3[%multiple_of3A_120] : memref<1000000xf32, #tpu.memory_space<hbm>> -> memref<128xf32, #tpu.memory_space<hbm>>
      %dma_wait3A_773 = arith.constant 0 : i32
      %dma_wait3A_774 = tpu.memref_slice %arg10[%dma_wait3A_768, %dma_wait3A_773] : memref<32x128xf32, #tpu.memory_space<vmem>> -> memref<1x128xf32, #tpu.memory_space<vmem>>
      %dma_wait3A_775 = tpu.memref_squeeze %dma_wait3A_774 : memref<1x128xf32, #tpu.memory_space<vmem>> -> memref<128xf32, #tpu.memory_space<vmem>>
      %dma_wait3A_776 = tpu.memref_slice %arg3[%multiple_of3A_120] : memref<1000000xf32, #tpu.memory_space<hbm>> -> memref<128xf32, #tpu.memory_space<hbm>>
      tpu.wait_dma2 semaphore(%arg15 : memref<!tpu.dma_semaphore, #tpu.memory_space<semaphore_mem>>) src(%dma_wait3A_776 : memref<128xf32, #tpu.memory_space<hbm>>) dst(%dma_wait3A_775 : memref<128xf32, #tpu.memory_space<vmem>>)
      %dma_wait3A_777 = arith.constant 5 : i32
      %dma_wait3A_778 = arith.constant 0 : i32
      %dma_wait3A_779 = arith.constant 0 : i32
      %dma_wait3A_780 = tpu.memref_slice %arg9[%dma_wait3A_777, %dma_wait3A_778, %dma_wait3A_779] : memref<26x16x128xf32, #tpu.memory_space<vmem>> -> memref<1x16x128xf32, #tpu.memory_space<vmem>>
      %dma_wait3A_781 = tpu.memref_squeeze %dma_wait3A_780 : memref<1x16x128xf32, #tpu.memory_space<vmem>> -> memref<16x128xf32, #tpu.memory_space<vmem>>
      %dma_wait3A_782 = arith.constant 0 : i32
      %dma_wait3A_783 = tpu.memref_slice %arg4[%dma_wait3A_782, %multiple_of3A_145] : memref<16x1000000xf32, #tpu.memory_space<hbm>> -> memref<16x128xf32, #tpu.memory_space<hbm>>
      %dma_wait3A_784 = arith.constant 0 : i32
      %dma_wait3A_785 = arith.constant 0 : i32
      %dma_wait3A_786 = tpu.memref_slice %arg9[%dma_wait3A_777, %dma_wait3A_784, %dma_wait3A_785] : memref<26x16x128xf32, #tpu.memory_space<vmem>> -> memref<1x16x128xf32, #tpu.memory_space<vmem>>
      %dma_wait3A_787 = tpu.memref_squeeze %dma_wait3A_786 : memref<1x16x128xf32, #tpu.memory_space<vmem>> -> memref<16x128xf32, #tpu.memory_space<vmem>>
      %dma_wait3A_788 = arith.constant 0 : i32
      %dma_wait3A_789 = tpu.memref_slice %arg4[%dma_wait3A_788, %multiple_of3A_145] : memref<16x1000000xf32, #tpu.memory_space<hbm>> -> memref<16x128xf32, #tpu.memory_space<hbm>>
      tpu.wait_dma2 semaphore(%arg14 : memref<!tpu.dma_semaphore, #tpu.memory_space<semaphore_mem>>) src(%dma_wait3A_789 : memref<16x128xf32, #tpu.memory_space<hbm>>) dst(%dma_wait3A_787 : memref<16x128xf32, #tpu.memory_space<vmem>>)
      %dma_wait3A_790 = arith.constant 5 : i32
      %dma_wait3A_791 = arith.constant 0 : i32
      %dma_wait3A_792 = tpu.memref_slice %arg10[%dma_wait3A_790, %dma_wait3A_791] : memref<32x128xf32, #tpu.memory_space<vmem>> -> memref<1x128xf32, #tpu.memory_space<vmem>>
      %dma_wait3A_793 = tpu.memref_squeeze %dma_wait3A_792 : memref<1x128xf32, #tpu.memory_space<vmem>> -> memref<128xf32, #tpu.memory_space<vmem>>
      %dma_wait3A_794 = tpu.memref_slice %arg3[%multiple_of3A_145] : memref<1000000xf32, #tpu.memory_space<hbm>> -> memref<128xf32, #tpu.memory_space<hbm>>
      %dma_wait3A_795 = arith.constant 0 : i32
      %dma_wait3A_796 = tpu.memref_slice %arg10[%dma_wait3A_790, %dma_wait3A_795] : memref<32x128xf32, #tpu.memory_space<vmem>> -> memref<1x128xf32, #tpu.memory_space<vmem>>
      %dma_wait3A_797 = tpu.memref_squeeze %dma_wait3A_796 : memref<1x128xf32, #tpu.memory_space<vmem>> -> memref<128xf32, #tpu.memory_space<vmem>>
      %dma_wait3A_798 = tpu.memref_slice %arg3[%multiple_of3A_145] : memref<1000000xf32, #tpu.memory_space<hbm>> -> memref<128xf32, #tpu.memory_space<hbm>>
      tpu.wait_dma2 semaphore(%arg15 : memref<!tpu.dma_semaphore, #tpu.memory_space<semaphore_mem>>) src(%dma_wait3A_798 : memref<128xf32, #tpu.memory_space<hbm>>) dst(%dma_wait3A_797 : memref<128xf32, #tpu.memory_space<vmem>>)
      %dma_wait3A_799 = arith.constant 6 : i32
      %dma_wait3A_800 = arith.constant 0 : i32
      %dma_wait3A_801 = arith.constant 0 : i32
      %dma_wait3A_802 = tpu.memref_slice %arg9[%dma_wait3A_799, %dma_wait3A_800, %dma_wait3A_801] : memref<26x16x128xf32, #tpu.memory_space<vmem>> -> memref<1x16x128xf32, #tpu.memory_space<vmem>>
      %dma_wait3A_803 = tpu.memref_squeeze %dma_wait3A_802 : memref<1x16x128xf32, #tpu.memory_space<vmem>> -> memref<16x128xf32, #tpu.memory_space<vmem>>
      %dma_wait3A_804 = arith.constant 0 : i32
      %dma_wait3A_805 = tpu.memref_slice %arg4[%dma_wait3A_804, %multiple_of3A_170] : memref<16x1000000xf32, #tpu.memory_space<hbm>> -> memref<16x128xf32, #tpu.memory_space<hbm>>
      %dma_wait3A_806 = arith.constant 0 : i32
      %dma_wait3A_807 = arith.constant 0 : i32
      %dma_wait3A_808 = tpu.memref_slice %arg9[%dma_wait3A_799, %dma_wait3A_806, %dma_wait3A_807] : memref<26x16x128xf32, #tpu.memory_space<vmem>> -> memref<1x16x128xf32, #tpu.memory_space<vmem>>
      %dma_wait3A_809 = tpu.memref_squeeze %dma_wait3A_808 : memref<1x16x128xf32, #tpu.memory_space<vmem>> -> memref<16x128xf32, #tpu.memory_space<vmem>>
      %dma_wait3A_810 = arith.constant 0 : i32
      %dma_wait3A_811 = tpu.memref_slice %arg4[%dma_wait3A_810, %multiple_of3A_170] : memref<16x1000000xf32, #tpu.memory_space<hbm>> -> memref<16x128xf32, #tpu.memory_space<hbm>>
      tpu.wait_dma2 semaphore(%arg14 : memref<!tpu.dma_semaphore, #tpu.memory_space<semaphore_mem>>) src(%dma_wait3A_811 : memref<16x128xf32, #tpu.memory_space<hbm>>) dst(%dma_wait3A_809 : memref<16x128xf32, #tpu.memory_space<vmem>>)
      %dma_wait3A_812 = arith.constant 6 : i32
      %dma_wait3A_813 = arith.constant 0 : i32
      %dma_wait3A_814 = tpu.memref_slice %arg10[%dma_wait3A_812, %dma_wait3A_813] : memref<32x128xf32, #tpu.memory_space<vmem>> -> memref<1x128xf32, #tpu.memory_space<vmem>>
      %dma_wait3A_815 = tpu.memref_squeeze %dma_wait3A_814 : memref<1x128xf32, #tpu.memory_space<vmem>> -> memref<128xf32, #tpu.memory_space<vmem>>
      %dma_wait3A_816 = tpu.memref_slice %arg3[%multiple_of3A_170] : memref<1000000xf32, #tpu.memory_space<hbm>> -> memref<128xf32, #tpu.memory_space<hbm>>
      %dma_wait3A_817 = arith.constant 0 : i32
      %dma_wait3A_818 = tpu.memref_slice %arg10[%dma_wait3A_812, %dma_wait3A_817] : memref<32x128xf32, #tpu.memory_space<vmem>> -> memref<1x128xf32, #tpu.memory_space<vmem>>
      %dma_wait3A_819 = tpu.memref_squeeze %dma_wait3A_818 : memref<1x128xf32, #tpu.memory_space<vmem>> -> memref<128xf32, #tpu.memory_space<vmem>>
      %dma_wait3A_820 = tpu.memref_slice %arg3[%multiple_of3A_170] : memref<1000000xf32, #tpu.memory_space<hbm>> -> memref<128xf32, #tpu.memory_space<hbm>>
      tpu.wait_dma2 semaphore(%arg15 : memref<!tpu.dma_semaphore, #tpu.memory_space<semaphore_mem>>) src(%dma_wait3A_820 : memref<128xf32, #tpu.memory_space<hbm>>) dst(%dma_wait3A_819 : memref<128xf32, #tpu.memory_space<vmem>>)
      %dma_wait3A_821 = arith.constant 7 : i32
      %dma_wait3A_822 = arith.constant 0 : i32
      %dma_wait3A_823 = arith.constant 0 : i32
      %dma_wait3A_824 = tpu.memref_slice %arg9[%dma_wait3A_821, %dma_wait3A_822, %dma_wait3A_823] : memref<26x16x128xf32, #tpu.memory_space<vmem>> -> memref<1x16x128xf32, #tpu.memory_space<vmem>>
      %dma_wait3A_825 = tpu.memref_squeeze %dma_wait3A_824 : memref<1x16x128xf32, #tpu.memory_space<vmem>> -> memref<16x128xf32, #tpu.memory_space<vmem>>
      %dma_wait3A_826 = arith.constant 0 : i32
      %dma_wait3A_827 = tpu.memref_slice %arg4[%dma_wait3A_826, %multiple_of3A_195] : memref<16x1000000xf32, #tpu.memory_space<hbm>> -> memref<16x128xf32, #tpu.memory_space<hbm>>
      %dma_wait3A_828 = arith.constant 0 : i32
      %dma_wait3A_829 = arith.constant 0 : i32
      %dma_wait3A_830 = tpu.memref_slice %arg9[%dma_wait3A_821, %dma_wait3A_828, %dma_wait3A_829] : memref<26x16x128xf32, #tpu.memory_space<vmem>> -> memref<1x16x128xf32, #tpu.memory_space<vmem>>
      %dma_wait3A_831 = tpu.memref_squeeze %dma_wait3A_830 : memref<1x16x128xf32, #tpu.memory_space<vmem>> -> memref<16x128xf32, #tpu.memory_space<vmem>>
      %dma_wait3A_832 = arith.constant 0 : i32
      %dma_wait3A_833 = tpu.memref_slice %arg4[%dma_wait3A_832, %multiple_of3A_195] : memref<16x1000000xf32, #tpu.memory_space<hbm>> -> memref<16x128xf32, #tpu.memory_space<hbm>>
      tpu.wait_dma2 semaphore(%arg14 : memref<!tpu.dma_semaphore, #tpu.memory_space<semaphore_mem>>) src(%dma_wait3A_833 : memref<16x128xf32, #tpu.memory_space<hbm>>) dst(%dma_wait3A_831 : memref<16x128xf32, #tpu.memory_space<vmem>>)
      %dma_wait3A_834 = arith.constant 7 : i32
      %dma_wait3A_835 = arith.constant 0 : i32
      %dma_wait3A_836 = tpu.memref_slice %arg10[%dma_wait3A_834, %dma_wait3A_835] : memref<32x128xf32, #tpu.memory_space<vmem>> -> memref<1x128xf32, #tpu.memory_space<vmem>>
      %dma_wait3A_837 = tpu.memref_squeeze %dma_wait3A_836 : memref<1x128xf32, #tpu.memory_space<vmem>> -> memref<128xf32, #tpu.memory_space<vmem>>
      %dma_wait3A_838 = tpu.memref_slice %arg3[%multiple_of3A_195] : memref<1000000xf32, #tpu.memory_space<hbm>> -> memref<128xf32, #tpu.memory_space<hbm>>
      %dma_wait3A_839 = arith.constant 0 : i32
      %dma_wait3A_840 = tpu.memref_slice %arg10[%dma_wait3A_834, %dma_wait3A_839] : memref<32x128xf32, #tpu.memory_space<vmem>> -> memref<1x128xf32, #tpu.memory_space<vmem>>
      %dma_wait3A_841 = tpu.memref_squeeze %dma_wait3A_840 : memref<1x128xf32, #tpu.memory_space<vmem>> -> memref<128xf32, #tpu.memory_space<vmem>>
      %dma_wait3A_842 = tpu.memref_slice %arg3[%multiple_of3A_195] : memref<1000000xf32, #tpu.memory_space<hbm>> -> memref<128xf32, #tpu.memory_space<hbm>>
      tpu.wait_dma2 semaphore(%arg15 : memref<!tpu.dma_semaphore, #tpu.memory_space<semaphore_mem>>) src(%dma_wait3A_842 : memref<128xf32, #tpu.memory_space<hbm>>) dst(%dma_wait3A_841 : memref<128xf32, #tpu.memory_space<vmem>>)
      %dma_wait3A_843 = arith.constant 8 : i32
      %dma_wait3A_844 = arith.constant 0 : i32
      %dma_wait3A_845 = arith.constant 0 : i32
      %dma_wait3A_846 = tpu.memref_slice %arg9[%dma_wait3A_843, %dma_wait3A_844, %dma_wait3A_845] : memref<26x16x128xf32, #tpu.memory_space<vmem>> -> memref<1x16x128xf32, #tpu.memory_space<vmem>>
      %dma_wait3A_847 = tpu.memref_squeeze %dma_wait3A_846 : memref<1x16x128xf32, #tpu.memory_space<vmem>> -> memref<16x128xf32, #tpu.memory_space<vmem>>
      %dma_wait3A_848 = arith.constant 0 : i32
      %dma_wait3A_849 = tpu.memref_slice %arg4[%dma_wait3A_848, %multiple_of3A_220] : memref<16x1000000xf32, #tpu.memory_space<hbm>> -> memref<16x128xf32, #tpu.memory_space<hbm>>
      %dma_wait3A_850 = arith.constant 0 : i32
      %dma_wait3A_851 = arith.constant 0 : i32
      %dma_wait3A_852 = tpu.memref_slice %arg9[%dma_wait3A_843, %dma_wait3A_850, %dma_wait3A_851] : memref<26x16x128xf32, #tpu.memory_space<vmem>> -> memref<1x16x128xf32, #tpu.memory_space<vmem>>
      %dma_wait3A_853 = tpu.memref_squeeze %dma_wait3A_852 : memref<1x16x128xf32, #tpu.memory_space<vmem>> -> memref<16x128xf32, #tpu.memory_space<vmem>>
      %dma_wait3A_854 = arith.constant 0 : i32
      %dma_wait3A_855 = tpu.memref_slice %arg4[%dma_wait3A_854, %multiple_of3A_220] : memref<16x1000000xf32, #tpu.memory_space<hbm>> -> memref<16x128xf32, #tpu.memory_space<hbm>>
      tpu.wait_dma2 semaphore(%arg14 : memref<!tpu.dma_semaphore, #tpu.memory_space<semaphore_mem>>) src(%dma_wait3A_855 : memref<16x128xf32, #tpu.memory_space<hbm>>) dst(%dma_wait3A_853 : memref<16x128xf32, #tpu.memory_space<vmem>>)
      %dma_wait3A_856 = arith.constant 8 : i32
      %dma_wait3A_857 = arith.constant 0 : i32
      %dma_wait3A_858 = tpu.memref_slice %arg10[%dma_wait3A_856, %dma_wait3A_857] : memref<32x128xf32, #tpu.memory_space<vmem>> -> memref<1x128xf32, #tpu.memory_space<vmem>>
      %dma_wait3A_859 = tpu.memref_squeeze %dma_wait3A_858 : memref<1x128xf32, #tpu.memory_space<vmem>> -> memref<128xf32, #tpu.memory_space<vmem>>
      %dma_wait3A_860 = tpu.memref_slice %arg3[%multiple_of3A_220] : memref<1000000xf32, #tpu.memory_space<hbm>> -> memref<128xf32, #tpu.memory_space<hbm>>
      %dma_wait3A_861 = arith.constant 0 : i32
      %dma_wait3A_862 = tpu.memref_slice %arg10[%dma_wait3A_856, %dma_wait3A_861] : memref<32x128xf32, #tpu.memory_space<vmem>> -> memref<1x128xf32, #tpu.memory_space<vmem>>
      %dma_wait3A_863 = tpu.memref_squeeze %dma_wait3A_862 : memref<1x128xf32, #tpu.memory_space<vmem>> -> memref<128xf32, #tpu.memory_space<vmem>>
      %dma_wait3A_864 = tpu.memref_slice %arg3[%multiple_of3A_220] : memref<1000000xf32, #tpu.memory_space<hbm>> -> memref<128xf32, #tpu.memory_space<hbm>>
      tpu.wait_dma2 semaphore(%arg15 : memref<!tpu.dma_semaphore, #tpu.memory_space<semaphore_mem>>) src(%dma_wait3A_864 : memref<128xf32, #tpu.memory_space<hbm>>) dst(%dma_wait3A_863 : memref<128xf32, #tpu.memory_space<vmem>>)
      %dma_wait3A_865 = arith.constant 9 : i32
      %dma_wait3A_866 = arith.constant 0 : i32
      %dma_wait3A_867 = arith.constant 0 : i32
      %dma_wait3A_868 = tpu.memref_slice %arg9[%dma_wait3A_865, %dma_wait3A_866, %dma_wait3A_867] : memref<26x16x128xf32, #tpu.memory_space<vmem>> -> memref<1x16x128xf32, #tpu.memory_space<vmem>>
      %dma_wait3A_869 = tpu.memref_squeeze %dma_wait3A_868 : memref<1x16x128xf32, #tpu.memory_space<vmem>> -> memref<16x128xf32, #tpu.memory_space<vmem>>
      %dma_wait3A_870 = arith.constant 0 : i32
      %dma_wait3A_871 = tpu.memref_slice %arg4[%dma_wait3A_870, %multiple_of3A_245] : memref<16x1000000xf32, #tpu.memory_space<hbm>> -> memref<16x128xf32, #tpu.memory_space<hbm>>
      %dma_wait3A_872 = arith.constant 0 : i32
      %dma_wait3A_873 = arith.constant 0 : i32
      %dma_wait3A_874 = tpu.memref_slice %arg9[%dma_wait3A_865, %dma_wait3A_872, %dma_wait3A_873] : memref<26x16x128xf32, #tpu.memory_space<vmem>> -> memref<1x16x128xf32, #tpu.memory_space<vmem>>
      %dma_wait3A_875 = tpu.memref_squeeze %dma_wait3A_874 : memref<1x16x128xf32, #tpu.memory_space<vmem>> -> memref<16x128xf32, #tpu.memory_space<vmem>>
      %dma_wait3A_876 = arith.constant 0 : i32
      %dma_wait3A_877 = tpu.memref_slice %arg4[%dma_wait3A_876, %multiple_of3A_245] : memref<16x1000000xf32, #tpu.memory_space<hbm>> -> memref<16x128xf32, #tpu.memory_space<hbm>>
      tpu.wait_dma2 semaphore(%arg14 : memref<!tpu.dma_semaphore, #tpu.memory_space<semaphore_mem>>) src(%dma_wait3A_877 : memref<16x128xf32, #tpu.memory_space<hbm>>) dst(%dma_wait3A_875 : memref<16x128xf32, #tpu.memory_space<vmem>>)
      %dma_wait3A_878 = arith.constant 9 : i32
      %dma_wait3A_879 = arith.constant 0 : i32
      %dma_wait3A_880 = tpu.memref_slice %arg10[%dma_wait3A_878, %dma_wait3A_879] : memref<32x128xf32, #tpu.memory_space<vmem>> -> memref<1x128xf32, #tpu.memory_space<vmem>>
      %dma_wait3A_881 = tpu.memref_squeeze %dma_wait3A_880 : memref<1x128xf32, #tpu.memory_space<vmem>> -> memref<128xf32, #tpu.memory_space<vmem>>
      %dma_wait3A_882 = tpu.memref_slice %arg3[%multiple_of3A_245] : memref<1000000xf32, #tpu.memory_space<hbm>> -> memref<128xf32, #tpu.memory_space<hbm>>
      %dma_wait3A_883 = arith.constant 0 : i32
      %dma_wait3A_884 = tpu.memref_slice %arg10[%dma_wait3A_878, %dma_wait3A_883] : memref<32x128xf32, #tpu.memory_space<vmem>> -> memref<1x128xf32, #tpu.memory_space<vmem>>
      %dma_wait3A_885 = tpu.memref_squeeze %dma_wait3A_884 : memref<1x128xf32, #tpu.memory_space<vmem>> -> memref<128xf32, #tpu.memory_space<vmem>>
      %dma_wait3A_886 = tpu.memref_slice %arg3[%multiple_of3A_245] : memref<1000000xf32, #tpu.memory_space<hbm>> -> memref<128xf32, #tpu.memory_space<hbm>>
      tpu.wait_dma2 semaphore(%arg15 : memref<!tpu.dma_semaphore, #tpu.memory_space<semaphore_mem>>) src(%dma_wait3A_886 : memref<128xf32, #tpu.memory_space<hbm>>) dst(%dma_wait3A_885 : memref<128xf32, #tpu.memory_space<vmem>>)
      %dma_wait3A_887 = arith.constant 10 : i32
      %dma_wait3A_888 = arith.constant 0 : i32
      %dma_wait3A_889 = arith.constant 0 : i32
      %dma_wait3A_890 = tpu.memref_slice %arg9[%dma_wait3A_887, %dma_wait3A_888, %dma_wait3A_889] : memref<26x16x128xf32, #tpu.memory_space<vmem>> -> memref<1x16x128xf32, #tpu.memory_space<vmem>>
      %dma_wait3A_891 = tpu.memref_squeeze %dma_wait3A_890 : memref<1x16x128xf32, #tpu.memory_space<vmem>> -> memref<16x128xf32, #tpu.memory_space<vmem>>
      %dma_wait3A_892 = arith.constant 0 : i32
      %dma_wait3A_893 = tpu.memref_slice %arg4[%dma_wait3A_892, %multiple_of3A_270] : memref<16x1000000xf32, #tpu.memory_space<hbm>> -> memref<16x128xf32, #tpu.memory_space<hbm>>
      %dma_wait3A_894 = arith.constant 0 : i32
      %dma_wait3A_895 = arith.constant 0 : i32
      %dma_wait3A_896 = tpu.memref_slice %arg9[%dma_wait3A_887, %dma_wait3A_894, %dma_wait3A_895] : memref<26x16x128xf32, #tpu.memory_space<vmem>> -> memref<1x16x128xf32, #tpu.memory_space<vmem>>
      %dma_wait3A_897 = tpu.memref_squeeze %dma_wait3A_896 : memref<1x16x128xf32, #tpu.memory_space<vmem>> -> memref<16x128xf32, #tpu.memory_space<vmem>>
      %dma_wait3A_898 = arith.constant 0 : i32
      %dma_wait3A_899 = tpu.memref_slice %arg4[%dma_wait3A_898, %multiple_of3A_270] : memref<16x1000000xf32, #tpu.memory_space<hbm>> -> memref<16x128xf32, #tpu.memory_space<hbm>>
      tpu.wait_dma2 semaphore(%arg14 : memref<!tpu.dma_semaphore, #tpu.memory_space<semaphore_mem>>) src(%dma_wait3A_899 : memref<16x128xf32, #tpu.memory_space<hbm>>) dst(%dma_wait3A_897 : memref<16x128xf32, #tpu.memory_space<vmem>>)
      %dma_wait3A_900 = arith.constant 10 : i32
      %dma_wait3A_901 = arith.constant 0 : i32
      %dma_wait3A_902 = tpu.memref_slice %arg10[%dma_wait3A_900, %dma_wait3A_901] : memref<32x128xf32, #tpu.memory_space<vmem>> -> memref<1x128xf32, #tpu.memory_space<vmem>>
      %dma_wait3A_903 = tpu.memref_squeeze %dma_wait3A_902 : memref<1x128xf32, #tpu.memory_space<vmem>> -> memref<128xf32, #tpu.memory_space<vmem>>
      %dma_wait3A_904 = tpu.memref_slice %arg3[%multiple_of3A_270] : memref<1000000xf32, #tpu.memory_space<hbm>> -> memref<128xf32, #tpu.memory_space<hbm>>
      %dma_wait3A_905 = arith.constant 0 : i32
      %dma_wait3A_906 = tpu.memref_slice %arg10[%dma_wait3A_900, %dma_wait3A_905] : memref<32x128xf32, #tpu.memory_space<vmem>> -> memref<1x128xf32, #tpu.memory_space<vmem>>
      %dma_wait3A_907 = tpu.memref_squeeze %dma_wait3A_906 : memref<1x128xf32, #tpu.memory_space<vmem>> -> memref<128xf32, #tpu.memory_space<vmem>>
      %dma_wait3A_908 = tpu.memref_slice %arg3[%multiple_of3A_270] : memref<1000000xf32, #tpu.memory_space<hbm>> -> memref<128xf32, #tpu.memory_space<hbm>>
      tpu.wait_dma2 semaphore(%arg15 : memref<!tpu.dma_semaphore, #tpu.memory_space<semaphore_mem>>) src(%dma_wait3A_908 : memref<128xf32, #tpu.memory_space<hbm>>) dst(%dma_wait3A_907 : memref<128xf32, #tpu.memory_space<vmem>>)
      %dma_wait3A_909 = arith.constant 11 : i32
      %dma_wait3A_910 = arith.constant 0 : i32
      %dma_wait3A_911 = arith.constant 0 : i32
      %dma_wait3A_912 = tpu.memref_slice %arg9[%dma_wait3A_909, %dma_wait3A_910, %dma_wait3A_911] : memref<26x16x128xf32, #tpu.memory_space<vmem>> -> memref<1x16x128xf32, #tpu.memory_space<vmem>>
      %dma_wait3A_913 = tpu.memref_squeeze %dma_wait3A_912 : memref<1x16x128xf32, #tpu.memory_space<vmem>> -> memref<16x128xf32, #tpu.memory_space<vmem>>
      %dma_wait3A_914 = arith.constant 0 : i32
      %dma_wait3A_915 = tpu.memref_slice %arg4[%dma_wait3A_914, %multiple_of3A_295] : memref<16x1000000xf32, #tpu.memory_space<hbm>> -> memref<16x128xf32, #tpu.memory_space<hbm>>
      %dma_wait3A_916 = arith.constant 0 : i32
      %dma_wait3A_917 = arith.constant 0 : i32
      %dma_wait3A_918 = tpu.memref_slice %arg9[%dma_wait3A_909, %dma_wait3A_916, %dma_wait3A_917] : memref<26x16x128xf32, #tpu.memory_space<vmem>> -> memref<1x16x128xf32, #tpu.memory_space<vmem>>
      %dma_wait3A_919 = tpu.memref_squeeze %dma_wait3A_918 : memref<1x16x128xf32, #tpu.memory_space<vmem>> -> memref<16x128xf32, #tpu.memory_space<vmem>>
      %dma_wait3A_920 = arith.constant 0 : i32
      %dma_wait3A_921 = tpu.memref_slice %arg4[%dma_wait3A_920, %multiple_of3A_295] : memref<16x1000000xf32, #tpu.memory_space<hbm>> -> memref<16x128xf32, #tpu.memory_space<hbm>>
      tpu.wait_dma2 semaphore(%arg14 : memref<!tpu.dma_semaphore, #tpu.memory_space<semaphore_mem>>) src(%dma_wait3A_921 : memref<16x128xf32, #tpu.memory_space<hbm>>) dst(%dma_wait3A_919 : memref<16x128xf32, #tpu.memory_space<vmem>>)
      %dma_wait3A_922 = arith.constant 11 : i32
      %dma_wait3A_923 = arith.constant 0 : i32
      %dma_wait3A_924 = tpu.memref_slice %arg10[%dma_wait3A_922, %dma_wait3A_923] : memref<32x128xf32, #tpu.memory_space<vmem>> -> memref<1x128xf32, #tpu.memory_space<vmem>>
      %dma_wait3A_925 = tpu.memref_squeeze %dma_wait3A_924 : memref<1x128xf32, #tpu.memory_space<vmem>> -> memref<128xf32, #tpu.memory_space<vmem>>
      %dma_wait3A_926 = tpu.memref_slice %arg3[%multiple_of3A_295] : memref<1000000xf32, #tpu.memory_space<hbm>> -> memref<128xf32, #tpu.memory_space<hbm>>
      %dma_wait3A_927 = arith.constant 0 : i32
      %dma_wait3A_928 = tpu.memref_slice %arg10[%dma_wait3A_922, %dma_wait3A_927] : memref<32x128xf32, #tpu.memory_space<vmem>> -> memref<1x128xf32, #tpu.memory_space<vmem>>
      %dma_wait3A_929 = tpu.memref_squeeze %dma_wait3A_928 : memref<1x128xf32, #tpu.memory_space<vmem>> -> memref<128xf32, #tpu.memory_space<vmem>>
      %dma_wait3A_930 = tpu.memref_slice %arg3[%multiple_of3A_295] : memref<1000000xf32, #tpu.memory_space<hbm>> -> memref<128xf32, #tpu.memory_space<hbm>>
      tpu.wait_dma2 semaphore(%arg15 : memref<!tpu.dma_semaphore, #tpu.memory_space<semaphore_mem>>) src(%dma_wait3A_930 : memref<128xf32, #tpu.memory_space<hbm>>) dst(%dma_wait3A_929 : memref<128xf32, #tpu.memory_space<vmem>>)
      %dma_wait3A_931 = arith.constant 12 : i32
      %dma_wait3A_932 = arith.constant 0 : i32
      %dma_wait3A_933 = arith.constant 0 : i32
      %dma_wait3A_934 = tpu.memref_slice %arg9[%dma_wait3A_931, %dma_wait3A_932, %dma_wait3A_933] : memref<26x16x128xf32, #tpu.memory_space<vmem>> -> memref<1x16x128xf32, #tpu.memory_space<vmem>>
      %dma_wait3A_935 = tpu.memref_squeeze %dma_wait3A_934 : memref<1x16x128xf32, #tpu.memory_space<vmem>> -> memref<16x128xf32, #tpu.memory_space<vmem>>
      %dma_wait3A_936 = arith.constant 0 : i32
      %dma_wait3A_937 = tpu.memref_slice %arg4[%dma_wait3A_936, %multiple_of3A_320] : memref<16x1000000xf32, #tpu.memory_space<hbm>> -> memref<16x128xf32, #tpu.memory_space<hbm>>
      %dma_wait3A_938 = arith.constant 0 : i32
      %dma_wait3A_939 = arith.constant 0 : i32
      %dma_wait3A_940 = tpu.memref_slice %arg9[%dma_wait3A_931, %dma_wait3A_938, %dma_wait3A_939] : memref<26x16x128xf32, #tpu.memory_space<vmem>> -> memref<1x16x128xf32, #tpu.memory_space<vmem>>
      %dma_wait3A_941 = tpu.memref_squeeze %dma_wait3A_940 : memref<1x16x128xf32, #tpu.memory_space<vmem>> -> memref<16x128xf32, #tpu.memory_space<vmem>>
      %dma_wait3A_942 = arith.constant 0 : i32
      %dma_wait3A_943 = tpu.memref_slice %arg4[%dma_wait3A_942, %multiple_of3A_320] : memref<16x1000000xf32, #tpu.memory_space<hbm>> -> memref<16x128xf32, #tpu.memory_space<hbm>>
      tpu.wait_dma2 semaphore(%arg14 : memref<!tpu.dma_semaphore, #tpu.memory_space<semaphore_mem>>) src(%dma_wait3A_943 : memref<16x128xf32, #tpu.memory_space<hbm>>) dst(%dma_wait3A_941 : memref<16x128xf32, #tpu.memory_space<vmem>>)
      %dma_wait3A_944 = arith.constant 12 : i32
      %dma_wait3A_945 = arith.constant 0 : i32
      %dma_wait3A_946 = tpu.memref_slice %arg10[%dma_wait3A_944, %dma_wait3A_945] : memref<32x128xf32, #tpu.memory_space<vmem>> -> memref<1x128xf32, #tpu.memory_space<vmem>>
      %dma_wait3A_947 = tpu.memref_squeeze %dma_wait3A_946 : memref<1x128xf32, #tpu.memory_space<vmem>> -> memref<128xf32, #tpu.memory_space<vmem>>
      %dma_wait3A_948 = tpu.memref_slice %arg3[%multiple_of3A_320] : memref<1000000xf32, #tpu.memory_space<hbm>> -> memref<128xf32, #tpu.memory_space<hbm>>
      %dma_wait3A_949 = arith.constant 0 : i32
      %dma_wait3A_950 = tpu.memref_slice %arg10[%dma_wait3A_944, %dma_wait3A_949] : memref<32x128xf32, #tpu.memory_space<vmem>> -> memref<1x128xf32, #tpu.memory_space<vmem>>
      %dma_wait3A_951 = tpu.memref_squeeze %dma_wait3A_950 : memref<1x128xf32, #tpu.memory_space<vmem>> -> memref<128xf32, #tpu.memory_space<vmem>>
      %dma_wait3A_952 = tpu.memref_slice %arg3[%multiple_of3A_320] : memref<1000000xf32, #tpu.memory_space<hbm>> -> memref<128xf32, #tpu.memory_space<hbm>>
      tpu.wait_dma2 semaphore(%arg15 : memref<!tpu.dma_semaphore, #tpu.memory_space<semaphore_mem>>) src(%dma_wait3A_952 : memref<128xf32, #tpu.memory_space<hbm>>) dst(%dma_wait3A_951 : memref<128xf32, #tpu.memory_space<vmem>>)
      %dma_wait3A_953 = arith.constant 13 : i32
      %dma_wait3A_954 = arith.constant 0 : i32
      %dma_wait3A_955 = arith.constant 0 : i32
      %dma_wait3A_956 = tpu.memref_slice %arg9[%dma_wait3A_953, %dma_wait3A_954, %dma_wait3A_955] : memref<26x16x128xf32, #tpu.memory_space<vmem>> -> memref<1x16x128xf32, #tpu.memory_space<vmem>>
      %dma_wait3A_957 = tpu.memref_squeeze %dma_wait3A_956 : memref<1x16x128xf32, #tpu.memory_space<vmem>> -> memref<16x128xf32, #tpu.memory_space<vmem>>
      %dma_wait3A_958 = arith.constant 0 : i32
      %dma_wait3A_959 = tpu.memref_slice %arg4[%dma_wait3A_958, %multiple_of3A_345] : memref<16x1000000xf32, #tpu.memory_space<hbm>> -> memref<16x128xf32, #tpu.memory_space<hbm>>
      %dma_wait3A_960 = arith.constant 0 : i32
      %dma_wait3A_961 = arith.constant 0 : i32
      %dma_wait3A_962 = tpu.memref_slice %arg9[%dma_wait3A_953, %dma_wait3A_960, %dma_wait3A_961] : memref<26x16x128xf32, #tpu.memory_space<vmem>> -> memref<1x16x128xf32, #tpu.memory_space<vmem>>
      %dma_wait3A_963 = tpu.memref_squeeze %dma_wait3A_962 : memref<1x16x128xf32, #tpu.memory_space<vmem>> -> memref<16x128xf32, #tpu.memory_space<vmem>>
      %dma_wait3A_964 = arith.constant 0 : i32
      %dma_wait3A_965 = tpu.memref_slice %arg4[%dma_wait3A_964, %multiple_of3A_345] : memref<16x1000000xf32, #tpu.memory_space<hbm>> -> memref<16x128xf32, #tpu.memory_space<hbm>>
      tpu.wait_dma2 semaphore(%arg14 : memref<!tpu.dma_semaphore, #tpu.memory_space<semaphore_mem>>) src(%dma_wait3A_965 : memref<16x128xf32, #tpu.memory_space<hbm>>) dst(%dma_wait3A_963 : memref<16x128xf32, #tpu.memory_space<vmem>>)
      %dma_wait3A_966 = arith.constant 13 : i32
      %dma_wait3A_967 = arith.constant 0 : i32
      %dma_wait3A_968 = tpu.memref_slice %arg10[%dma_wait3A_966, %dma_wait3A_967] : memref<32x128xf32, #tpu.memory_space<vmem>> -> memref<1x128xf32, #tpu.memory_space<vmem>>
      %dma_wait3A_969 = tpu.memref_squeeze %dma_wait3A_968 : memref<1x128xf32, #tpu.memory_space<vmem>> -> memref<128xf32, #tpu.memory_space<vmem>>
      %dma_wait3A_970 = tpu.memref_slice %arg3[%multiple_of3A_345] : memref<1000000xf32, #tpu.memory_space<hbm>> -> memref<128xf32, #tpu.memory_space<hbm>>
      %dma_wait3A_971 = arith.constant 0 : i32
      %dma_wait3A_972 = tpu.memref_slice %arg10[%dma_wait3A_966, %dma_wait3A_971] : memref<32x128xf32, #tpu.memory_space<vmem>> -> memref<1x128xf32, #tpu.memory_space<vmem>>
      %dma_wait3A_973 = tpu.memref_squeeze %dma_wait3A_972 : memref<1x128xf32, #tpu.memory_space<vmem>> -> memref<128xf32, #tpu.memory_space<vmem>>
      %dma_wait3A_974 = tpu.memref_slice %arg3[%multiple_of3A_345] : memref<1000000xf32, #tpu.memory_space<hbm>> -> memref<128xf32, #tpu.memory_space<hbm>>
      tpu.wait_dma2 semaphore(%arg15 : memref<!tpu.dma_semaphore, #tpu.memory_space<semaphore_mem>>) src(%dma_wait3A_974 : memref<128xf32, #tpu.memory_space<hbm>>) dst(%dma_wait3A_973 : memref<128xf32, #tpu.memory_space<vmem>>)
      %dma_wait3A_975 = arith.constant 14 : i32
      %dma_wait3A_976 = arith.constant 0 : i32
      %dma_wait3A_977 = arith.constant 0 : i32
      %dma_wait3A_978 = tpu.memref_slice %arg9[%dma_wait3A_975, %dma_wait3A_976, %dma_wait3A_977] : memref<26x16x128xf32, #tpu.memory_space<vmem>> -> memref<1x16x128xf32, #tpu.memory_space<vmem>>
      %dma_wait3A_979 = tpu.memref_squeeze %dma_wait3A_978 : memref<1x16x128xf32, #tpu.memory_space<vmem>> -> memref<16x128xf32, #tpu.memory_space<vmem>>
      %dma_wait3A_980 = arith.constant 0 : i32
      %dma_wait3A_981 = tpu.memref_slice %arg4[%dma_wait3A_980, %multiple_of3A_370] : memref<16x1000000xf32, #tpu.memory_space<hbm>> -> memref<16x128xf32, #tpu.memory_space<hbm>>
      %dma_wait3A_982 = arith.constant 0 : i32
      %dma_wait3A_983 = arith.constant 0 : i32
      %dma_wait3A_984 = tpu.memref_slice %arg9[%dma_wait3A_975, %dma_wait3A_982, %dma_wait3A_983] : memref<26x16x128xf32, #tpu.memory_space<vmem>> -> memref<1x16x128xf32, #tpu.memory_space<vmem>>
      %dma_wait3A_985 = tpu.memref_squeeze %dma_wait3A_984 : memref<1x16x128xf32, #tpu.memory_space<vmem>> -> memref<16x128xf32, #tpu.memory_space<vmem>>
      %dma_wait3A_986 = arith.constant 0 : i32
      %dma_wait3A_987 = tpu.memref_slice %arg4[%dma_wait3A_986, %multiple_of3A_370] : memref<16x1000000xf32, #tpu.memory_space<hbm>> -> memref<16x128xf32, #tpu.memory_space<hbm>>
      tpu.wait_dma2 semaphore(%arg14 : memref<!tpu.dma_semaphore, #tpu.memory_space<semaphore_mem>>) src(%dma_wait3A_987 : memref<16x128xf32, #tpu.memory_space<hbm>>) dst(%dma_wait3A_985 : memref<16x128xf32, #tpu.memory_space<vmem>>)
      %dma_wait3A_988 = arith.constant 14 : i32
      %dma_wait3A_989 = arith.constant 0 : i32
      %dma_wait3A_990 = tpu.memref_slice %arg10[%dma_wait3A_988, %dma_wait3A_989] : memref<32x128xf32, #tpu.memory_space<vmem>> -> memref<1x128xf32, #tpu.memory_space<vmem>>
      %dma_wait3A_991 = tpu.memref_squeeze %dma_wait3A_990 : memref<1x128xf32, #tpu.memory_space<vmem>> -> memref<128xf32, #tpu.memory_space<vmem>>
      %dma_wait3A_992 = tpu.memref_slice %arg3[%multiple_of3A_370] : memref<1000000xf32, #tpu.memory_space<hbm>> -> memref<128xf32, #tpu.memory_space<hbm>>
      %dma_wait3A_993 = arith.constant 0 : i32
      %dma_wait3A_994 = tpu.memref_slice %arg10[%dma_wait3A_988, %dma_wait3A_993] : memref<32x128xf32, #tpu.memory_space<vmem>> -> memref<1x128xf32, #tpu.memory_space<vmem>>
      %dma_wait3A_995 = tpu.memref_squeeze %dma_wait3A_994 : memref<1x128xf32, #tpu.memory_space<vmem>> -> memref<128xf32, #tpu.memory_space<vmem>>
      %dma_wait3A_996 = tpu.memref_slice %arg3[%multiple_of3A_370] : memref<1000000xf32, #tpu.memory_space<hbm>> -> memref<128xf32, #tpu.memory_space<hbm>>
      tpu.wait_dma2 semaphore(%arg15 : memref<!tpu.dma_semaphore, #tpu.memory_space<semaphore_mem>>) src(%dma_wait3A_996 : memref<128xf32, #tpu.memory_space<hbm>>) dst(%dma_wait3A_995 : memref<128xf32, #tpu.memory_space<vmem>>)
      %dma_wait3A_997 = arith.constant 15 : i32
      %dma_wait3A_998 = arith.constant 0 : i32
      %dma_wait3A_999 = arith.constant 0 : i32
      %dma_wait3A_1000 = tpu.memref_slice %arg9[%dma_wait3A_997, %dma_wait3A_998, %dma_wait3A_999] : memref<26x16x128xf32, #tpu.memory_space<vmem>> -> memref<1x16x128xf32, #tpu.memory_space<vmem>>
      %dma_wait3A_1001 = tpu.memref_squeeze %dma_wait3A_1000 : memref<1x16x128xf32, #tpu.memory_space<vmem>> -> memref<16x128xf32, #tpu.memory_space<vmem>>
      %dma_wait3A_1002 = arith.constant 0 : i32
      %dma_wait3A_1003 = tpu.memref_slice %arg4[%dma_wait3A_1002, %multiple_of3A_395] : memref<16x1000000xf32, #tpu.memory_space<hbm>> -> memref<16x128xf32, #tpu.memory_space<hbm>>
      %dma_wait3A_1004 = arith.constant 0 : i32
      %dma_wait3A_1005 = arith.constant 0 : i32
      %dma_wait3A_1006 = tpu.memref_slice %arg9[%dma_wait3A_997, %dma_wait3A_1004, %dma_wait3A_1005] : memref<26x16x128xf32, #tpu.memory_space<vmem>> -> memref<1x16x128xf32, #tpu.memory_space<vmem>>
      %dma_wait3A_1007 = tpu.memref_squeeze %dma_wait3A_1006 : memref<1x16x128xf32, #tpu.memory_space<vmem>> -> memref<16x128xf32, #tpu.memory_space<vmem>>
      %dma_wait3A_1008 = arith.constant 0 : i32
      %dma_wait3A_1009 = tpu.memref_slice %arg4[%dma_wait3A_1008, %multiple_of3A_395] : memref<16x1000000xf32, #tpu.memory_space<hbm>> -> memref<16x128xf32, #tpu.memory_space<hbm>>
      tpu.wait_dma2 semaphore(%arg14 : memref<!tpu.dma_semaphore, #tpu.memory_space<semaphore_mem>>) src(%dma_wait3A_1009 : memref<16x128xf32, #tpu.memory_space<hbm>>) dst(%dma_wait3A_1007 : memref<16x128xf32, #tpu.memory_space<vmem>>)
      %dma_wait3A_1010 = arith.constant 15 : i32
      %dma_wait3A_1011 = arith.constant 0 : i32
      %dma_wait3A_1012 = tpu.memref_slice %arg10[%dma_wait3A_1010, %dma_wait3A_1011] : memref<32x128xf32, #tpu.memory_space<vmem>> -> memref<1x128xf32, #tpu.memory_space<vmem>>
      %dma_wait3A_1013 = tpu.memref_squeeze %dma_wait3A_1012 : memref<1x128xf32, #tpu.memory_space<vmem>> -> memref<128xf32, #tpu.memory_space<vmem>>
      %dma_wait3A_1014 = tpu.memref_slice %arg3[%multiple_of3A_395] : memref<1000000xf32, #tpu.memory_space<hbm>> -> memref<128xf32, #tpu.memory_space<hbm>>
      %dma_wait3A_1015 = arith.constant 0 : i32
      %dma_wait3A_1016 = tpu.memref_slice %arg10[%dma_wait3A_1010, %dma_wait3A_1015] : memref<32x128xf32, #tpu.memory_space<vmem>> -> memref<1x128xf32, #tpu.memory_space<vmem>>
      %dma_wait3A_1017 = tpu.memref_squeeze %dma_wait3A_1016 : memref<1x128xf32, #tpu.memory_space<vmem>> -> memref<128xf32, #tpu.memory_space<vmem>>
      %dma_wait3A_1018 = tpu.memref_slice %arg3[%multiple_of3A_395] : memref<1000000xf32, #tpu.memory_space<hbm>> -> memref<128xf32, #tpu.memory_space<hbm>>
      tpu.wait_dma2 semaphore(%arg15 : memref<!tpu.dma_semaphore, #tpu.memory_space<semaphore_mem>>) src(%dma_wait3A_1018 : memref<128xf32, #tpu.memory_space<hbm>>) dst(%dma_wait3A_1017 : memref<128xf32, #tpu.memory_space<vmem>>)
      %dma_wait3A_1019 = arith.constant 16 : i32
      %dma_wait3A_1020 = arith.constant 0 : i32
      %dma_wait3A_1021 = arith.constant 0 : i32
      %dma_wait3A_1022 = tpu.memref_slice %arg9[%dma_wait3A_1019, %dma_wait3A_1020, %dma_wait3A_1021] : memref<26x16x128xf32, #tpu.memory_space<vmem>> -> memref<1x16x128xf32, #tpu.memory_space<vmem>>
      %dma_wait3A_1023 = tpu.memref_squeeze %dma_wait3A_1022 : memref<1x16x128xf32, #tpu.memory_space<vmem>> -> memref<16x128xf32, #tpu.memory_space<vmem>>
      %dma_wait3A_1024 = arith.constant 0 : i32
      %dma_wait3A_1025 = tpu.memref_slice %arg4[%dma_wait3A_1024, %multiple_of3A_420] : memref<16x1000000xf32, #tpu.memory_space<hbm>> -> memref<16x128xf32, #tpu.memory_space<hbm>>
      %dma_wait3A_1026 = arith.constant 0 : i32
      %dma_wait3A_1027 = arith.constant 0 : i32
      %dma_wait3A_1028 = tpu.memref_slice %arg9[%dma_wait3A_1019, %dma_wait3A_1026, %dma_wait3A_1027] : memref<26x16x128xf32, #tpu.memory_space<vmem>> -> memref<1x16x128xf32, #tpu.memory_space<vmem>>
      %dma_wait3A_1029 = tpu.memref_squeeze %dma_wait3A_1028 : memref<1x16x128xf32, #tpu.memory_space<vmem>> -> memref<16x128xf32, #tpu.memory_space<vmem>>
      %dma_wait3A_1030 = arith.constant 0 : i32
      %dma_wait3A_1031 = tpu.memref_slice %arg4[%dma_wait3A_1030, %multiple_of3A_420] : memref<16x1000000xf32, #tpu.memory_space<hbm>> -> memref<16x128xf32, #tpu.memory_space<hbm>>
      tpu.wait_dma2 semaphore(%arg14 : memref<!tpu.dma_semaphore, #tpu.memory_space<semaphore_mem>>) src(%dma_wait3A_1031 : memref<16x128xf32, #tpu.memory_space<hbm>>) dst(%dma_wait3A_1029 : memref<16x128xf32, #tpu.memory_space<vmem>>)
      %dma_wait3A_1032 = arith.constant 16 : i32
      %dma_wait3A_1033 = arith.constant 0 : i32
      %dma_wait3A_1034 = tpu.memref_slice %arg10[%dma_wait3A_1032, %dma_wait3A_1033] : memref<32x128xf32, #tpu.memory_space<vmem>> -> memref<1x128xf32, #tpu.memory_space<vmem>>
      %dma_wait3A_1035 = tpu.memref_squeeze %dma_wait3A_1034 : memref<1x128xf32, #tpu.memory_space<vmem>> -> memref<128xf32, #tpu.memory_space<vmem>>
      %dma_wait3A_1036 = tpu.memref_slice %arg3[%multiple_of3A_420] : memref<1000000xf32, #tpu.memory_space<hbm>> -> memref<128xf32, #tpu.memory_space<hbm>>
      %dma_wait3A_1037 = arith.constant 0 : i32
      %dma_wait3A_1038 = tpu.memref_slice %arg10[%dma_wait3A_1032, %dma_wait3A_1037] : memref<32x128xf32, #tpu.memory_space<vmem>> -> memref<1x128xf32, #tpu.memory_space<vmem>>
      %dma_wait3A_1039 = tpu.memref_squeeze %dma_wait3A_1038 : memref<1x128xf32, #tpu.memory_space<vmem>> -> memref<128xf32, #tpu.memory_space<vmem>>
      %dma_wait3A_1040 = tpu.memref_slice %arg3[%multiple_of3A_420] : memref<1000000xf32, #tpu.memory_space<hbm>> -> memref<128xf32, #tpu.memory_space<hbm>>
      tpu.wait_dma2 semaphore(%arg15 : memref<!tpu.dma_semaphore, #tpu.memory_space<semaphore_mem>>) src(%dma_wait3A_1040 : memref<128xf32, #tpu.memory_space<hbm>>) dst(%dma_wait3A_1039 : memref<128xf32, #tpu.memory_space<vmem>>)
      %dma_wait3A_1041 = arith.constant 17 : i32
      %dma_wait3A_1042 = arith.constant 0 : i32
      %dma_wait3A_1043 = arith.constant 0 : i32
      %dma_wait3A_1044 = tpu.memref_slice %arg9[%dma_wait3A_1041, %dma_wait3A_1042, %dma_wait3A_1043] : memref<26x16x128xf32, #tpu.memory_space<vmem>> -> memref<1x16x128xf32, #tpu.memory_space<vmem>>
      %dma_wait3A_1045 = tpu.memref_squeeze %dma_wait3A_1044 : memref<1x16x128xf32, #tpu.memory_space<vmem>> -> memref<16x128xf32, #tpu.memory_space<vmem>>
      %dma_wait3A_1046 = arith.constant 0 : i32
      %dma_wait3A_1047 = tpu.memref_slice %arg4[%dma_wait3A_1046, %multiple_of3A_445] : memref<16x1000000xf32, #tpu.memory_space<hbm>> -> memref<16x128xf32, #tpu.memory_space<hbm>>
      %dma_wait3A_1048 = arith.constant 0 : i32
      %dma_wait3A_1049 = arith.constant 0 : i32
      %dma_wait3A_1050 = tpu.memref_slice %arg9[%dma_wait3A_1041, %dma_wait3A_1048, %dma_wait3A_1049] : memref<26x16x128xf32, #tpu.memory_space<vmem>> -> memref<1x16x128xf32, #tpu.memory_space<vmem>>
      %dma_wait3A_1051 = tpu.memref_squeeze %dma_wait3A_1050 : memref<1x16x128xf32, #tpu.memory_space<vmem>> -> memref<16x128xf32, #tpu.memory_space<vmem>>
      %dma_wait3A_1052 = arith.constant 0 : i32
      %dma_wait3A_1053 = tpu.memref_slice %arg4[%dma_wait3A_1052, %multiple_of3A_445] : memref<16x1000000xf32, #tpu.memory_space<hbm>> -> memref<16x128xf32, #tpu.memory_space<hbm>>
      tpu.wait_dma2 semaphore(%arg14 : memref<!tpu.dma_semaphore, #tpu.memory_space<semaphore_mem>>) src(%dma_wait3A_1053 : memref<16x128xf32, #tpu.memory_space<hbm>>) dst(%dma_wait3A_1051 : memref<16x128xf32, #tpu.memory_space<vmem>>)
      %dma_wait3A_1054 = arith.constant 17 : i32
      %dma_wait3A_1055 = arith.constant 0 : i32
      %dma_wait3A_1056 = tpu.memref_slice %arg10[%dma_wait3A_1054, %dma_wait3A_1055] : memref<32x128xf32, #tpu.memory_space<vmem>> -> memref<1x128xf32, #tpu.memory_space<vmem>>
      %dma_wait3A_1057 = tpu.memref_squeeze %dma_wait3A_1056 : memref<1x128xf32, #tpu.memory_space<vmem>> -> memref<128xf32, #tpu.memory_space<vmem>>
      %dma_wait3A_1058 = tpu.memref_slice %arg3[%multiple_of3A_445] : memref<1000000xf32, #tpu.memory_space<hbm>> -> memref<128xf32, #tpu.memory_space<hbm>>
      %dma_wait3A_1059 = arith.constant 0 : i32
      %dma_wait3A_1060 = tpu.memref_slice %arg10[%dma_wait3A_1054, %dma_wait3A_1059] : memref<32x128xf32, #tpu.memory_space<vmem>> -> memref<1x128xf32, #tpu.memory_space<vmem>>
      %dma_wait3A_1061 = tpu.memref_squeeze %dma_wait3A_1060 : memref<1x128xf32, #tpu.memory_space<vmem>> -> memref<128xf32, #tpu.memory_space<vmem>>
      %dma_wait3A_1062 = tpu.memref_slice %arg3[%multiple_of3A_445] : memref<1000000xf32, #tpu.memory_space<hbm>> -> memref<128xf32, #tpu.memory_space<hbm>>
      tpu.wait_dma2 semaphore(%arg15 : memref<!tpu.dma_semaphore, #tpu.memory_space<semaphore_mem>>) src(%dma_wait3A_1062 : memref<128xf32, #tpu.memory_space<hbm>>) dst(%dma_wait3A_1061 : memref<128xf32, #tpu.memory_space<vmem>>)
      %dma_wait3A_1063 = arith.constant 18 : i32
      %dma_wait3A_1064 = arith.constant 0 : i32
      %dma_wait3A_1065 = arith.constant 0 : i32
      %dma_wait3A_1066 = tpu.memref_slice %arg9[%dma_wait3A_1063, %dma_wait3A_1064, %dma_wait3A_1065] : memref<26x16x128xf32, #tpu.memory_space<vmem>> -> memref<1x16x128xf32, #tpu.memory_space<vmem>>
      %dma_wait3A_1067 = tpu.memref_squeeze %dma_wait3A_1066 : memref<1x16x128xf32, #tpu.memory_space<vmem>> -> memref<16x128xf32, #tpu.memory_space<vmem>>
      %dma_wait3A_1068 = arith.constant 0 : i32
      %dma_wait3A_1069 = tpu.memref_slice %arg4[%dma_wait3A_1068, %multiple_of3A_470] : memref<16x1000000xf32, #tpu.memory_space<hbm>> -> memref<16x128xf32, #tpu.memory_space<hbm>>
      %dma_wait3A_1070 = arith.constant 0 : i32
      %dma_wait3A_1071 = arith.constant 0 : i32
      %dma_wait3A_1072 = tpu.memref_slice %arg9[%dma_wait3A_1063, %dma_wait3A_1070, %dma_wait3A_1071] : memref<26x16x128xf32, #tpu.memory_space<vmem>> -> memref<1x16x128xf32, #tpu.memory_space<vmem>>
      %dma_wait3A_1073 = tpu.memref_squeeze %dma_wait3A_1072 : memref<1x16x128xf32, #tpu.memory_space<vmem>> -> memref<16x128xf32, #tpu.memory_space<vmem>>
      %dma_wait3A_1074 = arith.constant 0 : i32
      %dma_wait3A_1075 = tpu.memref_slice %arg4[%dma_wait3A_1074, %multiple_of3A_470] : memref<16x1000000xf32, #tpu.memory_space<hbm>> -> memref<16x128xf32, #tpu.memory_space<hbm>>
      tpu.wait_dma2 semaphore(%arg14 : memref<!tpu.dma_semaphore, #tpu.memory_space<semaphore_mem>>) src(%dma_wait3A_1075 : memref<16x128xf32, #tpu.memory_space<hbm>>) dst(%dma_wait3A_1073 : memref<16x128xf32, #tpu.memory_space<vmem>>)
      %dma_wait3A_1076 = arith.constant 18 : i32
      %dma_wait3A_1077 = arith.constant 0 : i32
      %dma_wait3A_1078 = tpu.memref_slice %arg10[%dma_wait3A_1076, %dma_wait3A_1077] : memref<32x128xf32, #tpu.memory_space<vmem>> -> memref<1x128xf32, #tpu.memory_space<vmem>>
      %dma_wait3A_1079 = tpu.memref_squeeze %dma_wait3A_1078 : memref<1x128xf32, #tpu.memory_space<vmem>> -> memref<128xf32, #tpu.memory_space<vmem>>
      %dma_wait3A_1080 = tpu.memref_slice %arg3[%multiple_of3A_470] : memref<1000000xf32, #tpu.memory_space<hbm>> -> memref<128xf32, #tpu.memory_space<hbm>>
      %dma_wait3A_1081 = arith.constant 0 : i32
      %dma_wait3A_1082 = tpu.memref_slice %arg10[%dma_wait3A_1076, %dma_wait3A_1081] : memref<32x128xf32, #tpu.memory_space<vmem>> -> memref<1x128xf32, #tpu.memory_space<vmem>>
      %dma_wait3A_1083 = tpu.memref_squeeze %dma_wait3A_1082 : memref<1x128xf32, #tpu.memory_space<vmem>> -> memref<128xf32, #tpu.memory_space<vmem>>
      %dma_wait3A_1084 = tpu.memref_slice %arg3[%multiple_of3A_470] : memref<1000000xf32, #tpu.memory_space<hbm>> -> memref<128xf32, #tpu.memory_space<hbm>>
      tpu.wait_dma2 semaphore(%arg15 : memref<!tpu.dma_semaphore, #tpu.memory_space<semaphore_mem>>) src(%dma_wait3A_1084 : memref<128xf32, #tpu.memory_space<hbm>>) dst(%dma_wait3A_1083 : memref<128xf32, #tpu.memory_space<vmem>>)
      %dma_wait3A_1085 = arith.constant 19 : i32
      %dma_wait3A_1086 = arith.constant 0 : i32
      %dma_wait3A_1087 = arith.constant 0 : i32
      %dma_wait3A_1088 = tpu.memref_slice %arg9[%dma_wait3A_1085, %dma_wait3A_1086, %dma_wait3A_1087] : memref<26x16x128xf32, #tpu.memory_space<vmem>> -> memref<1x16x128xf32, #tpu.memory_space<vmem>>
      %dma_wait3A_1089 = tpu.memref_squeeze %dma_wait3A_1088 : memref<1x16x128xf32, #tpu.memory_space<vmem>> -> memref<16x128xf32, #tpu.memory_space<vmem>>
      %dma_wait3A_1090 = arith.constant 0 : i32
      %dma_wait3A_1091 = tpu.memref_slice %arg4[%dma_wait3A_1090, %multiple_of3A_495] : memref<16x1000000xf32, #tpu.memory_space<hbm>> -> memref<16x128xf32, #tpu.memory_space<hbm>>
      %dma_wait3A_1092 = arith.constant 0 : i32
      %dma_wait3A_1093 = arith.constant 0 : i32
      %dma_wait3A_1094 = tpu.memref_slice %arg9[%dma_wait3A_1085, %dma_wait3A_1092, %dma_wait3A_1093] : memref<26x16x128xf32, #tpu.memory_space<vmem>> -> memref<1x16x128xf32, #tpu.memory_space<vmem>>
      %dma_wait3A_1095 = tpu.memref_squeeze %dma_wait3A_1094 : memref<1x16x128xf32, #tpu.memory_space<vmem>> -> memref<16x128xf32, #tpu.memory_space<vmem>>
      %dma_wait3A_1096 = arith.constant 0 : i32
      %dma_wait3A_1097 = tpu.memref_slice %arg4[%dma_wait3A_1096, %multiple_of3A_495] : memref<16x1000000xf32, #tpu.memory_space<hbm>> -> memref<16x128xf32, #tpu.memory_space<hbm>>
      tpu.wait_dma2 semaphore(%arg14 : memref<!tpu.dma_semaphore, #tpu.memory_space<semaphore_mem>>) src(%dma_wait3A_1097 : memref<16x128xf32, #tpu.memory_space<hbm>>) dst(%dma_wait3A_1095 : memref<16x128xf32, #tpu.memory_space<vmem>>)
      %dma_wait3A_1098 = arith.constant 19 : i32
      %dma_wait3A_1099 = arith.constant 0 : i32
      %dma_wait3A_1100 = tpu.memref_slice %arg10[%dma_wait3A_1098, %dma_wait3A_1099] : memref<32x128xf32, #tpu.memory_space<vmem>> -> memref<1x128xf32, #tpu.memory_space<vmem>>
      %dma_wait3A_1101 = tpu.memref_squeeze %dma_wait3A_1100 : memref<1x128xf32, #tpu.memory_space<vmem>> -> memref<128xf32, #tpu.memory_space<vmem>>
      %dma_wait3A_1102 = tpu.memref_slice %arg3[%multiple_of3A_495] : memref<1000000xf32, #tpu.memory_space<hbm>> -> memref<128xf32, #tpu.memory_space<hbm>>
      %dma_wait3A_1103 = arith.constant 0 : i32
      %dma_wait3A_1104 = tpu.memref_slice %arg10[%dma_wait3A_1098, %dma_wait3A_1103] : memref<32x128xf32, #tpu.memory_space<vmem>> -> memref<1x128xf32, #tpu.memory_space<vmem>>
      %dma_wait3A_1105 = tpu.memref_squeeze %dma_wait3A_1104 : memref<1x128xf32, #tpu.memory_space<vmem>> -> memref<128xf32, #tpu.memory_space<vmem>>
      %dma_wait3A_1106 = tpu.memref_slice %arg3[%multiple_of3A_495] : memref<1000000xf32, #tpu.memory_space<hbm>> -> memref<128xf32, #tpu.memory_space<hbm>>
      tpu.wait_dma2 semaphore(%arg15 : memref<!tpu.dma_semaphore, #tpu.memory_space<semaphore_mem>>) src(%dma_wait3A_1106 : memref<128xf32, #tpu.memory_space<hbm>>) dst(%dma_wait3A_1105 : memref<128xf32, #tpu.memory_space<vmem>>)
      %dma_wait3A_1107 = arith.constant 20 : i32
      %dma_wait3A_1108 = arith.constant 0 : i32
      %dma_wait3A_1109 = arith.constant 0 : i32
      %dma_wait3A_1110 = tpu.memref_slice %arg9[%dma_wait3A_1107, %dma_wait3A_1108, %dma_wait3A_1109] : memref<26x16x128xf32, #tpu.memory_space<vmem>> -> memref<1x16x128xf32, #tpu.memory_space<vmem>>
      %dma_wait3A_1111 = tpu.memref_squeeze %dma_wait3A_1110 : memref<1x16x128xf32, #tpu.memory_space<vmem>> -> memref<16x128xf32, #tpu.memory_space<vmem>>
      %dma_wait3A_1112 = arith.constant 0 : i32
      %dma_wait3A_1113 = tpu.memref_slice %arg4[%dma_wait3A_1112, %multiple_of3A_520] : memref<16x1000000xf32, #tpu.memory_space<hbm>> -> memref<16x128xf32, #tpu.memory_space<hbm>>
      %dma_wait3A_1114 = arith.constant 0 : i32
      %dma_wait3A_1115 = arith.constant 0 : i32
      %dma_wait3A_1116 = tpu.memref_slice %arg9[%dma_wait3A_1107, %dma_wait3A_1114, %dma_wait3A_1115] : memref<26x16x128xf32, #tpu.memory_space<vmem>> -> memref<1x16x128xf32, #tpu.memory_space<vmem>>
      %dma_wait3A_1117 = tpu.memref_squeeze %dma_wait3A_1116 : memref<1x16x128xf32, #tpu.memory_space<vmem>> -> memref<16x128xf32, #tpu.memory_space<vmem>>
      %dma_wait3A_1118 = arith.constant 0 : i32
      %dma_wait3A_1119 = tpu.memref_slice %arg4[%dma_wait3A_1118, %multiple_of3A_520] : memref<16x1000000xf32, #tpu.memory_space<hbm>> -> memref<16x128xf32, #tpu.memory_space<hbm>>
      tpu.wait_dma2 semaphore(%arg14 : memref<!tpu.dma_semaphore, #tpu.memory_space<semaphore_mem>>) src(%dma_wait3A_1119 : memref<16x128xf32, #tpu.memory_space<hbm>>) dst(%dma_wait3A_1117 : memref<16x128xf32, #tpu.memory_space<vmem>>)
      %dma_wait3A_1120 = arith.constant 20 : i32
      %dma_wait3A_1121 = arith.constant 0 : i32
      %dma_wait3A_1122 = tpu.memref_slice %arg10[%dma_wait3A_1120, %dma_wait3A_1121] : memref<32x128xf32, #tpu.memory_space<vmem>> -> memref<1x128xf32, #tpu.memory_space<vmem>>
      %dma_wait3A_1123 = tpu.memref_squeeze %dma_wait3A_1122 : memref<1x128xf32, #tpu.memory_space<vmem>> -> memref<128xf32, #tpu.memory_space<vmem>>
      %dma_wait3A_1124 = tpu.memref_slice %arg3[%multiple_of3A_520] : memref<1000000xf32, #tpu.memory_space<hbm>> -> memref<128xf32, #tpu.memory_space<hbm>>
      %dma_wait3A_1125 = arith.constant 0 : i32
      %dma_wait3A_1126 = tpu.memref_slice %arg10[%dma_wait3A_1120, %dma_wait3A_1125] : memref<32x128xf32, #tpu.memory_space<vmem>> -> memref<1x128xf32, #tpu.memory_space<vmem>>
      %dma_wait3A_1127 = tpu.memref_squeeze %dma_wait3A_1126 : memref<1x128xf32, #tpu.memory_space<vmem>> -> memref<128xf32, #tpu.memory_space<vmem>>
      %dma_wait3A_1128 = tpu.memref_slice %arg3[%multiple_of3A_520] : memref<1000000xf32, #tpu.memory_space<hbm>> -> memref<128xf32, #tpu.memory_space<hbm>>
      tpu.wait_dma2 semaphore(%arg15 : memref<!tpu.dma_semaphore, #tpu.memory_space<semaphore_mem>>) src(%dma_wait3A_1128 : memref<128xf32, #tpu.memory_space<hbm>>) dst(%dma_wait3A_1127 : memref<128xf32, #tpu.memory_space<vmem>>)
      %dma_wait3A_1129 = arith.constant 21 : i32
      %dma_wait3A_1130 = arith.constant 0 : i32
      %dma_wait3A_1131 = arith.constant 0 : i32
      %dma_wait3A_1132 = tpu.memref_slice %arg9[%dma_wait3A_1129, %dma_wait3A_1130, %dma_wait3A_1131] : memref<26x16x128xf32, #tpu.memory_space<vmem>> -> memref<1x16x128xf32, #tpu.memory_space<vmem>>
      %dma_wait3A_1133 = tpu.memref_squeeze %dma_wait3A_1132 : memref<1x16x128xf32, #tpu.memory_space<vmem>> -> memref<16x128xf32, #tpu.memory_space<vmem>>
      %dma_wait3A_1134 = arith.constant 0 : i32
      %dma_wait3A_1135 = tpu.memref_slice %arg4[%dma_wait3A_1134, %multiple_of3A_545] : memref<16x1000000xf32, #tpu.memory_space<hbm>> -> memref<16x128xf32, #tpu.memory_space<hbm>>
      %dma_wait3A_1136 = arith.constant 0 : i32
      %dma_wait3A_1137 = arith.constant 0 : i32
      %dma_wait3A_1138 = tpu.memref_slice %arg9[%dma_wait3A_1129, %dma_wait3A_1136, %dma_wait3A_1137] : memref<26x16x128xf32, #tpu.memory_space<vmem>> -> memref<1x16x128xf32, #tpu.memory_space<vmem>>
      %dma_wait3A_1139 = tpu.memref_squeeze %dma_wait3A_1138 : memref<1x16x128xf32, #tpu.memory_space<vmem>> -> memref<16x128xf32, #tpu.memory_space<vmem>>
      %dma_wait3A_1140 = arith.constant 0 : i32
      %dma_wait3A_1141 = tpu.memref_slice %arg4[%dma_wait3A_1140, %multiple_of3A_545] : memref<16x1000000xf32, #tpu.memory_space<hbm>> -> memref<16x128xf32, #tpu.memory_space<hbm>>
      tpu.wait_dma2 semaphore(%arg14 : memref<!tpu.dma_semaphore, #tpu.memory_space<semaphore_mem>>) src(%dma_wait3A_1141 : memref<16x128xf32, #tpu.memory_space<hbm>>) dst(%dma_wait3A_1139 : memref<16x128xf32, #tpu.memory_space<vmem>>)
      %dma_wait3A_1142 = arith.constant 21 : i32
      %dma_wait3A_1143 = arith.constant 0 : i32
      %dma_wait3A_1144 = tpu.memref_slice %arg10[%dma_wait3A_1142, %dma_wait3A_1143] : memref<32x128xf32, #tpu.memory_space<vmem>> -> memref<1x128xf32, #tpu.memory_space<vmem>>
      %dma_wait3A_1145 = tpu.memref_squeeze %dma_wait3A_1144 : memref<1x128xf32, #tpu.memory_space<vmem>> -> memref<128xf32, #tpu.memory_space<vmem>>
      %dma_wait3A_1146 = tpu.memref_slice %arg3[%multiple_of3A_545] : memref<1000000xf32, #tpu.memory_space<hbm>> -> memref<128xf32, #tpu.memory_space<hbm>>
      %dma_wait3A_1147 = arith.constant 0 : i32
      %dma_wait3A_1148 = tpu.memref_slice %arg10[%dma_wait3A_1142, %dma_wait3A_1147] : memref<32x128xf32, #tpu.memory_space<vmem>> -> memref<1x128xf32, #tpu.memory_space<vmem>>
      %dma_wait3A_1149 = tpu.memref_squeeze %dma_wait3A_1148 : memref<1x128xf32, #tpu.memory_space<vmem>> -> memref<128xf32, #tpu.memory_space<vmem>>
      %dma_wait3A_1150 = tpu.memref_slice %arg3[%multiple_of3A_545] : memref<1000000xf32, #tpu.memory_space<hbm>> -> memref<128xf32, #tpu.memory_space<hbm>>
      tpu.wait_dma2 semaphore(%arg15 : memref<!tpu.dma_semaphore, #tpu.memory_space<semaphore_mem>>) src(%dma_wait3A_1150 : memref<128xf32, #tpu.memory_space<hbm>>) dst(%dma_wait3A_1149 : memref<128xf32, #tpu.memory_space<vmem>>)
      %dma_wait3A_1151 = arith.constant 22 : i32
      %dma_wait3A_1152 = arith.constant 0 : i32
      %dma_wait3A_1153 = arith.constant 0 : i32
      %dma_wait3A_1154 = tpu.memref_slice %arg9[%dma_wait3A_1151, %dma_wait3A_1152, %dma_wait3A_1153] : memref<26x16x128xf32, #tpu.memory_space<vmem>> -> memref<1x16x128xf32, #tpu.memory_space<vmem>>
      %dma_wait3A_1155 = tpu.memref_squeeze %dma_wait3A_1154 : memref<1x16x128xf32, #tpu.memory_space<vmem>> -> memref<16x128xf32, #tpu.memory_space<vmem>>
      %dma_wait3A_1156 = arith.constant 0 : i32
      %dma_wait3A_1157 = tpu.memref_slice %arg4[%dma_wait3A_1156, %multiple_of3A_570] : memref<16x1000000xf32, #tpu.memory_space<hbm>> -> memref<16x128xf32, #tpu.memory_space<hbm>>
      %dma_wait3A_1158 = arith.constant 0 : i32
      %dma_wait3A_1159 = arith.constant 0 : i32
      %dma_wait3A_1160 = tpu.memref_slice %arg9[%dma_wait3A_1151, %dma_wait3A_1158, %dma_wait3A_1159] : memref<26x16x128xf32, #tpu.memory_space<vmem>> -> memref<1x16x128xf32, #tpu.memory_space<vmem>>
      %dma_wait3A_1161 = tpu.memref_squeeze %dma_wait3A_1160 : memref<1x16x128xf32, #tpu.memory_space<vmem>> -> memref<16x128xf32, #tpu.memory_space<vmem>>
      %dma_wait3A_1162 = arith.constant 0 : i32
      %dma_wait3A_1163 = tpu.memref_slice %arg4[%dma_wait3A_1162, %multiple_of3A_570] : memref<16x1000000xf32, #tpu.memory_space<hbm>> -> memref<16x128xf32, #tpu.memory_space<hbm>>
      tpu.wait_dma2 semaphore(%arg14 : memref<!tpu.dma_semaphore, #tpu.memory_space<semaphore_mem>>) src(%dma_wait3A_1163 : memref<16x128xf32, #tpu.memory_space<hbm>>) dst(%dma_wait3A_1161 : memref<16x128xf32, #tpu.memory_space<vmem>>)
      %dma_wait3A_1164 = arith.constant 22 : i32
      %dma_wait3A_1165 = arith.constant 0 : i32
      %dma_wait3A_1166 = tpu.memref_slice %arg10[%dma_wait3A_1164, %dma_wait3A_1165] : memref<32x128xf32, #tpu.memory_space<vmem>> -> memref<1x128xf32, #tpu.memory_space<vmem>>
      %dma_wait3A_1167 = tpu.memref_squeeze %dma_wait3A_1166 : memref<1x128xf32, #tpu.memory_space<vmem>> -> memref<128xf32, #tpu.memory_space<vmem>>
      %dma_wait3A_1168 = tpu.memref_slice %arg3[%multiple_of3A_570] : memref<1000000xf32, #tpu.memory_space<hbm>> -> memref<128xf32, #tpu.memory_space<hbm>>
      %dma_wait3A_1169 = arith.constant 0 : i32
      %dma_wait3A_1170 = tpu.memref_slice %arg10[%dma_wait3A_1164, %dma_wait3A_1169] : memref<32x128xf32, #tpu.memory_space<vmem>> -> memref<1x128xf32, #tpu.memory_space<vmem>>
      %dma_wait3A_1171 = tpu.memref_squeeze %dma_wait3A_1170 : memref<1x128xf32, #tpu.memory_space<vmem>> -> memref<128xf32, #tpu.memory_space<vmem>>
      %dma_wait3A_1172 = tpu.memref_slice %arg3[%multiple_of3A_570] : memref<1000000xf32, #tpu.memory_space<hbm>> -> memref<128xf32, #tpu.memory_space<hbm>>
      tpu.wait_dma2 semaphore(%arg15 : memref<!tpu.dma_semaphore, #tpu.memory_space<semaphore_mem>>) src(%dma_wait3A_1172 : memref<128xf32, #tpu.memory_space<hbm>>) dst(%dma_wait3A_1171 : memref<128xf32, #tpu.memory_space<vmem>>)
      %dma_wait3A_1173 = arith.constant 23 : i32
      %dma_wait3A_1174 = arith.constant 0 : i32
      %dma_wait3A_1175 = arith.constant 0 : i32
      %dma_wait3A_1176 = tpu.memref_slice %arg9[%dma_wait3A_1173, %dma_wait3A_1174, %dma_wait3A_1175] : memref<26x16x128xf32, #tpu.memory_space<vmem>> -> memref<1x16x128xf32, #tpu.memory_space<vmem>>
      %dma_wait3A_1177 = tpu.memref_squeeze %dma_wait3A_1176 : memref<1x16x128xf32, #tpu.memory_space<vmem>> -> memref<16x128xf32, #tpu.memory_space<vmem>>
      %dma_wait3A_1178 = arith.constant 0 : i32
      %dma_wait3A_1179 = tpu.memref_slice %arg4[%dma_wait3A_1178, %multiple_of3A_595] : memref<16x1000000xf32, #tpu.memory_space<hbm>> -> memref<16x128xf32, #tpu.memory_space<hbm>>
      %dma_wait3A_1180 = arith.constant 0 : i32
      %dma_wait3A_1181 = arith.constant 0 : i32
      %dma_wait3A_1182 = tpu.memref_slice %arg9[%dma_wait3A_1173, %dma_wait3A_1180, %dma_wait3A_1181] : memref<26x16x128xf32, #tpu.memory_space<vmem>> -> memref<1x16x128xf32, #tpu.memory_space<vmem>>
      %dma_wait3A_1183 = tpu.memref_squeeze %dma_wait3A_1182 : memref<1x16x128xf32, #tpu.memory_space<vmem>> -> memref<16x128xf32, #tpu.memory_space<vmem>>
      %dma_wait3A_1184 = arith.constant 0 : i32
      %dma_wait3A_1185 = tpu.memref_slice %arg4[%dma_wait3A_1184, %multiple_of3A_595] : memref<16x1000000xf32, #tpu.memory_space<hbm>> -> memref<16x128xf32, #tpu.memory_space<hbm>>
      tpu.wait_dma2 semaphore(%arg14 : memref<!tpu.dma_semaphore, #tpu.memory_space<semaphore_mem>>) src(%dma_wait3A_1185 : memref<16x128xf32, #tpu.memory_space<hbm>>) dst(%dma_wait3A_1183 : memref<16x128xf32, #tpu.memory_space<vmem>>)
      %dma_wait3A_1186 = arith.constant 23 : i32
      %dma_wait3A_1187 = arith.constant 0 : i32
      %dma_wait3A_1188 = tpu.memref_slice %arg10[%dma_wait3A_1186, %dma_wait3A_1187] : memref<32x128xf32, #tpu.memory_space<vmem>> -> memref<1x128xf32, #tpu.memory_space<vmem>>
      %dma_wait3A_1189 = tpu.memref_squeeze %dma_wait3A_1188 : memref<1x128xf32, #tpu.memory_space<vmem>> -> memref<128xf32, #tpu.memory_space<vmem>>
      %dma_wait3A_1190 = tpu.memref_slice %arg3[%multiple_of3A_595] : memref<1000000xf32, #tpu.memory_space<hbm>> -> memref<128xf32, #tpu.memory_space<hbm>>
      %dma_wait3A_1191 = arith.constant 0 : i32
      %dma_wait3A_1192 = tpu.memref_slice %arg10[%dma_wait3A_1186, %dma_wait3A_1191] : memref<32x128xf32, #tpu.memory_space<vmem>> -> memref<1x128xf32, #tpu.memory_space<vmem>>
      %dma_wait3A_1193 = tpu.memref_squeeze %dma_wait3A_1192 : memref<1x128xf32, #tpu.memory_space<vmem>> -> memref<128xf32, #tpu.memory_space<vmem>>
      %dma_wait3A_1194 = tpu.memref_slice %arg3[%multiple_of3A_595] : memref<1000000xf32, #tpu.memory_space<hbm>> -> memref<128xf32, #tpu.memory_space<hbm>>
      tpu.wait_dma2 semaphore(%arg15 : memref<!tpu.dma_semaphore, #tpu.memory_space<semaphore_mem>>) src(%dma_wait3A_1194 : memref<128xf32, #tpu.memory_space<hbm>>) dst(%dma_wait3A_1193 : memref<128xf32, #tpu.memory_space<vmem>>)
      %dma_wait3A_1195 = arith.constant 24 : i32
      %dma_wait3A_1196 = arith.constant 0 : i32
      %dma_wait3A_1197 = arith.constant 0 : i32
      %dma_wait3A_1198 = tpu.memref_slice %arg9[%dma_wait3A_1195, %dma_wait3A_1196, %dma_wait3A_1197] : memref<26x16x128xf32, #tpu.memory_space<vmem>> -> memref<1x16x128xf32, #tpu.memory_space<vmem>>
      %dma_wait3A_1199 = tpu.memref_squeeze %dma_wait3A_1198 : memref<1x16x128xf32, #tpu.memory_space<vmem>> -> memref<16x128xf32, #tpu.memory_space<vmem>>
      %dma_wait3A_1200 = arith.constant 0 : i32
      %dma_wait3A_1201 = tpu.memref_slice %arg4[%dma_wait3A_1200, %multiple_of3A_620] : memref<16x1000000xf32, #tpu.memory_space<hbm>> -> memref<16x128xf32, #tpu.memory_space<hbm>>
      %dma_wait3A_1202 = arith.constant 0 : i32
      %dma_wait3A_1203 = arith.constant 0 : i32
      %dma_wait3A_1204 = tpu.memref_slice %arg9[%dma_wait3A_1195, %dma_wait3A_1202, %dma_wait3A_1203] : memref<26x16x128xf32, #tpu.memory_space<vmem>> -> memref<1x16x128xf32, #tpu.memory_space<vmem>>
      %dma_wait3A_1205 = tpu.memref_squeeze %dma_wait3A_1204 : memref<1x16x128xf32, #tpu.memory_space<vmem>> -> memref<16x128xf32, #tpu.memory_space<vmem>>
      %dma_wait3A_1206 = arith.constant 0 : i32
      %dma_wait3A_1207 = tpu.memref_slice %arg4[%dma_wait3A_1206, %multiple_of3A_620] : memref<16x1000000xf32, #tpu.memory_space<hbm>> -> memref<16x128xf32, #tpu.memory_space<hbm>>
      tpu.wait_dma2 semaphore(%arg14 : memref<!tpu.dma_semaphore, #tpu.memory_space<semaphore_mem>>) src(%dma_wait3A_1207 : memref<16x128xf32, #tpu.memory_space<hbm>>) dst(%dma_wait3A_1205 : memref<16x128xf32, #tpu.memory_space<vmem>>)
      %dma_wait3A_1208 = arith.constant 24 : i32
      %dma_wait3A_1209 = arith.constant 0 : i32
      %dma_wait3A_1210 = tpu.memref_slice %arg10[%dma_wait3A_1208, %dma_wait3A_1209] : memref<32x128xf32, #tpu.memory_space<vmem>> -> memref<1x128xf32, #tpu.memory_space<vmem>>
      %dma_wait3A_1211 = tpu.memref_squeeze %dma_wait3A_1210 : memref<1x128xf32, #tpu.memory_space<vmem>> -> memref<128xf32, #tpu.memory_space<vmem>>
      %dma_wait3A_1212 = tpu.memref_slice %arg3[%multiple_of3A_620] : memref<1000000xf32, #tpu.memory_space<hbm>> -> memref<128xf32, #tpu.memory_space<hbm>>
      %dma_wait3A_1213 = arith.constant 0 : i32
      %dma_wait3A_1214 = tpu.memref_slice %arg10[%dma_wait3A_1208, %dma_wait3A_1213] : memref<32x128xf32, #tpu.memory_space<vmem>> -> memref<1x128xf32, #tpu.memory_space<vmem>>
      %dma_wait3A_1215 = tpu.memref_squeeze %dma_wait3A_1214 : memref<1x128xf32, #tpu.memory_space<vmem>> -> memref<128xf32, #tpu.memory_space<vmem>>
      %dma_wait3A_1216 = tpu.memref_slice %arg3[%multiple_of3A_620] : memref<1000000xf32, #tpu.memory_space<hbm>> -> memref<128xf32, #tpu.memory_space<hbm>>
      tpu.wait_dma2 semaphore(%arg15 : memref<!tpu.dma_semaphore, #tpu.memory_space<semaphore_mem>>) src(%dma_wait3A_1216 : memref<128xf32, #tpu.memory_space<hbm>>) dst(%dma_wait3A_1215 : memref<128xf32, #tpu.memory_space<vmem>>)
      %dma_wait3A_1217 = arith.constant 25 : i32
      %dma_wait3A_1218 = arith.constant 0 : i32
      %dma_wait3A_1219 = arith.constant 0 : i32
      %dma_wait3A_1220 = tpu.memref_slice %arg9[%dma_wait3A_1217, %dma_wait3A_1218, %dma_wait3A_1219] : memref<26x16x128xf32, #tpu.memory_space<vmem>> -> memref<1x16x128xf32, #tpu.memory_space<vmem>>
      %dma_wait3A_1221 = tpu.memref_squeeze %dma_wait3A_1220 : memref<1x16x128xf32, #tpu.memory_space<vmem>> -> memref<16x128xf32, #tpu.memory_space<vmem>>
      %dma_wait3A_1222 = arith.constant 0 : i32
      %dma_wait3A_1223 = tpu.memref_slice %arg4[%dma_wait3A_1222, %multiple_of3A_645] : memref<16x1000000xf32, #tpu.memory_space<hbm>> -> memref<16x128xf32, #tpu.memory_space<hbm>>
      %dma_wait3A_1224 = arith.constant 0 : i32
      %dma_wait3A_1225 = arith.constant 0 : i32
      %dma_wait3A_1226 = tpu.memref_slice %arg9[%dma_wait3A_1217, %dma_wait3A_1224, %dma_wait3A_1225] : memref<26x16x128xf32, #tpu.memory_space<vmem>> -> memref<1x16x128xf32, #tpu.memory_space<vmem>>
      %dma_wait3A_1227 = tpu.memref_squeeze %dma_wait3A_1226 : memref<1x16x128xf32, #tpu.memory_space<vmem>> -> memref<16x128xf32, #tpu.memory_space<vmem>>
      %dma_wait3A_1228 = arith.constant 0 : i32
      %dma_wait3A_1229 = tpu.memref_slice %arg4[%dma_wait3A_1228, %multiple_of3A_645] : memref<16x1000000xf32, #tpu.memory_space<hbm>> -> memref<16x128xf32, #tpu.memory_space<hbm>>
      tpu.wait_dma2 semaphore(%arg14 : memref<!tpu.dma_semaphore, #tpu.memory_space<semaphore_mem>>) src(%dma_wait3A_1229 : memref<16x128xf32, #tpu.memory_space<hbm>>) dst(%dma_wait3A_1227 : memref<16x128xf32, #tpu.memory_space<vmem>>)
      %dma_wait3A_1230 = arith.constant 25 : i32
      %dma_wait3A_1231 = arith.constant 0 : i32
      %dma_wait3A_1232 = tpu.memref_slice %arg10[%dma_wait3A_1230, %dma_wait3A_1231] : memref<32x128xf32, #tpu.memory_space<vmem>> -> memref<1x128xf32, #tpu.memory_space<vmem>>
      %dma_wait3A_1233 = tpu.memref_squeeze %dma_wait3A_1232 : memref<1x128xf32, #tpu.memory_space<vmem>> -> memref<128xf32, #tpu.memory_space<vmem>>
      %dma_wait3A_1234 = tpu.memref_slice %arg3[%multiple_of3A_645] : memref<1000000xf32, #tpu.memory_space<hbm>> -> memref<128xf32, #tpu.memory_space<hbm>>
      %dma_wait3A_1235 = arith.constant 0 : i32
      %dma_wait3A_1236 = tpu.memref_slice %arg10[%dma_wait3A_1230, %dma_wait3A_1235] : memref<32x128xf32, #tpu.memory_space<vmem>> -> memref<1x128xf32, #tpu.memory_space<vmem>>
      %dma_wait3A_1237 = tpu.memref_squeeze %dma_wait3A_1236 : memref<1x128xf32, #tpu.memory_space<vmem>> -> memref<128xf32, #tpu.memory_space<vmem>>
      %dma_wait3A_1238 = tpu.memref_slice %arg3[%multiple_of3A_645] : memref<1000000xf32, #tpu.memory_space<hbm>> -> memref<128xf32, #tpu.memory_space<hbm>>
      tpu.wait_dma2 semaphore(%arg15 : memref<!tpu.dma_semaphore, #tpu.memory_space<semaphore_mem>>) src(%dma_wait3A_1238 : memref<128xf32, #tpu.memory_space<hbm>>) dst(%dma_wait3A_1237 : memref<128xf32, #tpu.memory_space<vmem>>)
      %get3A_1239 = arith.constant 0 : index
      %get3A_1240 = tpu.vector_load %arg12[%get3A_1239] {strides = array<i32>} : memref<96xf32, #tpu.memory_space<vmem>>, vector<16xf32>,
      %get3A_1241 = arith.constant 16 : index
      %get3A_1242 = tpu.vector_load %arg12[%get3A_1241] {strides = array<i32>} : memref<96xf32, #tpu.memory_space<vmem>>, vector<16xf32>,
      %get3A_1243 = arith.constant 32 : index
      %get3A_1244 = tpu.vector_load %arg12[%get3A_1243] {strides = array<i32>} : memref<96xf32, #tpu.memory_space<vmem>>, vector<16xf32>,
      %get3A_1245 = arith.constant 48 : index
      %get3A_1246 = tpu.vector_load %arg12[%get3A_1245] {strides = array<i32>} : memref<96xf32, #tpu.memory_space<vmem>>, vector<16xf32>,
      %get3A_1247 = arith.constant 64 : index
      %get3A_1248 = tpu.vector_load %arg12[%get3A_1247] {strides = array<i32>} : memref<96xf32, #tpu.memory_space<vmem>>, vector<16xf32>,
      %get3A_1249 = arith.constant 80 : index
      %get3A_1250 = tpu.vector_load %arg12[%get3A_1249] {strides = array<i32>} : memref<96xf32, #tpu.memory_space<vmem>>, vector<16xf32>,
      %iota3A = tpu.iota {dimensions = array<i32: 0>} : vector<16xi32>
      %broadcast_in_dim3A = arith.constant 0.000000e+00 : f32
      %broadcast_in_dim3A_1251 = vector.broadcast %broadcast_in_dim3A : f32 to vector<16xf32>
      %broadcast_in_dim3A_1252 = arith.constant 0.000000e+00 : f32
      %broadcast_in_dim3A_1253 = vector.broadcast %broadcast_in_dim3A_1252 : f32 to vector<16xf32>
      %broadcast_in_dim3A_1254 = arith.constant 0.000000e+00 : f32
      %broadcast_in_dim3A_1255 = vector.broadcast %broadcast_in_dim3A_1254 : f32 to vector<16xf32>
      %broadcast_in_dim3A_1256 = arith.constant 0.000000e+00 : f32
      %broadcast_in_dim3A_1257 = vector.broadcast %broadcast_in_dim3A_1256 : f32 to vector<16xf32>
      %broadcast_in_dim3A_1258 = arith.constant 0.000000e+00 : f32
      %broadcast_in_dim3A_1259 = vector.broadcast %broadcast_in_dim3A_1258 : f32 to vector<16xf32>
      %broadcast_in_dim3A_1260 = arith.constant 0.000000e+00 : f32
      %broadcast_in_dim3A_1261 = vector.broadcast %broadcast_in_dim3A_1260 : f32 to vector<16xf32>
      %broadcast_in_dim3A_1262 = arith.constant 0.000000e+00 : f32
      %broadcast_in_dim3A_1263 = vector.broadcast %broadcast_in_dim3A_1262 : f32 to vector<16xf32>
      %broadcast_in_dim3A_1264 = arith.constant 0.000000e+00 : f32
      %broadcast_in_dim3A_1265 = vector.broadcast %broadcast_in_dim3A_1264 : f32 to vector<16xf32>
      %broadcast_in_dim3A_1266 = arith.constant 0.000000e+00 : f32
      %broadcast_in_dim3A_1267 = vector.broadcast %broadcast_in_dim3A_1266 : f32 to vector<16xf32>
      %broadcast_in_dim3A_1268 = arith.constant 0.000000e+00 : f32
      %broadcast_in_dim3A_1269 = vector.broadcast %broadcast_in_dim3A_1268 : f32 to vector<16xf32>
      %broadcast_in_dim3A_1270 = arith.constant 0.000000e+00 : f32
      %broadcast_in_dim3A_1271 = vector.broadcast %broadcast_in_dim3A_1270 : f32 to vector<16xf32>
      %slice3A_1272 = vector.extract_strided_slice %rem3A_8 {offsets = [0], sizes = [1], strides = [1]} : vector<16xi32> to vector<1xi32>
      %squeeze3A_1273 = vector.extract %slice3A_1272[0] : i32 from vector<1xi32>
      %broadcast_in_dim3A_1274 = arith.constant 0 : i32
      %broadcast_in_dim3A_1275 = vector.broadcast %broadcast_in_dim3A_1274 : i32 to vector<16xi32>
      %broadcast_in_dim3A_1276 = vector.broadcast %squeeze3A_1273 : i32 to vector<16xi32>
      %gather3A = tpu.vector_load_idx %arg9[%broadcast_in_dim3A_1275, %iota3A, %broadcast_in_dim3A_1276] : memref<26x16x128xf32, #tpu.memory_space<vmem>>[vector<16xi32>, vector<16xi32>, vector<16xi32>], vector<16xf32>,
      %add3A = arith.addf %broadcast_in_dim3A_1251, %gather3A : vector<16xf32>
      %mul3A_1277 = arith.mulf %gather3A, %gather3A : vector<16xf32>
      %reduce_sum3A = arith.constant true
      %reduce_sum3A_1278 = vector.broadcast %reduce_sum3A : i1 to vector<16xi1>
      %reduce_sum3A_1279 = tpu.scan <sum>, %mul3A_1277 masked %reduce_sum3A_1278 : vector<16xf32>, vector<16xi1> -> vector<16xf32>
      %reduce_sum3A_1280 = vector.extract %reduce_sum3A_1279[15] : f32 from vector<16xf32>
      %add3A_1281 = arith.constant 0.000000e+00 : f32
      %add3A_1282 = arith.addf %add3A_1281, %reduce_sum3A_1280 : f32
      %get3A_1283 = arith.constant 0 : index
      %get3A_1284 = tpu.vector_load %arg11[%get3A_1283] {strides = array<i32>} : memref<4160xf32, #tpu.memory_space<vmem>>, vector<16xf32>,
      %mul3A_1285 = arith.mulf %gather3A, %get3A_1284 : vector<16xf32>
      %add3A_1286 = arith.addf %broadcast_in_dim3A_1253, %mul3A_1285 : vector<16xf32>
      %get3A_1287 = arith.constant 416 : index
      %get3A_1288 = tpu.vector_load %arg11[%get3A_1287] {strides = array<i32>} : memref<4160xf32, #tpu.memory_space<vmem>>, vector<16xf32>,
      %mul3A_1289 = arith.mulf %gather3A, %get3A_1288 : vector<16xf32>
      %add3A_1290 = arith.addf %broadcast_in_dim3A_1255, %mul3A_1289 : vector<16xf32>
      %get3A_1291 = arith.constant 832 : index
      %get3A_1292 = tpu.vector_load %arg11[%get3A_1291] {strides = array<i32>} : memref<4160xf32, #tpu.memory_space<vmem>>, vector<16xf32>,
      %mul3A_1293 = arith.mulf %gather3A, %get3A_1292 : vector<16xf32>
      %add3A_1294 = arith.addf %broadcast_in_dim3A_1257, %mul3A_1293 : vector<16xf32>
      %get3A_1295 = arith.constant 1248 : index
      %get3A_1296 = tpu.vector_load %arg11[%get3A_1295] {strides = array<i32>} : memref<4160xf32, #tpu.memory_space<vmem>>, vector<16xf32>,
      %mul3A_1297 = arith.mulf %gather3A, %get3A_1296 : vector<16xf32>
      %add3A_1298 = arith.addf %broadcast_in_dim3A_1259, %mul3A_1297 : vector<16xf32>
      %get3A_1299 = arith.constant 1664 : index
      %get3A_1300 = tpu.vector_load %arg11[%get3A_1299] {strides = array<i32>} : memref<4160xf32, #tpu.memory_space<vmem>>, vector<16xf32>,
      %mul3A_1301 = arith.mulf %gather3A, %get3A_1300 : vector<16xf32>
      %add3A_1302 = arith.addf %broadcast_in_dim3A_1261, %mul3A_1301 : vector<16xf32>
      %get3A_1303 = arith.constant 2080 : index
      %get3A_1304 = tpu.vector_load %arg11[%get3A_1303] {strides = array<i32>} : memref<4160xf32, #tpu.memory_space<vmem>>, vector<16xf32>,
      %mul3A_1305 = arith.mulf %gather3A, %get3A_1304 : vector<16xf32>
      %add3A_1306 = arith.addf %broadcast_in_dim3A_1263, %mul3A_1305 : vector<16xf32>
      %get3A_1307 = arith.constant 2496 : index
      %get3A_1308 = tpu.vector_load %arg11[%get3A_1307] {strides = array<i32>} : memref<4160xf32, #tpu.memory_space<vmem>>, vector<16xf32>,
      %mul3A_1309 = arith.mulf %gather3A, %get3A_1308 : vector<16xf32>
      %add3A_1310 = arith.addf %broadcast_in_dim3A_1265, %mul3A_1309 : vector<16xf32>
      %get3A_1311 = arith.constant 2912 : index
      %get3A_1312 = tpu.vector_load %arg11[%get3A_1311] {strides = array<i32>} : memref<4160xf32, #tpu.memory_space<vmem>>, vector<16xf32>,
      %mul3A_1313 = arith.mulf %gather3A, %get3A_1312 : vector<16xf32>
      %add3A_1314 = arith.addf %broadcast_in_dim3A_1267, %mul3A_1313 : vector<16xf32>
      %get3A_1315 = arith.constant 3328 : index
      %get3A_1316 = tpu.vector_load %arg11[%get3A_1315] {strides = array<i32>} : memref<4160xf32, #tpu.memory_space<vmem>>, vector<16xf32>,
      %mul3A_1317 = arith.mulf %gather3A, %get3A_1316 : vector<16xf32>
      %add3A_1318 = arith.addf %broadcast_in_dim3A_1269, %mul3A_1317 : vector<16xf32>
      %get3A_1319 = arith.constant 3744 : index
      %get3A_1320 = tpu.vector_load %arg11[%get3A_1319] {strides = array<i32>} : memref<4160xf32, #tpu.memory_space<vmem>>, vector<16xf32>,
      %mul3A_1321 = arith.mulf %gather3A, %get3A_1320 : vector<16xf32>
      %add3A_1322 = arith.addf %broadcast_in_dim3A_1271, %mul3A_1321 : vector<16xf32>
      %slice3A_1323 = vector.extract_strided_slice %rem3A_8 {offsets = [1], sizes = [1], strides = [1]} : vector<16xi32> to vector<1xi32>
      %squeeze3A_1324 = vector.extract %slice3A_1323[0] : i32 from vector<1xi32>
      %broadcast_in_dim3A_1325 = arith.constant 1 : i32
      %broadcast_in_dim3A_1326 = vector.broadcast %broadcast_in_dim3A_1325 : i32 to vector<16xi32>
      %broadcast_in_dim3A_1327 = vector.broadcast %squeeze3A_1324 : i32 to vector<16xi32>
      %gather3A_1328 = tpu.vector_load_idx %arg9[%broadcast_in_dim3A_1326, %iota3A, %broadcast_in_dim3A_1327] : memref<26x16x128xf32, #tpu.memory_space<vmem>>[vector<16xi32>, vector<16xi32>, vector<16xi32>], vector<16xf32>,
      %add3A_1329 = arith.addf %add3A, %gather3A_1328 : vector<16xf32>
      %mul3A_1330 = arith.mulf %gather3A_1328, %gather3A_1328 : vector<16xf32>
      %reduce_sum3A_1331 = arith.constant true
      %reduce_sum3A_1332 = vector.broadcast %reduce_sum3A_1331 : i1 to vector<16xi1>
      %reduce_sum3A_1333 = tpu.scan <sum>, %mul3A_1330 masked %reduce_sum3A_1332 : vector<16xf32>, vector<16xi1> -> vector<16xf32>
      %reduce_sum3A_1334 = vector.extract %reduce_sum3A_1333[15] : f32 from vector<16xf32>
      %add3A_1335 = arith.addf %add3A_1282, %reduce_sum3A_1334 : f32
      %get3A_1336 = arith.constant 16 : index
      %get3A_1337 = tpu.vector_load %arg11[%get3A_1336] {strides = array<i32>} : memref<4160xf32, #tpu.memory_space<vmem>>, vector<16xf32>,
      %mul3A_1338 = arith.mulf %gather3A_1328, %get3A_1337 : vector<16xf32>
      %add3A_1339 = arith.addf %add3A_1286, %mul3A_1338 : vector<16xf32>
      %get3A_1340 = arith.constant 432 : index
      %get3A_1341 = tpu.vector_load %arg11[%get3A_1340] {strides = array<i32>} : memref<4160xf32, #tpu.memory_space<vmem>>, vector<16xf32>,
      %mul3A_1342 = arith.mulf %gather3A_1328, %get3A_1341 : vector<16xf32>
      %add3A_1343 = arith.addf %add3A_1290, %mul3A_1342 : vector<16xf32>
      %get3A_1344 = arith.constant 848 : index
      %get3A_1345 = tpu.vector_load %arg11[%get3A_1344] {strides = array<i32>} : memref<4160xf32, #tpu.memory_space<vmem>>, vector<16xf32>,
      %mul3A_1346 = arith.mulf %gather3A_1328, %get3A_1345 : vector<16xf32>
      %add3A_1347 = arith.addf %add3A_1294, %mul3A_1346 : vector<16xf32>
      %get3A_1348 = arith.constant 1264 : index
      %get3A_1349 = tpu.vector_load %arg11[%get3A_1348] {strides = array<i32>} : memref<4160xf32, #tpu.memory_space<vmem>>, vector<16xf32>,
      %mul3A_1350 = arith.mulf %gather3A_1328, %get3A_1349 : vector<16xf32>
      %add3A_1351 = arith.addf %add3A_1298, %mul3A_1350 : vector<16xf32>
      %get3A_1352 = arith.constant 1680 : index
      %get3A_1353 = tpu.vector_load %arg11[%get3A_1352] {strides = array<i32>} : memref<4160xf32, #tpu.memory_space<vmem>>, vector<16xf32>,
      %mul3A_1354 = arith.mulf %gather3A_1328, %get3A_1353 : vector<16xf32>
      %add3A_1355 = arith.addf %add3A_1302, %mul3A_1354 : vector<16xf32>
      %get3A_1356 = arith.constant 2096 : index
      %get3A_1357 = tpu.vector_load %arg11[%get3A_1356] {strides = array<i32>} : memref<4160xf32, #tpu.memory_space<vmem>>, vector<16xf32>,
      %mul3A_1358 = arith.mulf %gather3A_1328, %get3A_1357 : vector<16xf32>
      %add3A_1359 = arith.addf %add3A_1306, %mul3A_1358 : vector<16xf32>
      %get3A_1360 = arith.constant 2512 : index
      %get3A_1361 = tpu.vector_load %arg11[%get3A_1360] {strides = array<i32>} : memref<4160xf32, #tpu.memory_space<vmem>>, vector<16xf32>,
      %mul3A_1362 = arith.mulf %gather3A_1328, %get3A_1361 : vector<16xf32>
      %add3A_1363 = arith.addf %add3A_1310, %mul3A_1362 : vector<16xf32>
      %get3A_1364 = arith.constant 2928 : index
      %get3A_1365 = tpu.vector_load %arg11[%get3A_1364] {strides = array<i32>} : memref<4160xf32, #tpu.memory_space<vmem>>, vector<16xf32>,
      %mul3A_1366 = arith.mulf %gather3A_1328, %get3A_1365 : vector<16xf32>
      %add3A_1367 = arith.addf %add3A_1314, %mul3A_1366 : vector<16xf32>
      %get3A_1368 = arith.constant 3344 : index
      %get3A_1369 = tpu.vector_load %arg11[%get3A_1368] {strides = array<i32>} : memref<4160xf32, #tpu.memory_space<vmem>>, vector<16xf32>,
      %mul3A_1370 = arith.mulf %gather3A_1328, %get3A_1369 : vector<16xf32>
      %add3A_1371 = arith.addf %add3A_1318, %mul3A_1370 : vector<16xf32>
      %get3A_1372 = arith.constant 3760 : index
      %get3A_1373 = tpu.vector_load %arg11[%get3A_1372] {strides = array<i32>} : memref<4160xf32, #tpu.memory_space<vmem>>, vector<16xf32>,
      %mul3A_1374 = arith.mulf %gather3A_1328, %get3A_1373 : vector<16xf32>
      %add3A_1375 = arith.addf %add3A_1322, %mul3A_1374 : vector<16xf32>
      %slice3A_1376 = vector.extract_strided_slice %rem3A_8 {offsets = [2], sizes = [1], strides = [1]} : vector<16xi32> to vector<1xi32>
      %squeeze3A_1377 = vector.extract %slice3A_1376[0] : i32 from vector<1xi32>
      %broadcast_in_dim3A_1378 = arith.constant 2 : i32
      %broadcast_in_dim3A_1379 = vector.broadcast %broadcast_in_dim3A_1378 : i32 to vector<16xi32>
      %broadcast_in_dim3A_1380 = vector.broadcast %squeeze3A_1377 : i32 to vector<16xi32>
      %gather3A_1381 = tpu.vector_load_idx %arg9[%broadcast_in_dim3A_1379, %iota3A, %broadcast_in_dim3A_1380] : memref<26x16x128xf32, #tpu.memory_space<vmem>>[vector<16xi32>, vector<16xi32>, vector<16xi32>], vector<16xf32>,
      %add3A_1382 = arith.addf %add3A_1329, %gather3A_1381 : vector<16xf32>
      %mul3A_1383 = arith.mulf %gather3A_1381, %gather3A_1381 : vector<16xf32>
      %reduce_sum3A_1384 = arith.constant true
      %reduce_sum3A_1385 = vector.broadcast %reduce_sum3A_1384 : i1 to vector<16xi1>
      %reduce_sum3A_1386 = tpu.scan <sum>, %mul3A_1383 masked %reduce_sum3A_1385 : vector<16xf32>, vector<16xi1> -> vector<16xf32>
      %reduce_sum3A_1387 = vector.extract %reduce_sum3A_1386[15] : f32 from vector<16xf32>
      %add3A_1388 = arith.addf %add3A_1335, %reduce_sum3A_1387 : f32
      %get3A_1389 = arith.constant 32 : index
      %get3A_1390 = tpu.vector_load %arg11[%get3A_1389] {strides = array<i32>} : memref<4160xf32, #tpu.memory_space<vmem>>, vector<16xf32>,
      %mul3A_1391 = arith.mulf %gather3A_1381, %get3A_1390 : vector<16xf32>
      %add3A_1392 = arith.addf %add3A_1339, %mul3A_1391 : vector<16xf32>
      %get3A_1393 = arith.constant 448 : index
      %get3A_1394 = tpu.vector_load %arg11[%get3A_1393] {strides = array<i32>} : memref<4160xf32, #tpu.memory_space<vmem>>, vector<16xf32>,
      %mul3A_1395 = arith.mulf %gather3A_1381, %get3A_1394 : vector<16xf32>
      %add3A_1396 = arith.addf %add3A_1343, %mul3A_1395 : vector<16xf32>
      %get3A_1397 = arith.constant 864 : index
      %get3A_1398 = tpu.vector_load %arg11[%get3A_1397] {strides = array<i32>} : memref<4160xf32, #tpu.memory_space<vmem>>, vector<16xf32>,
      %mul3A_1399 = arith.mulf %gather3A_1381, %get3A_1398 : vector<16xf32>
      %add3A_1400 = arith.addf %add3A_1347, %mul3A_1399 : vector<16xf32>
      %get3A_1401 = arith.constant 1280 : index
      %get3A_1402 = tpu.vector_load %arg11[%get3A_1401] {strides = array<i32>} : memref<4160xf32, #tpu.memory_space<vmem>>, vector<16xf32>,
      %mul3A_1403 = arith.mulf %gather3A_1381, %get3A_1402 : vector<16xf32>
      %add3A_1404 = arith.addf %add3A_1351, %mul3A_1403 : vector<16xf32>
      %get3A_1405 = arith.constant 1696 : index
      %get3A_1406 = tpu.vector_load %arg11[%get3A_1405] {strides = array<i32>} : memref<4160xf32, #tpu.memory_space<vmem>>, vector<16xf32>,
      %mul3A_1407 = arith.mulf %gather3A_1381, %get3A_1406 : vector<16xf32>
      %add3A_1408 = arith.addf %add3A_1355, %mul3A_1407 : vector<16xf32>
      %get3A_1409 = arith.constant 2112 : index
      %get3A_1410 = tpu.vector_load %arg11[%get3A_1409] {strides = array<i32>} : memref<4160xf32, #tpu.memory_space<vmem>>, vector<16xf32>,
      %mul3A_1411 = arith.mulf %gather3A_1381, %get3A_1410 : vector<16xf32>
      %add3A_1412 = arith.addf %add3A_1359, %mul3A_1411 : vector<16xf32>
      %get3A_1413 = arith.constant 2528 : index
      %get3A_1414 = tpu.vector_load %arg11[%get3A_1413] {strides = array<i32>} : memref<4160xf32, #tpu.memory_space<vmem>>, vector<16xf32>,
      %mul3A_1415 = arith.mulf %gather3A_1381, %get3A_1414 : vector<16xf32>
      %add3A_1416 = arith.addf %add3A_1363, %mul3A_1415 : vector<16xf32>
      %get3A_1417 = arith.constant 2944 : index
      %get3A_1418 = tpu.vector_load %arg11[%get3A_1417] {strides = array<i32>} : memref<4160xf32, #tpu.memory_space<vmem>>, vector<16xf32>,
      %mul3A_1419 = arith.mulf %gather3A_1381, %get3A_1418 : vector<16xf32>
      %add3A_1420 = arith.addf %add3A_1367, %mul3A_1419 : vector<16xf32>
      %get3A_1421 = arith.constant 3360 : index
      %get3A_1422 = tpu.vector_load %arg11[%get3A_1421] {strides = array<i32>} : memref<4160xf32, #tpu.memory_space<vmem>>, vector<16xf32>,
      %mul3A_1423 = arith.mulf %gather3A_1381, %get3A_1422 : vector<16xf32>
      %add3A_1424 = arith.addf %add3A_1371, %mul3A_1423 : vector<16xf32>
      %get3A_1425 = arith.constant 3776 : index
      %get3A_1426 = tpu.vector_load %arg11[%get3A_1425] {strides = array<i32>} : memref<4160xf32, #tpu.memory_space<vmem>>, vector<16xf32>,
      %mul3A_1427 = arith.mulf %gather3A_1381, %get3A_1426 : vector<16xf32>
      %add3A_1428 = arith.addf %add3A_1375, %mul3A_1427 : vector<16xf32>
      %slice3A_1429 = vector.extract_strided_slice %rem3A_8 {offsets = [3], sizes = [1], strides = [1]} : vector<16xi32> to vector<1xi32>
      %squeeze3A_1430 = vector.extract %slice3A_1429[0] : i32 from vector<1xi32>
      %broadcast_in_dim3A_1431 = arith.constant 3 : i32
      %broadcast_in_dim3A_1432 = vector.broadcast %broadcast_in_dim3A_1431 : i32 to vector<16xi32>
      %broadcast_in_dim3A_1433 = vector.broadcast %squeeze3A_1430 : i32 to vector<16xi32>
      %gather3A_1434 = tpu.vector_load_idx %arg9[%broadcast_in_dim3A_1432, %iota3A, %broadcast_in_dim3A_1433] : memref<26x16x128xf32, #tpu.memory_space<vmem>>[vector<16xi32>, vector<16xi32>, vector<16xi32>], vector<16xf32>,
      %add3A_1435 = arith.addf %add3A_1382, %gather3A_1434 : vector<16xf32>
      %mul3A_1436 = arith.mulf %gather3A_1434, %gather3A_1434 : vector<16xf32>
      %reduce_sum3A_1437 = arith.constant true
      %reduce_sum3A_1438 = vector.broadcast %reduce_sum3A_1437 : i1 to vector<16xi1>
      %reduce_sum3A_1439 = tpu.scan <sum>, %mul3A_1436 masked %reduce_sum3A_1438 : vector<16xf32>, vector<16xi1> -> vector<16xf32>
      %reduce_sum3A_1440 = vector.extract %reduce_sum3A_1439[15] : f32 from vector<16xf32>
      %add3A_1441 = arith.addf %add3A_1388, %reduce_sum3A_1440 : f32
      %get3A_1442 = arith.constant 48 : index
      %get3A_1443 = tpu.vector_load %arg11[%get3A_1442] {strides = array<i32>} : memref<4160xf32, #tpu.memory_space<vmem>>, vector<16xf32>,
      %mul3A_1444 = arith.mulf %gather3A_1434, %get3A_1443 : vector<16xf32>
      %add3A_1445 = arith.addf %add3A_1392, %mul3A_1444 : vector<16xf32>
      %get3A_1446 = arith.constant 464 : index
      %get3A_1447 = tpu.vector_load %arg11[%get3A_1446] {strides = array<i32>} : memref<4160xf32, #tpu.memory_space<vmem>>, vector<16xf32>,
      %mul3A_1448 = arith.mulf %gather3A_1434, %get3A_1447 : vector<16xf32>
      %add3A_1449 = arith.addf %add3A_1396, %mul3A_1448 : vector<16xf32>
      %get3A_1450 = arith.constant 880 : index
      %get3A_1451 = tpu.vector_load %arg11[%get3A_1450] {strides = array<i32>} : memref<4160xf32, #tpu.memory_space<vmem>>, vector<16xf32>,
      %mul3A_1452 = arith.mulf %gather3A_1434, %get3A_1451 : vector<16xf32>
      %add3A_1453 = arith.addf %add3A_1400, %mul3A_1452 : vector<16xf32>
      %get3A_1454 = arith.constant 1296 : index
      %get3A_1455 = tpu.vector_load %arg11[%get3A_1454] {strides = array<i32>} : memref<4160xf32, #tpu.memory_space<vmem>>, vector<16xf32>,
      %mul3A_1456 = arith.mulf %gather3A_1434, %get3A_1455 : vector<16xf32>
      %add3A_1457 = arith.addf %add3A_1404, %mul3A_1456 : vector<16xf32>
      %get3A_1458 = arith.constant 1712 : index
      %get3A_1459 = tpu.vector_load %arg11[%get3A_1458] {strides = array<i32>} : memref<4160xf32, #tpu.memory_space<vmem>>, vector<16xf32>,
      %mul3A_1460 = arith.mulf %gather3A_1434, %get3A_1459 : vector<16xf32>
      %add3A_1461 = arith.addf %add3A_1408, %mul3A_1460 : vector<16xf32>
      %get3A_1462 = arith.constant 2128 : index
      %get3A_1463 = tpu.vector_load %arg11[%get3A_1462] {strides = array<i32>} : memref<4160xf32, #tpu.memory_space<vmem>>, vector<16xf32>,
      %mul3A_1464 = arith.mulf %gather3A_1434, %get3A_1463 : vector<16xf32>
      %add3A_1465 = arith.addf %add3A_1412, %mul3A_1464 : vector<16xf32>
      %get3A_1466 = arith.constant 2544 : index
      %get3A_1467 = tpu.vector_load %arg11[%get3A_1466] {strides = array<i32>} : memref<4160xf32, #tpu.memory_space<vmem>>, vector<16xf32>,
      %mul3A_1468 = arith.mulf %gather3A_1434, %get3A_1467 : vector<16xf32>
      %add3A_1469 = arith.addf %add3A_1416, %mul3A_1468 : vector<16xf32>
      %get3A_1470 = arith.constant 2960 : index
      %get3A_1471 = tpu.vector_load %arg11[%get3A_1470] {strides = array<i32>} : memref<4160xf32, #tpu.memory_space<vmem>>, vector<16xf32>,
      %mul3A_1472 = arith.mulf %gather3A_1434, %get3A_1471 : vector<16xf32>
      %add3A_1473 = arith.addf %add3A_1420, %mul3A_1472 : vector<16xf32>
      %get3A_1474 = arith.constant 3376 : index
      %get3A_1475 = tpu.vector_load %arg11[%get3A_1474] {strides = array<i32>} : memref<4160xf32, #tpu.memory_space<vmem>>, vector<16xf32>,
      %mul3A_1476 = arith.mulf %gather3A_1434, %get3A_1475 : vector<16xf32>
      %add3A_1477 = arith.addf %add3A_1424, %mul3A_1476 : vector<16xf32>
      %get3A_1478 = arith.constant 3792 : index
      %get3A_1479 = tpu.vector_load %arg11[%get3A_1478] {strides = array<i32>} : memref<4160xf32, #tpu.memory_space<vmem>>, vector<16xf32>,
      %mul3A_1480 = arith.mulf %gather3A_1434, %get3A_1479 : vector<16xf32>
      %add3A_1481 = arith.addf %add3A_1428, %mul3A_1480 : vector<16xf32>
      %slice3A_1482 = vector.extract_strided_slice %rem3A_8 {offsets = [4], sizes = [1], strides = [1]} : vector<16xi32> to vector<1xi32>
      %squeeze3A_1483 = vector.extract %slice3A_1482[0] : i32 from vector<1xi32>
      %broadcast_in_dim3A_1484 = arith.constant 4 : i32
      %broadcast_in_dim3A_1485 = vector.broadcast %broadcast_in_dim3A_1484 : i32 to vector<16xi32>
      %broadcast_in_dim3A_1486 = vector.broadcast %squeeze3A_1483 : i32 to vector<16xi32>
      %gather3A_1487 = tpu.vector_load_idx %arg9[%broadcast_in_dim3A_1485, %iota3A, %broadcast_in_dim3A_1486] : memref<26x16x128xf32, #tpu.memory_space<vmem>>[vector<16xi32>, vector<16xi32>, vector<16xi32>], vector<16xf32>,
      %add3A_1488 = arith.addf %add3A_1435, %gather3A_1487 : vector<16xf32>
      %mul3A_1489 = arith.mulf %gather3A_1487, %gather3A_1487 : vector<16xf32>
      %reduce_sum3A_1490 = arith.constant true
      %reduce_sum3A_1491 = vector.broadcast %reduce_sum3A_1490 : i1 to vector<16xi1>
      %reduce_sum3A_1492 = tpu.scan <sum>, %mul3A_1489 masked %reduce_sum3A_1491 : vector<16xf32>, vector<16xi1> -> vector<16xf32>
      %reduce_sum3A_1493 = vector.extract %reduce_sum3A_1492[15] : f32 from vector<16xf32>
      %add3A_1494 = arith.addf %add3A_1441, %reduce_sum3A_1493 : f32
      %get3A_1495 = arith.constant 64 : index
      %get3A_1496 = tpu.vector_load %arg11[%get3A_1495] {strides = array<i32>} : memref<4160xf32, #tpu.memory_space<vmem>>, vector<16xf32>,
      %mul3A_1497 = arith.mulf %gather3A_1487, %get3A_1496 : vector<16xf32>
      %add3A_1498 = arith.addf %add3A_1445, %mul3A_1497 : vector<16xf32>
      %get3A_1499 = arith.constant 480 : index
      %get3A_1500 = tpu.vector_load %arg11[%get3A_1499] {strides = array<i32>} : memref<4160xf32, #tpu.memory_space<vmem>>, vector<16xf32>,
      %mul3A_1501 = arith.mulf %gather3A_1487, %get3A_1500 : vector<16xf32>
      %add3A_1502 = arith.addf %add3A_1449, %mul3A_1501 : vector<16xf32>
      %get3A_1503 = arith.constant 896 : index
      %get3A_1504 = tpu.vector_load %arg11[%get3A_1503] {strides = array<i32>} : memref<4160xf32, #tpu.memory_space<vmem>>, vector<16xf32>,
      %mul3A_1505 = arith.mulf %gather3A_1487, %get3A_1504 : vector<16xf32>
      %add3A_1506 = arith.addf %add3A_1453, %mul3A_1505 : vector<16xf32>
      %get3A_1507 = arith.constant 1312 : index
      %get3A_1508 = tpu.vector_load %arg11[%get3A_1507] {strides = array<i32>} : memref<4160xf32, #tpu.memory_space<vmem>>, vector<16xf32>,
      %mul3A_1509 = arith.mulf %gather3A_1487, %get3A_1508 : vector<16xf32>
      %add3A_1510 = arith.addf %add3A_1457, %mul3A_1509 : vector<16xf32>
      %get3A_1511 = arith.constant 1728 : index
      %get3A_1512 = tpu.vector_load %arg11[%get3A_1511] {strides = array<i32>} : memref<4160xf32, #tpu.memory_space<vmem>>, vector<16xf32>,
      %mul3A_1513 = arith.mulf %gather3A_1487, %get3A_1512 : vector<16xf32>
      %add3A_1514 = arith.addf %add3A_1461, %mul3A_1513 : vector<16xf32>
      %get3A_1515 = arith.constant 2144 : index
      %get3A_1516 = tpu.vector_load %arg11[%get3A_1515] {strides = array<i32>} : memref<4160xf32, #tpu.memory_space<vmem>>, vector<16xf32>,
      %mul3A_1517 = arith.mulf %gather3A_1487, %get3A_1516 : vector<16xf32>
      %add3A_1518 = arith.addf %add3A_1465, %mul3A_1517 : vector<16xf32>
      %get3A_1519 = arith.constant 2560 : index
      %get3A_1520 = tpu.vector_load %arg11[%get3A_1519] {strides = array<i32>} : memref<4160xf32, #tpu.memory_space<vmem>>, vector<16xf32>,
      %mul3A_1521 = arith.mulf %gather3A_1487, %get3A_1520 : vector<16xf32>
      %add3A_1522 = arith.addf %add3A_1469, %mul3A_1521 : vector<16xf32>
      %get3A_1523 = arith.constant 2976 : index
      %get3A_1524 = tpu.vector_load %arg11[%get3A_1523] {strides = array<i32>} : memref<4160xf32, #tpu.memory_space<vmem>>, vector<16xf32>,
      %mul3A_1525 = arith.mulf %gather3A_1487, %get3A_1524 : vector<16xf32>
      %add3A_1526 = arith.addf %add3A_1473, %mul3A_1525 : vector<16xf32>
      %get3A_1527 = arith.constant 3392 : index
      %get3A_1528 = tpu.vector_load %arg11[%get3A_1527] {strides = array<i32>} : memref<4160xf32, #tpu.memory_space<vmem>>, vector<16xf32>,
      %mul3A_1529 = arith.mulf %gather3A_1487, %get3A_1528 : vector<16xf32>
      %add3A_1530 = arith.addf %add3A_1477, %mul3A_1529 : vector<16xf32>
      %get3A_1531 = arith.constant 3808 : index
      %get3A_1532 = tpu.vector_load %arg11[%get3A_1531] {strides = array<i32>} : memref<4160xf32, #tpu.memory_space<vmem>>, vector<16xf32>,
      %mul3A_1533 = arith.mulf %gather3A_1487, %get3A_1532 : vector<16xf32>
      %add3A_1534 = arith.addf %add3A_1481, %mul3A_1533 : vector<16xf32>
      %slice3A_1535 = vector.extract_strided_slice %rem3A_8 {offsets = [5], sizes = [1], strides = [1]} : vector<16xi32> to vector<1xi32>
      %squeeze3A_1536 = vector.extract %slice3A_1535[0] : i32 from vector<1xi32>
      %broadcast_in_dim3A_1537 = arith.constant 5 : i32
      %broadcast_in_dim3A_1538 = vector.broadcast %broadcast_in_dim3A_1537 : i32 to vector<16xi32>
      %broadcast_in_dim3A_1539 = vector.broadcast %squeeze3A_1536 : i32 to vector<16xi32>
      %gather3A_1540 = tpu.vector_load_idx %arg9[%broadcast_in_dim3A_1538, %iota3A, %broadcast_in_dim3A_1539] : memref<26x16x128xf32, #tpu.memory_space<vmem>>[vector<16xi32>, vector<16xi32>, vector<16xi32>], vector<16xf32>,
      %add3A_1541 = arith.addf %add3A_1488, %gather3A_1540 : vector<16xf32>
      %mul3A_1542 = arith.mulf %gather3A_1540, %gather3A_1540 : vector<16xf32>
      %reduce_sum3A_1543 = arith.constant true
      %reduce_sum3A_1544 = vector.broadcast %reduce_sum3A_1543 : i1 to vector<16xi1>
      %reduce_sum3A_1545 = tpu.scan <sum>, %mul3A_1542 masked %reduce_sum3A_1544 : vector<16xf32>, vector<16xi1> -> vector<16xf32>
      %reduce_sum3A_1546 = vector.extract %reduce_sum3A_1545[15] : f32 from vector<16xf32>
      %add3A_1547 = arith.addf %add3A_1494, %reduce_sum3A_1546 : f32
      %get3A_1548 = arith.constant 80 : index
      %get3A_1549 = tpu.vector_load %arg11[%get3A_1548] {strides = array<i32>} : memref<4160xf32, #tpu.memory_space<vmem>>, vector<16xf32>,
      %mul3A_1550 = arith.mulf %gather3A_1540, %get3A_1549 : vector<16xf32>
      %add3A_1551 = arith.addf %add3A_1498, %mul3A_1550 : vector<16xf32>
      %get3A_1552 = arith.constant 496 : index
      %get3A_1553 = tpu.vector_load %arg11[%get3A_1552] {strides = array<i32>} : memref<4160xf32, #tpu.memory_space<vmem>>, vector<16xf32>,
      %mul3A_1554 = arith.mulf %gather3A_1540, %get3A_1553 : vector<16xf32>
      %add3A_1555 = arith.addf %add3A_1502, %mul3A_1554 : vector<16xf32>
      %get3A_1556 = arith.constant 912 : index
      %get3A_1557 = tpu.vector_load %arg11[%get3A_1556] {strides = array<i32>} : memref<4160xf32, #tpu.memory_space<vmem>>, vector<16xf32>,
      %mul3A_1558 = arith.mulf %gather3A_1540, %get3A_1557 : vector<16xf32>
      %add3A_1559 = arith.addf %add3A_1506, %mul3A_1558 : vector<16xf32>
      %get3A_1560 = arith.constant 1328 : index
      %get3A_1561 = tpu.vector_load %arg11[%get3A_1560] {strides = array<i32>} : memref<4160xf32, #tpu.memory_space<vmem>>, vector<16xf32>,
      %mul3A_1562 = arith.mulf %gather3A_1540, %get3A_1561 : vector<16xf32>
      %add3A_1563 = arith.addf %add3A_1510, %mul3A_1562 : vector<16xf32>
      %get3A_1564 = arith.constant 1744 : index
      %get3A_1565 = tpu.vector_load %arg11[%get3A_1564] {strides = array<i32>} : memref<4160xf32, #tpu.memory_space<vmem>>, vector<16xf32>,
      %mul3A_1566 = arith.mulf %gather3A_1540, %get3A_1565 : vector<16xf32>
      %add3A_1567 = arith.addf %add3A_1514, %mul3A_1566 : vector<16xf32>
      %get3A_1568 = arith.constant 2160 : index
      %get3A_1569 = tpu.vector_load %arg11[%get3A_1568] {strides = array<i32>} : memref<4160xf32, #tpu.memory_space<vmem>>, vector<16xf32>,
      %mul3A_1570 = arith.mulf %gather3A_1540, %get3A_1569 : vector<16xf32>
      %add3A_1571 = arith.addf %add3A_1518, %mul3A_1570 : vector<16xf32>
      %get3A_1572 = arith.constant 2576 : index
      %get3A_1573 = tpu.vector_load %arg11[%get3A_1572] {strides = array<i32>} : memref<4160xf32, #tpu.memory_space<vmem>>, vector<16xf32>,
      %mul3A_1574 = arith.mulf %gather3A_1540, %get3A_1573 : vector<16xf32>
      %add3A_1575 = arith.addf %add3A_1522, %mul3A_1574 : vector<16xf32>
      %get3A_1576 = arith.constant 2992 : index
      %get3A_1577 = tpu.vector_load %arg11[%get3A_1576] {strides = array<i32>} : memref<4160xf32, #tpu.memory_space<vmem>>, vector<16xf32>,
      %mul3A_1578 = arith.mulf %gather3A_1540, %get3A_1577 : vector<16xf32>
      %add3A_1579 = arith.addf %add3A_1526, %mul3A_1578 : vector<16xf32>
      %get3A_1580 = arith.constant 3408 : index
      %get3A_1581 = tpu.vector_load %arg11[%get3A_1580] {strides = array<i32>} : memref<4160xf32, #tpu.memory_space<vmem>>, vector<16xf32>,
      %mul3A_1582 = arith.mulf %gather3A_1540, %get3A_1581 : vector<16xf32>
      %add3A_1583 = arith.addf %add3A_1530, %mul3A_1582 : vector<16xf32>
      %get3A_1584 = arith.constant 3824 : index
      %get3A_1585 = tpu.vector_load %arg11[%get3A_1584] {strides = array<i32>} : memref<4160xf32, #tpu.memory_space<vmem>>, vector<16xf32>,
      %mul3A_1586 = arith.mulf %gather3A_1540, %get3A_1585 : vector<16xf32>
      %add3A_1587 = arith.addf %add3A_1534, %mul3A_1586 : vector<16xf32>
      %slice3A_1588 = vector.extract_strided_slice %rem3A_8 {offsets = [6], sizes = [1], strides = [1]} : vector<16xi32> to vector<1xi32>
      %squeeze3A_1589 = vector.extract %slice3A_1588[0] : i32 from vector<1xi32>
      %broadcast_in_dim3A_1590 = arith.constant 6 : i32
      %broadcast_in_dim3A_1591 = vector.broadcast %broadcast_in_dim3A_1590 : i32 to vector<16xi32>
      %broadcast_in_dim3A_1592 = vector.broadcast %squeeze3A_1589 : i32 to vector<16xi32>
      %gather3A_1593 = tpu.vector_load_idx %arg9[%broadcast_in_dim3A_1591, %iota3A, %broadcast_in_dim3A_1592] : memref<26x16x128xf32, #tpu.memory_space<vmem>>[vector<16xi32>, vector<16xi32>, vector<16xi32>], vector<16xf32>,
      %add3A_1594 = arith.addf %add3A_1541, %gather3A_1593 : vector<16xf32>
      %mul3A_1595 = arith.mulf %gather3A_1593, %gather3A_1593 : vector<16xf32>
      %reduce_sum3A_1596 = arith.constant true
      %reduce_sum3A_1597 = vector.broadcast %reduce_sum3A_1596 : i1 to vector<16xi1>
      %reduce_sum3A_1598 = tpu.scan <sum>, %mul3A_1595 masked %reduce_sum3A_1597 : vector<16xf32>, vector<16xi1> -> vector<16xf32>
      %reduce_sum3A_1599 = vector.extract %reduce_sum3A_1598[15] : f32 from vector<16xf32>
      %add3A_1600 = arith.addf %add3A_1547, %reduce_sum3A_1599 : f32
      %get3A_1601 = arith.constant 96 : index
      %get3A_1602 = tpu.vector_load %arg11[%get3A_1601] {strides = array<i32>} : memref<4160xf32, #tpu.memory_space<vmem>>, vector<16xf32>,
      %mul3A_1603 = arith.mulf %gather3A_1593, %get3A_1602 : vector<16xf32>
      %add3A_1604 = arith.addf %add3A_1551, %mul3A_1603 : vector<16xf32>
      %get3A_1605 = arith.constant 512 : index
      %get3A_1606 = tpu.vector_load %arg11[%get3A_1605] {strides = array<i32>} : memref<4160xf32, #tpu.memory_space<vmem>>, vector<16xf32>,
      %mul3A_1607 = arith.mulf %gather3A_1593, %get3A_1606 : vector<16xf32>
      %add3A_1608 = arith.addf %add3A_1555, %mul3A_1607 : vector<16xf32>
      %get3A_1609 = arith.constant 928 : index
      %get3A_1610 = tpu.vector_load %arg11[%get3A_1609] {strides = array<i32>} : memref<4160xf32, #tpu.memory_space<vmem>>, vector<16xf32>,
      %mul3A_1611 = arith.mulf %gather3A_1593, %get3A_1610 : vector<16xf32>
      %add3A_1612 = arith.addf %add3A_1559, %mul3A_1611 : vector<16xf32>
      %get3A_1613 = arith.constant 1344 : index
      %get3A_1614 = tpu.vector_load %arg11[%get3A_1613] {strides = array<i32>} : memref<4160xf32, #tpu.memory_space<vmem>>, vector<16xf32>,
      %mul3A_1615 = arith.mulf %gather3A_1593, %get3A_1614 : vector<16xf32>
      %add3A_1616 = arith.addf %add3A_1563, %mul3A_1615 : vector<16xf32>
      %get3A_1617 = arith.constant 1760 : index
      %get3A_1618 = tpu.vector_load %arg11[%get3A_1617] {strides = array<i32>} : memref<4160xf32, #tpu.memory_space<vmem>>, vector<16xf32>,
      %mul3A_1619 = arith.mulf %gather3A_1593, %get3A_1618 : vector<16xf32>
      %add3A_1620 = arith.addf %add3A_1567, %mul3A_1619 : vector<16xf32>
      %get3A_1621 = arith.constant 2176 : index
      %get3A_1622 = tpu.vector_load %arg11[%get3A_1621] {strides = array<i32>} : memref<4160xf32, #tpu.memory_space<vmem>>, vector<16xf32>,
      %mul3A_1623 = arith.mulf %gather3A_1593, %get3A_1622 : vector<16xf32>
      %add3A_1624 = arith.addf %add3A_1571, %mul3A_1623 : vector<16xf32>
      %get3A_1625 = arith.constant 2592 : index
      %get3A_1626 = tpu.vector_load %arg11[%get3A_1625] {strides = array<i32>} : memref<4160xf32, #tpu.memory_space<vmem>>, vector<16xf32>,
      %mul3A_1627 = arith.mulf %gather3A_1593, %get3A_1626 : vector<16xf32>
      %add3A_1628 = arith.addf %add3A_1575, %mul3A_1627 : vector<16xf32>
      %get3A_1629 = arith.constant 3008 : index
      %get3A_1630 = tpu.vector_load %arg11[%get3A_1629] {strides = array<i32>} : memref<4160xf32, #tpu.memory_space<vmem>>, vector<16xf32>,
      %mul3A_1631 = arith.mulf %gather3A_1593, %get3A_1630 : vector<16xf32>
      %add3A_1632 = arith.addf %add3A_1579, %mul3A_1631 : vector<16xf32>
      %get3A_1633 = arith.constant 3424 : index
      %get3A_1634 = tpu.vector_load %arg11[%get3A_1633] {strides = array<i32>} : memref<4160xf32, #tpu.memory_space<vmem>>, vector<16xf32>,
      %mul3A_1635 = arith.mulf %gather3A_1593, %get3A_1634 : vector<16xf32>
      %add3A_1636 = arith.addf %add3A_1583, %mul3A_1635 : vector<16xf32>
      %get3A_1637 = arith.constant 3840 : index
      %get3A_1638 = tpu.vector_load %arg11[%get3A_1637] {strides = array<i32>} : memref<4160xf32, #tpu.memory_space<vmem>>, vector<16xf32>,
      %mul3A_1639 = arith.mulf %gather3A_1593, %get3A_1638 : vector<16xf32>
      %add3A_1640 = arith.addf %add3A_1587, %mul3A_1639 : vector<16xf32>
      %slice3A_1641 = vector.extract_strided_slice %rem3A_8 {offsets = [7], sizes = [1], strides = [1]} : vector<16xi32> to vector<1xi32>
      %squeeze3A_1642 = vector.extract %slice3A_1641[0] : i32 from vector<1xi32>
      %broadcast_in_dim3A_1643 = arith.constant 7 : i32
      %broadcast_in_dim3A_1644 = vector.broadcast %broadcast_in_dim3A_1643 : i32 to vector<16xi32>
      %broadcast_in_dim3A_1645 = vector.broadcast %squeeze3A_1642 : i32 to vector<16xi32>
      %gather3A_1646 = tpu.vector_load_idx %arg9[%broadcast_in_dim3A_1644, %iota3A, %broadcast_in_dim3A_1645] : memref<26x16x128xf32, #tpu.memory_space<vmem>>[vector<16xi32>, vector<16xi32>, vector<16xi32>], vector<16xf32>,
      %add3A_1647 = arith.addf %add3A_1594, %gather3A_1646 : vector<16xf32>
      %mul3A_1648 = arith.mulf %gather3A_1646, %gather3A_1646 : vector<16xf32>
      %reduce_sum3A_1649 = arith.constant true
      %reduce_sum3A_1650 = vector.broadcast %reduce_sum3A_1649 : i1 to vector<16xi1>
      %reduce_sum3A_1651 = tpu.scan <sum>, %mul3A_1648 masked %reduce_sum3A_1650 : vector<16xf32>, vector<16xi1> -> vector<16xf32>
      %reduce_sum3A_1652 = vector.extract %reduce_sum3A_1651[15] : f32 from vector<16xf32>
      %add3A_1653 = arith.addf %add3A_1600, %reduce_sum3A_1652 : f32
      %get3A_1654 = arith.constant 112 : index
      %get3A_1655 = tpu.vector_load %arg11[%get3A_1654] {strides = array<i32>} : memref<4160xf32, #tpu.memory_space<vmem>>, vector<16xf32>,
      %mul3A_1656 = arith.mulf %gather3A_1646, %get3A_1655 : vector<16xf32>
      %add3A_1657 = arith.addf %add3A_1604, %mul3A_1656 : vector<16xf32>
      %get3A_1658 = arith.constant 528 : index
      %get3A_1659 = tpu.vector_load %arg11[%get3A_1658] {strides = array<i32>} : memref<4160xf32, #tpu.memory_space<vmem>>, vector<16xf32>,
      %mul3A_1660 = arith.mulf %gather3A_1646, %get3A_1659 : vector<16xf32>
      %add3A_1661 = arith.addf %add3A_1608, %mul3A_1660 : vector<16xf32>
      %get3A_1662 = arith.constant 944 : index
      %get3A_1663 = tpu.vector_load %arg11[%get3A_1662] {strides = array<i32>} : memref<4160xf32, #tpu.memory_space<vmem>>, vector<16xf32>,
      %mul3A_1664 = arith.mulf %gather3A_1646, %get3A_1663 : vector<16xf32>
      %add3A_1665 = arith.addf %add3A_1612, %mul3A_1664 : vector<16xf32>
      %get3A_1666 = arith.constant 1360 : index
      %get3A_1667 = tpu.vector_load %arg11[%get3A_1666] {strides = array<i32>} : memref<4160xf32, #tpu.memory_space<vmem>>, vector<16xf32>,
      %mul3A_1668 = arith.mulf %gather3A_1646, %get3A_1667 : vector<16xf32>
      %add3A_1669 = arith.addf %add3A_1616, %mul3A_1668 : vector<16xf32>
      %get3A_1670 = arith.constant 1776 : index
      %get3A_1671 = tpu.vector_load %arg11[%get3A_1670] {strides = array<i32>} : memref<4160xf32, #tpu.memory_space<vmem>>, vector<16xf32>,
      %mul3A_1672 = arith.mulf %gather3A_1646, %get3A_1671 : vector<16xf32>
      %add3A_1673 = arith.addf %add3A_1620, %mul3A_1672 : vector<16xf32>
      %get3A_1674 = arith.constant 2192 : index
      %get3A_1675 = tpu.vector_load %arg11[%get3A_1674] {strides = array<i32>} : memref<4160xf32, #tpu.memory_space<vmem>>, vector<16xf32>,
      %mul3A_1676 = arith.mulf %gather3A_1646, %get3A_1675 : vector<16xf32>
      %add3A_1677 = arith.addf %add3A_1624, %mul3A_1676 : vector<16xf32>
      %get3A_1678 = arith.constant 2608 : index
      %get3A_1679 = tpu.vector_load %arg11[%get3A_1678] {strides = array<i32>} : memref<4160xf32, #tpu.memory_space<vmem>>, vector<16xf32>,
      %mul3A_1680 = arith.mulf %gather3A_1646, %get3A_1679 : vector<16xf32>
      %add3A_1681 = arith.addf %add3A_1628, %mul3A_1680 : vector<16xf32>
      %get3A_1682 = arith.constant 3024 : index
      %get3A_1683 = tpu.vector_load %arg11[%get3A_1682] {strides = array<i32>} : memref<4160xf32, #tpu.memory_space<vmem>>, vector<16xf32>,
      %mul3A_1684 = arith.mulf %gather3A_1646, %get3A_1683 : vector<16xf32>
      %add3A_1685 = arith.addf %add3A_1632, %mul3A_1684 : vector<16xf32>
      %get3A_1686 = arith.constant 3440 : index
      %get3A_1687 = tpu.vector_load %arg11[%get3A_1686] {strides = array<i32>} : memref<4160xf32, #tpu.memory_space<vmem>>, vector<16xf32>,
      %mul3A_1688 = arith.mulf %gather3A_1646, %get3A_1687 : vector<16xf32>
      %add3A_1689 = arith.addf %add3A_1636, %mul3A_1688 : vector<16xf32>
      %get3A_1690 = arith.constant 3856 : index
      %get3A_1691 = tpu.vector_load %arg11[%get3A_1690] {strides = array<i32>} : memref<4160xf32, #tpu.memory_space<vmem>>, vector<16xf32>,
      %mul3A_1692 = arith.mulf %gather3A_1646, %get3A_1691 : vector<16xf32>
      %add3A_1693 = arith.addf %add3A_1640, %mul3A_1692 : vector<16xf32>
      %slice3A_1694 = vector.extract_strided_slice %rem3A_8 {offsets = [8], sizes = [1], strides = [1]} : vector<16xi32> to vector<1xi32>
      %squeeze3A_1695 = vector.extract %slice3A_1694[0] : i32 from vector<1xi32>
      %broadcast_in_dim3A_1696 = arith.constant 8 : i32
      %broadcast_in_dim3A_1697 = vector.broadcast %broadcast_in_dim3A_1696 : i32 to vector<16xi32>
      %broadcast_in_dim3A_1698 = vector.broadcast %squeeze3A_1695 : i32 to vector<16xi32>
      %gather3A_1699 = tpu.vector_load_idx %arg9[%broadcast_in_dim3A_1697, %iota3A, %broadcast_in_dim3A_1698] : memref<26x16x128xf32, #tpu.memory_space<vmem>>[vector<16xi32>, vector<16xi32>, vector<16xi32>], vector<16xf32>,
      %add3A_1700 = arith.addf %add3A_1647, %gather3A_1699 : vector<16xf32>
      %mul3A_1701 = arith.mulf %gather3A_1699, %gather3A_1699 : vector<16xf32>
      %reduce_sum3A_1702 = arith.constant true
      %reduce_sum3A_1703 = vector.broadcast %reduce_sum3A_1702 : i1 to vector<16xi1>
      %reduce_sum3A_1704 = tpu.scan <sum>, %mul3A_1701 masked %reduce_sum3A_1703 : vector<16xf32>, vector<16xi1> -> vector<16xf32>
      %reduce_sum3A_1705 = vector.extract %reduce_sum3A_1704[15] : f32 from vector<16xf32>
      %add3A_1706 = arith.addf %add3A_1653, %reduce_sum3A_1705 : f32
      %get3A_1707 = arith.constant 128 : index
      %get3A_1708 = tpu.vector_load %arg11[%get3A_1707] {strides = array<i32>} : memref<4160xf32, #tpu.memory_space<vmem>>, vector<16xf32>,
      %mul3A_1709 = arith.mulf %gather3A_1699, %get3A_1708 : vector<16xf32>
      %add3A_1710 = arith.addf %add3A_1657, %mul3A_1709 : vector<16xf32>
      %get3A_1711 = arith.constant 544 : index
      %get3A_1712 = tpu.vector_load %arg11[%get3A_1711] {strides = array<i32>} : memref<4160xf32, #tpu.memory_space<vmem>>, vector<16xf32>,
      %mul3A_1713 = arith.mulf %gather3A_1699, %get3A_1712 : vector<16xf32>
      %add3A_1714 = arith.addf %add3A_1661, %mul3A_1713 : vector<16xf32>
      %get3A_1715 = arith.constant 960 : index
      %get3A_1716 = tpu.vector_load %arg11[%get3A_1715] {strides = array<i32>} : memref<4160xf32, #tpu.memory_space<vmem>>, vector<16xf32>,
      %mul3A_1717 = arith.mulf %gather3A_1699, %get3A_1716 : vector<16xf32>
      %add3A_1718 = arith.addf %add3A_1665, %mul3A_1717 : vector<16xf32>
      %get3A_1719 = arith.constant 1376 : index
      %get3A_1720 = tpu.vector_load %arg11[%get3A_1719] {strides = array<i32>} : memref<4160xf32, #tpu.memory_space<vmem>>, vector<16xf32>,
      %mul3A_1721 = arith.mulf %gather3A_1699, %get3A_1720 : vector<16xf32>
      %add3A_1722 = arith.addf %add3A_1669, %mul3A_1721 : vector<16xf32>
      %get3A_1723 = arith.constant 1792 : index
      %get3A_1724 = tpu.vector_load %arg11[%get3A_1723] {strides = array<i32>} : memref<4160xf32, #tpu.memory_space<vmem>>, vector<16xf32>,
      %mul3A_1725 = arith.mulf %gather3A_1699, %get3A_1724 : vector<16xf32>
      %add3A_1726 = arith.addf %add3A_1673, %mul3A_1725 : vector<16xf32>
      %get3A_1727 = arith.constant 2208 : index
      %get3A_1728 = tpu.vector_load %arg11[%get3A_1727] {strides = array<i32>} : memref<4160xf32, #tpu.memory_space<vmem>>, vector<16xf32>,
      %mul3A_1729 = arith.mulf %gather3A_1699, %get3A_1728 : vector<16xf32>
      %add3A_1730 = arith.addf %add3A_1677, %mul3A_1729 : vector<16xf32>
      %get3A_1731 = arith.constant 2624 : index
      %get3A_1732 = tpu.vector_load %arg11[%get3A_1731] {strides = array<i32>} : memref<4160xf32, #tpu.memory_space<vmem>>, vector<16xf32>,
      %mul3A_1733 = arith.mulf %gather3A_1699, %get3A_1732 : vector<16xf32>
      %add3A_1734 = arith.addf %add3A_1681, %mul3A_1733 : vector<16xf32>
      %get3A_1735 = arith.constant 3040 : index
      %get3A_1736 = tpu.vector_load %arg11[%get3A_1735] {strides = array<i32>} : memref<4160xf32, #tpu.memory_space<vmem>>, vector<16xf32>,
      %mul3A_1737 = arith.mulf %gather3A_1699, %get3A_1736 : vector<16xf32>
      %add3A_1738 = arith.addf %add3A_1685, %mul3A_1737 : vector<16xf32>
      %get3A_1739 = arith.constant 3456 : index
      %get3A_1740 = tpu.vector_load %arg11[%get3A_1739] {strides = array<i32>} : memref<4160xf32, #tpu.memory_space<vmem>>, vector<16xf32>,
      %mul3A_1741 = arith.mulf %gather3A_1699, %get3A_1740 : vector<16xf32>
      %add3A_1742 = arith.addf %add3A_1689, %mul3A_1741 : vector<16xf32>
      %get3A_1743 = arith.constant 3872 : index
      %get3A_1744 = tpu.vector_load %arg11[%get3A_1743] {strides = array<i32>} : memref<4160xf32, #tpu.memory_space<vmem>>, vector<16xf32>,
      %mul3A_1745 = arith.mulf %gather3A_1699, %get3A_1744 : vector<16xf32>
      %add3A_1746 = arith.addf %add3A_1693, %mul3A_1745 : vector<16xf32>
      %slice3A_1747 = vector.extract_strided_slice %rem3A_8 {offsets = [9], sizes = [1], strides = [1]} : vector<16xi32> to vector<1xi32>
      %squeeze3A_1748 = vector.extract %slice3A_1747[0] : i32 from vector<1xi32>
      %broadcast_in_dim3A_1749 = arith.constant 9 : i32
      %broadcast_in_dim3A_1750 = vector.broadcast %broadcast_in_dim3A_1749 : i32 to vector<16xi32>
      %broadcast_in_dim3A_1751 = vector.broadcast %squeeze3A_1748 : i32 to vector<16xi32>
      %gather3A_1752 = tpu.vector_load_idx %arg9[%broadcast_in_dim3A_1750, %iota3A, %broadcast_in_dim3A_1751] : memref<26x16x128xf32, #tpu.memory_space<vmem>>[vector<16xi32>, vector<16xi32>, vector<16xi32>], vector<16xf32>,
      %add3A_1753 = arith.addf %add3A_1700, %gather3A_1752 : vector<16xf32>
      %mul3A_1754 = arith.mulf %gather3A_1752, %gather3A_1752 : vector<16xf32>
      %reduce_sum3A_1755 = arith.constant true
      %reduce_sum3A_1756 = vector.broadcast %reduce_sum3A_1755 : i1 to vector<16xi1>
      %reduce_sum3A_1757 = tpu.scan <sum>, %mul3A_1754 masked %reduce_sum3A_1756 : vector<16xf32>, vector<16xi1> -> vector<16xf32>
      %reduce_sum3A_1758 = vector.extract %reduce_sum3A_1757[15] : f32 from vector<16xf32>
      %add3A_1759 = arith.addf %add3A_1706, %reduce_sum3A_1758 : f32
      %get3A_1760 = arith.constant 144 : index
      %get3A_1761 = tpu.vector_load %arg11[%get3A_1760] {strides = array<i32>} : memref<4160xf32, #tpu.memory_space<vmem>>, vector<16xf32>,
      %mul3A_1762 = arith.mulf %gather3A_1752, %get3A_1761 : vector<16xf32>
      %add3A_1763 = arith.addf %add3A_1710, %mul3A_1762 : vector<16xf32>
      %get3A_1764 = arith.constant 560 : index
      %get3A_1765 = tpu.vector_load %arg11[%get3A_1764] {strides = array<i32>} : memref<4160xf32, #tpu.memory_space<vmem>>, vector<16xf32>,
      %mul3A_1766 = arith.mulf %gather3A_1752, %get3A_1765 : vector<16xf32>
      %add3A_1767 = arith.addf %add3A_1714, %mul3A_1766 : vector<16xf32>
      %get3A_1768 = arith.constant 976 : index
      %get3A_1769 = tpu.vector_load %arg11[%get3A_1768] {strides = array<i32>} : memref<4160xf32, #tpu.memory_space<vmem>>, vector<16xf32>,
      %mul3A_1770 = arith.mulf %gather3A_1752, %get3A_1769 : vector<16xf32>
      %add3A_1771 = arith.addf %add3A_1718, %mul3A_1770 : vector<16xf32>
      %get3A_1772 = arith.constant 1392 : index
      %get3A_1773 = tpu.vector_load %arg11[%get3A_1772] {strides = array<i32>} : memref<4160xf32, #tpu.memory_space<vmem>>, vector<16xf32>,
      %mul3A_1774 = arith.mulf %gather3A_1752, %get3A_1773 : vector<16xf32>
      %add3A_1775 = arith.addf %add3A_1722, %mul3A_1774 : vector<16xf32>
      %get3A_1776 = arith.constant 1808 : index
      %get3A_1777 = tpu.vector_load %arg11[%get3A_1776] {strides = array<i32>} : memref<4160xf32, #tpu.memory_space<vmem>>, vector<16xf32>,
      %mul3A_1778 = arith.mulf %gather3A_1752, %get3A_1777 : vector<16xf32>
      %add3A_1779 = arith.addf %add3A_1726, %mul3A_1778 : vector<16xf32>
      %get3A_1780 = arith.constant 2224 : index
      %get3A_1781 = tpu.vector_load %arg11[%get3A_1780] {strides = array<i32>} : memref<4160xf32, #tpu.memory_space<vmem>>, vector<16xf32>,
      %mul3A_1782 = arith.mulf %gather3A_1752, %get3A_1781 : vector<16xf32>
      %add3A_1783 = arith.addf %add3A_1730, %mul3A_1782 : vector<16xf32>
      %get3A_1784 = arith.constant 2640 : index
      %get3A_1785 = tpu.vector_load %arg11[%get3A_1784] {strides = array<i32>} : memref<4160xf32, #tpu.memory_space<vmem>>, vector<16xf32>,
      %mul3A_1786 = arith.mulf %gather3A_1752, %get3A_1785 : vector<16xf32>
      %add3A_1787 = arith.addf %add3A_1734, %mul3A_1786 : vector<16xf32>
      %get3A_1788 = arith.constant 3056 : index
      %get3A_1789 = tpu.vector_load %arg11[%get3A_1788] {strides = array<i32>} : memref<4160xf32, #tpu.memory_space<vmem>>, vector<16xf32>,
      %mul3A_1790 = arith.mulf %gather3A_1752, %get3A_1789 : vector<16xf32>
      %add3A_1791 = arith.addf %add3A_1738, %mul3A_1790 : vector<16xf32>
      %get3A_1792 = arith.constant 3472 : index
      %get3A_1793 = tpu.vector_load %arg11[%get3A_1792] {strides = array<i32>} : memref<4160xf32, #tpu.memory_space<vmem>>, vector<16xf32>,
      %mul3A_1794 = arith.mulf %gather3A_1752, %get3A_1793 : vector<16xf32>
      %add3A_1795 = arith.addf %add3A_1742, %mul3A_1794 : vector<16xf32>
      %get3A_1796 = arith.constant 3888 : index
      %get3A_1797 = tpu.vector_load %arg11[%get3A_1796] {strides = array<i32>} : memref<4160xf32, #tpu.memory_space<vmem>>, vector<16xf32>,
      %mul3A_1798 = arith.mulf %gather3A_1752, %get3A_1797 : vector<16xf32>
      %add3A_1799 = arith.addf %add3A_1746, %mul3A_1798 : vector<16xf32>
      %slice3A_1800 = vector.extract_strided_slice %rem3A_8 {offsets = [10], sizes = [1], strides = [1]} : vector<16xi32> to vector<1xi32>
      %squeeze3A_1801 = vector.extract %slice3A_1800[0] : i32 from vector<1xi32>
      %broadcast_in_dim3A_1802 = arith.constant 10 : i32
      %broadcast_in_dim3A_1803 = vector.broadcast %broadcast_in_dim3A_1802 : i32 to vector<16xi32>
      %broadcast_in_dim3A_1804 = vector.broadcast %squeeze3A_1801 : i32 to vector<16xi32>
      %gather3A_1805 = tpu.vector_load_idx %arg9[%broadcast_in_dim3A_1803, %iota3A, %broadcast_in_dim3A_1804] : memref<26x16x128xf32, #tpu.memory_space<vmem>>[vector<16xi32>, vector<16xi32>, vector<16xi32>], vector<16xf32>,
      %add3A_1806 = arith.addf %add3A_1753, %gather3A_1805 : vector<16xf32>
      %mul3A_1807 = arith.mulf %gather3A_1805, %gather3A_1805 : vector<16xf32>
      %reduce_sum3A_1808 = arith.constant true
      %reduce_sum3A_1809 = vector.broadcast %reduce_sum3A_1808 : i1 to vector<16xi1>
      %reduce_sum3A_1810 = tpu.scan <sum>, %mul3A_1807 masked %reduce_sum3A_1809 : vector<16xf32>, vector<16xi1> -> vector<16xf32>
      %reduce_sum3A_1811 = vector.extract %reduce_sum3A_1810[15] : f32 from vector<16xf32>
      %add3A_1812 = arith.addf %add3A_1759, %reduce_sum3A_1811 : f32
      %get3A_1813 = arith.constant 160 : index
      %get3A_1814 = tpu.vector_load %arg11[%get3A_1813] {strides = array<i32>} : memref<4160xf32, #tpu.memory_space<vmem>>, vector<16xf32>,
      %mul3A_1815 = arith.mulf %gather3A_1805, %get3A_1814 : vector<16xf32>
      %add3A_1816 = arith.addf %add3A_1763, %mul3A_1815 : vector<16xf32>
      %get3A_1817 = arith.constant 576 : index
      %get3A_1818 = tpu.vector_load %arg11[%get3A_1817] {strides = array<i32>} : memref<4160xf32, #tpu.memory_space<vmem>>, vector<16xf32>,
      %mul3A_1819 = arith.mulf %gather3A_1805, %get3A_1818 : vector<16xf32>
      %add3A_1820 = arith.addf %add3A_1767, %mul3A_1819 : vector<16xf32>
      %get3A_1821 = arith.constant 992 : index
      %get3A_1822 = tpu.vector_load %arg11[%get3A_1821] {strides = array<i32>} : memref<4160xf32, #tpu.memory_space<vmem>>, vector<16xf32>,
      %mul3A_1823 = arith.mulf %gather3A_1805, %get3A_1822 : vector<16xf32>
      %add3A_1824 = arith.addf %add3A_1771, %mul3A_1823 : vector<16xf32>
      %get3A_1825 = arith.constant 1408 : index
      %get3A_1826 = tpu.vector_load %arg11[%get3A_1825] {strides = array<i32>} : memref<4160xf32, #tpu.memory_space<vmem>>, vector<16xf32>,
      %mul3A_1827 = arith.mulf %gather3A_1805, %get3A_1826 : vector<16xf32>
      %add3A_1828 = arith.addf %add3A_1775, %mul3A_1827 : vector<16xf32>
      %get3A_1829 = arith.constant 1824 : index
      %get3A_1830 = tpu.vector_load %arg11[%get3A_1829] {strides = array<i32>} : memref<4160xf32, #tpu.memory_space<vmem>>, vector<16xf32>,
      %mul3A_1831 = arith.mulf %gather3A_1805, %get3A_1830 : vector<16xf32>
      %add3A_1832 = arith.addf %add3A_1779, %mul3A_1831 : vector<16xf32>
      %get3A_1833 = arith.constant 2240 : index
      %get3A_1834 = tpu.vector_load %arg11[%get3A_1833] {strides = array<i32>} : memref<4160xf32, #tpu.memory_space<vmem>>, vector<16xf32>,
      %mul3A_1835 = arith.mulf %gather3A_1805, %get3A_1834 : vector<16xf32>
      %add3A_1836 = arith.addf %add3A_1783, %mul3A_1835 : vector<16xf32>
      %get3A_1837 = arith.constant 2656 : index
      %get3A_1838 = tpu.vector_load %arg11[%get3A_1837] {strides = array<i32>} : memref<4160xf32, #tpu.memory_space<vmem>>, vector<16xf32>,
      %mul3A_1839 = arith.mulf %gather3A_1805, %get3A_1838 : vector<16xf32>
      %add3A_1840 = arith.addf %add3A_1787, %mul3A_1839 : vector<16xf32>
      %get3A_1841 = arith.constant 3072 : index
      %get3A_1842 = tpu.vector_load %arg11[%get3A_1841] {strides = array<i32>} : memref<4160xf32, #tpu.memory_space<vmem>>, vector<16xf32>,
      %mul3A_1843 = arith.mulf %gather3A_1805, %get3A_1842 : vector<16xf32>
      %add3A_1844 = arith.addf %add3A_1791, %mul3A_1843 : vector<16xf32>
      %get3A_1845 = arith.constant 3488 : index
      %get3A_1846 = tpu.vector_load %arg11[%get3A_1845] {strides = array<i32>} : memref<4160xf32, #tpu.memory_space<vmem>>, vector<16xf32>,
      %mul3A_1847 = arith.mulf %gather3A_1805, %get3A_1846 : vector<16xf32>
      %add3A_1848 = arith.addf %add3A_1795, %mul3A_1847 : vector<16xf32>
      %get3A_1849 = arith.constant 3904 : index
      %get3A_1850 = tpu.vector_load %arg11[%get3A_1849] {strides = array<i32>} : memref<4160xf32, #tpu.memory_space<vmem>>, vector<16xf32>,
      %mul3A_1851 = arith.mulf %gather3A_1805, %get3A_1850 : vector<16xf32>
      %add3A_1852 = arith.addf %add3A_1799, %mul3A_1851 : vector<16xf32>
      %slice3A_1853 = vector.extract_strided_slice %rem3A_8 {offsets = [11], sizes = [1], strides = [1]} : vector<16xi32> to vector<1xi32>
      %squeeze3A_1854 = vector.extract %slice3A_1853[0] : i32 from vector<1xi32>
      %broadcast_in_dim3A_1855 = arith.constant 11 : i32
      %broadcast_in_dim3A_1856 = vector.broadcast %broadcast_in_dim3A_1855 : i32 to vector<16xi32>
      %broadcast_in_dim3A_1857 = vector.broadcast %squeeze3A_1854 : i32 to vector<16xi32>
      %gather3A_1858 = tpu.vector_load_idx %arg9[%broadcast_in_dim3A_1856, %iota3A, %broadcast_in_dim3A_1857] : memref<26x16x128xf32, #tpu.memory_space<vmem>>[vector<16xi32>, vector<16xi32>, vector<16xi32>], vector<16xf32>,
      %add3A_1859 = arith.addf %add3A_1806, %gather3A_1858 : vector<16xf32>
      %mul3A_1860 = arith.mulf %gather3A_1858, %gather3A_1858 : vector<16xf32>
      %reduce_sum3A_1861 = arith.constant true
      %reduce_sum3A_1862 = vector.broadcast %reduce_sum3A_1861 : i1 to vector<16xi1>
      %reduce_sum3A_1863 = tpu.scan <sum>, %mul3A_1860 masked %reduce_sum3A_1862 : vector<16xf32>, vector<16xi1> -> vector<16xf32>
      %reduce_sum3A_1864 = vector.extract %reduce_sum3A_1863[15] : f32 from vector<16xf32>
      %add3A_1865 = arith.addf %add3A_1812, %reduce_sum3A_1864 : f32
      %get3A_1866 = arith.constant 176 : index
      %get3A_1867 = tpu.vector_load %arg11[%get3A_1866] {strides = array<i32>} : memref<4160xf32, #tpu.memory_space<vmem>>, vector<16xf32>,
      %mul3A_1868 = arith.mulf %gather3A_1858, %get3A_1867 : vector<16xf32>
      %add3A_1869 = arith.addf %add3A_1816, %mul3A_1868 : vector<16xf32>
      %get3A_1870 = arith.constant 592 : index
      %get3A_1871 = tpu.vector_load %arg11[%get3A_1870] {strides = array<i32>} : memref<4160xf32, #tpu.memory_space<vmem>>, vector<16xf32>,
      %mul3A_1872 = arith.mulf %gather3A_1858, %get3A_1871 : vector<16xf32>
      %add3A_1873 = arith.addf %add3A_1820, %mul3A_1872 : vector<16xf32>
      %get3A_1874 = arith.constant 1008 : index
      %get3A_1875 = tpu.vector_load %arg11[%get3A_1874] {strides = array<i32>} : memref<4160xf32, #tpu.memory_space<vmem>>, vector<16xf32>,
      %mul3A_1876 = arith.mulf %gather3A_1858, %get3A_1875 : vector<16xf32>
      %add3A_1877 = arith.addf %add3A_1824, %mul3A_1876 : vector<16xf32>
      %get3A_1878 = arith.constant 1424 : index
      %get3A_1879 = tpu.vector_load %arg11[%get3A_1878] {strides = array<i32>} : memref<4160xf32, #tpu.memory_space<vmem>>, vector<16xf32>,
      %mul3A_1880 = arith.mulf %gather3A_1858, %get3A_1879 : vector<16xf32>
      %add3A_1881 = arith.addf %add3A_1828, %mul3A_1880 : vector<16xf32>
      %get3A_1882 = arith.constant 1840 : index
      %get3A_1883 = tpu.vector_load %arg11[%get3A_1882] {strides = array<i32>} : memref<4160xf32, #tpu.memory_space<vmem>>, vector<16xf32>,
      %mul3A_1884 = arith.mulf %gather3A_1858, %get3A_1883 : vector<16xf32>
      %add3A_1885 = arith.addf %add3A_1832, %mul3A_1884 : vector<16xf32>
      %get3A_1886 = arith.constant 2256 : index
      %get3A_1887 = tpu.vector_load %arg11[%get3A_1886] {strides = array<i32>} : memref<4160xf32, #tpu.memory_space<vmem>>, vector<16xf32>,
      %mul3A_1888 = arith.mulf %gather3A_1858, %get3A_1887 : vector<16xf32>
      %add3A_1889 = arith.addf %add3A_1836, %mul3A_1888 : vector<16xf32>
      %get3A_1890 = arith.constant 2672 : index
      %get3A_1891 = tpu.vector_load %arg11[%get3A_1890] {strides = array<i32>} : memref<4160xf32, #tpu.memory_space<vmem>>, vector<16xf32>,
      %mul3A_1892 = arith.mulf %gather3A_1858, %get3A_1891 : vector<16xf32>
      %add3A_1893 = arith.addf %add3A_1840, %mul3A_1892 : vector<16xf32>
      %get3A_1894 = arith.constant 3088 : index
      %get3A_1895 = tpu.vector_load %arg11[%get3A_1894] {strides = array<i32>} : memref<4160xf32, #tpu.memory_space<vmem>>, vector<16xf32>,
      %mul3A_1896 = arith.mulf %gather3A_1858, %get3A_1895 : vector<16xf32>
      %add3A_1897 = arith.addf %add3A_1844, %mul3A_1896 : vector<16xf32>
      %get3A_1898 = arith.constant 3504 : index
      %get3A_1899 = tpu.vector_load %arg11[%get3A_1898] {strides = array<i32>} : memref<4160xf32, #tpu.memory_space<vmem>>, vector<16xf32>,
      %mul3A_1900 = arith.mulf %gather3A_1858, %get3A_1899 : vector<16xf32>
      %add3A_1901 = arith.addf %add3A_1848, %mul3A_1900 : vector<16xf32>
      %get3A_1902 = arith.constant 3920 : index
      %get3A_1903 = tpu.vector_load %arg11[%get3A_1902] {strides = array<i32>} : memref<4160xf32, #tpu.memory_space<vmem>>, vector<16xf32>,
      %mul3A_1904 = arith.mulf %gather3A_1858, %get3A_1903 : vector<16xf32>
      %add3A_1905 = arith.addf %add3A_1852, %mul3A_1904 : vector<16xf32>
      %slice3A_1906 = vector.extract_strided_slice %rem3A_8 {offsets = [12], sizes = [1], strides = [1]} : vector<16xi32> to vector<1xi32>
      %squeeze3A_1907 = vector.extract %slice3A_1906[0] : i32 from vector<1xi32>
      %broadcast_in_dim3A_1908 = arith.constant 12 : i32
      %broadcast_in_dim3A_1909 = vector.broadcast %broadcast_in_dim3A_1908 : i32 to vector<16xi32>
      %broadcast_in_dim3A_1910 = vector.broadcast %squeeze3A_1907 : i32 to vector<16xi32>
      %gather3A_1911 = tpu.vector_load_idx %arg9[%broadcast_in_dim3A_1909, %iota3A, %broadcast_in_dim3A_1910] : memref<26x16x128xf32, #tpu.memory_space<vmem>>[vector<16xi32>, vector<16xi32>, vector<16xi32>], vector<16xf32>,
      %add3A_1912 = arith.addf %add3A_1859, %gather3A_1911 : vector<16xf32>
      %mul3A_1913 = arith.mulf %gather3A_1911, %gather3A_1911 : vector<16xf32>
      %reduce_sum3A_1914 = arith.constant true
      %reduce_sum3A_1915 = vector.broadcast %reduce_sum3A_1914 : i1 to vector<16xi1>
      %reduce_sum3A_1916 = tpu.scan <sum>, %mul3A_1913 masked %reduce_sum3A_1915 : vector<16xf32>, vector<16xi1> -> vector<16xf32>
      %reduce_sum3A_1917 = vector.extract %reduce_sum3A_1916[15] : f32 from vector<16xf32>
      %add3A_1918 = arith.addf %add3A_1865, %reduce_sum3A_1917 : f32
      %get3A_1919 = arith.constant 192 : index
      %get3A_1920 = tpu.vector_load %arg11[%get3A_1919] {strides = array<i32>} : memref<4160xf32, #tpu.memory_space<vmem>>, vector<16xf32>,
      %mul3A_1921 = arith.mulf %gather3A_1911, %get3A_1920 : vector<16xf32>
      %add3A_1922 = arith.addf %add3A_1869, %mul3A_1921 : vector<16xf32>
      %get3A_1923 = arith.constant 608 : index
      %get3A_1924 = tpu.vector_load %arg11[%get3A_1923] {strides = array<i32>} : memref<4160xf32, #tpu.memory_space<vmem>>, vector<16xf32>,
      %mul3A_1925 = arith.mulf %gather3A_1911, %get3A_1924 : vector<16xf32>
      %add3A_1926 = arith.addf %add3A_1873, %mul3A_1925 : vector<16xf32>
      %get3A_1927 = arith.constant 1024 : index
      %get3A_1928 = tpu.vector_load %arg11[%get3A_1927] {strides = array<i32>} : memref<4160xf32, #tpu.memory_space<vmem>>, vector<16xf32>,
      %mul3A_1929 = arith.mulf %gather3A_1911, %get3A_1928 : vector<16xf32>
      %add3A_1930 = arith.addf %add3A_1877, %mul3A_1929 : vector<16xf32>
      %get3A_1931 = arith.constant 1440 : index
      %get3A_1932 = tpu.vector_load %arg11[%get3A_1931] {strides = array<i32>} : memref<4160xf32, #tpu.memory_space<vmem>>, vector<16xf32>,
      %mul3A_1933 = arith.mulf %gather3A_1911, %get3A_1932 : vector<16xf32>
      %add3A_1934 = arith.addf %add3A_1881, %mul3A_1933 : vector<16xf32>
      %get3A_1935 = arith.constant 1856 : index
      %get3A_1936 = tpu.vector_load %arg11[%get3A_1935] {strides = array<i32>} : memref<4160xf32, #tpu.memory_space<vmem>>, vector<16xf32>,
      %mul3A_1937 = arith.mulf %gather3A_1911, %get3A_1936 : vector<16xf32>
      %add3A_1938 = arith.addf %add3A_1885, %mul3A_1937 : vector<16xf32>
      %get3A_1939 = arith.constant 2272 : index
      %get3A_1940 = tpu.vector_load %arg11[%get3A_1939] {strides = array<i32>} : memref<4160xf32, #tpu.memory_space<vmem>>, vector<16xf32>,
      %mul3A_1941 = arith.mulf %gather3A_1911, %get3A_1940 : vector<16xf32>
      %add3A_1942 = arith.addf %add3A_1889, %mul3A_1941 : vector<16xf32>
      %get3A_1943 = arith.constant 2688 : index
      %get3A_1944 = tpu.vector_load %arg11[%get3A_1943] {strides = array<i32>} : memref<4160xf32, #tpu.memory_space<vmem>>, vector<16xf32>,
      %mul3A_1945 = arith.mulf %gather3A_1911, %get3A_1944 : vector<16xf32>
      %add3A_1946 = arith.addf %add3A_1893, %mul3A_1945 : vector<16xf32>
      %get3A_1947 = arith.constant 3104 : index
      %get3A_1948 = tpu.vector_load %arg11[%get3A_1947] {strides = array<i32>} : memref<4160xf32, #tpu.memory_space<vmem>>, vector<16xf32>,
      %mul3A_1949 = arith.mulf %gather3A_1911, %get3A_1948 : vector<16xf32>
      %add3A_1950 = arith.addf %add3A_1897, %mul3A_1949 : vector<16xf32>
      %get3A_1951 = arith.constant 3520 : index
      %get3A_1952 = tpu.vector_load %arg11[%get3A_1951] {strides = array<i32>} : memref<4160xf32, #tpu.memory_space<vmem>>, vector<16xf32>,
      %mul3A_1953 = arith.mulf %gather3A_1911, %get3A_1952 : vector<16xf32>
      %add3A_1954 = arith.addf %add3A_1901, %mul3A_1953 : vector<16xf32>
      %get3A_1955 = arith.constant 3936 : index
      %get3A_1956 = tpu.vector_load %arg11[%get3A_1955] {strides = array<i32>} : memref<4160xf32, #tpu.memory_space<vmem>>, vector<16xf32>,
      %mul3A_1957 = arith.mulf %gather3A_1911, %get3A_1956 : vector<16xf32>
      %add3A_1958 = arith.addf %add3A_1905, %mul3A_1957 : vector<16xf32>
      %slice3A_1959 = vector.extract_strided_slice %rem3A_8 {offsets = [13], sizes = [1], strides = [1]} : vector<16xi32> to vector<1xi32>
      %squeeze3A_1960 = vector.extract %slice3A_1959[0] : i32 from vector<1xi32>
      %broadcast_in_dim3A_1961 = arith.constant 13 : i32
      %broadcast_in_dim3A_1962 = vector.broadcast %broadcast_in_dim3A_1961 : i32 to vector<16xi32>
      %broadcast_in_dim3A_1963 = vector.broadcast %squeeze3A_1960 : i32 to vector<16xi32>
      %gather3A_1964 = tpu.vector_load_idx %arg9[%broadcast_in_dim3A_1962, %iota3A, %broadcast_in_dim3A_1963] : memref<26x16x128xf32, #tpu.memory_space<vmem>>[vector<16xi32>, vector<16xi32>, vector<16xi32>], vector<16xf32>,
      %add3A_1965 = arith.addf %add3A_1912, %gather3A_1964 : vector<16xf32>
      %mul3A_1966 = arith.mulf %gather3A_1964, %gather3A_1964 : vector<16xf32>
      %reduce_sum3A_1967 = arith.constant true
      %reduce_sum3A_1968 = vector.broadcast %reduce_sum3A_1967 : i1 to vector<16xi1>
      %reduce_sum3A_1969 = tpu.scan <sum>, %mul3A_1966 masked %reduce_sum3A_1968 : vector<16xf32>, vector<16xi1> -> vector<16xf32>
      %reduce_sum3A_1970 = vector.extract %reduce_sum3A_1969[15] : f32 from vector<16xf32>
      %add3A_1971 = arith.addf %add3A_1918, %reduce_sum3A_1970 : f32
      %get3A_1972 = arith.constant 208 : index
      %get3A_1973 = tpu.vector_load %arg11[%get3A_1972] {strides = array<i32>} : memref<4160xf32, #tpu.memory_space<vmem>>, vector<16xf32>,
      %mul3A_1974 = arith.mulf %gather3A_1964, %get3A_1973 : vector<16xf32>
      %add3A_1975 = arith.addf %add3A_1922, %mul3A_1974 : vector<16xf32>
      %get3A_1976 = arith.constant 624 : index
      %get3A_1977 = tpu.vector_load %arg11[%get3A_1976] {strides = array<i32>} : memref<4160xf32, #tpu.memory_space<vmem>>, vector<16xf32>,
      %mul3A_1978 = arith.mulf %gather3A_1964, %get3A_1977 : vector<16xf32>
      %add3A_1979 = arith.addf %add3A_1926, %mul3A_1978 : vector<16xf32>
      %get3A_1980 = arith.constant 1040 : index
      %get3A_1981 = tpu.vector_load %arg11[%get3A_1980] {strides = array<i32>} : memref<4160xf32, #tpu.memory_space<vmem>>, vector<16xf32>,
      %mul3A_1982 = arith.mulf %gather3A_1964, %get3A_1981 : vector<16xf32>
      %add3A_1983 = arith.addf %add3A_1930, %mul3A_1982 : vector<16xf32>
      %get3A_1984 = arith.constant 1456 : index
      %get3A_1985 = tpu.vector_load %arg11[%get3A_1984] {strides = array<i32>} : memref<4160xf32, #tpu.memory_space<vmem>>, vector<16xf32>,
      %mul3A_1986 = arith.mulf %gather3A_1964, %get3A_1985 : vector<16xf32>
      %add3A_1987 = arith.addf %add3A_1934, %mul3A_1986 : vector<16xf32>
      %get3A_1988 = arith.constant 1872 : index
      %get3A_1989 = tpu.vector_load %arg11[%get3A_1988] {strides = array<i32>} : memref<4160xf32, #tpu.memory_space<vmem>>, vector<16xf32>,
      %mul3A_1990 = arith.mulf %gather3A_1964, %get3A_1989 : vector<16xf32>
      %add3A_1991 = arith.addf %add3A_1938, %mul3A_1990 : vector<16xf32>
      %get3A_1992 = arith.constant 2288 : index
      %get3A_1993 = tpu.vector_load %arg11[%get3A_1992] {strides = array<i32>} : memref<4160xf32, #tpu.memory_space<vmem>>, vector<16xf32>,
      %mul3A_1994 = arith.mulf %gather3A_1964, %get3A_1993 : vector<16xf32>
      %add3A_1995 = arith.addf %add3A_1942, %mul3A_1994 : vector<16xf32>
      %get3A_1996 = arith.constant 2704 : index
      %get3A_1997 = tpu.vector_load %arg11[%get3A_1996] {strides = array<i32>} : memref<4160xf32, #tpu.memory_space<vmem>>, vector<16xf32>,
      %mul3A_1998 = arith.mulf %gather3A_1964, %get3A_1997 : vector<16xf32>
      %add3A_1999 = arith.addf %add3A_1946, %mul3A_1998 : vector<16xf32>
      %get3A_2000 = arith.constant 3120 : index
      %get3A_2001 = tpu.vector_load %arg11[%get3A_2000] {strides = array<i32>} : memref<4160xf32, #tpu.memory_space<vmem>>, vector<16xf32>,
      %mul3A_2002 = arith.mulf %gather3A_1964, %get3A_2001 : vector<16xf32>
      %add3A_2003 = arith.addf %add3A_1950, %mul3A_2002 : vector<16xf32>
      %get3A_2004 = arith.constant 3536 : index
      %get3A_2005 = tpu.vector_load %arg11[%get3A_2004] {strides = array<i32>} : memref<4160xf32, #tpu.memory_space<vmem>>, vector<16xf32>,
      %mul3A_2006 = arith.mulf %gather3A_1964, %get3A_2005 : vector<16xf32>
      %add3A_2007 = arith.addf %add3A_1954, %mul3A_2006 : vector<16xf32>
      %get3A_2008 = arith.constant 3952 : index
      %get3A_2009 = tpu.vector_load %arg11[%get3A_2008] {strides = array<i32>} : memref<4160xf32, #tpu.memory_space<vmem>>, vector<16xf32>,
      %mul3A_2010 = arith.mulf %gather3A_1964, %get3A_2009 : vector<16xf32>
      %add3A_2011 = arith.addf %add3A_1958, %mul3A_2010 : vector<16xf32>
      %slice3A_2012 = vector.extract_strided_slice %rem3A_8 {offsets = [14], sizes = [1], strides = [1]} : vector<16xi32> to vector<1xi32>
      %squeeze3A_2013 = vector.extract %slice3A_2012[0] : i32 from vector<1xi32>
      %broadcast_in_dim3A_2014 = arith.constant 14 : i32
      %broadcast_in_dim3A_2015 = vector.broadcast %broadcast_in_dim3A_2014 : i32 to vector<16xi32>
      %broadcast_in_dim3A_2016 = vector.broadcast %squeeze3A_2013 : i32 to vector<16xi32>
      %gather3A_2017 = tpu.vector_load_idx %arg9[%broadcast_in_dim3A_2015, %iota3A, %broadcast_in_dim3A_2016] : memref<26x16x128xf32, #tpu.memory_space<vmem>>[vector<16xi32>, vector<16xi32>, vector<16xi32>], vector<16xf32>,
      %add3A_2018 = arith.addf %add3A_1965, %gather3A_2017 : vector<16xf32>
      %mul3A_2019 = arith.mulf %gather3A_2017, %gather3A_2017 : vector<16xf32>
      %reduce_sum3A_2020 = arith.constant true
      %reduce_sum3A_2021 = vector.broadcast %reduce_sum3A_2020 : i1 to vector<16xi1>
      %reduce_sum3A_2022 = tpu.scan <sum>, %mul3A_2019 masked %reduce_sum3A_2021 : vector<16xf32>, vector<16xi1> -> vector<16xf32>
      %reduce_sum3A_2023 = vector.extract %reduce_sum3A_2022[15] : f32 from vector<16xf32>
      %add3A_2024 = arith.addf %add3A_1971, %reduce_sum3A_2023 : f32
      %get3A_2025 = arith.constant 224 : index
      %get3A_2026 = tpu.vector_load %arg11[%get3A_2025] {strides = array<i32>} : memref<4160xf32, #tpu.memory_space<vmem>>, vector<16xf32>,
      %mul3A_2027 = arith.mulf %gather3A_2017, %get3A_2026 : vector<16xf32>
      %add3A_2028 = arith.addf %add3A_1975, %mul3A_2027 : vector<16xf32>
      %get3A_2029 = arith.constant 640 : index
      %get3A_2030 = tpu.vector_load %arg11[%get3A_2029] {strides = array<i32>} : memref<4160xf32, #tpu.memory_space<vmem>>, vector<16xf32>,
      %mul3A_2031 = arith.mulf %gather3A_2017, %get3A_2030 : vector<16xf32>
      %add3A_2032 = arith.addf %add3A_1979, %mul3A_2031 : vector<16xf32>
      %get3A_2033 = arith.constant 1056 : index
      %get3A_2034 = tpu.vector_load %arg11[%get3A_2033] {strides = array<i32>} : memref<4160xf32, #tpu.memory_space<vmem>>, vector<16xf32>,
      %mul3A_2035 = arith.mulf %gather3A_2017, %get3A_2034 : vector<16xf32>
      %add3A_2036 = arith.addf %add3A_1983, %mul3A_2035 : vector<16xf32>
      %get3A_2037 = arith.constant 1472 : index
      %get3A_2038 = tpu.vector_load %arg11[%get3A_2037] {strides = array<i32>} : memref<4160xf32, #tpu.memory_space<vmem>>, vector<16xf32>,
      %mul3A_2039 = arith.mulf %gather3A_2017, %get3A_2038 : vector<16xf32>
      %add3A_2040 = arith.addf %add3A_1987, %mul3A_2039 : vector<16xf32>
      %get3A_2041 = arith.constant 1888 : index
      %get3A_2042 = tpu.vector_load %arg11[%get3A_2041] {strides = array<i32>} : memref<4160xf32, #tpu.memory_space<vmem>>, vector<16xf32>,
      %mul3A_2043 = arith.mulf %gather3A_2017, %get3A_2042 : vector<16xf32>
      %add3A_2044 = arith.addf %add3A_1991, %mul3A_2043 : vector<16xf32>
      %get3A_2045 = arith.constant 2304 : index
      %get3A_2046 = tpu.vector_load %arg11[%get3A_2045] {strides = array<i32>} : memref<4160xf32, #tpu.memory_space<vmem>>, vector<16xf32>,
      %mul3A_2047 = arith.mulf %gather3A_2017, %get3A_2046 : vector<16xf32>
      %add3A_2048 = arith.addf %add3A_1995, %mul3A_2047 : vector<16xf32>
      %get3A_2049 = arith.constant 2720 : index
      %get3A_2050 = tpu.vector_load %arg11[%get3A_2049] {strides = array<i32>} : memref<4160xf32, #tpu.memory_space<vmem>>, vector<16xf32>,
      %mul3A_2051 = arith.mulf %gather3A_2017, %get3A_2050 : vector<16xf32>
      %add3A_2052 = arith.addf %add3A_1999, %mul3A_2051 : vector<16xf32>
      %get3A_2053 = arith.constant 3136 : index
      %get3A_2054 = tpu.vector_load %arg11[%get3A_2053] {strides = array<i32>} : memref<4160xf32, #tpu.memory_space<vmem>>, vector<16xf32>,
      %mul3A_2055 = arith.mulf %gather3A_2017, %get3A_2054 : vector<16xf32>
      %add3A_2056 = arith.addf %add3A_2003, %mul3A_2055 : vector<16xf32>
      %get3A_2057 = arith.constant 3552 : index
      %get3A_2058 = tpu.vector_load %arg11[%get3A_2057] {strides = array<i32>} : memref<4160xf32, #tpu.memory_space<vmem>>, vector<16xf32>,
      %mul3A_2059 = arith.mulf %gather3A_2017, %get3A_2058 : vector<16xf32>
      %add3A_2060 = arith.addf %add3A_2007, %mul3A_2059 : vector<16xf32>
      %get3A_2061 = arith.constant 3968 : index
      %get3A_2062 = tpu.vector_load %arg11[%get3A_2061] {strides = array<i32>} : memref<4160xf32, #tpu.memory_space<vmem>>, vector<16xf32>,
      %mul3A_2063 = arith.mulf %gather3A_2017, %get3A_2062 : vector<16xf32>
      %add3A_2064 = arith.addf %add3A_2011, %mul3A_2063 : vector<16xf32>
      %slice3A_2065 = vector.extract_strided_slice %rem3A_8 {offsets = [15], sizes = [1], strides = [1]} : vector<16xi32> to vector<1xi32>
      %squeeze3A_2066 = vector.extract %slice3A_2065[0] : i32 from vector<1xi32>
      %broadcast_in_dim3A_2067 = arith.constant 15 : i32
      %broadcast_in_dim3A_2068 = vector.broadcast %broadcast_in_dim3A_2067 : i32 to vector<16xi32>
      %broadcast_in_dim3A_2069 = vector.broadcast %squeeze3A_2066 : i32 to vector<16xi32>
      %gather3A_2070 = tpu.vector_load_idx %arg9[%broadcast_in_dim3A_2068, %iota3A, %broadcast_in_dim3A_2069] : memref<26x16x128xf32, #tpu.memory_space<vmem>>[vector<16xi32>, vector<16xi32>, vector<16xi32>], vector<16xf32>,
      %add3A_2071 = arith.addf %add3A_2018, %gather3A_2070 : vector<16xf32>
      %mul3A_2072 = arith.mulf %gather3A_2070, %gather3A_2070 : vector<16xf32>
      %reduce_sum3A_2073 = arith.constant true
      %reduce_sum3A_2074 = vector.broadcast %reduce_sum3A_2073 : i1 to vector<16xi1>
      %reduce_sum3A_2075 = tpu.scan <sum>, %mul3A_2072 masked %reduce_sum3A_2074 : vector<16xf32>, vector<16xi1> -> vector<16xf32>
      %reduce_sum3A_2076 = vector.extract %reduce_sum3A_2075[15] : f32 from vector<16xf32>
      %add3A_2077 = arith.addf %add3A_2024, %reduce_sum3A_2076 : f32
      %get3A_2078 = arith.constant 240 : index
      %get3A_2079 = tpu.vector_load %arg11[%get3A_2078] {strides = array<i32>} : memref<4160xf32, #tpu.memory_space<vmem>>, vector<16xf32>,
      %mul3A_2080 = arith.mulf %gather3A_2070, %get3A_2079 : vector<16xf32>
      %add3A_2081 = arith.addf %add3A_2028, %mul3A_2080 : vector<16xf32>
      %get3A_2082 = arith.constant 656 : index
      %get3A_2083 = tpu.vector_load %arg11[%get3A_2082] {strides = array<i32>} : memref<4160xf32, #tpu.memory_space<vmem>>, vector<16xf32>,
      %mul3A_2084 = arith.mulf %gather3A_2070, %get3A_2083 : vector<16xf32>
      %add3A_2085 = arith.addf %add3A_2032, %mul3A_2084 : vector<16xf32>
      %get3A_2086 = arith.constant 1072 : index
      %get3A_2087 = tpu.vector_load %arg11[%get3A_2086] {strides = array<i32>} : memref<4160xf32, #tpu.memory_space<vmem>>, vector<16xf32>,
      %mul3A_2088 = arith.mulf %gather3A_2070, %get3A_2087 : vector<16xf32>
      %add3A_2089 = arith.addf %add3A_2036, %mul3A_2088 : vector<16xf32>
      %get3A_2090 = arith.constant 1488 : index
      %get3A_2091 = tpu.vector_load %arg11[%get3A_2090] {strides = array<i32>} : memref<4160xf32, #tpu.memory_space<vmem>>, vector<16xf32>,
      %mul3A_2092 = arith.mulf %gather3A_2070, %get3A_2091 : vector<16xf32>
      %add3A_2093 = arith.addf %add3A_2040, %mul3A_2092 : vector<16xf32>
      %get3A_2094 = arith.constant 1904 : index
      %get3A_2095 = tpu.vector_load %arg11[%get3A_2094] {strides = array<i32>} : memref<4160xf32, #tpu.memory_space<vmem>>, vector<16xf32>,
      %mul3A_2096 = arith.mulf %gather3A_2070, %get3A_2095 : vector<16xf32>
      %add3A_2097 = arith.addf %add3A_2044, %mul3A_2096 : vector<16xf32>
      %get3A_2098 = arith.constant 2320 : index
      %get3A_2099 = tpu.vector_load %arg11[%get3A_2098] {strides = array<i32>} : memref<4160xf32, #tpu.memory_space<vmem>>, vector<16xf32>,
      %mul3A_2100 = arith.mulf %gather3A_2070, %get3A_2099 : vector<16xf32>
      %add3A_2101 = arith.addf %add3A_2048, %mul3A_2100 : vector<16xf32>
      %get3A_2102 = arith.constant 2736 : index
      %get3A_2103 = tpu.vector_load %arg11[%get3A_2102] {strides = array<i32>} : memref<4160xf32, #tpu.memory_space<vmem>>, vector<16xf32>,
      %mul3A_2104 = arith.mulf %gather3A_2070, %get3A_2103 : vector<16xf32>
      %add3A_2105 = arith.addf %add3A_2052, %mul3A_2104 : vector<16xf32>
      %get3A_2106 = arith.constant 3152 : index
      %get3A_2107 = tpu.vector_load %arg11[%get3A_2106] {strides = array<i32>} : memref<4160xf32, #tpu.memory_space<vmem>>, vector<16xf32>,
      %mul3A_2108 = arith.mulf %gather3A_2070, %get3A_2107 : vector<16xf32>
      %add3A_2109 = arith.addf %add3A_2056, %mul3A_2108 : vector<16xf32>
      %get3A_2110 = arith.constant 3568 : index
      %get3A_2111 = tpu.vector_load %arg11[%get3A_2110] {strides = array<i32>} : memref<4160xf32, #tpu.memory_space<vmem>>, vector<16xf32>,
      %mul3A_2112 = arith.mulf %gather3A_2070, %get3A_2111 : vector<16xf32>
      %add3A_2113 = arith.addf %add3A_2060, %mul3A_2112 : vector<16xf32>
      %get3A_2114 = arith.constant 3984 : index
      %get3A_2115 = tpu.vector_load %arg11[%get3A_2114] {strides = array<i32>} : memref<4160xf32, #tpu.memory_space<vmem>>, vector<16xf32>,
      %mul3A_2116 = arith.mulf %gather3A_2070, %get3A_2115 : vector<16xf32>
      %add3A_2117 = arith.addf %add3A_2064, %mul3A_2116 : vector<16xf32>
      %slice3A_2118 = vector.extract_strided_slice %rem3A_11 {offsets = [0], sizes = [1], strides = [1]} : vector<16xi32> to vector<1xi32>
      %squeeze3A_2119 = vector.extract %slice3A_2118[0] : i32 from vector<1xi32>
      %broadcast_in_dim3A_2120 = arith.constant 16 : i32
      %broadcast_in_dim3A_2121 = vector.broadcast %broadcast_in_dim3A_2120 : i32 to vector<16xi32>
      %broadcast_in_dim3A_2122 = vector.broadcast %squeeze3A_2119 : i32 to vector<16xi32>
      %gather3A_2123 = tpu.vector_load_idx %arg9[%broadcast_in_dim3A_2121, %iota3A, %broadcast_in_dim3A_2122] : memref<26x16x128xf32, #tpu.memory_space<vmem>>[vector<16xi32>, vector<16xi32>, vector<16xi32>], vector<16xf32>,
      %add3A_2124 = arith.addf %add3A_2071, %gather3A_2123 : vector<16xf32>
      %mul3A_2125 = arith.mulf %gather3A_2123, %gather3A_2123 : vector<16xf32>
      %reduce_sum3A_2126 = arith.constant true
      %reduce_sum3A_2127 = vector.broadcast %reduce_sum3A_2126 : i1 to vector<16xi1>
      %reduce_sum3A_2128 = tpu.scan <sum>, %mul3A_2125 masked %reduce_sum3A_2127 : vector<16xf32>, vector<16xi1> -> vector<16xf32>
      %reduce_sum3A_2129 = vector.extract %reduce_sum3A_2128[15] : f32 from vector<16xf32>
      %add3A_2130 = arith.addf %add3A_2077, %reduce_sum3A_2129 : f32
      %get3A_2131 = arith.constant 256 : index
      %get3A_2132 = tpu.vector_load %arg11[%get3A_2131] {strides = array<i32>} : memref<4160xf32, #tpu.memory_space<vmem>>, vector<16xf32>,
      %mul3A_2133 = arith.mulf %gather3A_2123, %get3A_2132 : vector<16xf32>
      %add3A_2134 = arith.addf %add3A_2081, %mul3A_2133 : vector<16xf32>
      %get3A_2135 = arith.constant 672 : index
      %get3A_2136 = tpu.vector_load %arg11[%get3A_2135] {strides = array<i32>} : memref<4160xf32, #tpu.memory_space<vmem>>, vector<16xf32>,
      %mul3A_2137 = arith.mulf %gather3A_2123, %get3A_2136 : vector<16xf32>
      %add3A_2138 = arith.addf %add3A_2085, %mul3A_2137 : vector<16xf32>
      %get3A_2139 = arith.constant 1088 : index
      %get3A_2140 = tpu.vector_load %arg11[%get3A_2139] {strides = array<i32>} : memref<4160xf32, #tpu.memory_space<vmem>>, vector<16xf32>,
      %mul3A_2141 = arith.mulf %gather3A_2123, %get3A_2140 : vector<16xf32>
      %add3A_2142 = arith.addf %add3A_2089, %mul3A_2141 : vector<16xf32>
      %get3A_2143 = arith.constant 1504 : index
      %get3A_2144 = tpu.vector_load %arg11[%get3A_2143] {strides = array<i32>} : memref<4160xf32, #tpu.memory_space<vmem>>, vector<16xf32>,
      %mul3A_2145 = arith.mulf %gather3A_2123, %get3A_2144 : vector<16xf32>
      %add3A_2146 = arith.addf %add3A_2093, %mul3A_2145 : vector<16xf32>
      %get3A_2147 = arith.constant 1920 : index
      %get3A_2148 = tpu.vector_load %arg11[%get3A_2147] {strides = array<i32>} : memref<4160xf32, #tpu.memory_space<vmem>>, vector<16xf32>,
      %mul3A_2149 = arith.mulf %gather3A_2123, %get3A_2148 : vector<16xf32>
      %add3A_2150 = arith.addf %add3A_2097, %mul3A_2149 : vector<16xf32>
      %get3A_2151 = arith.constant 2336 : index
      %get3A_2152 = tpu.vector_load %arg11[%get3A_2151] {strides = array<i32>} : memref<4160xf32, #tpu.memory_space<vmem>>, vector<16xf32>,
      %mul3A_2153 = arith.mulf %gather3A_2123, %get3A_2152 : vector<16xf32>
      %add3A_2154 = arith.addf %add3A_2101, %mul3A_2153 : vector<16xf32>
      %get3A_2155 = arith.constant 2752 : index
      %get3A_2156 = tpu.vector_load %arg11[%get3A_2155] {strides = array<i32>} : memref<4160xf32, #tpu.memory_space<vmem>>, vector<16xf32>,
      %mul3A_2157 = arith.mulf %gather3A_2123, %get3A_2156 : vector<16xf32>
      %add3A_2158 = arith.addf %add3A_2105, %mul3A_2157 : vector<16xf32>
      %get3A_2159 = arith.constant 3168 : index
      %get3A_2160 = tpu.vector_load %arg11[%get3A_2159] {strides = array<i32>} : memref<4160xf32, #tpu.memory_space<vmem>>, vector<16xf32>,
      %mul3A_2161 = arith.mulf %gather3A_2123, %get3A_2160 : vector<16xf32>
      %add3A_2162 = arith.addf %add3A_2109, %mul3A_2161 : vector<16xf32>
      %get3A_2163 = arith.constant 3584 : index
      %get3A_2164 = tpu.vector_load %arg11[%get3A_2163] {strides = array<i32>} : memref<4160xf32, #tpu.memory_space<vmem>>, vector<16xf32>,
      %mul3A_2165 = arith.mulf %gather3A_2123, %get3A_2164 : vector<16xf32>
      %add3A_2166 = arith.addf %add3A_2113, %mul3A_2165 : vector<16xf32>
      %get3A_2167 = arith.constant 4000 : index
      %get3A_2168 = tpu.vector_load %arg11[%get3A_2167] {strides = array<i32>} : memref<4160xf32, #tpu.memory_space<vmem>>, vector<16xf32>,
      %mul3A_2169 = arith.mulf %gather3A_2123, %get3A_2168 : vector<16xf32>
      %add3A_2170 = arith.addf %add3A_2117, %mul3A_2169 : vector<16xf32>
      %slice3A_2171 = vector.extract_strided_slice %rem3A_11 {offsets = [1], sizes = [1], strides = [1]} : vector<16xi32> to vector<1xi32>
      %squeeze3A_2172 = vector.extract %slice3A_2171[0] : i32 from vector<1xi32>
      %broadcast_in_dim3A_2173 = arith.constant 17 : i32
      %broadcast_in_dim3A_2174 = vector.broadcast %broadcast_in_dim3A_2173 : i32 to vector<16xi32>
      %broadcast_in_dim3A_2175 = vector.broadcast %squeeze3A_2172 : i32 to vector<16xi32>
      %gather3A_2176 = tpu.vector_load_idx %arg9[%broadcast_in_dim3A_2174, %iota3A, %broadcast_in_dim3A_2175] : memref<26x16x128xf32, #tpu.memory_space<vmem>>[vector<16xi32>, vector<16xi32>, vector<16xi32>], vector<16xf32>,
      %add3A_2177 = arith.addf %add3A_2124, %gather3A_2176 : vector<16xf32>
      %mul3A_2178 = arith.mulf %gather3A_2176, %gather3A_2176 : vector<16xf32>
      %reduce_sum3A_2179 = arith.constant true
      %reduce_sum3A_2180 = vector.broadcast %reduce_sum3A_2179 : i1 to vector<16xi1>
      %reduce_sum3A_2181 = tpu.scan <sum>, %mul3A_2178 masked %reduce_sum3A_2180 : vector<16xf32>, vector<16xi1> -> vector<16xf32>
      %reduce_sum3A_2182 = vector.extract %reduce_sum3A_2181[15] : f32 from vector<16xf32>
      %add3A_2183 = arith.addf %add3A_2130, %reduce_sum3A_2182 : f32
      %get3A_2184 = arith.constant 272 : index
      %get3A_2185 = tpu.vector_load %arg11[%get3A_2184] {strides = array<i32>} : memref<4160xf32, #tpu.memory_space<vmem>>, vector<16xf32>,
      %mul3A_2186 = arith.mulf %gather3A_2176, %get3A_2185 : vector<16xf32>
      %add3A_2187 = arith.addf %add3A_2134, %mul3A_2186 : vector<16xf32>
      %get3A_2188 = arith.constant 688 : index
      %get3A_2189 = tpu.vector_load %arg11[%get3A_2188] {strides = array<i32>} : memref<4160xf32, #tpu.memory_space<vmem>>, vector<16xf32>,
      %mul3A_2190 = arith.mulf %gather3A_2176, %get3A_2189 : vector<16xf32>
      %add3A_2191 = arith.addf %add3A_2138, %mul3A_2190 : vector<16xf32>
      %get3A_2192 = arith.constant 1104 : index
      %get3A_2193 = tpu.vector_load %arg11[%get3A_2192] {strides = array<i32>} : memref<4160xf32, #tpu.memory_space<vmem>>, vector<16xf32>,
      %mul3A_2194 = arith.mulf %gather3A_2176, %get3A_2193 : vector<16xf32>
      %add3A_2195 = arith.addf %add3A_2142, %mul3A_2194 : vector<16xf32>
      %get3A_2196 = arith.constant 1520 : index
      %get3A_2197 = tpu.vector_load %arg11[%get3A_2196] {strides = array<i32>} : memref<4160xf32, #tpu.memory_space<vmem>>, vector<16xf32>,
      %mul3A_2198 = arith.mulf %gather3A_2176, %get3A_2197 : vector<16xf32>
      %add3A_2199 = arith.addf %add3A_2146, %mul3A_2198 : vector<16xf32>
      %get3A_2200 = arith.constant 1936 : index
      %get3A_2201 = tpu.vector_load %arg11[%get3A_2200] {strides = array<i32>} : memref<4160xf32, #tpu.memory_space<vmem>>, vector<16xf32>,
      %mul3A_2202 = arith.mulf %gather3A_2176, %get3A_2201 : vector<16xf32>
      %add3A_2203 = arith.addf %add3A_2150, %mul3A_2202 : vector<16xf32>
      %get3A_2204 = arith.constant 2352 : index
      %get3A_2205 = tpu.vector_load %arg11[%get3A_2204] {strides = array<i32>} : memref<4160xf32, #tpu.memory_space<vmem>>, vector<16xf32>,
      %mul3A_2206 = arith.mulf %gather3A_2176, %get3A_2205 : vector<16xf32>
      %add3A_2207 = arith.addf %add3A_2154, %mul3A_2206 : vector<16xf32>
      %get3A_2208 = arith.constant 2768 : index
      %get3A_2209 = tpu.vector_load %arg11[%get3A_2208] {strides = array<i32>} : memref<4160xf32, #tpu.memory_space<vmem>>, vector<16xf32>,
      %mul3A_2210 = arith.mulf %gather3A_2176, %get3A_2209 : vector<16xf32>
      %add3A_2211 = arith.addf %add3A_2158, %mul3A_2210 : vector<16xf32>
      %get3A_2212 = arith.constant 3184 : index
      %get3A_2213 = tpu.vector_load %arg11[%get3A_2212] {strides = array<i32>} : memref<4160xf32, #tpu.memory_space<vmem>>, vector<16xf32>,
      %mul3A_2214 = arith.mulf %gather3A_2176, %get3A_2213 : vector<16xf32>
      %add3A_2215 = arith.addf %add3A_2162, %mul3A_2214 : vector<16xf32>
      %get3A_2216 = arith.constant 3600 : index
      %get3A_2217 = tpu.vector_load %arg11[%get3A_2216] {strides = array<i32>} : memref<4160xf32, #tpu.memory_space<vmem>>, vector<16xf32>,
      %mul3A_2218 = arith.mulf %gather3A_2176, %get3A_2217 : vector<16xf32>
      %add3A_2219 = arith.addf %add3A_2166, %mul3A_2218 : vector<16xf32>
      %get3A_2220 = arith.constant 4016 : index
      %get3A_2221 = tpu.vector_load %arg11[%get3A_2220] {strides = array<i32>} : memref<4160xf32, #tpu.memory_space<vmem>>, vector<16xf32>,
      %mul3A_2222 = arith.mulf %gather3A_2176, %get3A_2221 : vector<16xf32>
      %add3A_2223 = arith.addf %add3A_2170, %mul3A_2222 : vector<16xf32>
      %slice3A_2224 = vector.extract_strided_slice %rem3A_11 {offsets = [2], sizes = [1], strides = [1]} : vector<16xi32> to vector<1xi32>
      %squeeze3A_2225 = vector.extract %slice3A_2224[0] : i32 from vector<1xi32>
      %broadcast_in_dim3A_2226 = arith.constant 18 : i32
      %broadcast_in_dim3A_2227 = vector.broadcast %broadcast_in_dim3A_2226 : i32 to vector<16xi32>
      %broadcast_in_dim3A_2228 = vector.broadcast %squeeze3A_2225 : i32 to vector<16xi32>
      %gather3A_2229 = tpu.vector_load_idx %arg9[%broadcast_in_dim3A_2227, %iota3A, %broadcast_in_dim3A_2228] : memref<26x16x128xf32, #tpu.memory_space<vmem>>[vector<16xi32>, vector<16xi32>, vector<16xi32>], vector<16xf32>,
      %add3A_2230 = arith.addf %add3A_2177, %gather3A_2229 : vector<16xf32>
      %mul3A_2231 = arith.mulf %gather3A_2229, %gather3A_2229 : vector<16xf32>
      %reduce_sum3A_2232 = arith.constant true
      %reduce_sum3A_2233 = vector.broadcast %reduce_sum3A_2232 : i1 to vector<16xi1>
      %reduce_sum3A_2234 = tpu.scan <sum>, %mul3A_2231 masked %reduce_sum3A_2233 : vector<16xf32>, vector<16xi1> -> vector<16xf32>
      %reduce_sum3A_2235 = vector.extract %reduce_sum3A_2234[15] : f32 from vector<16xf32>
      %add3A_2236 = arith.addf %add3A_2183, %reduce_sum3A_2235 : f32
      %get3A_2237 = arith.constant 288 : index
      %get3A_2238 = tpu.vector_load %arg11[%get3A_2237] {strides = array<i32>} : memref<4160xf32, #tpu.memory_space<vmem>>, vector<16xf32>,
      %mul3A_2239 = arith.mulf %gather3A_2229, %get3A_2238 : vector<16xf32>
      %add3A_2240 = arith.addf %add3A_2187, %mul3A_2239 : vector<16xf32>
      %get3A_2241 = arith.constant 704 : index
      %get3A_2242 = tpu.vector_load %arg11[%get3A_2241] {strides = array<i32>} : memref<4160xf32, #tpu.memory_space<vmem>>, vector<16xf32>,
      %mul3A_2243 = arith.mulf %gather3A_2229, %get3A_2242 : vector<16xf32>
      %add3A_2244 = arith.addf %add3A_2191, %mul3A_2243 : vector<16xf32>
      %get3A_2245 = arith.constant 1120 : index
      %get3A_2246 = tpu.vector_load %arg11[%get3A_2245] {strides = array<i32>} : memref<4160xf32, #tpu.memory_space<vmem>>, vector<16xf32>,
      %mul3A_2247 = arith.mulf %gather3A_2229, %get3A_2246 : vector<16xf32>
      %add3A_2248 = arith.addf %add3A_2195, %mul3A_2247 : vector<16xf32>
      %get3A_2249 = arith.constant 1536 : index
      %get3A_2250 = tpu.vector_load %arg11[%get3A_2249] {strides = array<i32>} : memref<4160xf32, #tpu.memory_space<vmem>>, vector<16xf32>,
      %mul3A_2251 = arith.mulf %gather3A_2229, %get3A_2250 : vector<16xf32>
      %add3A_2252 = arith.addf %add3A_2199, %mul3A_2251 : vector<16xf32>
      %get3A_2253 = arith.constant 1952 : index
      %get3A_2254 = tpu.vector_load %arg11[%get3A_2253] {strides = array<i32>} : memref<4160xf32, #tpu.memory_space<vmem>>, vector<16xf32>,
      %mul3A_2255 = arith.mulf %gather3A_2229, %get3A_2254 : vector<16xf32>
      %add3A_2256 = arith.addf %add3A_2203, %mul3A_2255 : vector<16xf32>
      %get3A_2257 = arith.constant 2368 : index
      %get3A_2258 = tpu.vector_load %arg11[%get3A_2257] {strides = array<i32>} : memref<4160xf32, #tpu.memory_space<vmem>>, vector<16xf32>,
      %mul3A_2259 = arith.mulf %gather3A_2229, %get3A_2258 : vector<16xf32>
      %add3A_2260 = arith.addf %add3A_2207, %mul3A_2259 : vector<16xf32>
      %get3A_2261 = arith.constant 2784 : index
      %get3A_2262 = tpu.vector_load %arg11[%get3A_2261] {strides = array<i32>} : memref<4160xf32, #tpu.memory_space<vmem>>, vector<16xf32>,
      %mul3A_2263 = arith.mulf %gather3A_2229, %get3A_2262 : vector<16xf32>
      %add3A_2264 = arith.addf %add3A_2211, %mul3A_2263 : vector<16xf32>
      %get3A_2265 = arith.constant 3200 : index
      %get3A_2266 = tpu.vector_load %arg11[%get3A_2265] {strides = array<i32>} : memref<4160xf32, #tpu.memory_space<vmem>>, vector<16xf32>,
      %mul3A_2267 = arith.mulf %gather3A_2229, %get3A_2266 : vector<16xf32>
      %add3A_2268 = arith.addf %add3A_2215, %mul3A_2267 : vector<16xf32>
      %get3A_2269 = arith.constant 3616 : index
      %get3A_2270 = tpu.vector_load %arg11[%get3A_2269] {strides = array<i32>} : memref<4160xf32, #tpu.memory_space<vmem>>, vector<16xf32>,
      %mul3A_2271 = arith.mulf %gather3A_2229, %get3A_2270 : vector<16xf32>
      %add3A_2272 = arith.addf %add3A_2219, %mul3A_2271 : vector<16xf32>
      %get3A_2273 = arith.constant 4032 : index
      %get3A_2274 = tpu.vector_load %arg11[%get3A_2273] {strides = array<i32>} : memref<4160xf32, #tpu.memory_space<vmem>>, vector<16xf32>,
      %mul3A_2275 = arith.mulf %gather3A_2229, %get3A_2274 : vector<16xf32>
      %add3A_2276 = arith.addf %add3A_2223, %mul3A_2275 : vector<16xf32>
      %slice3A_2277 = vector.extract_strided_slice %rem3A_11 {offsets = [3], sizes = [1], strides = [1]} : vector<16xi32> to vector<1xi32>
      %squeeze3A_2278 = vector.extract %slice3A_2277[0] : i32 from vector<1xi32>
      %broadcast_in_dim3A_2279 = arith.constant 19 : i32
      %broadcast_in_dim3A_2280 = vector.broadcast %broadcast_in_dim3A_2279 : i32 to vector<16xi32>
      %broadcast_in_dim3A_2281 = vector.broadcast %squeeze3A_2278 : i32 to vector<16xi32>
      %gather3A_2282 = tpu.vector_load_idx %arg9[%broadcast_in_dim3A_2280, %iota3A, %broadcast_in_dim3A_2281] : memref<26x16x128xf32, #tpu.memory_space<vmem>>[vector<16xi32>, vector<16xi32>, vector<16xi32>], vector<16xf32>,
      %add3A_2283 = arith.addf %add3A_2230, %gather3A_2282 : vector<16xf32>
      %mul3A_2284 = arith.mulf %gather3A_2282, %gather3A_2282 : vector<16xf32>
      %reduce_sum3A_2285 = arith.constant true
      %reduce_sum3A_2286 = vector.broadcast %reduce_sum3A_2285 : i1 to vector<16xi1>
      %reduce_sum3A_2287 = tpu.scan <sum>, %mul3A_2284 masked %reduce_sum3A_2286 : vector<16xf32>, vector<16xi1> -> vector<16xf32>
      %reduce_sum3A_2288 = vector.extract %reduce_sum3A_2287[15] : f32 from vector<16xf32>
      %add3A_2289 = arith.addf %add3A_2236, %reduce_sum3A_2288 : f32
      %get3A_2290 = arith.constant 304 : index
      %get3A_2291 = tpu.vector_load %arg11[%get3A_2290] {strides = array<i32>} : memref<4160xf32, #tpu.memory_space<vmem>>, vector<16xf32>,
      %mul3A_2292 = arith.mulf %gather3A_2282, %get3A_2291 : vector<16xf32>
      %add3A_2293 = arith.addf %add3A_2240, %mul3A_2292 : vector<16xf32>
      %get3A_2294 = arith.constant 720 : index
      %get3A_2295 = tpu.vector_load %arg11[%get3A_2294] {strides = array<i32>} : memref<4160xf32, #tpu.memory_space<vmem>>, vector<16xf32>,
      %mul3A_2296 = arith.mulf %gather3A_2282, %get3A_2295 : vector<16xf32>
      %add3A_2297 = arith.addf %add3A_2244, %mul3A_2296 : vector<16xf32>
      %get3A_2298 = arith.constant 1136 : index
      %get3A_2299 = tpu.vector_load %arg11[%get3A_2298] {strides = array<i32>} : memref<4160xf32, #tpu.memory_space<vmem>>, vector<16xf32>,
      %mul3A_2300 = arith.mulf %gather3A_2282, %get3A_2299 : vector<16xf32>
      %add3A_2301 = arith.addf %add3A_2248, %mul3A_2300 : vector<16xf32>
      %get3A_2302 = arith.constant 1552 : index
      %get3A_2303 = tpu.vector_load %arg11[%get3A_2302] {strides = array<i32>} : memref<4160xf32, #tpu.memory_space<vmem>>, vector<16xf32>,
      %mul3A_2304 = arith.mulf %gather3A_2282, %get3A_2303 : vector<16xf32>
      %add3A_2305 = arith.addf %add3A_2252, %mul3A_2304 : vector<16xf32>
      %get3A_2306 = arith.constant 1968 : index
      %get3A_2307 = tpu.vector_load %arg11[%get3A_2306] {strides = array<i32>} : memref<4160xf32, #tpu.memory_space<vmem>>, vector<16xf32>,
      %mul3A_2308 = arith.mulf %gather3A_2282, %get3A_2307 : vector<16xf32>
      %add3A_2309 = arith.addf %add3A_2256, %mul3A_2308 : vector<16xf32>
      %get3A_2310 = arith.constant 2384 : index
      %get3A_2311 = tpu.vector_load %arg11[%get3A_2310] {strides = array<i32>} : memref<4160xf32, #tpu.memory_space<vmem>>, vector<16xf32>,
      %mul3A_2312 = arith.mulf %gather3A_2282, %get3A_2311 : vector<16xf32>
      %add3A_2313 = arith.addf %add3A_2260, %mul3A_2312 : vector<16xf32>
      %get3A_2314 = arith.constant 2800 : index
      %get3A_2315 = tpu.vector_load %arg11[%get3A_2314] {strides = array<i32>} : memref<4160xf32, #tpu.memory_space<vmem>>, vector<16xf32>,
      %mul3A_2316 = arith.mulf %gather3A_2282, %get3A_2315 : vector<16xf32>
      %add3A_2317 = arith.addf %add3A_2264, %mul3A_2316 : vector<16xf32>
      %get3A_2318 = arith.constant 3216 : index
      %get3A_2319 = tpu.vector_load %arg11[%get3A_2318] {strides = array<i32>} : memref<4160xf32, #tpu.memory_space<vmem>>, vector<16xf32>,
      %mul3A_2320 = arith.mulf %gather3A_2282, %get3A_2319 : vector<16xf32>
      %add3A_2321 = arith.addf %add3A_2268, %mul3A_2320 : vector<16xf32>
      %get3A_2322 = arith.constant 3632 : index
      %get3A_2323 = tpu.vector_load %arg11[%get3A_2322] {strides = array<i32>} : memref<4160xf32, #tpu.memory_space<vmem>>, vector<16xf32>,
      %mul3A_2324 = arith.mulf %gather3A_2282, %get3A_2323 : vector<16xf32>
      %add3A_2325 = arith.addf %add3A_2272, %mul3A_2324 : vector<16xf32>
      %get3A_2326 = arith.constant 4048 : index
      %get3A_2327 = tpu.vector_load %arg11[%get3A_2326] {strides = array<i32>} : memref<4160xf32, #tpu.memory_space<vmem>>, vector<16xf32>,
      %mul3A_2328 = arith.mulf %gather3A_2282, %get3A_2327 : vector<16xf32>
      %add3A_2329 = arith.addf %add3A_2276, %mul3A_2328 : vector<16xf32>
      %slice3A_2330 = vector.extract_strided_slice %rem3A_11 {offsets = [4], sizes = [1], strides = [1]} : vector<16xi32> to vector<1xi32>
      %squeeze3A_2331 = vector.extract %slice3A_2330[0] : i32 from vector<1xi32>
      %broadcast_in_dim3A_2332 = arith.constant 20 : i32
      %broadcast_in_dim3A_2333 = vector.broadcast %broadcast_in_dim3A_2332 : i32 to vector<16xi32>
      %broadcast_in_dim3A_2334 = vector.broadcast %squeeze3A_2331 : i32 to vector<16xi32>
      %gather3A_2335 = tpu.vector_load_idx %arg9[%broadcast_in_dim3A_2333, %iota3A, %broadcast_in_dim3A_2334] : memref<26x16x128xf32, #tpu.memory_space<vmem>>[vector<16xi32>, vector<16xi32>, vector<16xi32>], vector<16xf32>,
      %add3A_2336 = arith.addf %add3A_2283, %gather3A_2335 : vector<16xf32>
      %mul3A_2337 = arith.mulf %gather3A_2335, %gather3A_2335 : vector<16xf32>
      %reduce_sum3A_2338 = arith.constant true
      %reduce_sum3A_2339 = vector.broadcast %reduce_sum3A_2338 : i1 to vector<16xi1>
      %reduce_sum3A_2340 = tpu.scan <sum>, %mul3A_2337 masked %reduce_sum3A_2339 : vector<16xf32>, vector<16xi1> -> vector<16xf32>
      %reduce_sum3A_2341 = vector.extract %reduce_sum3A_2340[15] : f32 from vector<16xf32>
      %add3A_2342 = arith.addf %add3A_2289, %reduce_sum3A_2341 : f32
      %get3A_2343 = arith.constant 320 : index
      %get3A_2344 = tpu.vector_load %arg11[%get3A_2343] {strides = array<i32>} : memref<4160xf32, #tpu.memory_space<vmem>>, vector<16xf32>,
      %mul3A_2345 = arith.mulf %gather3A_2335, %get3A_2344 : vector<16xf32>
      %add3A_2346 = arith.addf %add3A_2293, %mul3A_2345 : vector<16xf32>
      %get3A_2347 = arith.constant 736 : index
      %get3A_2348 = tpu.vector_load %arg11[%get3A_2347] {strides = array<i32>} : memref<4160xf32, #tpu.memory_space<vmem>>, vector<16xf32>,
      %mul3A_2349 = arith.mulf %gather3A_2335, %get3A_2348 : vector<16xf32>
      %add3A_2350 = arith.addf %add3A_2297, %mul3A_2349 : vector<16xf32>
      %get3A_2351 = arith.constant 1152 : index
      %get3A_2352 = tpu.vector_load %arg11[%get3A_2351] {strides = array<i32>} : memref<4160xf32, #tpu.memory_space<vmem>>, vector<16xf32>,
      %mul3A_2353 = arith.mulf %gather3A_2335, %get3A_2352 : vector<16xf32>
      %add3A_2354 = arith.addf %add3A_2301, %mul3A_2353 : vector<16xf32>
      %get3A_2355 = arith.constant 1568 : index
      %get3A_2356 = tpu.vector_load %arg11[%get3A_2355] {strides = array<i32>} : memref<4160xf32, #tpu.memory_space<vmem>>, vector<16xf32>,
      %mul3A_2357 = arith.mulf %gather3A_2335, %get3A_2356 : vector<16xf32>
      %add3A_2358 = arith.addf %add3A_2305, %mul3A_2357 : vector<16xf32>
      %get3A_2359 = arith.constant 1984 : index
      %get3A_2360 = tpu.vector_load %arg11[%get3A_2359] {strides = array<i32>} : memref<4160xf32, #tpu.memory_space<vmem>>, vector<16xf32>,
      %mul3A_2361 = arith.mulf %gather3A_2335, %get3A_2360 : vector<16xf32>
      %add3A_2362 = arith.addf %add3A_2309, %mul3A_2361 : vector<16xf32>
      %get3A_2363 = arith.constant 2400 : index
      %get3A_2364 = tpu.vector_load %arg11[%get3A_2363] {strides = array<i32>} : memref<4160xf32, #tpu.memory_space<vmem>>, vector<16xf32>,
      %mul3A_2365 = arith.mulf %gather3A_2335, %get3A_2364 : vector<16xf32>
      %add3A_2366 = arith.addf %add3A_2313, %mul3A_2365 : vector<16xf32>
      %get3A_2367 = arith.constant 2816 : index
      %get3A_2368 = tpu.vector_load %arg11[%get3A_2367] {strides = array<i32>} : memref<4160xf32, #tpu.memory_space<vmem>>, vector<16xf32>,
      %mul3A_2369 = arith.mulf %gather3A_2335, %get3A_2368 : vector<16xf32>
      %add3A_2370 = arith.addf %add3A_2317, %mul3A_2369 : vector<16xf32>
      %get3A_2371 = arith.constant 3232 : index
      %get3A_2372 = tpu.vector_load %arg11[%get3A_2371] {strides = array<i32>} : memref<4160xf32, #tpu.memory_space<vmem>>, vector<16xf32>,
      %mul3A_2373 = arith.mulf %gather3A_2335, %get3A_2372 : vector<16xf32>
      %add3A_2374 = arith.addf %add3A_2321, %mul3A_2373 : vector<16xf32>
      %get3A_2375 = arith.constant 3648 : index
      %get3A_2376 = tpu.vector_load %arg11[%get3A_2375] {strides = array<i32>} : memref<4160xf32, #tpu.memory_space<vmem>>, vector<16xf32>,
      %mul3A_2377 = arith.mulf %gather3A_2335, %get3A_2376 : vector<16xf32>
      %add3A_2378 = arith.addf %add3A_2325, %mul3A_2377 : vector<16xf32>
      %get3A_2379 = arith.constant 4064 : index
      %get3A_2380 = tpu.vector_load %arg11[%get3A_2379] {strides = array<i32>} : memref<4160xf32, #tpu.memory_space<vmem>>, vector<16xf32>,
      %mul3A_2381 = arith.mulf %gather3A_2335, %get3A_2380 : vector<16xf32>
      %add3A_2382 = arith.addf %add3A_2329, %mul3A_2381 : vector<16xf32>
      %slice3A_2383 = vector.extract_strided_slice %rem3A_11 {offsets = [5], sizes = [1], strides = [1]} : vector<16xi32> to vector<1xi32>
      %squeeze3A_2384 = vector.extract %slice3A_2383[0] : i32 from vector<1xi32>
      %broadcast_in_dim3A_2385 = arith.constant 21 : i32
      %broadcast_in_dim3A_2386 = vector.broadcast %broadcast_in_dim3A_2385 : i32 to vector<16xi32>
      %broadcast_in_dim3A_2387 = vector.broadcast %squeeze3A_2384 : i32 to vector<16xi32>
      %gather3A_2388 = tpu.vector_load_idx %arg9[%broadcast_in_dim3A_2386, %iota3A, %broadcast_in_dim3A_2387] : memref<26x16x128xf32, #tpu.memory_space<vmem>>[vector<16xi32>, vector<16xi32>, vector<16xi32>], vector<16xf32>,
      %add3A_2389 = arith.addf %add3A_2336, %gather3A_2388 : vector<16xf32>
      %mul3A_2390 = arith.mulf %gather3A_2388, %gather3A_2388 : vector<16xf32>
      %reduce_sum3A_2391 = arith.constant true
      %reduce_sum3A_2392 = vector.broadcast %reduce_sum3A_2391 : i1 to vector<16xi1>
      %reduce_sum3A_2393 = tpu.scan <sum>, %mul3A_2390 masked %reduce_sum3A_2392 : vector<16xf32>, vector<16xi1> -> vector<16xf32>
      %reduce_sum3A_2394 = vector.extract %reduce_sum3A_2393[15] : f32 from vector<16xf32>
      %add3A_2395 = arith.addf %add3A_2342, %reduce_sum3A_2394 : f32
      %get3A_2396 = arith.constant 336 : index
      %get3A_2397 = tpu.vector_load %arg11[%get3A_2396] {strides = array<i32>} : memref<4160xf32, #tpu.memory_space<vmem>>, vector<16xf32>,
      %mul3A_2398 = arith.mulf %gather3A_2388, %get3A_2397 : vector<16xf32>
      %add3A_2399 = arith.addf %add3A_2346, %mul3A_2398 : vector<16xf32>
      %get3A_2400 = arith.constant 752 : index
      %get3A_2401 = tpu.vector_load %arg11[%get3A_2400] {strides = array<i32>} : memref<4160xf32, #tpu.memory_space<vmem>>, vector<16xf32>,
      %mul3A_2402 = arith.mulf %gather3A_2388, %get3A_2401 : vector<16xf32>
      %add3A_2403 = arith.addf %add3A_2350, %mul3A_2402 : vector<16xf32>
      %get3A_2404 = arith.constant 1168 : index
      %get3A_2405 = tpu.vector_load %arg11[%get3A_2404] {strides = array<i32>} : memref<4160xf32, #tpu.memory_space<vmem>>, vector<16xf32>,
      %mul3A_2406 = arith.mulf %gather3A_2388, %get3A_2405 : vector<16xf32>
      %add3A_2407 = arith.addf %add3A_2354, %mul3A_2406 : vector<16xf32>
      %get3A_2408 = arith.constant 1584 : index
      %get3A_2409 = tpu.vector_load %arg11[%get3A_2408] {strides = array<i32>} : memref<4160xf32, #tpu.memory_space<vmem>>, vector<16xf32>,
      %mul3A_2410 = arith.mulf %gather3A_2388, %get3A_2409 : vector<16xf32>
      %add3A_2411 = arith.addf %add3A_2358, %mul3A_2410 : vector<16xf32>
      %get3A_2412 = arith.constant 2000 : index
      %get3A_2413 = tpu.vector_load %arg11[%get3A_2412] {strides = array<i32>} : memref<4160xf32, #tpu.memory_space<vmem>>, vector<16xf32>,
      %mul3A_2414 = arith.mulf %gather3A_2388, %get3A_2413 : vector<16xf32>
      %add3A_2415 = arith.addf %add3A_2362, %mul3A_2414 : vector<16xf32>
      %get3A_2416 = arith.constant 2416 : index
      %get3A_2417 = tpu.vector_load %arg11[%get3A_2416] {strides = array<i32>} : memref<4160xf32, #tpu.memory_space<vmem>>, vector<16xf32>,
      %mul3A_2418 = arith.mulf %gather3A_2388, %get3A_2417 : vector<16xf32>
      %add3A_2419 = arith.addf %add3A_2366, %mul3A_2418 : vector<16xf32>
      %get3A_2420 = arith.constant 2832 : index
      %get3A_2421 = tpu.vector_load %arg11[%get3A_2420] {strides = array<i32>} : memref<4160xf32, #tpu.memory_space<vmem>>, vector<16xf32>,
      %mul3A_2422 = arith.mulf %gather3A_2388, %get3A_2421 : vector<16xf32>
      %add3A_2423 = arith.addf %add3A_2370, %mul3A_2422 : vector<16xf32>
      %get3A_2424 = arith.constant 3248 : index
      %get3A_2425 = tpu.vector_load %arg11[%get3A_2424] {strides = array<i32>} : memref<4160xf32, #tpu.memory_space<vmem>>, vector<16xf32>,
      %mul3A_2426 = arith.mulf %gather3A_2388, %get3A_2425 : vector<16xf32>
      %add3A_2427 = arith.addf %add3A_2374, %mul3A_2426 : vector<16xf32>
      %get3A_2428 = arith.constant 3664 : index
      %get3A_2429 = tpu.vector_load %arg11[%get3A_2428] {strides = array<i32>} : memref<4160xf32, #tpu.memory_space<vmem>>, vector<16xf32>,
      %mul3A_2430 = arith.mulf %gather3A_2388, %get3A_2429 : vector<16xf32>
      %add3A_2431 = arith.addf %add3A_2378, %mul3A_2430 : vector<16xf32>
      %get3A_2432 = arith.constant 4080 : index
      %get3A_2433 = tpu.vector_load %arg11[%get3A_2432] {strides = array<i32>} : memref<4160xf32, #tpu.memory_space<vmem>>, vector<16xf32>,
      %mul3A_2434 = arith.mulf %gather3A_2388, %get3A_2433 : vector<16xf32>
      %add3A_2435 = arith.addf %add3A_2382, %mul3A_2434 : vector<16xf32>
      %slice3A_2436 = vector.extract_strided_slice %rem3A_11 {offsets = [6], sizes = [1], strides = [1]} : vector<16xi32> to vector<1xi32>
      %squeeze3A_2437 = vector.extract %slice3A_2436[0] : i32 from vector<1xi32>
      %broadcast_in_dim3A_2438 = arith.constant 22 : i32
      %broadcast_in_dim3A_2439 = vector.broadcast %broadcast_in_dim3A_2438 : i32 to vector<16xi32>
      %broadcast_in_dim3A_2440 = vector.broadcast %squeeze3A_2437 : i32 to vector<16xi32>
      %gather3A_2441 = tpu.vector_load_idx %arg9[%broadcast_in_dim3A_2439, %iota3A, %broadcast_in_dim3A_2440] : memref<26x16x128xf32, #tpu.memory_space<vmem>>[vector<16xi32>, vector<16xi32>, vector<16xi32>], vector<16xf32>,
      %add3A_2442 = arith.addf %add3A_2389, %gather3A_2441 : vector<16xf32>
      %mul3A_2443 = arith.mulf %gather3A_2441, %gather3A_2441 : vector<16xf32>
      %reduce_sum3A_2444 = arith.constant true
      %reduce_sum3A_2445 = vector.broadcast %reduce_sum3A_2444 : i1 to vector<16xi1>
      %reduce_sum3A_2446 = tpu.scan <sum>, %mul3A_2443 masked %reduce_sum3A_2445 : vector<16xf32>, vector<16xi1> -> vector<16xf32>
      %reduce_sum3A_2447 = vector.extract %reduce_sum3A_2446[15] : f32 from vector<16xf32>
      %add3A_2448 = arith.addf %add3A_2395, %reduce_sum3A_2447 : f32
      %get3A_2449 = arith.constant 352 : index
      %get3A_2450 = tpu.vector_load %arg11[%get3A_2449] {strides = array<i32>} : memref<4160xf32, #tpu.memory_space<vmem>>, vector<16xf32>,
      %mul3A_2451 = arith.mulf %gather3A_2441, %get3A_2450 : vector<16xf32>
      %add3A_2452 = arith.addf %add3A_2399, %mul3A_2451 : vector<16xf32>
      %get3A_2453 = arith.constant 768 : index
      %get3A_2454 = tpu.vector_load %arg11[%get3A_2453] {strides = array<i32>} : memref<4160xf32, #tpu.memory_space<vmem>>, vector<16xf32>,
      %mul3A_2455 = arith.mulf %gather3A_2441, %get3A_2454 : vector<16xf32>
      %add3A_2456 = arith.addf %add3A_2403, %mul3A_2455 : vector<16xf32>
      %get3A_2457 = arith.constant 1184 : index
      %get3A_2458 = tpu.vector_load %arg11[%get3A_2457] {strides = array<i32>} : memref<4160xf32, #tpu.memory_space<vmem>>, vector<16xf32>,
      %mul3A_2459 = arith.mulf %gather3A_2441, %get3A_2458 : vector<16xf32>
      %add3A_2460 = arith.addf %add3A_2407, %mul3A_2459 : vector<16xf32>
      %get3A_2461 = arith.constant 1600 : index
      %get3A_2462 = tpu.vector_load %arg11[%get3A_2461] {strides = array<i32>} : memref<4160xf32, #tpu.memory_space<vmem>>, vector<16xf32>,
      %mul3A_2463 = arith.mulf %gather3A_2441, %get3A_2462 : vector<16xf32>
      %add3A_2464 = arith.addf %add3A_2411, %mul3A_2463 : vector<16xf32>
      %get3A_2465 = arith.constant 2016 : index
      %get3A_2466 = tpu.vector_load %arg11[%get3A_2465] {strides = array<i32>} : memref<4160xf32, #tpu.memory_space<vmem>>, vector<16xf32>,
      %mul3A_2467 = arith.mulf %gather3A_2441, %get3A_2466 : vector<16xf32>
      %add3A_2468 = arith.addf %add3A_2415, %mul3A_2467 : vector<16xf32>
      %get3A_2469 = arith.constant 2432 : index
      %get3A_2470 = tpu.vector_load %arg11[%get3A_2469] {strides = array<i32>} : memref<4160xf32, #tpu.memory_space<vmem>>, vector<16xf32>,
      %mul3A_2471 = arith.mulf %gather3A_2441, %get3A_2470 : vector<16xf32>
      %add3A_2472 = arith.addf %add3A_2419, %mul3A_2471 : vector<16xf32>
      %get3A_2473 = arith.constant 2848 : index
      %get3A_2474 = tpu.vector_load %arg11[%get3A_2473] {strides = array<i32>} : memref<4160xf32, #tpu.memory_space<vmem>>, vector<16xf32>,
      %mul3A_2475 = arith.mulf %gather3A_2441, %get3A_2474 : vector<16xf32>
      %add3A_2476 = arith.addf %add3A_2423, %mul3A_2475 : vector<16xf32>
      %get3A_2477 = arith.constant 3264 : index
      %get3A_2478 = tpu.vector_load %arg11[%get3A_2477] {strides = array<i32>} : memref<4160xf32, #tpu.memory_space<vmem>>, vector<16xf32>,
      %mul3A_2479 = arith.mulf %gather3A_2441, %get3A_2478 : vector<16xf32>
      %add3A_2480 = arith.addf %add3A_2427, %mul3A_2479 : vector<16xf32>
      %get3A_2481 = arith.constant 3680 : index
      %get3A_2482 = tpu.vector_load %arg11[%get3A_2481] {strides = array<i32>} : memref<4160xf32, #tpu.memory_space<vmem>>, vector<16xf32>,
      %mul3A_2483 = arith.mulf %gather3A_2441, %get3A_2482 : vector<16xf32>
      %add3A_2484 = arith.addf %add3A_2431, %mul3A_2483 : vector<16xf32>
      %get3A_2485 = arith.constant 4096 : index
      %get3A_2486 = tpu.vector_load %arg11[%get3A_2485] {strides = array<i32>} : memref<4160xf32, #tpu.memory_space<vmem>>, vector<16xf32>,
      %mul3A_2487 = arith.mulf %gather3A_2441, %get3A_2486 : vector<16xf32>
      %add3A_2488 = arith.addf %add3A_2435, %mul3A_2487 : vector<16xf32>
      %slice3A_2489 = vector.extract_strided_slice %rem3A_11 {offsets = [7], sizes = [1], strides = [1]} : vector<16xi32> to vector<1xi32>
      %squeeze3A_2490 = vector.extract %slice3A_2489[0] : i32 from vector<1xi32>
      %broadcast_in_dim3A_2491 = arith.constant 23 : i32
      %broadcast_in_dim3A_2492 = vector.broadcast %broadcast_in_dim3A_2491 : i32 to vector<16xi32>
      %broadcast_in_dim3A_2493 = vector.broadcast %squeeze3A_2490 : i32 to vector<16xi32>
      %gather3A_2494 = tpu.vector_load_idx %arg9[%broadcast_in_dim3A_2492, %iota3A, %broadcast_in_dim3A_2493] : memref<26x16x128xf32, #tpu.memory_space<vmem>>[vector<16xi32>, vector<16xi32>, vector<16xi32>], vector<16xf32>,
      %add3A_2495 = arith.addf %add3A_2442, %gather3A_2494 : vector<16xf32>
      %mul3A_2496 = arith.mulf %gather3A_2494, %gather3A_2494 : vector<16xf32>
      %reduce_sum3A_2497 = arith.constant true
      %reduce_sum3A_2498 = vector.broadcast %reduce_sum3A_2497 : i1 to vector<16xi1>
      %reduce_sum3A_2499 = tpu.scan <sum>, %mul3A_2496 masked %reduce_sum3A_2498 : vector<16xf32>, vector<16xi1> -> vector<16xf32>
      %reduce_sum3A_2500 = vector.extract %reduce_sum3A_2499[15] : f32 from vector<16xf32>
      %add3A_2501 = arith.addf %add3A_2448, %reduce_sum3A_2500 : f32
      %get3A_2502 = arith.constant 368 : index
      %get3A_2503 = tpu.vector_load %arg11[%get3A_2502] {strides = array<i32>} : memref<4160xf32, #tpu.memory_space<vmem>>, vector<16xf32>,
      %mul3A_2504 = arith.mulf %gather3A_2494, %get3A_2503 : vector<16xf32>
      %add3A_2505 = arith.addf %add3A_2452, %mul3A_2504 : vector<16xf32>
      %get3A_2506 = arith.constant 784 : index
      %get3A_2507 = tpu.vector_load %arg11[%get3A_2506] {strides = array<i32>} : memref<4160xf32, #tpu.memory_space<vmem>>, vector<16xf32>,
      %mul3A_2508 = arith.mulf %gather3A_2494, %get3A_2507 : vector<16xf32>
      %add3A_2509 = arith.addf %add3A_2456, %mul3A_2508 : vector<16xf32>
      %get3A_2510 = arith.constant 1200 : index
      %get3A_2511 = tpu.vector_load %arg11[%get3A_2510] {strides = array<i32>} : memref<4160xf32, #tpu.memory_space<vmem>>, vector<16xf32>,
      %mul3A_2512 = arith.mulf %gather3A_2494, %get3A_2511 : vector<16xf32>
      %add3A_2513 = arith.addf %add3A_2460, %mul3A_2512 : vector<16xf32>
      %get3A_2514 = arith.constant 1616 : index
      %get3A_2515 = tpu.vector_load %arg11[%get3A_2514] {strides = array<i32>} : memref<4160xf32, #tpu.memory_space<vmem>>, vector<16xf32>,
      %mul3A_2516 = arith.mulf %gather3A_2494, %get3A_2515 : vector<16xf32>
      %add3A_2517 = arith.addf %add3A_2464, %mul3A_2516 : vector<16xf32>
      %get3A_2518 = arith.constant 2032 : index
      %get3A_2519 = tpu.vector_load %arg11[%get3A_2518] {strides = array<i32>} : memref<4160xf32, #tpu.memory_space<vmem>>, vector<16xf32>,
      %mul3A_2520 = arith.mulf %gather3A_2494, %get3A_2519 : vector<16xf32>
      %add3A_2521 = arith.addf %add3A_2468, %mul3A_2520 : vector<16xf32>
      %get3A_2522 = arith.constant 2448 : index
      %get3A_2523 = tpu.vector_load %arg11[%get3A_2522] {strides = array<i32>} : memref<4160xf32, #tpu.memory_space<vmem>>, vector<16xf32>,
      %mul3A_2524 = arith.mulf %gather3A_2494, %get3A_2523 : vector<16xf32>
      %add3A_2525 = arith.addf %add3A_2472, %mul3A_2524 : vector<16xf32>
      %get3A_2526 = arith.constant 2864 : index
      %get3A_2527 = tpu.vector_load %arg11[%get3A_2526] {strides = array<i32>} : memref<4160xf32, #tpu.memory_space<vmem>>, vector<16xf32>,
      %mul3A_2528 = arith.mulf %gather3A_2494, %get3A_2527 : vector<16xf32>
      %add3A_2529 = arith.addf %add3A_2476, %mul3A_2528 : vector<16xf32>
      %get3A_2530 = arith.constant 3280 : index
      %get3A_2531 = tpu.vector_load %arg11[%get3A_2530] {strides = array<i32>} : memref<4160xf32, #tpu.memory_space<vmem>>, vector<16xf32>,
      %mul3A_2532 = arith.mulf %gather3A_2494, %get3A_2531 : vector<16xf32>
      %add3A_2533 = arith.addf %add3A_2480, %mul3A_2532 : vector<16xf32>
      %get3A_2534 = arith.constant 3696 : index
      %get3A_2535 = tpu.vector_load %arg11[%get3A_2534] {strides = array<i32>} : memref<4160xf32, #tpu.memory_space<vmem>>, vector<16xf32>,
      %mul3A_2536 = arith.mulf %gather3A_2494, %get3A_2535 : vector<16xf32>
      %add3A_2537 = arith.addf %add3A_2484, %mul3A_2536 : vector<16xf32>
      %get3A_2538 = arith.constant 4112 : index
      %get3A_2539 = tpu.vector_load %arg11[%get3A_2538] {strides = array<i32>} : memref<4160xf32, #tpu.memory_space<vmem>>, vector<16xf32>,
      %mul3A_2540 = arith.mulf %gather3A_2494, %get3A_2539 : vector<16xf32>
      %add3A_2541 = arith.addf %add3A_2488, %mul3A_2540 : vector<16xf32>
      %slice3A_2542 = vector.extract_strided_slice %rem3A_11 {offsets = [8], sizes = [1], strides = [1]} : vector<16xi32> to vector<1xi32>
      %squeeze3A_2543 = vector.extract %slice3A_2542[0] : i32 from vector<1xi32>
      %broadcast_in_dim3A_2544 = arith.constant 24 : i32
      %broadcast_in_dim3A_2545 = vector.broadcast %broadcast_in_dim3A_2544 : i32 to vector<16xi32>
      %broadcast_in_dim3A_2546 = vector.broadcast %squeeze3A_2543 : i32 to vector<16xi32>
      %gather3A_2547 = tpu.vector_load_idx %arg9[%broadcast_in_dim3A_2545, %iota3A, %broadcast_in_dim3A_2546] : memref<26x16x128xf32, #tpu.memory_space<vmem>>[vector<16xi32>, vector<16xi32>, vector<16xi32>], vector<16xf32>,
      %add3A_2548 = arith.addf %add3A_2495, %gather3A_2547 : vector<16xf32>
      %mul3A_2549 = arith.mulf %gather3A_2547, %gather3A_2547 : vector<16xf32>
      %reduce_sum3A_2550 = arith.constant true
      %reduce_sum3A_2551 = vector.broadcast %reduce_sum3A_2550 : i1 to vector<16xi1>
      %reduce_sum3A_2552 = tpu.scan <sum>, %mul3A_2549 masked %reduce_sum3A_2551 : vector<16xf32>, vector<16xi1> -> vector<16xf32>
      %reduce_sum3A_2553 = vector.extract %reduce_sum3A_2552[15] : f32 from vector<16xf32>
      %add3A_2554 = arith.addf %add3A_2501, %reduce_sum3A_2553 : f32
      %get3A_2555 = arith.constant 384 : index
      %get3A_2556 = tpu.vector_load %arg11[%get3A_2555] {strides = array<i32>} : memref<4160xf32, #tpu.memory_space<vmem>>, vector<16xf32>,
      %mul3A_2557 = arith.mulf %gather3A_2547, %get3A_2556 : vector<16xf32>
      %add3A_2558 = arith.addf %add3A_2505, %mul3A_2557 : vector<16xf32>
      %get3A_2559 = arith.constant 800 : index
      %get3A_2560 = tpu.vector_load %arg11[%get3A_2559] {strides = array<i32>} : memref<4160xf32, #tpu.memory_space<vmem>>, vector<16xf32>,
      %mul3A_2561 = arith.mulf %gather3A_2547, %get3A_2560 : vector<16xf32>
      %add3A_2562 = arith.addf %add3A_2509, %mul3A_2561 : vector<16xf32>
      %get3A_2563 = arith.constant 1216 : index
      %get3A_2564 = tpu.vector_load %arg11[%get3A_2563] {strides = array<i32>} : memref<4160xf32, #tpu.memory_space<vmem>>, vector<16xf32>,
      %mul3A_2565 = arith.mulf %gather3A_2547, %get3A_2564 : vector<16xf32>
      %add3A_2566 = arith.addf %add3A_2513, %mul3A_2565 : vector<16xf32>
      %get3A_2567 = arith.constant 1632 : index
      %get3A_2568 = tpu.vector_load %arg11[%get3A_2567] {strides = array<i32>} : memref<4160xf32, #tpu.memory_space<vmem>>, vector<16xf32>,
      %mul3A_2569 = arith.mulf %gather3A_2547, %get3A_2568 : vector<16xf32>
      %add3A_2570 = arith.addf %add3A_2517, %mul3A_2569 : vector<16xf32>
      %get3A_2571 = arith.constant 2048 : index
      %get3A_2572 = tpu.vector_load %arg11[%get3A_2571] {strides = array<i32>} : memref<4160xf32, #tpu.memory_space<vmem>>, vector<16xf32>,
      %mul3A_2573 = arith.mulf %gather3A_2547, %get3A_2572 : vector<16xf32>
      %add3A_2574 = arith.addf %add3A_2521, %mul3A_2573 : vector<16xf32>
      %get3A_2575 = arith.constant 2464 : index
      %get3A_2576 = tpu.vector_load %arg11[%get3A_2575] {strides = array<i32>} : memref<4160xf32, #tpu.memory_space<vmem>>, vector<16xf32>,
      %mul3A_2577 = arith.mulf %gather3A_2547, %get3A_2576 : vector<16xf32>
      %add3A_2578 = arith.addf %add3A_2525, %mul3A_2577 : vector<16xf32>
      %get3A_2579 = arith.constant 2880 : index
      %get3A_2580 = tpu.vector_load %arg11[%get3A_2579] {strides = array<i32>} : memref<4160xf32, #tpu.memory_space<vmem>>, vector<16xf32>,
      %mul3A_2581 = arith.mulf %gather3A_2547, %get3A_2580 : vector<16xf32>
      %add3A_2582 = arith.addf %add3A_2529, %mul3A_2581 : vector<16xf32>
      %get3A_2583 = arith.constant 3296 : index
      %get3A_2584 = tpu.vector_load %arg11[%get3A_2583] {strides = array<i32>} : memref<4160xf32, #tpu.memory_space<vmem>>, vector<16xf32>,
      %mul3A_2585 = arith.mulf %gather3A_2547, %get3A_2584 : vector<16xf32>
      %add3A_2586 = arith.addf %add3A_2533, %mul3A_2585 : vector<16xf32>
      %get3A_2587 = arith.constant 3712 : index
      %get3A_2588 = tpu.vector_load %arg11[%get3A_2587] {strides = array<i32>} : memref<4160xf32, #tpu.memory_space<vmem>>, vector<16xf32>,
      %mul3A_2589 = arith.mulf %gather3A_2547, %get3A_2588 : vector<16xf32>
      %add3A_2590 = arith.addf %add3A_2537, %mul3A_2589 : vector<16xf32>
      %get3A_2591 = arith.constant 4128 : index
      %get3A_2592 = tpu.vector_load %arg11[%get3A_2591] {strides = array<i32>} : memref<4160xf32, #tpu.memory_space<vmem>>, vector<16xf32>,
      %mul3A_2593 = arith.mulf %gather3A_2547, %get3A_2592 : vector<16xf32>
      %add3A_2594 = arith.addf %add3A_2541, %mul3A_2593 : vector<16xf32>
      %slice3A_2595 = vector.extract_strided_slice %rem3A_11 {offsets = [9], sizes = [1], strides = [1]} : vector<16xi32> to vector<1xi32>
      %squeeze3A_2596 = vector.extract %slice3A_2595[0] : i32 from vector<1xi32>
      %broadcast_in_dim3A_2597 = arith.constant 25 : i32
      %broadcast_in_dim3A_2598 = vector.broadcast %broadcast_in_dim3A_2597 : i32 to vector<16xi32>
      %broadcast_in_dim3A_2599 = vector.broadcast %squeeze3A_2596 : i32 to vector<16xi32>
      %gather3A_2600 = tpu.vector_load_idx %arg9[%broadcast_in_dim3A_2598, %iota3A, %broadcast_in_dim3A_2599] : memref<26x16x128xf32, #tpu.memory_space<vmem>>[vector<16xi32>, vector<16xi32>, vector<16xi32>], vector<16xf32>,
      %add3A_2601 = arith.addf %add3A_2548, %gather3A_2600 : vector<16xf32>
      %mul3A_2602 = arith.mulf %gather3A_2600, %gather3A_2600 : vector<16xf32>
      %reduce_sum3A_2603 = arith.constant true
      %reduce_sum3A_2604 = vector.broadcast %reduce_sum3A_2603 : i1 to vector<16xi1>
      %reduce_sum3A_2605 = tpu.scan <sum>, %mul3A_2602 masked %reduce_sum3A_2604 : vector<16xf32>, vector<16xi1> -> vector<16xf32>
      %reduce_sum3A_2606 = vector.extract %reduce_sum3A_2605[15] : f32 from vector<16xf32>
      %add3A_2607 = arith.addf %add3A_2554, %reduce_sum3A_2606 : f32
      %get3A_2608 = arith.constant 400 : index
      %get3A_2609 = tpu.vector_load %arg11[%get3A_2608] {strides = array<i32>} : memref<4160xf32, #tpu.memory_space<vmem>>, vector<16xf32>,
      %mul3A_2610 = arith.mulf %gather3A_2600, %get3A_2609 : vector<16xf32>
      %add3A_2611 = arith.addf %add3A_2558, %mul3A_2610 : vector<16xf32>
      %get3A_2612 = arith.constant 816 : index
      %get3A_2613 = tpu.vector_load %arg11[%get3A_2612] {strides = array<i32>} : memref<4160xf32, #tpu.memory_space<vmem>>, vector<16xf32>,
      %mul3A_2614 = arith.mulf %gather3A_2600, %get3A_2613 : vector<16xf32>
      %add3A_2615 = arith.addf %add3A_2562, %mul3A_2614 : vector<16xf32>
      %get3A_2616 = arith.constant 1232 : index
      %get3A_2617 = tpu.vector_load %arg11[%get3A_2616] {strides = array<i32>} : memref<4160xf32, #tpu.memory_space<vmem>>, vector<16xf32>,
      %mul3A_2618 = arith.mulf %gather3A_2600, %get3A_2617 : vector<16xf32>
      %add3A_2619 = arith.addf %add3A_2566, %mul3A_2618 : vector<16xf32>
      %get3A_2620 = arith.constant 1648 : index
      %get3A_2621 = tpu.vector_load %arg11[%get3A_2620] {strides = array<i32>} : memref<4160xf32, #tpu.memory_space<vmem>>, vector<16xf32>,
      %mul3A_2622 = arith.mulf %gather3A_2600, %get3A_2621 : vector<16xf32>
      %add3A_2623 = arith.addf %add3A_2570, %mul3A_2622 : vector<16xf32>
      %get3A_2624 = arith.constant 2064 : index
      %get3A_2625 = tpu.vector_load %arg11[%get3A_2624] {strides = array<i32>} : memref<4160xf32, #tpu.memory_space<vmem>>, vector<16xf32>,
      %mul3A_2626 = arith.mulf %gather3A_2600, %get3A_2625 : vector<16xf32>
      %add3A_2627 = arith.addf %add3A_2574, %mul3A_2626 : vector<16xf32>
      %get3A_2628 = arith.constant 2480 : index
      %get3A_2629 = tpu.vector_load %arg11[%get3A_2628] {strides = array<i32>} : memref<4160xf32, #tpu.memory_space<vmem>>, vector<16xf32>,
      %mul3A_2630 = arith.mulf %gather3A_2600, %get3A_2629 : vector<16xf32>
      %add3A_2631 = arith.addf %add3A_2578, %mul3A_2630 : vector<16xf32>
      %get3A_2632 = arith.constant 2896 : index
      %get3A_2633 = tpu.vector_load %arg11[%get3A_2632] {strides = array<i32>} : memref<4160xf32, #tpu.memory_space<vmem>>, vector<16xf32>,
      %mul3A_2634 = arith.mulf %gather3A_2600, %get3A_2633 : vector<16xf32>
      %add3A_2635 = arith.addf %add3A_2582, %mul3A_2634 : vector<16xf32>
      %get3A_2636 = arith.constant 3312 : index
      %get3A_2637 = tpu.vector_load %arg11[%get3A_2636] {strides = array<i32>} : memref<4160xf32, #tpu.memory_space<vmem>>, vector<16xf32>,
      %mul3A_2638 = arith.mulf %gather3A_2600, %get3A_2637 : vector<16xf32>
      %add3A_2639 = arith.addf %add3A_2586, %mul3A_2638 : vector<16xf32>
      %get3A_2640 = arith.constant 3728 : index
      %get3A_2641 = tpu.vector_load %arg11[%get3A_2640] {strides = array<i32>} : memref<4160xf32, #tpu.memory_space<vmem>>, vector<16xf32>,
      %mul3A_2642 = arith.mulf %gather3A_2600, %get3A_2641 : vector<16xf32>
      %add3A_2643 = arith.addf %add3A_2590, %mul3A_2642 : vector<16xf32>
      %get3A_2644 = arith.constant 4144 : index
      %get3A_2645 = tpu.vector_load %arg11[%get3A_2644] {strides = array<i32>} : memref<4160xf32, #tpu.memory_space<vmem>>, vector<16xf32>,
      %mul3A_2646 = arith.mulf %gather3A_2600, %get3A_2645 : vector<16xf32>
      %add3A_2647 = arith.addf %add3A_2594, %mul3A_2646 : vector<16xf32>
      %mul3A_2648 = arith.mulf %add3A_2601, %add3A_2601 : vector<16xf32>
      %reduce_sum3A_2649 = arith.constant true
      %reduce_sum3A_2650 = vector.broadcast %reduce_sum3A_2649 : i1 to vector<16xi1>
      %reduce_sum3A_2651 = tpu.scan <sum>, %mul3A_2648 masked %reduce_sum3A_2650 : vector<16xf32>, vector<16xi1> -> vector<16xf32>
      %reduce_sum3A_2652 = vector.extract %reduce_sum3A_2651[15] : f32 from vector<16xf32>
      %sub3A = arith.subf %reduce_sum3A_2652, %add3A_2607 : f32
      %mul3A_2653 = arith.constant 5.000000e-01 : f32
      %mul3A_2654 = arith.mulf %mul3A_2653, %sub3A : f32
      %gather3A_2655 = tpu.vector_load_idx %arg10[%iota3A, %rem3A_8] : memref<32x128xf32, #tpu.memory_space<vmem>>[vector<16xi32>, vector<16xi32>], vector<16xf32>,
      %add3A_2656 = arith.constant 16 : i32
      %add3A_2657 = vector.broadcast %add3A_2656 : i32 to vector<16xi32>
      %add3A_2658 = arith.addi %iota3A, %add3A_2657 : vector<16xi32>
      %gather3A_2659 = tpu.vector_load_idx %arg10[%add3A_2658, %rem3A_11] : memref<32x128xf32, #tpu.memory_space<vmem>>[vector<16xi32>, vector<16xi32>], vector<16xf32>,
      %lt3A = arith.constant 10 : i32
      %lt3A_2660 = vector.broadcast %lt3A : i32 to vector<16xi32>
      %lt3A_2661 = arith.cmpi slt, %iota3A, %lt3A_2660 : vector<16xi32>
      %jit3A = arith.constant 0.000000e+00 : f32
      %broadcast_in_dim3A_2662 = vector.broadcast %jit3A : f32 to vector<16xf32>
      %select_n3A = arith.select %lt3A_2661, %gather3A_2659, %broadcast_in_dim3A_2662 : vector<16xi1>, vector<16xf32>
      %add3A_2663 = arith.addf %gather3A_2655, %select_n3A : vector<16xf32>
      %reduce_sum3A_2664 = arith.constant true
      %reduce_sum3A_2665 = vector.broadcast %reduce_sum3A_2664 : i1 to vector<16xi1>
      %reduce_sum3A_2666 = tpu.scan <sum>, %add3A_2663 masked %reduce_sum3A_2665 : vector<16xf32>, vector<16xi1> -> vector<16xf32>
      %reduce_sum3A_2667 = vector.extract %reduce_sum3A_2666[15] : f32 from vector<16xf32>
      %reduce_sum3A_2668 = arith.constant true
      %reduce_sum3A_2669 = vector.broadcast %reduce_sum3A_2668 : i1 to vector<16xi1>
      %reduce_sum3A_2670 = tpu.scan <sum>, %add3A_2611 masked %reduce_sum3A_2669 : vector<16xf32>, vector<16xi1> -> vector<16xf32>
      %reduce_sum3A_2671 = vector.extract %reduce_sum3A_2670[15] : f32 from vector<16xf32>
      %slice3A_2672 = vector.extract_strided_slice %get3A_1248 {offsets = [4], sizes = [1], strides = [1]} : vector<16xf32> to vector<1xf32>
      %squeeze3A_2673 = vector.extract %slice3A_2672[0] : f32 from vector<1xf32>
      %add3A_2674 = arith.addf %reduce_sum3A_2671, %squeeze3A_2673 : f32
      %max3A = arith.constant 0.000000e+00 : f32
      %max3A_2675 = arith.maximumf %add3A_2674, %max3A : f32
      %reduce_sum3A_2676 = arith.constant true
      %reduce_sum3A_2677 = vector.broadcast %reduce_sum3A_2676 : i1 to vector<16xi1>
      %reduce_sum3A_2678 = tpu.scan <sum>, %add3A_2615 masked %reduce_sum3A_2677 : vector<16xf32>, vector<16xi1> -> vector<16xf32>
      %reduce_sum3A_2679 = vector.extract %reduce_sum3A_2678[15] : f32 from vector<16xf32>
      %slice3A_2680 = vector.extract_strided_slice %get3A_1248 {offsets = [5], sizes = [1], strides = [1]} : vector<16xf32> to vector<1xf32>
      %squeeze3A_2681 = vector.extract %slice3A_2680[0] : f32 from vector<1xf32>
      %add3A_2682 = arith.addf %reduce_sum3A_2679, %squeeze3A_2681 : f32
      %max3A_2683 = arith.constant 0.000000e+00 : f32
      %max3A_2684 = arith.maximumf %add3A_2682, %max3A_2683 : f32
      %reduce_sum3A_2685 = arith.constant true
      %reduce_sum3A_2686 = vector.broadcast %reduce_sum3A_2685 : i1 to vector<16xi1>
      %reduce_sum3A_2687 = tpu.scan <sum>, %add3A_2619 masked %reduce_sum3A_2686 : vector<16xf32>, vector<16xi1> -> vector<16xf32>
      %reduce_sum3A_2688 = vector.extract %reduce_sum3A_2687[15] : f32 from vector<16xf32>
      %slice3A_2689 = vector.extract_strided_slice %get3A_1248 {offsets = [6], sizes = [1], strides = [1]} : vector<16xf32> to vector<1xf32>
      %squeeze3A_2690 = vector.extract %slice3A_2689[0] : f32 from vector<1xf32>
      %add3A_2691 = arith.addf %reduce_sum3A_2688, %squeeze3A_2690 : f32
      %max3A_2692 = arith.constant 0.000000e+00 : f32
      %max3A_2693 = arith.maximumf %add3A_2691, %max3A_2692 : f32
      %reduce_sum3A_2694 = arith.constant true
      %reduce_sum3A_2695 = vector.broadcast %reduce_sum3A_2694 : i1 to vector<16xi1>
      %reduce_sum3A_2696 = tpu.scan <sum>, %add3A_2623 masked %reduce_sum3A_2695 : vector<16xf32>, vector<16xi1> -> vector<16xf32>
      %reduce_sum3A_2697 = vector.extract %reduce_sum3A_2696[15] : f32 from vector<16xf32>
      %slice3A_2698 = vector.extract_strided_slice %get3A_1248 {offsets = [7], sizes = [1], strides = [1]} : vector<16xf32> to vector<1xf32>
      %squeeze3A_2699 = vector.extract %slice3A_2698[0] : f32 from vector<1xf32>
      %add3A_2700 = arith.addf %reduce_sum3A_2697, %squeeze3A_2699 : f32
      %max3A_2701 = arith.constant 0.000000e+00 : f32
      %max3A_2702 = arith.maximumf %add3A_2700, %max3A_2701 : f32
      %reduce_sum3A_2703 = arith.constant true
      %reduce_sum3A_2704 = vector.broadcast %reduce_sum3A_2703 : i1 to vector<16xi1>
      %reduce_sum3A_2705 = tpu.scan <sum>, %add3A_2627 masked %reduce_sum3A_2704 : vector<16xf32>, vector<16xi1> -> vector<16xf32>
      %reduce_sum3A_2706 = vector.extract %reduce_sum3A_2705[15] : f32 from vector<16xf32>
      %slice3A_2707 = vector.extract_strided_slice %get3A_1248 {offsets = [8], sizes = [1], strides = [1]} : vector<16xf32> to vector<1xf32>
      %squeeze3A_2708 = vector.extract %slice3A_2707[0] : f32 from vector<1xf32>
      %add3A_2709 = arith.addf %reduce_sum3A_2706, %squeeze3A_2708 : f32
      %max3A_2710 = arith.constant 0.000000e+00 : f32
      %max3A_2711 = arith.maximumf %add3A_2709, %max3A_2710 : f32
      %reduce_sum3A_2712 = arith.constant true
      %reduce_sum3A_2713 = vector.broadcast %reduce_sum3A_2712 : i1 to vector<16xi1>
      %reduce_sum3A_2714 = tpu.scan <sum>, %add3A_2631 masked %reduce_sum3A_2713 : vector<16xf32>, vector<16xi1> -> vector<16xf32>
      %reduce_sum3A_2715 = vector.extract %reduce_sum3A_2714[15] : f32 from vector<16xf32>
      %slice3A_2716 = vector.extract_strided_slice %get3A_1248 {offsets = [9], sizes = [1], strides = [1]} : vector<16xf32> to vector<1xf32>
      %squeeze3A_2717 = vector.extract %slice3A_2716[0] : f32 from vector<1xf32>
      %add3A_2718 = arith.addf %reduce_sum3A_2715, %squeeze3A_2717 : f32
      %max3A_2719 = arith.constant 0.000000e+00 : f32
      %max3A_2720 = arith.maximumf %add3A_2718, %max3A_2719 : f32
      %reduce_sum3A_2721 = arith.constant true
      %reduce_sum3A_2722 = vector.broadcast %reduce_sum3A_2721 : i1 to vector<16xi1>
      %reduce_sum3A_2723 = tpu.scan <sum>, %add3A_2635 masked %reduce_sum3A_2722 : vector<16xf32>, vector<16xi1> -> vector<16xf32>
      %reduce_sum3A_2724 = vector.extract %reduce_sum3A_2723[15] : f32 from vector<16xf32>
      %slice3A_2725 = vector.extract_strided_slice %get3A_1248 {offsets = [10], sizes = [1], strides = [1]} : vector<16xf32> to vector<1xf32>
      %squeeze3A_2726 = vector.extract %slice3A_2725[0] : f32 from vector<1xf32>
      %add3A_2727 = arith.addf %reduce_sum3A_2724, %squeeze3A_2726 : f32
      %max3A_2728 = arith.constant 0.000000e+00 : f32
      %max3A_2729 = arith.maximumf %add3A_2727, %max3A_2728 : f32
      %reduce_sum3A_2730 = arith.constant true
      %reduce_sum3A_2731 = vector.broadcast %reduce_sum3A_2730 : i1 to vector<16xi1>
      %reduce_sum3A_2732 = tpu.scan <sum>, %add3A_2639 masked %reduce_sum3A_2731 : vector<16xf32>, vector<16xi1> -> vector<16xf32>
      %reduce_sum3A_2733 = vector.extract %reduce_sum3A_2732[15] : f32 from vector<16xf32>
      %slice3A_2734 = vector.extract_strided_slice %get3A_1248 {offsets = [11], sizes = [1], strides = [1]} : vector<16xf32> to vector<1xf32>
      %squeeze3A_2735 = vector.extract %slice3A_2734[0] : f32 from vector<1xf32>
      %add3A_2736 = arith.addf %reduce_sum3A_2733, %squeeze3A_2735 : f32
      %max3A_2737 = arith.constant 0.000000e+00 : f32
      %max3A_2738 = arith.maximumf %add3A_2736, %max3A_2737 : f32
      %reduce_sum3A_2739 = arith.constant true
      %reduce_sum3A_2740 = vector.broadcast %reduce_sum3A_2739 : i1 to vector<16xi1>
      %reduce_sum3A_2741 = tpu.scan <sum>, %add3A_2643 masked %reduce_sum3A_2740 : vector<16xf32>, vector<16xi1> -> vector<16xf32>
      %reduce_sum3A_2742 = vector.extract %reduce_sum3A_2741[15] : f32 from vector<16xf32>
      %slice3A_2743 = vector.extract_strided_slice %get3A_1248 {offsets = [12], sizes = [1], strides = [1]} : vector<16xf32> to vector<1xf32>
      %squeeze3A_2744 = vector.extract %slice3A_2743[0] : f32 from vector<1xf32>
      %add3A_2745 = arith.addf %reduce_sum3A_2742, %squeeze3A_2744 : f32
      %max3A_2746 = arith.constant 0.000000e+00 : f32
      %max3A_2747 = arith.maximumf %add3A_2745, %max3A_2746 : f32
      %reduce_sum3A_2748 = arith.constant true
      %reduce_sum3A_2749 = vector.broadcast %reduce_sum3A_2748 : i1 to vector<16xi1>
      %reduce_sum3A_2750 = tpu.scan <sum>, %add3A_2647 masked %reduce_sum3A_2749 : vector<16xf32>, vector<16xi1> -> vector<16xf32>
      %reduce_sum3A_2751 = vector.extract %reduce_sum3A_2750[15] : f32 from vector<16xf32>
      %slice3A_2752 = vector.extract_strided_slice %get3A_1248 {offsets = [13], sizes = [1], strides = [1]} : vector<16xf32> to vector<1xf32>
      %squeeze3A_2753 = vector.extract %slice3A_2752[0] : f32 from vector<1xf32>
      %add3A_2754 = arith.addf %reduce_sum3A_2751, %squeeze3A_2753 : f32
      %max3A_2755 = arith.constant 0.000000e+00 : f32
      %max3A_2756 = arith.maximumf %add3A_2754, %max3A_2755 : f32
      %slice3A_2757 = vector.extract_strided_slice %get3A_1248 {offsets = [14], sizes = [1], strides = [1]} : vector<16xf32> to vector<1xf32>
      %squeeze3A_2758 = vector.extract %slice3A_2757[0] : f32 from vector<1xf32>
      %slice3A_2759 = vector.extract_strided_slice %get3A_1240 {offsets = [0], sizes = [1], strides = [1]} : vector<16xf32> to vector<1xf32>
      %squeeze3A_2760 = vector.extract %slice3A_2759[0] : f32 from vector<1xf32>
      %mul3A_2761 = arith.mulf %max3A_2675, %squeeze3A_2760 : f32
      %add3A_2762 = arith.addf %squeeze3A_2758, %mul3A_2761 : f32
      %slice3A_2763 = vector.extract_strided_slice %get3A_1240 {offsets = [5], sizes = [1], strides = [1]} : vector<16xf32> to vector<1xf32>
      %squeeze3A_2764 = vector.extract %slice3A_2763[0] : f32 from vector<1xf32>
      %mul3A_2765 = arith.mulf %max3A_2684, %squeeze3A_2764 : f32
      %add3A_2766 = arith.addf %add3A_2762, %mul3A_2765 : f32
      %slice3A_2767 = vector.extract_strided_slice %get3A_1240 {offsets = [10], sizes = [1], strides = [1]} : vector<16xf32> to vector<1xf32>
      %squeeze3A_2768 = vector.extract %slice3A_2767[0] : f32 from vector<1xf32>
      %mul3A_2769 = arith.mulf %max3A_2693, %squeeze3A_2768 : f32
      %add3A_2770 = arith.addf %add3A_2766, %mul3A_2769 : f32
      %slice3A_2771 = vector.extract_strided_slice %get3A_1240 {offsets = [15], sizes = [1], strides = [1]} : vector<16xf32> to vector<1xf32>
      %squeeze3A_2772 = vector.extract %slice3A_2771[0] : f32 from vector<1xf32>
      %mul3A_2773 = arith.mulf %max3A_2702, %squeeze3A_2772 : f32
      %add3A_2774 = arith.addf %add3A_2770, %mul3A_2773 : f32
      %slice3A_2775 = vector.extract_strided_slice %get3A_1242 {offsets = [4], sizes = [1], strides = [1]} : vector<16xf32> to vector<1xf32>
      %squeeze3A_2776 = vector.extract %slice3A_2775[0] : f32 from vector<1xf32>
      %mul3A_2777 = arith.mulf %max3A_2711, %squeeze3A_2776 : f32
      %add3A_2778 = arith.addf %add3A_2774, %mul3A_2777 : f32
      %slice3A_2779 = vector.extract_strided_slice %get3A_1242 {offsets = [9], sizes = [1], strides = [1]} : vector<16xf32> to vector<1xf32>
      %squeeze3A_2780 = vector.extract %slice3A_2779[0] : f32 from vector<1xf32>
      %mul3A_2781 = arith.mulf %max3A_2720, %squeeze3A_2780 : f32
      %add3A_2782 = arith.addf %add3A_2778, %mul3A_2781 : f32
      %slice3A_2783 = vector.extract_strided_slice %get3A_1242 {offsets = [14], sizes = [1], strides = [1]} : vector<16xf32> to vector<1xf32>
      %squeeze3A_2784 = vector.extract %slice3A_2783[0] : f32 from vector<1xf32>
      %mul3A_2785 = arith.mulf %max3A_2729, %squeeze3A_2784 : f32
      %add3A_2786 = arith.addf %add3A_2782, %mul3A_2785 : f32
      %slice3A_2787 = vector.extract_strided_slice %get3A_1244 {offsets = [3], sizes = [1], strides = [1]} : vector<16xf32> to vector<1xf32>
      %squeeze3A_2788 = vector.extract %slice3A_2787[0] : f32 from vector<1xf32>
      %mul3A_2789 = arith.mulf %max3A_2738, %squeeze3A_2788 : f32
      %add3A_2790 = arith.addf %add3A_2786, %mul3A_2789 : f32
      %slice3A_2791 = vector.extract_strided_slice %get3A_1244 {offsets = [8], sizes = [1], strides = [1]} : vector<16xf32> to vector<1xf32>
      %squeeze3A_2792 = vector.extract %slice3A_2791[0] : f32 from vector<1xf32>
      %mul3A_2793 = arith.mulf %max3A_2747, %squeeze3A_2792 : f32
      %add3A_2794 = arith.addf %add3A_2790, %mul3A_2793 : f32
      %slice3A_2795 = vector.extract_strided_slice %get3A_1244 {offsets = [13], sizes = [1], strides = [1]} : vector<16xf32> to vector<1xf32>
      %squeeze3A_2796 = vector.extract %slice3A_2795[0] : f32 from vector<1xf32>
      %mul3A_2797 = arith.mulf %max3A_2756, %squeeze3A_2796 : f32
      %add3A_2798 = arith.addf %add3A_2794, %mul3A_2797 : f32
      %max3A_2799 = arith.constant 0.000000e+00 : f32
      %max3A_2800 = arith.maximumf %add3A_2798, %max3A_2799 : f32
      %slice3A_2801 = vector.extract_strided_slice %get3A_1248 {offsets = [15], sizes = [1], strides = [1]} : vector<16xf32> to vector<1xf32>
      %squeeze3A_2802 = vector.extract %slice3A_2801[0] : f32 from vector<1xf32>
      %slice3A_2803 = vector.extract_strided_slice %get3A_1240 {offsets = [1], sizes = [1], strides = [1]} : vector<16xf32> to vector<1xf32>
      %squeeze3A_2804 = vector.extract %slice3A_2803[0] : f32 from vector<1xf32>
      %mul3A_2805 = arith.mulf %max3A_2675, %squeeze3A_2804 : f32
      %add3A_2806 = arith.addf %squeeze3A_2802, %mul3A_2805 : f32
      %slice3A_2807 = vector.extract_strided_slice %get3A_1240 {offsets = [6], sizes = [1], strides = [1]} : vector<16xf32> to vector<1xf32>
      %squeeze3A_2808 = vector.extract %slice3A_2807[0] : f32 from vector<1xf32>
      %mul3A_2809 = arith.mulf %max3A_2684, %squeeze3A_2808 : f32
      %add3A_2810 = arith.addf %add3A_2806, %mul3A_2809 : f32
      %slice3A_2811 = vector.extract_strided_slice %get3A_1240 {offsets = [11], sizes = [1], strides = [1]} : vector<16xf32> to vector<1xf32>
      %squeeze3A_2812 = vector.extract %slice3A_2811[0] : f32 from vector<1xf32>
      %mul3A_2813 = arith.mulf %max3A_2693, %squeeze3A_2812 : f32
      %add3A_2814 = arith.addf %add3A_2810, %mul3A_2813 : f32
      %slice3A_2815 = vector.extract_strided_slice %get3A_1242 {offsets = [0], sizes = [1], strides = [1]} : vector<16xf32> to vector<1xf32>
      %squeeze3A_2816 = vector.extract %slice3A_2815[0] : f32 from vector<1xf32>
      %mul3A_2817 = arith.mulf %max3A_2702, %squeeze3A_2816 : f32
      %add3A_2818 = arith.addf %add3A_2814, %mul3A_2817 : f32
      %slice3A_2819 = vector.extract_strided_slice %get3A_1242 {offsets = [5], sizes = [1], strides = [1]} : vector<16xf32> to vector<1xf32>
      %squeeze3A_2820 = vector.extract %slice3A_2819[0] : f32 from vector<1xf32>
      %mul3A_2821 = arith.mulf %max3A_2711, %squeeze3A_2820 : f32
      %add3A_2822 = arith.addf %add3A_2818, %mul3A_2821 : f32
      %slice3A_2823 = vector.extract_strided_slice %get3A_1242 {offsets = [10], sizes = [1], strides = [1]} : vector<16xf32> to vector<1xf32>
      %squeeze3A_2824 = vector.extract %slice3A_2823[0] : f32 from vector<1xf32>
      %mul3A_2825 = arith.mulf %max3A_2720, %squeeze3A_2824 : f32
      %add3A_2826 = arith.addf %add3A_2822, %mul3A_2825 : f32
      %slice3A_2827 = vector.extract_strided_slice %get3A_1242 {offsets = [15], sizes = [1], strides = [1]} : vector<16xf32> to vector<1xf32>
      %squeeze3A_2828 = vector.extract %slice3A_2827[0] : f32 from vector<1xf32>
      %mul3A_2829 = arith.mulf %max3A_2729, %squeeze3A_2828 : f32
      %add3A_2830 = arith.addf %add3A_2826, %mul3A_2829 : f32
      %slice3A_2831 = vector.extract_strided_slice %get3A_1244 {offsets = [4], sizes = [1], strides = [1]} : vector<16xf32> to vector<1xf32>
      %squeeze3A_2832 = vector.extract %slice3A_2831[0] : f32 from vector<1xf32>
      %mul3A_2833 = arith.mulf %max3A_2738, %squeeze3A_2832 : f32
      %add3A_2834 = arith.addf %add3A_2830, %mul3A_2833 : f32
      %slice3A_2835 = vector.extract_strided_slice %get3A_1244 {offsets = [9], sizes = [1], strides = [1]} : vector<16xf32> to vector<1xf32>
      %squeeze3A_2836 = vector.extract %slice3A_2835[0] : f32 from vector<1xf32>
      %mul3A_2837 = arith.mulf %max3A_2747, %squeeze3A_2836 : f32
      %add3A_2838 = arith.addf %add3A_2834, %mul3A_2837 : f32
      %slice3A_2839 = vector.extract_strided_slice %get3A_1244 {offsets = [14], sizes = [1], strides = [1]} : vector<16xf32> to vector<1xf32>
      %squeeze3A_2840 = vector.extract %slice3A_2839[0] : f32 from vector<1xf32>
      %mul3A_2841 = arith.mulf %max3A_2756, %squeeze3A_2840 : f32
      %add3A_2842 = arith.addf %add3A_2838, %mul3A_2841 : f32
      %max3A_2843 = arith.constant 0.000000e+00 : f32
      %max3A_2844 = arith.maximumf %add3A_2842, %max3A_2843 : f32
      %slice3A_2845 = vector.extract_strided_slice %get3A_1250 {offsets = [0], sizes = [1], strides = [1]} : vector<16xf32> to vector<1xf32>
      %squeeze3A_2846 = vector.extract %slice3A_2845[0] : f32 from vector<1xf32>
      %slice3A_2847 = vector.extract_strided_slice %get3A_1240 {offsets = [2], sizes = [1], strides = [1]} : vector<16xf32> to vector<1xf32>
      %squeeze3A_2848 = vector.extract %slice3A_2847[0] : f32 from vector<1xf32>
      %mul3A_2849 = arith.mulf %max3A_2675, %squeeze3A_2848 : f32
      %add3A_2850 = arith.addf %squeeze3A_2846, %mul3A_2849 : f32
      %slice3A_2851 = vector.extract_strided_slice %get3A_1240 {offsets = [7], sizes = [1], strides = [1]} : vector<16xf32> to vector<1xf32>
      %squeeze3A_2852 = vector.extract %slice3A_2851[0] : f32 from vector<1xf32>
      %mul3A_2853 = arith.mulf %max3A_2684, %squeeze3A_2852 : f32
      %add3A_2854 = arith.addf %add3A_2850, %mul3A_2853 : f32
      %slice3A_2855 = vector.extract_strided_slice %get3A_1240 {offsets = [12], sizes = [1], strides = [1]} : vector<16xf32> to vector<1xf32>
      %squeeze3A_2856 = vector.extract %slice3A_2855[0] : f32 from vector<1xf32>
      %mul3A_2857 = arith.mulf %max3A_2693, %squeeze3A_2856 : f32
      %add3A_2858 = arith.addf %add3A_2854, %mul3A_2857 : f32
      %slice3A_2859 = vector.extract_strided_slice %get3A_1242 {offsets = [1], sizes = [1], strides = [1]} : vector<16xf32> to vector<1xf32>
      %squeeze3A_2860 = vector.extract %slice3A_2859[0] : f32 from vector<1xf32>
      %mul3A_2861 = arith.mulf %max3A_2702, %squeeze3A_2860 : f32
      %add3A_2862 = arith.addf %add3A_2858, %mul3A_2861 : f32
      %slice3A_2863 = vector.extract_strided_slice %get3A_1242 {offsets = [6], sizes = [1], strides = [1]} : vector<16xf32> to vector<1xf32>
      %squeeze3A_2864 = vector.extract %slice3A_2863[0] : f32 from vector<1xf32>
      %mul3A_2865 = arith.mulf %max3A_2711, %squeeze3A_2864 : f32
      %add3A_2866 = arith.addf %add3A_2862, %mul3A_2865 : f32
      %slice3A_2867 = vector.extract_strided_slice %get3A_1242 {offsets = [11], sizes = [1], strides = [1]} : vector<16xf32> to vector<1xf32>
      %squeeze3A_2868 = vector.extract %slice3A_2867[0] : f32 from vector<1xf32>
      %mul3A_2869 = arith.mulf %max3A_2720, %squeeze3A_2868 : f32
      %add3A_2870 = arith.addf %add3A_2866, %mul3A_2869 : f32
      %slice3A_2871 = vector.extract_strided_slice %get3A_1244 {offsets = [0], sizes = [1], strides = [1]} : vector<16xf32> to vector<1xf32>
      %squeeze3A_2872 = vector.extract %slice3A_2871[0] : f32 from vector<1xf32>
      %mul3A_2873 = arith.mulf %max3A_2729, %squeeze3A_2872 : f32
      %add3A_2874 = arith.addf %add3A_2870, %mul3A_2873 : f32
      %slice3A_2875 = vector.extract_strided_slice %get3A_1244 {offsets = [5], sizes = [1], strides = [1]} : vector<16xf32> to vector<1xf32>
      %squeeze3A_2876 = vector.extract %slice3A_2875[0] : f32 from vector<1xf32>
      %mul3A_2877 = arith.mulf %max3A_2738, %squeeze3A_2876 : f32
      %add3A_2878 = arith.addf %add3A_2874, %mul3A_2877 : f32
      %slice3A_2879 = vector.extract_strided_slice %get3A_1244 {offsets = [10], sizes = [1], strides = [1]} : vector<16xf32> to vector<1xf32>
      %squeeze3A_2880 = vector.extract %slice3A_2879[0] : f32 from vector<1xf32>
      %mul3A_2881 = arith.mulf %max3A_2747, %squeeze3A_2880 : f32
      %add3A_2882 = arith.addf %add3A_2878, %mul3A_2881 : f32
      %slice3A_2883 = vector.extract_strided_slice %get3A_1244 {offsets = [15], sizes = [1], strides = [1]} : vector<16xf32> to vector<1xf32>
      %squeeze3A_2884 = vector.extract %slice3A_2883[0] : f32 from vector<1xf32>
      %mul3A_2885 = arith.mulf %max3A_2756, %squeeze3A_2884 : f32
      %add3A_2886 = arith.addf %add3A_2882, %mul3A_2885 : f32
      %max3A_2887 = arith.constant 0.000000e+00 : f32
      %max3A_2888 = arith.maximumf %add3A_2886, %max3A_2887 : f32
      %slice3A_2889 = vector.extract_strided_slice %get3A_1250 {offsets = [1], sizes = [1], strides = [1]} : vector<16xf32> to vector<1xf32>
      %squeeze3A_2890 = vector.extract %slice3A_2889[0] : f32 from vector<1xf32>
      %slice3A_2891 = vector.extract_strided_slice %get3A_1240 {offsets = [3], sizes = [1], strides = [1]} : vector<16xf32> to vector<1xf32>
      %squeeze3A_2892 = vector.extract %slice3A_2891[0] : f32 from vector<1xf32>
      %mul3A_2893 = arith.mulf %max3A_2675, %squeeze3A_2892 : f32
      %add3A_2894 = arith.addf %squeeze3A_2890, %mul3A_2893 : f32
      %slice3A_2895 = vector.extract_strided_slice %get3A_1240 {offsets = [8], sizes = [1], strides = [1]} : vector<16xf32> to vector<1xf32>
      %squeeze3A_2896 = vector.extract %slice3A_2895[0] : f32 from vector<1xf32>
      %mul3A_2897 = arith.mulf %max3A_2684, %squeeze3A_2896 : f32
      %add3A_2898 = arith.addf %add3A_2894, %mul3A_2897 : f32
      %slice3A_2899 = vector.extract_strided_slice %get3A_1240 {offsets = [13], sizes = [1], strides = [1]} : vector<16xf32> to vector<1xf32>
      %squeeze3A_2900 = vector.extract %slice3A_2899[0] : f32 from vector<1xf32>
      %mul3A_2901 = arith.mulf %max3A_2693, %squeeze3A_2900 : f32
      %add3A_2902 = arith.addf %add3A_2898, %mul3A_2901 : f32
      %slice3A_2903 = vector.extract_strided_slice %get3A_1242 {offsets = [2], sizes = [1], strides = [1]} : vector<16xf32> to vector<1xf32>
      %squeeze3A_2904 = vector.extract %slice3A_2903[0] : f32 from vector<1xf32>
      %mul3A_2905 = arith.mulf %max3A_2702, %squeeze3A_2904 : f32
      %add3A_2906 = arith.addf %add3A_2902, %mul3A_2905 : f32
      %slice3A_2907 = vector.extract_strided_slice %get3A_1242 {offsets = [7], sizes = [1], strides = [1]} : vector<16xf32> to vector<1xf32>
      %squeeze3A_2908 = vector.extract %slice3A_2907[0] : f32 from vector<1xf32>
      %mul3A_2909 = arith.mulf %max3A_2711, %squeeze3A_2908 : f32
      %add3A_2910 = arith.addf %add3A_2906, %mul3A_2909 : f32
      %slice3A_2911 = vector.extract_strided_slice %get3A_1242 {offsets = [12], sizes = [1], strides = [1]} : vector<16xf32> to vector<1xf32>
      %squeeze3A_2912 = vector.extract %slice3A_2911[0] : f32 from vector<1xf32>
      %mul3A_2913 = arith.mulf %max3A_2720, %squeeze3A_2912 : f32
      %add3A_2914 = arith.addf %add3A_2910, %mul3A_2913 : f32
      %slice3A_2915 = vector.extract_strided_slice %get3A_1244 {offsets = [1], sizes = [1], strides = [1]} : vector<16xf32> to vector<1xf32>
      %squeeze3A_2916 = vector.extract %slice3A_2915[0] : f32 from vector<1xf32>
      %mul3A_2917 = arith.mulf %max3A_2729, %squeeze3A_2916 : f32
      %add3A_2918 = arith.addf %add3A_2914, %mul3A_2917 : f32
      %slice3A_2919 = vector.extract_strided_slice %get3A_1244 {offsets = [6], sizes = [1], strides = [1]} : vector<16xf32> to vector<1xf32>
      %squeeze3A_2920 = vector.extract %slice3A_2919[0] : f32 from vector<1xf32>
      %mul3A_2921 = arith.mulf %max3A_2738, %squeeze3A_2920 : f32
      %add3A_2922 = arith.addf %add3A_2918, %mul3A_2921 : f32
      %slice3A_2923 = vector.extract_strided_slice %get3A_1244 {offsets = [11], sizes = [1], strides = [1]} : vector<16xf32> to vector<1xf32>
      %squeeze3A_2924 = vector.extract %slice3A_2923[0] : f32 from vector<1xf32>
      %mul3A_2925 = arith.mulf %max3A_2747, %squeeze3A_2924 : f32
      %add3A_2926 = arith.addf %add3A_2922, %mul3A_2925 : f32
      %slice3A_2927 = vector.extract_strided_slice %get3A_1246 {offsets = [0], sizes = [1], strides = [1]} : vector<16xf32> to vector<1xf32>
      %squeeze3A_2928 = vector.extract %slice3A_2927[0] : f32 from vector<1xf32>
      %mul3A_2929 = arith.mulf %max3A_2756, %squeeze3A_2928 : f32
      %add3A_2930 = arith.addf %add3A_2926, %mul3A_2929 : f32
      %max3A_2931 = arith.constant 0.000000e+00 : f32
      %max3A_2932 = arith.maximumf %add3A_2930, %max3A_2931 : f32
      %slice3A_2933 = vector.extract_strided_slice %get3A_1250 {offsets = [2], sizes = [1], strides = [1]} : vector<16xf32> to vector<1xf32>
      %squeeze3A_2934 = vector.extract %slice3A_2933[0] : f32 from vector<1xf32>
      %slice3A_2935 = vector.extract_strided_slice %get3A_1240 {offsets = [4], sizes = [1], strides = [1]} : vector<16xf32> to vector<1xf32>
      %squeeze3A_2936 = vector.extract %slice3A_2935[0] : f32 from vector<1xf32>
      %mul3A_2937 = arith.mulf %max3A_2675, %squeeze3A_2936 : f32
      %add3A_2938 = arith.addf %squeeze3A_2934, %mul3A_2937 : f32
      %slice3A_2939 = vector.extract_strided_slice %get3A_1240 {offsets = [9], sizes = [1], strides = [1]} : vector<16xf32> to vector<1xf32>
      %squeeze3A_2940 = vector.extract %slice3A_2939[0] : f32 from vector<1xf32>
      %mul3A_2941 = arith.mulf %max3A_2684, %squeeze3A_2940 : f32
      %add3A_2942 = arith.addf %add3A_2938, %mul3A_2941 : f32
      %slice3A_2943 = vector.extract_strided_slice %get3A_1240 {offsets = [14], sizes = [1], strides = [1]} : vector<16xf32> to vector<1xf32>
      %squeeze3A_2944 = vector.extract %slice3A_2943[0] : f32 from vector<1xf32>
      %mul3A_2945 = arith.mulf %max3A_2693, %squeeze3A_2944 : f32
      %add3A_2946 = arith.addf %add3A_2942, %mul3A_2945 : f32
      %slice3A_2947 = vector.extract_strided_slice %get3A_1242 {offsets = [3], sizes = [1], strides = [1]} : vector<16xf32> to vector<1xf32>
      %squeeze3A_2948 = vector.extract %slice3A_2947[0] : f32 from vector<1xf32>
      %mul3A_2949 = arith.mulf %max3A_2702, %squeeze3A_2948 : f32
      %add3A_2950 = arith.addf %add3A_2946, %mul3A_2949 : f32
      %slice3A_2951 = vector.extract_strided_slice %get3A_1242 {offsets = [8], sizes = [1], strides = [1]} : vector<16xf32> to vector<1xf32>
      %squeeze3A_2952 = vector.extract %slice3A_2951[0] : f32 from vector<1xf32>
      %mul3A_2953 = arith.mulf %max3A_2711, %squeeze3A_2952 : f32
      %add3A_2954 = arith.addf %add3A_2950, %mul3A_2953 : f32
      %slice3A_2955 = vector.extract_strided_slice %get3A_1242 {offsets = [13], sizes = [1], strides = [1]} : vector<16xf32> to vector<1xf32>
      %squeeze3A_2956 = vector.extract %slice3A_2955[0] : f32 from vector<1xf32>
      %mul3A_2957 = arith.mulf %max3A_2720, %squeeze3A_2956 : f32
      %add3A_2958 = arith.addf %add3A_2954, %mul3A_2957 : f32
      %slice3A_2959 = vector.extract_strided_slice %get3A_1244 {offsets = [2], sizes = [1], strides = [1]} : vector<16xf32> to vector<1xf32>
      %squeeze3A_2960 = vector.extract %slice3A_2959[0] : f32 from vector<1xf32>
      %mul3A_2961 = arith.mulf %max3A_2729, %squeeze3A_2960 : f32
      %add3A_2962 = arith.addf %add3A_2958, %mul3A_2961 : f32
      %slice3A_2963 = vector.extract_strided_slice %get3A_1244 {offsets = [7], sizes = [1], strides = [1]} : vector<16xf32> to vector<1xf32>
      %squeeze3A_2964 = vector.extract %slice3A_2963[0] : f32 from vector<1xf32>
      %mul3A_2965 = arith.mulf %max3A_2738, %squeeze3A_2964 : f32
      %add3A_2966 = arith.addf %add3A_2962, %mul3A_2965 : f32
      %slice3A_2967 = vector.extract_strided_slice %get3A_1244 {offsets = [12], sizes = [1], strides = [1]} : vector<16xf32> to vector<1xf32>
      %squeeze3A_2968 = vector.extract %slice3A_2967[0] : f32 from vector<1xf32>
      %mul3A_2969 = arith.mulf %max3A_2747, %squeeze3A_2968 : f32
      %add3A_2970 = arith.addf %add3A_2966, %mul3A_2969 : f32
      %slice3A_2971 = vector.extract_strided_slice %get3A_1246 {offsets = [1], sizes = [1], strides = [1]} : vector<16xf32> to vector<1xf32>
      %squeeze3A_2972 = vector.extract %slice3A_2971[0] : f32 from vector<1xf32>
      %mul3A_2973 = arith.mulf %max3A_2756, %squeeze3A_2972 : f32
      %add3A_2974 = arith.addf %add3A_2970, %mul3A_2973 : f32
      %max3A_2975 = arith.constant 0.000000e+00 : f32
      %max3A_2976 = arith.maximumf %add3A_2974, %max3A_2975 : f32
      %slice3A_2977 = vector.extract_strided_slice %get3A_1250 {offsets = [3], sizes = [1], strides = [1]} : vector<16xf32> to vector<1xf32>
      %squeeze3A_2978 = vector.extract %slice3A_2977[0] : f32 from vector<1xf32>
      %slice3A_2979 = vector.extract_strided_slice %get3A_1246 {offsets = [2], sizes = [1], strides = [1]} : vector<16xf32> to vector<1xf32>
      %squeeze3A_2980 = vector.extract %slice3A_2979[0] : f32 from vector<1xf32>
      %mul3A_2981 = arith.mulf %max3A_2800, %squeeze3A_2980 : f32
      %add3A_2982 = arith.addf %squeeze3A_2978, %mul3A_2981 : f32
      %slice3A_2983 = vector.extract_strided_slice %get3A_1246 {offsets = [5], sizes = [1], strides = [1]} : vector<16xf32> to vector<1xf32>
      %squeeze3A_2984 = vector.extract %slice3A_2983[0] : f32 from vector<1xf32>
      %mul3A_2985 = arith.mulf %max3A_2844, %squeeze3A_2984 : f32
      %add3A_2986 = arith.addf %add3A_2982, %mul3A_2985 : f32
      %slice3A_2987 = vector.extract_strided_slice %get3A_1246 {offsets = [8], sizes = [1], strides = [1]} : vector<16xf32> to vector<1xf32>
      %squeeze3A_2988 = vector.extract %slice3A_2987[0] : f32 from vector<1xf32>
      %mul3A_2989 = arith.mulf %max3A_2888, %squeeze3A_2988 : f32
      %add3A_2990 = arith.addf %add3A_2986, %mul3A_2989 : f32
      %slice3A_2991 = vector.extract_strided_slice %get3A_1246 {offsets = [11], sizes = [1], strides = [1]} : vector<16xf32> to vector<1xf32>
      %squeeze3A_2992 = vector.extract %slice3A_2991[0] : f32 from vector<1xf32>
      %mul3A_2993 = arith.mulf %max3A_2932, %squeeze3A_2992 : f32
      %add3A_2994 = arith.addf %add3A_2990, %mul3A_2993 : f32
      %slice3A_2995 = vector.extract_strided_slice %get3A_1246 {offsets = [14], sizes = [1], strides = [1]} : vector<16xf32> to vector<1xf32>
      %squeeze3A_2996 = vector.extract %slice3A_2995[0] : f32 from vector<1xf32>
      %mul3A_2997 = arith.mulf %max3A_2976, %squeeze3A_2996 : f32
      %add3A_2998 = arith.addf %add3A_2994, %mul3A_2997 : f32
      %max3A_2999 = arith.constant 0.000000e+00 : f32
      %max3A_3000 = arith.maximumf %add3A_2998, %max3A_2999 : f32
      %slice3A_3001 = vector.extract_strided_slice %get3A_1250 {offsets = [4], sizes = [1], strides = [1]} : vector<16xf32> to vector<1xf32>
      %squeeze3A_3002 = vector.extract %slice3A_3001[0] : f32 from vector<1xf32>
      %slice3A_3003 = vector.extract_strided_slice %get3A_1246 {offsets = [3], sizes = [1], strides = [1]} : vector<16xf32> to vector<1xf32>
      %squeeze3A_3004 = vector.extract %slice3A_3003[0] : f32 from vector<1xf32>
      %mul3A_3005 = arith.mulf %max3A_2800, %squeeze3A_3004 : f32
      %add3A_3006 = arith.addf %squeeze3A_3002, %mul3A_3005 : f32
      %slice3A_3007 = vector.extract_strided_slice %get3A_1246 {offsets = [6], sizes = [1], strides = [1]} : vector<16xf32> to vector<1xf32>
      %squeeze3A_3008 = vector.extract %slice3A_3007[0] : f32 from vector<1xf32>
      %mul3A_3009 = arith.mulf %max3A_2844, %squeeze3A_3008 : f32
      %add3A_3010 = arith.addf %add3A_3006, %mul3A_3009 : f32
      %slice3A_3011 = vector.extract_strided_slice %get3A_1246 {offsets = [9], sizes = [1], strides = [1]} : vector<16xf32> to vector<1xf32>
      %squeeze3A_3012 = vector.extract %slice3A_3011[0] : f32 from vector<1xf32>
      %mul3A_3013 = arith.mulf %max3A_2888, %squeeze3A_3012 : f32
      %add3A_3014 = arith.addf %add3A_3010, %mul3A_3013 : f32
      %slice3A_3015 = vector.extract_strided_slice %get3A_1246 {offsets = [12], sizes = [1], strides = [1]} : vector<16xf32> to vector<1xf32>
      %squeeze3A_3016 = vector.extract %slice3A_3015[0] : f32 from vector<1xf32>
      %mul3A_3017 = arith.mulf %max3A_2932, %squeeze3A_3016 : f32
      %add3A_3018 = arith.addf %add3A_3014, %mul3A_3017 : f32
      %slice3A_3019 = vector.extract_strided_slice %get3A_1246 {offsets = [15], sizes = [1], strides = [1]} : vector<16xf32> to vector<1xf32>
      %squeeze3A_3020 = vector.extract %slice3A_3019[0] : f32 from vector<1xf32>
      %mul3A_3021 = arith.mulf %max3A_2976, %squeeze3A_3020 : f32
      %add3A_3022 = arith.addf %add3A_3018, %mul3A_3021 : f32
      %max3A_3023 = arith.constant 0.000000e+00 : f32
      %max3A_3024 = arith.maximumf %add3A_3022, %max3A_3023 : f32
      %slice3A_3025 = vector.extract_strided_slice %get3A_1250 {offsets = [5], sizes = [1], strides = [1]} : vector<16xf32> to vector<1xf32>
      %squeeze3A_3026 = vector.extract %slice3A_3025[0] : f32 from vector<1xf32>
      %slice3A_3027 = vector.extract_strided_slice %get3A_1246 {offsets = [4], sizes = [1], strides = [1]} : vector<16xf32> to vector<1xf32>
      %squeeze3A_3028 = vector.extract %slice3A_3027[0] : f32 from vector<1xf32>
      %mul3A_3029 = arith.mulf %max3A_2800, %squeeze3A_3028 : f32
      %add3A_3030 = arith.addf %squeeze3A_3026, %mul3A_3029 : f32
      %slice3A_3031 = vector.extract_strided_slice %get3A_1246 {offsets = [7], sizes = [1], strides = [1]} : vector<16xf32> to vector<1xf32>
      %squeeze3A_3032 = vector.extract %slice3A_3031[0] : f32 from vector<1xf32>
      %mul3A_3033 = arith.mulf %max3A_2844, %squeeze3A_3032 : f32
      %add3A_3034 = arith.addf %add3A_3030, %mul3A_3033 : f32
      %slice3A_3035 = vector.extract_strided_slice %get3A_1246 {offsets = [10], sizes = [1], strides = [1]} : vector<16xf32> to vector<1xf32>
      %squeeze3A_3036 = vector.extract %slice3A_3035[0] : f32 from vector<1xf32>
      %mul3A_3037 = arith.mulf %max3A_2888, %squeeze3A_3036 : f32
      %add3A_3038 = arith.addf %add3A_3034, %mul3A_3037 : f32
      %slice3A_3039 = vector.extract_strided_slice %get3A_1246 {offsets = [13], sizes = [1], strides = [1]} : vector<16xf32> to vector<1xf32>
      %squeeze3A_3040 = vector.extract %slice3A_3039[0] : f32 from vector<1xf32>
      %mul3A_3041 = arith.mulf %max3A_2932, %squeeze3A_3040 : f32
      %add3A_3042 = arith.addf %add3A_3038, %mul3A_3041 : f32
      %slice3A_3043 = vector.extract_strided_slice %get3A_1248 {offsets = [0], sizes = [1], strides = [1]} : vector<16xf32> to vector<1xf32>
      %squeeze3A_3044 = vector.extract %slice3A_3043[0] : f32 from vector<1xf32>
      %mul3A_3045 = arith.mulf %max3A_2976, %squeeze3A_3044 : f32
      %add3A_3046 = arith.addf %add3A_3042, %mul3A_3045 : f32
      %max3A_3047 = arith.constant 0.000000e+00 : f32
      %max3A_3048 = arith.maximumf %add3A_3046, %max3A_3047 : f32
      %slice3A_3049 = vector.extract_strided_slice %get3A_1250 {offsets = [6], sizes = [1], strides = [1]} : vector<16xf32> to vector<1xf32>
      %squeeze3A_3050 = vector.extract %slice3A_3049[0] : f32 from vector<1xf32>
      %slice3A_3051 = vector.extract_strided_slice %get3A_1248 {offsets = [1], sizes = [1], strides = [1]} : vector<16xf32> to vector<1xf32>
      %squeeze3A_3052 = vector.extract %slice3A_3051[0] : f32 from vector<1xf32>
      %mul3A_3053 = arith.mulf %max3A_3000, %squeeze3A_3052 : f32
      %add3A_3054 = arith.addf %squeeze3A_3050, %mul3A_3053 : f32
      %slice3A_3055 = vector.extract_strided_slice %get3A_1248 {offsets = [2], sizes = [1], strides = [1]} : vector<16xf32> to vector<1xf32>
      %squeeze3A_3056 = vector.extract %slice3A_3055[0] : f32 from vector<1xf32>
      %mul3A_3057 = arith.mulf %max3A_3024, %squeeze3A_3056 : f32
      %add3A_3058 = arith.addf %add3A_3054, %mul3A_3057 : f32
      %slice3A_3059 = vector.extract_strided_slice %get3A_1248 {offsets = [3], sizes = [1], strides = [1]} : vector<16xf32> to vector<1xf32>
      %squeeze3A_3060 = vector.extract %slice3A_3059[0] : f32 from vector<1xf32>
      %mul3A_3061 = arith.mulf %max3A_3048, %squeeze3A_3060 : f32
      %add3A_3062 = arith.addf %add3A_3058, %mul3A_3061 : f32
      %add3A_3063 = arith.addf %mul3A_2654, %reduce_sum3A_2667 : f32
      %slice3A_3064 = vector.extract_strided_slice %get3A_1250 {offsets = [7], sizes = [1], strides = [1]} : vector<16xf32> to vector<1xf32>
      %squeeze3A_3065 = vector.extract %slice3A_3064[0] : f32 from vector<1xf32>
      %add3A_3066 = arith.addf %add3A_3063, %squeeze3A_3065 : f32
      %add3A_3067 = arith.addf %add3A_3066, %add3A_3062 : f32
      %broadcast_in_dim3A_3068 = vector.broadcast %add3A_3067 : f32 to vector<16xf32>
      %swap3A = arith.constant 0 : index
      %swap3A_3069 = tpu.vector_load %arg13[%swap3A] {strides = array<i32>} : memref<16xf32, #tpu.memory_space<vmem>>, vector<16xf32>,
      tpu.vector_store %arg13[%swap3A], %broadcast_in_dim3A_3068 {strides = array<i32>} : memref<16xf32, #tpu.memory_space<vmem>>, vector<16xf32>,
      "tpu.region"() ({
        %run_scoped3A = tpu.sem_alloc : memref<!tpu.dma_semaphore, #tpu.memory_space<semaphore_mem>>
        tpu.enqueue_dma source(%arg13 : memref<16xf32, #tpu.memory_space<vmem>>) target(%arg7 : memref<16xf32, #tpu.memory_space<hbm>>) target_semaphore(%run_scoped3A : memref<!tpu.dma_semaphore, #tpu.memory_space<semaphore_mem>>)
        tpu.wait_dma2 semaphore(%run_scoped3A : memref<!tpu.dma_semaphore, #tpu.memory_space<semaphore_mem>>) src(%arg13 : memref<16xf32, #tpu.memory_space<vmem>>) dst(%arg7 : memref<16xf32, #tpu.memory_space<hbm>>)
        tpu.yield
      }) : () -> ()
    } else {
    }
    return
  }
}

</mosaic_0001>

<sc_bundles>
// kernel: kernel.3.cloned.1.call-start
scs
__scs_entry_jumppad:
0x0: {  	(pc) =	sbr.rel $0x88, $3  }
0x1: {  	(tag) =	ssettag $0x0;
	lr =	simm.s32 $0x1  }
0x2: {  	[smem:$0x3F95] =	sst lr;
	_ =	strace $0xD0000000  }
0x3: {  	_ = 	snop  }
0x4: {  	_ = 	snop  }
0x5: {  	_ = 	snop  }
0x6: {  	_ = 	snop  }
0x7: {  	_ = 	snop  }
__scs_overlays_trampoline_lowered:
0x8: {  	[smem:$0x3FA4] =	sst s0  }
0x9: {  	[smem:$0x3FA5] =	sst s1  }
0xa: {  	[smem:$0x3FA6] =	sst s2  }
0xb: {  	[smem:$0x3FA7] =	sst s3  }
0xc: {  	[smem:$0x3FA8] =	sst s4  }
0xd: {  	[smem:$0x3FA9] =	sst s5  }
0xe: {  	[smem:$0x3FAA] =	sst s6  }
0xf: {  	[smem:$0x3FAB] =	sst s7  }
0x10: {  	[smem:$0x3FAC] =	sst s8  }
0x11: {  	[smem:$0x3FAD] =	sst s9;
	s0 =	simm.s32 @!p0 $0x0  }
0x12: {  	s1 =	sld [smem:$0x3F93];
	s0 =	simm.s32 @p0 $0x1  }
0x13: {  	[smem:$0x3FAE] =	sst s0;
	s0 =	simm.s32 @!p1 $0x0  }
0x14: {  	s2 =	sld [smem:$0x3F92];
	s0 =	simm.s32 @p1 $0x1  }
0x15: {  	[smem:$0x3FAF] =	sst s0;
	s0 =	simm.s32 @!p2 $0x0  }
0x16: {  	s3 =	sld [smem:$0x3FDB];
	s0 =	simm.s32 @p2 $0x1  }
0x17: {  	s4 =	simm.s32 $0x1BF5;
	[smem:$0x3FB1] =	sst s0  }
0x18: {  	s0 =	sld [smem:$0x3F94];
	_ =	swait.ge [sflag:s4], $0x0  }
0x19: {  	s7 =	sld [smem:$0x3F95]  }
0x1a: {  	s8 =	sadd.s32 $0xFFFFE003, lr  }
0x1b: {  	s9 =	sadd.s32 $0xFFFFFEF7, lr;
	s5 =	simm.s32 $0xFFFFFFFF;
	p2 =	slt.u32 s8, $0xFFFFF086  }
0x1c: {  	p1 =	slt.u32 s9, $0xF7A;
	s5 =	simm.s32 @!p2 $0x0  }
0x1d: {  	s5 =	simm.s32 @p1 $0x1;
	p0 =	seq.s32 s7, s2  }
0x1e: {  	s7 =	smul.u32 @!p0 $0xF7A, s2;
	p2 =	seq.s32 @!p0 s5, $0x0  }
0x1f: {  	s9 =	smul.u32 $0xF7A, s1;
	s8 =	simm.s32 @!p0 $0x1BF5;
	p2 =	por !p2, p0  }
0x20: {  	[sflag:s8] =	ssyncset.s32 @!p0 $0xFFFFF086;
	s6 =	sadd.s32 @!p0 s3, s7;
	s7 =	simm.s32 @!p0 $0x108  }
0x21: {  	s3 =	sadd.s32 s3, s9;
	s6 =	sadd.s32 @!p0 $0x88, s6;
	s7 =	simm.s32 @p2 $0x1082  }
0x22: {  	[simem:s7], [sflag:s8] =	dma.local @!p0 [hbm:s6], $0xF7A  }
0x23: {  	s9 =	sor.u32 $0xD0000000, s2;
	s6 =	simm.s32 $0x108;
	_ =	swait.ge @!p0 [sflag:s8], $0x0  }
0x24: {  	s3 =	sadd.s32 $0x88, s3;
	s6 =	simm.s32 @!p1 $0x1082;
	[sflag:s4] =	ssyncset.s32 $0xFFFFF086  }
0x25: {  	[simem:s6], [sflag:s4] =	dma.local [hbm:s3], $0xF7A  }
0x26: {  	[smem:$0x3F95] =	sst s1;
	(tag) =	ssettag s2;
	_ =	strace s9  }
0x27: {  	s1 =	sld [smem:$0x3FA5]  }
0x28: {  	s2 =	sld [smem:$0x3FA6]  }
0x29: {  	s4 =	sld [smem:$0x3FA8]  }
0x2a: {  	p0 =	seq.s32 s5, $0x0;
	s5 =	sld [smem:$0x3FA9]  }
0x2b: {  	s6 =	sld [smem:$0x3FAA]  }
0x2c: {  	s7 =	sld [smem:$0x3FAB]  }
0x2d: {  	s3 =	simm.s32 $0x108;
	s8 =	sld [smem:$0x3FAC]  }
0x2e: {  	s3 =	simm.s32 @!p0 $0x1082;
	s9 =	sld [smem:$0x3FAD]  }
0x2f: {  	lr =	sadd.s32 s0, s3;
	s0 =	sld [smem:$0x3FA4]  }
0x30: {  	s3 =	sld [smem:$0x3FA7]  }
0x31: {  	[smem:$0x3FB0] =	sst s10  }
0x32: {  	s10 =	sld [smem:$0x3FAE];
	_ =	sdelay $0x3  }
0x33: {  	p0 =	seq.s32 s10, $0x1;
	s10 =	sld [smem:$0x3FB0];
	_ =	sdelay $0x3  }
0x34: {  	[smem:$0x3FB0] =	sst s10  }
0x35: {  	s10 =	sld [smem:$0x3FAF];
	_ =	sdelay $0x3  }
0x36: {  	p1 =	seq.s32 s10, $0x1;
	s10 =	sld [smem:$0x3FB0];
	_ =	sdelay $0x3  }
0x37: {  	[smem:$0x3FB0] =	sst s10  }
0x38: {  	s10 =	sld [smem:$0x3FB1]  }
0x39: {  	_ = 	snop;
	(pc) =	sbr.ind lr, $3  }
0x3a: {  	_ = 	snop  }
0x3b: {  	_ = 	snop  }
0x3c: {  	p2 =	seq.s32 s10, $0x1;
	s10 =	sld [smem:$0x3FB0]  }
0x3d: {  	_ =	shalt  }
0x3e: {  	_ =	shalt  }
0x3f: {  	_ =	shalt  }
0x40: {  	_ =	shalt  }
0x41: {  	_ =	shalt  }
0x42: {  	_ =	shalt  }
0x43: {  	_ =	shalt  }
0x44: {  	_ =	shalt  }
0x45: {  	_ =	shalt  }
0x46: {  	_ =	shalt  }
0x47: {  	_ =	shalt  }
0x48: {  	_ =	shalt  }
0x49: {  	_ =	shalt  }
0x4a: {  	_ =	shalt  }
0x4b: {  	_ =	shalt  }
0x4c: {  	_ =	shalt  }
0x4d: {  	_ =	shalt  }
0x4e: {  	_ =	shalt  }
0x4f: {  	_ =	shalt  }
0x50: {  	_ =	shalt  }
0x51: {  	_ =	shalt  }
0x52: {  	_ =	shalt  }
0x53: {  	_ =	shalt  }
0x54: {  	_ =	shalt  }
0x55: {  	_ =	shalt  }
0x56: {  	_ =	shalt  }
0x57: {  	_ =	shalt  }
0x58: {  	_ =	shalt  }
0x59: {  	_ =	shalt  }
0x5a: {  	_ =	shalt  }
0x5b: {  	_ =	shalt  }
0x5c: {  	_ =	shalt  }
0x5d: {  	_ =	shalt  }
0x5e: {  	_ =	shalt  }
0x5f: {  	_ =	shalt  }
0x60: {  	_ =	shalt  }
0x61: {  	_ =	shalt  }
0x62: {  	_ =	shalt  }
0x63: {  	_ =	shalt  }
0x64: {  	_ =	shalt  }
0x65: {  	_ =	shalt  }
0x66: {  	_ =	shalt  }
0x67: {  	_ =	shalt  }
0x68: {  	_ =	shalt  }
0x69: {  	_ =	shalt  }
0x6a: {  	_ =	shalt  }
0x6b: {  	_ =	shalt  }
0x6c: {  	_ =	shalt  }
0x6d: {  	_ =	shalt  }
0x6e: {  	_ =	shalt  }
0x6f: {  	_ =	shalt  }
0x70: {  	_ =	shalt  }
0x71: {  	_ =	shalt  }
0x72: {  	_ =	shalt  }
0x73: {  	_ =	shalt  }
0x74: {  	_ =	shalt  }
0x75: {  	_ =	shalt  }
0x76: {  	_ =	shalt  }
0x77: {  	_ =	shalt  }
0x78: {  	_ =	shalt  }
0x79: {  	_ =	shalt  }
0x7a: {  	_ =	shalt  }
0x7b: {  	_ =	shalt  }
0x7c: {  	_ =	shalt  }
0x7d: {  	_ =	shalt  }
0x7e: {  	_ =	shalt  }
0x7f: {  	_ =	shalt  }
0x80: {  	_ =	shalt  }
0x81: {  	_ =	shalt  }
0x82: {  	_ =	shalt  }
0x83: {  	_ =	shalt  }
0x84: {  	_ =	shalt  }
0x85: {  	_ =	shalt  }
0x86: {  	_ =	shalt  }
0x87: {  	_ =	shalt  }
.Lfunc_end0:
.L_simem_size_0:
called_computation_lowered:
.L_overlay_start_0:
0x88: {  	s2 =	sld [smem:$0x3FD9]  }
0x89: {  	s3 =	sld [smem:$0x3FFE];
	_ =	sdelay $0x1  }
0x8a: {  	s1 =	srdreg.scid  }
0x8b: {  	s0 =	sand.u32 $0x1, s1  }
0x8c: {  	s17 =	sshll.u32 s0, $0xA;
	s2 =	sadd.s32 s3, s2  }
0x8d: {  	s2 =	sadd.s32 s2, s17  }
0x8e: {  	[smem:$0x3FBC] =	sst s2  }
0x8f: {  	_ = 	snop  }
0x90: {  	s2 =	sld [smem:$0x3FC7]  }
0x91: {  	s18 =	sld [smem:$0x3FD0];
	(tm) =	ssettm $0x1  }
0x92: {  	s4 =	sld [smem:$0x3FFB];
	_ =	sdelay $0x3  }
0x93: {  	_ =	strace s4  }
0x94: {  	s4 =	sld [smem:$0x3FFC];
	_ =	sdelay $0x3  }
0x95: {  	_ =	strace s4  }
0x96: {  	s4 =	sld [smem:$0x3FFD];
	_ =	sdelay $0x3  }
0x97: {  	_ =	strace s4  }
0x98: {  	_ =	strace $0x8FFFFFFF  }
0x99: {  	s19 =	sld [smem:$0x3FDB];
	_ =	sdelay $0x1  }
0x9a: {  	s5 =	simm.s32 $_scs_section_size  }
0x9b: {  	s6 =	simm.s32 $_size__tile_overlayer_lowered;
	s7 =	simm.s32 $_tile_overlayer_lowered  }
0x9c: {  	s22 =	simm.s32 $0x1BFF;
	s21 =	sshll.u32 s7, $0x1;
	s4 =	sadd.s32 s5, s19  }
0x9d: {  	s8 =	simm.s32 $0x0;
	s20 =	sshll.u32 s6, $0x1;
	s6 =	sadd.s32 s21, s4  }
0x9e: {  	[timem:s8], [sflag:s22] =	dma.local [hbm:s6], s20  }
0x9f: {  	_ =	swait.ge [sflag:s22], s20  }
0xa0: {  	s5 =	ssub.s32 $0x0, s20;
	[sflag:s22] =	ssyncset.done $0x0  }
0xa1: {  	[sflag:s22] =	ssyncadd.s32 s5;
	_ =	sdelay $0x1  }
0xa2: {  	s23 =	simm.s32 $0x1B8B  }
0xa3: {  	_ =	swait.ge [sflag:s23], $0x1  }
0xa4: {  	[sflag:s23] =	ssyncset.done $0x0  }
0xa5: {  	s25 =	simm.s32 $0x1B8E;
	s24 =	sld [smem:$0x3FFE];
	[sflag:s23] =	ssyncadd.s32 $0xFFFFFFFF  }
0xa6: {  	s26 =	simm.s32 $execute0_lowered;
	[smem:$0x3FD2] =	sst s25  }
0xa7: {  	s6 =	sshll.u32 s26, $0x1;
	_ =	strace $0x80000046;
	[dreg:$0x1] =	wrdreg $0xFFFFFFFF  }
0xa8: {  	s28 =	simm.s32 $_size_execute0_lowered;
	s4 =	sadd.s32 s4, s6;
	[dreg:$0x0] =	wrdreg $0x0  }
0xa9: {  	s6 =	sshll.u32 s28, $0x1;
	[dreg:$0x2] =	wrdreg s4  }
0xaa: {  	[dreg:$0x3] =	wrdreg s6  }
0xab: {  	[dreg:$0x4] =	wrdreg $0xC0  }
0xac: {  	_ =	task [dreg:s8], $0x5FFFF  }
0xad: {  	[dreg:$0x1] =	wrdreg $0xFFFFFFFF  }
0xae: {  	[dreg:$0x0] =	wrdreg $0x60  }
0xaf: {  	[dreg:$0x2] =	wrdreg s24  }
0xb0: {  	[dreg:$0x3] =	wrdreg s2  }
0xb1: {  	[dreg:$0x4] =	wrdreg s18  }
0xb2: {  	[dreg:$0x5] =	wrdreg $0x9  }
0xb3: {  	_ =	task.clear_ibuf [dreg:s8], $0x6FFFF;
	_ =	strace $0x90000046  }
0xb4: {  	s29 =	simm.s32 $0x9;
	_ =	strace $0x80000048  }
0xb5: {  	_ =	swait.ge [sflag:s29], $0x1  }
0xb6: {  	[sflag:s29] =	ssyncadd.s32 $0xFFFFFFFF  }
0xb7: {  	_ =	strace $0x90000048  }
0xb8: {  	_ =	sfence  }
0xb9: {  	s30 =	sld [smem:$0x0];
	_ =	sdelay $0x2  }
0xba: {  	s31 =	sshll.u32 s1, $0xD;
	s1 =	sshrl.u32 s1, $0x2  }
0xbb: {  	s3 =	sand.u32 $0x4000, s31;
	s1 =	sadd.s32 s1, s30  }
0xbc: {  	s0 =	sor.u32 s3, s0;
	s1 =	sshll.u32 s1, $0x11  }
0xbd: {  	s0 =	sor.u32 s1, s0  }
0xbe: {  	s0 =	sadd.s32 $0x8F2B, s0  }
0xbf: {  	[sflag:s0] =	ssyncadd.remote.s32 $0x1  }
0xc0: {  	_ =	sfence.sel $0xFFFF  }
0xc1: {  	[dreg:$0x0] =	wrdreg $0xFFFFFFFF;
	(pc) =	sbr.abs _section_cstart, $3  }
0xc2: {  	[dreg:$0x1] =	wrdreg $0xFFFFFFFF  }
0xc3: {  	_ =	task.clear_ibuf [dreg:s8], $0x2FFFF;
	_ =	strace $0x9FFFFFFF  }
0xc4: {  	(tm) =	ssettm $0x7FFFFFFF  }
0xc5: {  	_ =	shalt  }
tec
execute0_lowered:
.L_overlay_start_1:
0x0: {  	(tag) =	ssettag $0x1  }
0x1: {  	s2 =	srdreg.scid  }
0x2: {  	s31 =	stileid.u32;
	s5 =	sand.u32 $0x1, s2  }
0x3: {  	s6 =	sor.u32 s31, s5  }
0x4: {  	p0 =	sne.s32 s6, $0x0  }
.Ltmp0:
0x5: {  	s4 =	rddreg [dreg:$0x0];
	(pc) =	sbr.rel @p0 .LBB2_3-.Ltmp0, $4  }
0x6: {  	s0 =	rddreg [dreg:$0x2]  }
0x7: {  	s3 =	simm.s32 $0x0;
	[dreg:$0x7] =	wrdreg s0  }
0x8: {  	[smem:$0x7FF] =	sst s3  }
0x9: {  	s1 =	rddreg [dreg:$0x1];
	_ =	strace $0x80000047  }
0xa: {  	s6 =	sadd.s32 $0xC00, s4  }
0xb: {  	s7 =	sadd.s32 $0x800, s4;
	[dreg:$0x4] =	wrdreg s6  }
0xc: {  	s8 =	sadd.s32 $0x1F800, s4;
	[dreg:$0x5] =	wrdreg s7  }
0xd: {  	s9 =	simm.s32 $0x880;
	[dreg:$0x6] =	wrdreg s8  }
0xe: {  	s10 =	simm.s32 $0xD100;
	[dreg:$0x8] =	wrdreg s9  }
0xf: {  	s11 =	simm.s32 $0x1080;
	[dreg:$0x9] =	wrdreg s10  }
0x10: {  	s12 =	simm.s32 $0xD180;
	[dreg:$0xa] =	wrdreg s11  }
0x11: {  	s13 =	simm.s32 $0x1880;
	[dreg:$0xb] =	wrdreg s12  }
0x12: {  	s14 =	simm.s32 $0xD200;
	[dreg:$0xc] =	wrdreg s13  }
0x13: {  	s15 =	simm.s32 $0x2080;
	[dreg:$0xd] =	wrdreg s14  }
0x14: {  	s16 =	simm.s32 $0xD280;
	[dreg:$0xe] =	wrdreg s15  }
0x15: {  	s17 =	simm.s32 $0x2880;
	[dreg:$0xf] =	wrdreg s16  }
0x16: {  	s18 =	simm.s32 $0xD300;
	[dreg:$0x10] =	wrdreg s17  }
0x17: {  	s19 =	simm.s32 $0x3080;
	[dreg:$0x11] =	wrdreg s18  }
0x18: {  	s20 =	simm.s32 $0xD380;
	[dreg:$0x12] =	wrdreg s19  }
0x19: {  	s21 =	simm.s32 $0x3880;
	[dreg:$0x13] =	wrdreg s20  }
0x1a: {  	s22 =	simm.s32 $0xD400;
	[dreg:$0x14] =	wrdreg s21  }
0x1b: {  	s23 =	simm.s32 $0x4080;
	[dreg:$0x15] =	wrdreg s22  }
0x1c: {  	s24 =	simm.s32 $0xD480;
	[dreg:$0x16] =	wrdreg s23  }
0x1d: {  	s25 =	simm.s32 $0x4880;
	[dreg:$0x17] =	wrdreg s24  }
0x1e: {  	s26 =	simm.s32 $0xD500;
	[dreg:$0x18] =	wrdreg s25  }
0x1f: {  	s28 =	simm.s32 $0x5080;
	[dreg:$0x19] =	wrdreg s26  }
0x20: {  	s29 =	simm.s32 $0xD580;
	[dreg:$0x1a] =	wrdreg s28  }
0x21: {  	s30 =	simm.s32 $0x5880;
	[dreg:$0x1b] =	wrdreg s29  }
0x22: {  	s31 =	simm.s32 $0xD600;
	[dreg:$0x1c] =	wrdreg s30  }
0x23: {  	s0 =	simm.s32 $0x6080;
	[dreg:$0x1d] =	wrdreg s31  }
0x24: {  	s2 =	simm.s32 $0xD680;
	[dreg:$0x1e] =	wrdreg s0  }
0x25: {  	[dreg:$0x1f] =	wrdreg s2;
	s7 =	simm.s32 $0x6880  }
0x26: {  	v0 =	vlaneseq.u32;
	s8 =	simm.s32 $0xD700;
	[smem:$0x7E1] =	sst s7  }
0x27: {  	s9 =	simm.s32 $0x7080;
	v0 =	vmul.u32 $0x80, v0;
	[smem:$0x7E2] =	sst s8  }
0x28: {  	s10 =	simm.s32 $0xD780;
	[smem:$0x7E3] =	sst s9  }
0x29: {  	s11 =	simm.s32 $0x7880;
	[smem:$0x7E4] =	sst s10;
	v1 =	vor.u32 $0x800, v0;
	[tilespmem:$0x1FFE0] =	vst v0  }
0x2a: {  	s12 =	simm.s32 $0xD800;
	[smem:$0x7E5] =	sst s11;
	v41 =	vor.u32 $0x1000, v0;
	[tilespmem:$0x1FE60] =	vst v1  }
0x2b: {  	s13 =	simm.s32 $0x8080;
	[smem:$0x7E6] =	sst s12;
	v42 =	vor.u32 $0x1800, v0;
	[tilespmem:$0x1FE70] =	vst v41  }
0x2c: {  	s14 =	simm.s32 $0xD880;
	[smem:$0x7E7] =	sst s13;
	v43 =	vor.u32 $0x2000, v0;
	[tilespmem:$0x1FE80] =	vst v42  }
0x2d: {  	s15 =	simm.s32 $0x8880;
	[smem:$0x7E8] =	sst s14;
	v44 =	vor.u32 $0x2800, v0;
	[tilespmem:$0x1FE90] =	vst v43  }
0x2e: {  	s16 =	simm.s32 $0xD900;
	[smem:$0x7E9] =	sst s15;
	v45 =	vor.u32 $0x3000, v0;
	[tilespmem:$0x1FEA0] =	vst v44  }
0x2f: {  	s17 =	simm.s32 $0x9080;
	[smem:$0x7EA] =	sst s16;
	v46 =	vor.u32 $0x3800, v0;
	[tilespmem:$0x1FEB0] =	vst v45  }
0x30: {  	s18 =	simm.s32 $0xD980;
	[smem:$0x7EB] =	sst s17;
	v47 =	vor.u32 $0x4000, v0;
	[tilespmem:$0x1FEC0] =	vst v46  }
0x31: {  	s19 =	simm.s32 $0x9880;
	[smem:$0x7EC] =	sst s18;
	v48 =	vor.u32 $0x4800, v0;
	[tilespmem:$0x1FED0] =	vst v47  }
0x32: {  	s20 =	simm.s32 $0xDA00;
	[smem:$0x7ED] =	sst s19;
	v49 =	vor.u32 $0x5000, v0;
	[tilespmem:$0x1FEE0] =	vst v48  }
0x33: {  	s21 =	simm.s32 $0xA080;
	[smem:$0x7EE] =	sst s20;
	v50 =	vor.u32 $0x5800, v0;
	[tilespmem:$0x1FEF0] =	vst v49  }
0x34: {  	s22 =	simm.s32 $0xDA80;
	[smem:$0x7EF] =	sst s21;
	v51 =	vor.u32 $0x6000, v0;
	[tilespmem:$0x1FF00] =	vst v50  }
0x35: {  	s23 =	simm.s32 $0xA880;
	[smem:$0x7F0] =	sst s22;
	v52 =	vor.u32 $0x6800, v0;
	[tilespmem:$0x1FF10] =	vst v51  }
0x36: {  	s24 =	simm.s32 $0xDB00;
	[smem:$0x7F1] =	sst s23;
	v53 =	vor.u32 $0x7000, v0;
	[tilespmem:$0x1FF20] =	vst v52  }
0x37: {  	s25 =	simm.s32 $0xB080;
	[smem:$0x7F2] =	sst s24;
	v54 =	vor.u32 $0x7800, v0;
	[tilespmem:$0x1FF30] =	vst v53  }
0x38: {  	s26 =	simm.s32 $0xDB80;
	[smem:$0x7F3] =	sst s25;
	v55 =	vor.u32 $0x8000, v0;
	[tilespmem:$0x1FF40] =	vst v54  }
0x39: {  	s28 =	simm.s32 $0xB880;
	[smem:$0x7F4] =	sst s26;
	v56 =	vor.u32 $0x8800, v0;
	[tilespmem:$0x1FF50] =	vst v55  }
0x3a: {  	s29 =	simm.s32 $0xDC00;
	[smem:$0x7F5] =	sst s28;
	v57 =	vor.u32 $0x9000, v0;
	[tilespmem:$0x1FF60] =	vst v56  }
0x3b: {  	s4 =	sadd.s32 $0xE00, s4;
	s30 =	simm.s32 $0xC080;
	[smem:$0x7F6] =	sst s29;
	v58 =	vor.u32 $0x9800, v0;
	[tilespmem:$0x1FF70] =	vst v57  }
0x3c: {  	s5 =	ssub.s32 $0x2, s5;
	s31 =	simm.s32 $0xDC80;
	[smem:$0x7F7] =	sst s30;
	v59 =	vor.u32 $0xA000, v0;
	[tilespmem:$0x1FF80] =	vst v58  }
0x3d: {  	s7 =	sshrl.u32 s5, $0x1;
	[smem:$0x7F8] =	sst s31;
	s8 =	simm.s32 $0xC880;
	v60 =	vor.u32 $0xA800, v0;
	[tilespmem:$0x1FF90] =	vst v59  }
0x3e: {  	s9 =	simm.s32 $0xDD00;
	s10 =	simm.s32 $0xE080;
	[smem:$0x7F9] =	sst s8;
	v61 =	vor.u32 $0xB000, v0;
	[tilespmem:$0x1FFA0] =	vst v60  }
0x3f: {  	s11 =	simm.s32 $0xF100;
	s13 =	simm.s32 $0xF180;
	[smem:$0x7FA] =	sst s9;
	v62 =	vor.u32 $0xB800, v0;
	[tilespmem:$0x1FFB0] =	vst v61  }
0x40: {  	s12 =	simm.s32 $0x2;
	s0 =	ssub.s32 s5, s7;
	[smem:$0x7FB] =	sst s10;
	v63 =	vor.u32 $0xC000, v0;
	[tilespmem:$0x1FFC0] =	vst v62  }
0x41: {  	s7 =	simm.s32 $0x400;
	s8 =	simm.s32 $0x7A1400;
	[smem:$0x7FC] =	sst s11;
	v0 =	vor.u32 $0xC800, v0;
	[tilespmem:$0x1FFD0] =	vst v63  }
0x42: {  	vm0 =	vmmov $0x3ff;
	s9 =	simm.s32 $0x80;
	s11 =	simm.s32 $0x1;
	[smem:$0x7FD] =	sst s13;
	[tilespmem:$0x1FFF0] =	vst v0  }
.LBB2_2:
0x43: {  	s13 =	rddreg [dreg:$0x4];
	s2 =	simm.s32 $0x3  }
0x44: {  	[tilespmem:s3], [sflag:$0x3] =	stream.linear.gather [hbm4b:s13+s3], $0x80, $0x38;
	[tilespmem:$0xF200] =	vst v63  }
0x45: {  	_ =	swait.ge [sflag:s2], $0x80  }
0x46: {  	[sflag:s2] =	ssyncset.done $0x0  }
0x47: {  	[sflag:s2] =	ssyncadd.s32 $0xFFFFFF80  }
0x48: {  	v1 =	vld [tilespmem:$0x0];
	_ =	sdelay $0x4  }
0x49: {  	v0 =	vshra.s32 v1, $0x1F  }
0x4a: {  	v0 =	vshrl.u32 v0, $0x19  }
0x4b: {  	v0 =	vadd.s32 v0, v1  }
0x4c: {  	v0 =	vshrl.u32 v0, $0x7  }
0x4d: {  	v26 =	vshll.u32 v0, $0x7  }
0x4e: {  	(v2sf) =	vpush v26, $0x0;
	_ =	sdelay $0x2  }
0x4f: {  	(v2sf) =	vpush v26, $0x1;
	_ =	sdelay $0x3  }
0x50: {  	(v2sf) =	vpush v26, $0x2;
	_ =	sdelay $0x3  }
0x51: {  	(v2sf) =	vpush v26, $0x3;
	_ =	sdelay $0x3  }
0x52: {  	(v2sf) =	vpush v26, $0x4;
	s19 =	spop (v2sf)  }
0x53: {  	s14 =	sadd.s32 s1, s19;
	s13 =	sshrl.u32 s19, $0x3  }
0x54: {  	v2 =	vld [tilespmem:$0x10];
	[tilespmem:s9], [sflag:$0x1] =	stream.strided.gather [hbm4b:s14+s7], $0x800, s8, s7, $0x38  }
0x55: {  	s2 =	simm.s32 $0xD080;
	s21 =	spop (v2sf);
	s13 =	sadd.s32 s4, s13  }
0x56: {  	(v2sf) =	vpush v26, $0x5;
	[tilespmem:s2], [sflag:$0x2] =	stream.linear.gather [hbm4b:s13+s3], $0x80, $0x38;
	[tilespmem:$0xF200] =	vst v63  }
0x57: {  	s20 =	rddreg [dreg:$0x8];
	s15 =	sadd.s32 s1, s21;
	s14 =	sshrl.u32 s21, $0x3  }
0x58: {  	[tilespmem:s20], [sflag:$0x1] =	stream.strided.gather [hbm4b:s15+s7], $0x800, s8, s7, $0x38;
	[tilespmem:$0xF200] =	vst v63  }
0x59: {  	s22 =	rddreg [dreg:$0x9];
	s24 =	spop (v2sf);
	s14 =	sadd.s32 s4, s14  }
0x5a: {  	(v2sf) =	vpush v26, $0x6;
	[tilespmem:s22], [sflag:$0x2] =	stream.linear.gather [hbm4b:s14+s3], $0x80, $0x38;
	[tilespmem:$0xF200] =	vst v63  }
0x5b: {  	s23 =	rddreg [dreg:$0xa];
	s25 =	sadd.s32 s1, s24;
	s14 =	sshrl.u32 s24, $0x3  }
0x5c: {  	[tilespmem:s23], [sflag:$0x1] =	stream.strided.gather [hbm4b:s25+s7], $0x800, s8, s7, $0x38;
	[tilespmem:$0xF200] =	vst v63  }
0x5d: {  	s26 =	rddreg [dreg:$0xb];
	s29 =	spop (v2sf);
	s14 =	sadd.s32 s4, s14  }
0x5e: {  	(v2sf) =	vpush v26, $0x7;
	[tilespmem:s26], [sflag:$0x2] =	stream.linear.gather [hbm4b:s14+s3], $0x80, $0x38;
	[tilespmem:$0xF200] =	vst v63  }
0x5f: {  	s28 =	rddreg [dreg:$0xc];
	s30 =	sadd.s32 s1, s29;
	s14 =	sshrl.u32 s29, $0x3  }
0x60: {  	[tilespmem:s28], [sflag:$0x1] =	stream.strided.gather [hbm4b:s30+s7], $0x800, s8, s7, $0x38;
	[tilespmem:$0xF200] =	vst v63  }
0x61: {  	s31 =	rddreg [dreg:$0xd];
	s6 =	spop (v2sf);
	s14 =	sadd.s32 s4, s14  }
0x62: {  	(v2sf) =	vpush v26, $0x8;
	[tilespmem:s31], [sflag:$0x2] =	stream.linear.gather [hbm4b:s14+s3], $0x80, $0x38;
	[tilespmem:$0xF200] =	vst v63  }
0x63: {  	s5 =	rddreg [dreg:$0xe];
	s10 =	sadd.s32 s1, s6;
	s14 =	sshrl.u32 s6, $0x3  }
0x64: {  	[tilespmem:s5], [sflag:$0x1] =	stream.strided.gather [hbm4b:s10+s7], $0x800, s8, s7, $0x38;
	[tilespmem:$0xF200] =	vst v63  }
0x65: {  	s17 =	spop (v2sf);
	s15 =	rddreg [dreg:$0xf];
	s14 =	sadd.s32 s4, s14  }
0x66: {  	[tilespmem:s15], [sflag:$0x2] =	stream.linear.gather [hbm4b:s14+s3], $0x80, $0x38;
	[tilespmem:$0xF200] =	vst v63  }
0x67: {  	s16 =	rddreg [dreg:$0x10];
	s18 =	sadd.s32 s1, s17;
	s14 =	sshrl.u32 s17, $0x3  }
0x68: {  	[tilespmem:s16], [sflag:$0x1] =	stream.strided.gather [hbm4b:s18+s7], $0x800, s8, s7, $0x38;
	[tilespmem:$0xF200] =	vst v63  }
0x69: {  	s19 =	rddreg [dreg:$0x11];
	s21 =	spop (v2sf);
	s14 =	sadd.s32 s4, s14  }
0x6a: {  	[tilespmem:s19], [sflag:$0x2] =	stream.linear.gather [hbm4b:s14+s3], $0x80, $0x38;
	[tilespmem:$0xF200] =	vst v63  }
0x6b: {  	(v2sf) =	vpush v26, $0x9;
	s20 =	rddreg [dreg:$0x12];
	s22 =	sadd.s32 s1, s21;
	s14 =	sshrl.u32 s21, $0x3  }
0x6c: {  	[tilespmem:s20], [sflag:$0x1] =	stream.strided.gather [hbm4b:s22+s7], $0x800, s8, s7, $0x38;
	[tilespmem:$0xF200] =	vst v63  }
0x6d: {  	s23 =	rddreg [dreg:$0x13];
	s25 =	spop (v2sf);
	s14 =	sadd.s32 s4, s14  }
0x6e: {  	[tilespmem:s23], [sflag:$0x2] =	stream.linear.gather [hbm4b:s14+s3], $0x80, $0x38;
	[tilespmem:$0xF200] =	vst v63  }
0x6f: {  	(v2sf) =	vpush v26, $0xA;
	s24 =	rddreg [dreg:$0x14];
	s26 =	sadd.s32 s1, s25;
	s14 =	sshrl.u32 s25, $0x3  }
0x70: {  	[tilespmem:s24], [sflag:$0x1] =	stream.strided.gather [hbm4b:s26+s7], $0x800, s8, s7, $0x38;
	[tilespmem:$0xF200] =	vst v63  }
0x71: {  	s28 =	rddreg [dreg:$0x15];
	s30 =	spop (v2sf);
	s14 =	sadd.s32 s4, s14  }
0x72: {  	[tilespmem:s28], [sflag:$0x2] =	stream.linear.gather [hbm4b:s14+s3], $0x80, $0x38;
	[tilespmem:$0xF200] =	vst v63  }
0x73: {  	[tilespmem:$0x1FE30] =	vst v1;
	s29 =	rddreg [dreg:$0x16];
	s31 =	sadd.s32 s1, s30  }
0x74: {  	[tilespmem:s29], [sflag:$0x1] =	stream.strided.gather [hbm4b:s31+s7], $0x800, s8, s7, $0x38;
	[tilespmem:$0xF200] =	vst v63  }
0x75: {  	s13 =	rddreg [dreg:$0x17];
	(v2sf) =	vpush v26, $0xB;
	_ =	sdelay $0x2  }
0x76: {  	(v2sf) =	vpush v26, $0xC  }
0x77: {  	s14 =	sshrl.u32 s30, $0x3  }
0x78: {  	s14 =	sadd.s32 s4, s14;
	s6 =	spop (v2sf)  }
0x79: {  	[tilespmem:s13], [sflag:$0x2] =	stream.linear.gather [hbm4b:s14+s3], $0x80, $0x38;
	[tilespmem:$0xF200] =	vst v63  }
0x7a: {  	s5 =	rddreg [dreg:$0x18];
	s10 =	sadd.s32 s1, s6;
	s14 =	sshrl.u32 s6, $0x3;
	(v2sf) =	vpush v26, $0xD  }
0x7b: {  	[tilespmem:s5], [sflag:$0x1] =	stream.strided.gather [hbm4b:s10+s7], $0x800, s8, s7, $0x38;
	[tilespmem:$0xF200] =	vst v63  }
0x7c: {  	s15 =	rddreg [dreg:$0x19];
	s17 =	spop (v2sf);
	s14 =	sadd.s32 s4, s14  }
0x7d: {  	[tilespmem:s15], [sflag:$0x2] =	stream.linear.gather [hbm4b:s14+s3], $0x80, $0x38;
	[tilespmem:$0xF200] =	vst v63  }
0x7e: {  	s16 =	rddreg [dreg:$0x1a];
	s18 =	sadd.s32 s1, s17;
	(v2sf) =	vpush v26, $0xE;
	s14 =	sshrl.u32 s17, $0x3  }
0x7f: {  	[tilespmem:s16], [sflag:$0x1] =	stream.strided.gather [hbm4b:s18+s7], $0x800, s8, s7, $0x38;
	[tilespmem:$0xF200] =	vst v63  }
0x80: {  	s19 =	rddreg [dreg:$0x1b];
	s14 =	sadd.s32 s4, s14  }
0x81: {  	[tilespmem:s19], [sflag:$0x2] =	stream.linear.gather [hbm4b:s14+s3], $0x80, $0x38;
	[tilespmem:$0xF200] =	vst v63  }
0x82: {  	v45 =	vshra.s32 v2, $0x1F;
	s20 =	rddreg [dreg:$0x1c];
	(v2sf) =	vpush v26, $0xF;
	s21 =	spop (v2sf)  }
0x83: {  	v0 =	vshrl.u32 v45, $0x19;
	s23 =	rddreg [dreg:$0x1d];
	s22 =	sadd.s32 s1, s21;
	s14 =	sshrl.u32 s21, $0x3  }
0x84: {  	v0 =	vadd.s32 v0, v2;
	[tilespmem:s20], [sflag:$0x1] =	stream.strided.gather [hbm4b:s22+s7], $0x800, s8, s7, $0x38;
	[tilespmem:$0xF200] =	vst v63  }
0x85: {  	v35 =	vand.u32 $0xFFFFFF80, v0;
	s24 =	rddreg [dreg:$0x1e];
	s25 =	spop (v2sf);
	s14 =	sadd.s32 s4, s14  }
0x86: {  	(v2sf) =	vpush v35, $0x0;
	[tilespmem:s23], [sflag:$0x2] =	stream.linear.gather [hbm4b:s14+s3], $0x80, $0x38;
	[tilespmem:$0xF200] =	vst v63  }
0x87: {  	s28 =	rddreg [dreg:$0x1f];
	s26 =	sadd.s32 s1, s25;
	s14 =	sshrl.u32 s25, $0x3  }
0x88: {  	[tilespmem:s24], [sflag:$0x1] =	stream.strided.gather [hbm4b:s26+s7], $0x800, s8, s7, $0x38;
	[tilespmem:$0xF200] =	vst v63  }
0x89: {  	s29 =	sld [smem:$0x7E1];
	s30 =	spop (v2sf);
	s14 =	sadd.s32 s4, s14  }
0x8a: {  	(v2sf) =	vpush v35, $0x1;
	[tilespmem:s28], [sflag:$0x2] =	stream.linear.gather [hbm4b:s14+s3], $0x80, $0x38;
	[tilespmem:$0xF200] =	vst v63  }
0x8b: {  	s5 =	sld [smem:$0x7E2];
	s31 =	sadd.s32 s1, s30;
	s14 =	sshrl.u32 s30, $0x3  }
0x8c: {  	[tilespmem:s29], [sflag:$0x1] =	stream.strided.gather [hbm4b:s31+s7], $0x800, s8, s7, $0x38;
	[tilespmem:$0xF200] =	vst v63  }
0x8d: {  	s6 =	sld [smem:$0x7E3];
	s10 =	spop (v2sf);
	s14 =	sadd.s32 s4, s14  }
0x8e: {  	(v2sf) =	vpush v35, $0x2;
	[tilespmem:s5], [sflag:$0x2] =	stream.linear.gather [hbm4b:s14+s3], $0x80, $0x38;
	[tilespmem:$0xF200] =	vst v63  }
0x8f: {  	s17 =	sld [smem:$0x7E4];
	s16 =	sadd.s32 s1, s10;
	s14 =	sshrl.u32 s10, $0x3  }
0x90: {  	[tilespmem:s6], [sflag:$0x1] =	stream.strided.gather [hbm4b:s16+s7], $0x800, s8, s7, $0x38;
	[tilespmem:$0xF200] =	vst v63  }
0x91: {  	s18 =	sld [smem:$0x7E5];
	s19 =	spop (v2sf);
	s14 =	sadd.s32 s4, s14  }
0x92: {  	(v2sf) =	vpush v35, $0x3;
	[tilespmem:s17], [sflag:$0x2] =	stream.linear.gather [hbm4b:s14+s3], $0x80, $0x38;
	[tilespmem:$0xF200] =	vst v63  }
0x93: {  	s21 =	sld [smem:$0x7E6];
	s20 =	sadd.s32 s1, s19;
	s14 =	sshrl.u32 s19, $0x3  }
0x94: {  	[tilespmem:s18], [sflag:$0x1] =	stream.strided.gather [hbm4b:s20+s7], $0x800, s8, s7, $0x38;
	[tilespmem:$0xF200] =	vst v63  }
0x95: {  	s22 =	sld [smem:$0x7E7];
	s23 =	spop (v2sf);
	s14 =	sadd.s32 s4, s14  }
0x96: {  	(v2sf) =	vpush v35, $0x4;
	[tilespmem:s21], [sflag:$0x2] =	stream.linear.gather [hbm4b:s14+s3], $0x80, $0x38;
	[tilespmem:$0xF200] =	vst v63  }
0x97: {  	s25 =	sld [smem:$0x7E8];
	s24 =	sadd.s32 s1, s23;
	s14 =	sshrl.u32 s23, $0x3  }
0x98: {  	[tilespmem:s22], [sflag:$0x1] =	stream.strided.gather [hbm4b:s24+s7], $0x800, s8, s7, $0x38;
	[tilespmem:$0xF200] =	vst v63  }
0x99: {  	s26 =	sld [smem:$0x7E9];
	s28 =	spop (v2sf);
	s14 =	sadd.s32 s4, s14  }
0x9a: {  	(v2sf) =	vpush v35, $0x5;
	[tilespmem:s25], [sflag:$0x2] =	stream.linear.gather [hbm4b:s14+s3], $0x80, $0x38;
	[tilespmem:$0xF200] =	vst v63  }
0x9b: {  	s30 =	sld [smem:$0x7EA];
	s29 =	sadd.s32 s1, s28;
	s14 =	sshrl.u32 s28, $0x3  }
0x9c: {  	[tilespmem:s26], [sflag:$0x1] =	stream.strided.gather [hbm4b:s29+s7], $0x800, s8, s7, $0x38;
	[tilespmem:$0xF200] =	vst v63  }
0x9d: {  	s31 =	sld [smem:$0x7EB];
	s5 =	spop (v2sf);
	s14 =	sadd.s32 s4, s14  }
0x9e: {  	(v2sf) =	vpush v35, $0x6;
	[tilespmem:s30], [sflag:$0x2] =	stream.linear.gather [hbm4b:s14+s3], $0x80, $0x38;
	[tilespmem:$0xF200] =	vst v63  }
0x9f: {  	s10 =	sld [smem:$0x7EC];
	s6 =	sadd.s32 s1, s5;
	s14 =	sshrl.u32 s5, $0x3  }
0xa0: {  	[tilespmem:s31], [sflag:$0x1] =	stream.strided.gather [hbm4b:s6+s7], $0x800, s8, s7, $0x38;
	[tilespmem:$0xF200] =	vst v63  }
0xa1: {  	s15 =	sld [smem:$0x7ED];
	s16 =	spop (v2sf);
	s14 =	sadd.s32 s4, s14  }
0xa2: {  	(v2sf) =	vpush v35, $0x7;
	[tilespmem:s10], [sflag:$0x2] =	stream.linear.gather [hbm4b:s14+s3], $0x80, $0x38;
	[tilespmem:$0xF200] =	vst v63  }
0xa3: {  	s17 =	sadd.s32 s1, s16;
	s18 =	sld [smem:$0x7EE];
	s14 =	sshrl.u32 s16, $0x3  }
0xa4: {  	[tilespmem:s15], [sflag:$0x1] =	stream.strided.gather [hbm4b:s17+s7], $0x800, s8, s7, $0x38;
	[tilespmem:$0xF200] =	vst v63  }
0xa5: {  	s19 =	sld [smem:$0x7EF];
	s20 =	spop (v2sf);
	s14 =	sadd.s32 s4, s14  }
0xa6: {  	(v2sf) =	vpush v35, $0x8;
	[tilespmem:s18], [sflag:$0x2] =	stream.linear.gather [hbm4b:s14+s3], $0x80, $0x38;
	[tilespmem:$0xF200] =	vst v63  }
0xa7: {  	s21 =	sadd.s32 s1, s20;
	s22 =	sld [smem:$0x7F0];
	s14 =	sshrl.u32 s20, $0x3  }
0xa8: {  	[tilespmem:s19], [sflag:$0x1] =	stream.strided.gather [hbm4b:s21+s7], $0x800, s8, s7, $0x38;
	[tilespmem:$0xF200] =	vst v63  }
0xa9: {  	s23 =	sld [smem:$0x7F1];
	s24 =	spop (v2sf);
	s14 =	sadd.s32 s4, s14  }
0xaa: {  	(v2sf) =	vpush v35, $0x9;
	[tilespmem:s22], [sflag:$0x2] =	stream.linear.gather [hbm4b:s14+s3], $0x80, $0x38;
	[tilespmem:$0xF200] =	vst v63  }
0xab: {  	s25 =	sadd.s32 s1, s24;
	s26 =	sld [smem:$0x7F2];
	s14 =	sshrl.u32 s24, $0x3  }
0xac: {  	[tilespmem:s23], [sflag:$0x1] =	stream.strided.gather [hbm4b:s25+s7], $0x800, s8, s7, $0x38;
	[tilespmem:$0xF200] =	vst v63  }
0xad: {  	s28 =	sld [smem:$0x7F3];
	s29 =	spop (v2sf);
	s14 =	sadd.s32 s4, s14  }
0xae: {  	[tilespmem:s26], [sflag:$0x2] =	stream.linear.gather [hbm4b:s14+s3], $0x80, $0x38;
	[tilespmem:$0xF200] =	vst v63  }
0xaf: {  	s30 =	sadd.s32 s1, s29;
	s31 =	sld [smem:$0x7F4];
	s14 =	sshrl.u32 s29, $0x3  }
0xb0: {  	[tilespmem:s28], [sflag:$0x1] =	stream.strided.gather [hbm4b:s30+s7], $0x800, s8, s7, $0x38;
	[tilespmem:$0xF200] =	vst v63  }
0xb1: {  	s5 =	sld [smem:$0x7F5];
	s6 =	spop (v2sf);
	s14 =	sadd.s32 s4, s14  }
0xb2: {  	[tilespmem:s31], [sflag:$0x2] =	stream.linear.gather [hbm4b:s14+s3], $0x80, $0x38;
	[tilespmem:$0xF200] =	vst v63  }
0xb3: {  	s10 =	sadd.s32 s1, s6;
	s16 =	sld [smem:$0x7F6];
	s14 =	sshrl.u32 s6, $0x3  }
0xb4: {  	[tilespmem:s5], [sflag:$0x1] =	stream.strided.gather [hbm4b:s10+s7], $0x800, s8, s7, $0x38;
	[tilespmem:$0xF200] =	vst v63  }
0xb5: {  	s17 =	sld [smem:$0x7F7];
	s18 =	spop (v2sf);
	s14 =	sadd.s32 s4, s14  }
0xb6: {  	[tilespmem:s16], [sflag:$0x2] =	stream.linear.gather [hbm4b:s14+s3], $0x80, $0x38;
	[tilespmem:$0xF200] =	vst v63  }
0xb7: {  	s20 =	sld [smem:$0x7F8];
	s19 =	sadd.s32 s1, s18;
	s14 =	sshrl.u32 s18, $0x3  }
0xb8: {  	[tilespmem:s17], [sflag:$0x1] =	stream.strided.gather [hbm4b:s19+s7], $0x800, s8, s7, $0x38;
	[tilespmem:$0xF200] =	vst v63  }
0xb9: {  	s21 =	sld [smem:$0x7F9];
	s22 =	spop (v2sf);
	s14 =	sadd.s32 s4, s14  }
0xba: {  	[tilespmem:s20], [sflag:$0x2] =	stream.linear.gather [hbm4b:s14+s3], $0x80, $0x38;
	[tilespmem:$0xF200] =	vst v63  }
0xbb: {  	s24 =	sld [smem:$0x7FA];
	s23 =	sadd.s32 s1, s22;
	s14 =	sshrl.u32 s22, $0x3  }
0xbc: {  	[tilespmem:s21], [sflag:$0x1] =	stream.strided.gather [hbm4b:s23+s7], $0x800, s8, s7, $0x38;
	[tilespmem:$0xF200] =	vst v63  }
0xbd: {  	s16 =	sld [smem:$0x7FB];
	s14 =	sadd.s32 s4, s14  }
0xbe: {  	[tilespmem:s24], [sflag:$0x2] =	stream.linear.gather [hbm4b:s14+s3], $0x80, $0x38;
	[tilespmem:$0xF200] =	vst v63  }
0xbf: {  	[tilespmem:$0x1FE20] =	vst v2;
	s25 =	rddreg [dreg:$0x5];
	s5 =	simm.s32 $0x3  }
0xc0: {  	[tilespmem:s16], [sflag:$0x3] =	stream.linear.gather [hbm4b:s25+s3], $0x1080, $0x38;
	[tilespmem:$0xF200] =	vst v63  }
0xc1: {  	_ =	swait.ge [sflag:s5], $0x1080  }
0xc2: {  	s28 =	sld [smem:$0x7FC]  }
0xc3: {  	[sflag:s5] =	ssyncset.done $0x0  }
0xc4: {  	s26 =	rddreg [dreg:$0x6];
	[sflag:s5] =	ssyncadd.s32 $0xFFFFEF80  }
0xc5: {  	[tilespmem:s28], [sflag:$0x3] =	stream.linear.gather [hbm4b:s26+s3], $0x80, $0x38;
	[tilespmem:$0xF200] =	vst v63  }
0xc6: {  	_ =	swait.ge [sflag:s5], $0x80  }
0xc7: {  	[sflag:s5] =	ssyncset.done $0x0  }
0xc8: {  	[sflag:s5] =	ssyncadd.s32 $0xFFFFFF80  }
0xc9: {  	_ =	swait.ge [sflag:s11], $0x800  }
0xca: {  	[sflag:s11] =	ssyncset.done $0x0  }
0xcb: {  	[sflag:s11] =	ssyncadd.s32 $0xFFFFF800  }
0xcc: {  	_ =	swait.ge [sflag:s12], $0x80  }
0xcd: {  	[sflag:s12] =	ssyncset.done $0x0  }
0xce: {  	[sflag:s12] =	ssyncadd.s32 $0xFFFFFF80  }
0xcf: {  	_ =	swait.ge [sflag:s11], $0x800  }
0xd0: {  	[sflag:s11] =	ssyncset.done $0x0  }
0xd1: {  	[sflag:s11] =	ssyncadd.s32 $0xFFFFF800  }
0xd2: {  	_ =	swait.ge [sflag:s12], $0x80  }
0xd3: {  	[sflag:s12] =	ssyncset.done $0x0  }
0xd4: {  	[sflag:s12] =	ssyncadd.s32 $0xFFFFFF80  }
0xd5: {  	_ =	swait.ge [sflag:s11], $0x800  }
0xd6: {  	[sflag:s11] =	ssyncset.done $0x0  }
0xd7: {  	[sflag:s11] =	ssyncadd.s32 $0xFFFFF800  }
0xd8: {  	_ =	swait.ge [sflag:s12], $0x80  }
0xd9: {  	[sflag:s12] =	ssyncset.done $0x0  }
0xda: {  	[sflag:s12] =	ssyncadd.s32 $0xFFFFFF80  }
0xdb: {  	_ =	swait.ge [sflag:s11], $0x800  }
0xdc: {  	[sflag:s11] =	ssyncset.done $0x0  }
0xdd: {  	[sflag:s11] =	ssyncadd.s32 $0xFFFFF800  }
0xde: {  	_ =	swait.ge [sflag:s12], $0x80  }
0xdf: {  	[sflag:s12] =	ssyncset.done $0x0  }
0xe0: {  	[sflag:s12] =	ssyncadd.s32 $0xFFFFFF80  }
0xe1: {  	_ =	swait.ge [sflag:s11], $0x800  }
0xe2: {  	[sflag:s11] =	ssyncset.done $0x0  }
0xe3: {  	[sflag:s11] =	ssyncadd.s32 $0xFFFFF800  }
0xe4: {  	_ =	swait.ge [sflag:s12], $0x80  }
0xe5: {  	[sflag:s12] =	ssyncset.done $0x0  }
0xe6: {  	[sflag:s12] =	ssyncadd.s32 $0xFFFFFF80  }
0xe7: {  	_ =	swait.ge [sflag:s11], $0x800  }
0xe8: {  	[sflag:s11] =	ssyncset.done $0x0  }
0xe9: {  	[sflag:s11] =	ssyncadd.s32 $0xFFFFF800  }
0xea: {  	_ =	swait.ge [sflag:s12], $0x80  }
0xeb: {  	[sflag:s12] =	ssyncset.done $0x0  }
0xec: {  	[sflag:s12] =	ssyncadd.s32 $0xFFFFFF80  }
0xed: {  	_ =	swait.ge [sflag:s11], $0x800  }
0xee: {  	[sflag:s11] =	ssyncset.done $0x0  }
0xef: {  	[sflag:s11] =	ssyncadd.s32 $0xFFFFF800  }
0xf0: {  	_ =	swait.ge [sflag:s12], $0x80  }
0xf1: {  	[sflag:s12] =	ssyncset.done $0x0  }
0xf2: {  	[sflag:s12] =	ssyncadd.s32 $0xFFFFFF80  }
0xf3: {  	_ =	swait.ge [sflag:s11], $0x800  }
0xf4: {  	[sflag:s11] =	ssyncset.done $0x0  }
0xf5: {  	[sflag:s11] =	ssyncadd.s32 $0xFFFFF800  }
0xf6: {  	_ =	swait.ge [sflag:s12], $0x80  }
0xf7: {  	[sflag:s12] =	ssyncset.done $0x0  }
0xf8: {  	[sflag:s12] =	ssyncadd.s32 $0xFFFFFF80  }
0xf9: {  	_ =	swait.ge [sflag:s11], $0x800  }
0xfa: {  	[sflag:s11] =	ssyncset.done $0x0  }
0xfb: {  	[sflag:s11] =	ssyncadd.s32 $0xFFFFF800  }
0xfc: {  	_ =	swait.ge [sflag:s12], $0x80  }
0xfd: {  	[sflag:s12] =	ssyncset.done $0x0  }
0xfe: {  	[sflag:s12] =	ssyncadd.s32 $0xFFFFFF80  }
0xff: {  	_ =	swait.ge [sflag:s11], $0x800  }
0x100: {  	[sflag:s11] =	ssyncset.done $0x0  }
0x101: {  	[sflag:s11] =	ssyncadd.s32 $0xFFFFF800  }
0x102: {  	_ =	swait.ge [sflag:s12], $0x80  }
0x103: {  	[sflag:s12] =	ssyncset.done $0x0  }
0x104: {  	[sflag:s12] =	ssyncadd.s32 $0xFFFFFF80  }
0x105: {  	_ =	swait.ge [sflag:s11], $0x800  }
0x106: {  	[sflag:s11] =	ssyncset.done $0x0  }
0x107: {  	[sflag:s11] =	ssyncadd.s32 $0xFFFFF800  }
0x108: {  	_ =	swait.ge [sflag:s12], $0x80  }
0x109: {  	[sflag:s12] =	ssyncset.done $0x0  }
0x10a: {  	[sflag:s12] =	ssyncadd.s32 $0xFFFFFF80  }
0x10b: {  	_ =	swait.ge [sflag:s11], $0x800  }
0x10c: {  	[sflag:s11] =	ssyncset.done $0x0  }
0x10d: {  	[sflag:s11] =	ssyncadd.s32 $0xFFFFF800  }
0x10e: {  	_ =	swait.ge [sflag:s12], $0x80  }
0x10f: {  	[sflag:s12] =	ssyncset.done $0x0  }
0x110: {  	[sflag:s12] =	ssyncadd.s32 $0xFFFFFF80  }
0x111: {  	_ =	swait.ge [sflag:s11], $0x800  }
0x112: {  	[sflag:s11] =	ssyncset.done $0x0  }
0x113: {  	[sflag:s11] =	ssyncadd.s32 $0xFFFFF800  }
0x114: {  	_ =	swait.ge [sflag:s12], $0x80  }
0x115: {  	[sflag:s12] =	ssyncset.done $0x0  }
0x116: {  	[sflag:s12] =	ssyncadd.s32 $0xFFFFFF80  }
0x117: {  	_ =	swait.ge [sflag:s11], $0x800  }
0x118: {  	[sflag:s11] =	ssyncset.done $0x0  }
0x119: {  	[sflag:s11] =	ssyncadd.s32 $0xFFFFF800  }
0x11a: {  	_ =	swait.ge [sflag:s12], $0x80  }
0x11b: {  	[sflag:s12] =	ssyncset.done $0x0  }
0x11c: {  	[sflag:s12] =	ssyncadd.s32 $0xFFFFFF80  }
0x11d: {  	_ =	swait.ge [sflag:s11], $0x800  }
0x11e: {  	[sflag:s11] =	ssyncset.done $0x0  }
0x11f: {  	[sflag:s11] =	ssyncadd.s32 $0xFFFFF800  }
0x120: {  	_ =	swait.ge [sflag:s12], $0x80  }
0x121: {  	[sflag:s12] =	ssyncset.done $0x0  }
0x122: {  	[sflag:s12] =	ssyncadd.s32 $0xFFFFFF80  }
0x123: {  	_ =	swait.ge [sflag:s11], $0x800  }
0x124: {  	[sflag:s11] =	ssyncset.done $0x0  }
0x125: {  	[sflag:s11] =	ssyncadd.s32 $0xFFFFF800  }
0x126: {  	_ =	swait.ge [sflag:s12], $0x80  }
0x127: {  	[sflag:s12] =	ssyncset.done $0x0  }
0x128: {  	[sflag:s12] =	ssyncadd.s32 $0xFFFFFF80  }
0x129: {  	_ =	swait.ge [sflag:s11], $0x800  }
0x12a: {  	[sflag:s11] =	ssyncset.done $0x0  }
0x12b: {  	[sflag:s11] =	ssyncadd.s32 $0xFFFFF800  }
0x12c: {  	_ =	swait.ge [sflag:s12], $0x80  }
0x12d: {  	[sflag:s12] =	ssyncset.done $0x0  }
0x12e: {  	[sflag:s12] =	ssyncadd.s32 $0xFFFFFF80  }
0x12f: {  	_ =	swait.ge [sflag:s11], $0x800  }
0x130: {  	[sflag:s11] =	ssyncset.done $0x0  }
0x131: {  	[sflag:s11] =	ssyncadd.s32 $0xFFFFF800  }
0x132: {  	_ =	swait.ge [sflag:s12], $0x80  }
0x133: {  	[sflag:s12] =	ssyncset.done $0x0  }
0x134: {  	[sflag:s12] =	ssyncadd.s32 $0xFFFFFF80  }
0x135: {  	_ =	swait.ge [sflag:s11], $0x800  }
0x136: {  	[sflag:s11] =	ssyncset.done $0x0  }
0x137: {  	[sflag:s11] =	ssyncadd.s32 $0xFFFFF800  }
0x138: {  	_ =	swait.ge [sflag:s12], $0x80  }
0x139: {  	[sflag:s12] =	ssyncset.done $0x0  }
0x13a: {  	[sflag:s12] =	ssyncadd.s32 $0xFFFFFF80  }
0x13b: {  	_ =	swait.ge [sflag:s11], $0x800  }
0x13c: {  	[sflag:s11] =	ssyncset.done $0x0  }
0x13d: {  	[sflag:s11] =	ssyncadd.s32 $0xFFFFF800  }
0x13e: {  	_ =	swait.ge [sflag:s12], $0x80  }
0x13f: {  	[sflag:s12] =	ssyncset.done $0x0  }
0x140: {  	[sflag:s12] =	ssyncadd.s32 $0xFFFFFF80  }
0x141: {  	_ =	swait.ge [sflag:s11], $0x800  }
0x142: {  	[sflag:s11] =	ssyncset.done $0x0  }
0x143: {  	[sflag:s11] =	ssyncadd.s32 $0xFFFFF800  }
0x144: {  	_ =	swait.ge [sflag:s12], $0x80  }
0x145: {  	[sflag:s12] =	ssyncset.done $0x0  }
0x146: {  	[sflag:s12] =	ssyncadd.s32 $0xFFFFFF80  }
0x147: {  	_ =	swait.ge [sflag:s11], $0x800  }
0x148: {  	[sflag:s11] =	ssyncset.done $0x0  }
0x149: {  	[sflag:s11] =	ssyncadd.s32 $0xFFFFF800  }
0x14a: {  	_ =	swait.ge [sflag:s12], $0x80  }
0x14b: {  	[sflag:s12] =	ssyncset.done $0x0  }
0x14c: {  	[sflag:s12] =	ssyncadd.s32 $0xFFFFFF80  }
0x14d: {  	_ =	swait.ge [sflag:s11], $0x800  }
0x14e: {  	[sflag:s11] =	ssyncset.done $0x0  }
0x14f: {  	[sflag:s11] =	ssyncadd.s32 $0xFFFFF800  }
0x150: {  	_ =	swait.ge [sflag:s12], $0x80  }
0x151: {  	[sflag:s12] =	ssyncset.done $0x0  }
0x152: {  	[sflag:s12] =	ssyncadd.s32 $0xFFFFFF80  }
0x153: {  	_ =	swait.ge [sflag:s11], $0x800  }
0x154: {  	[sflag:s11] =	ssyncset.done $0x0  }
0x155: {  	[sflag:s11] =	ssyncadd.s32 $0xFFFFF800  }
0x156: {  	_ =	swait.ge [sflag:s12], $0x80  }
0x157: {  	[sflag:s12] =	ssyncset.done $0x0  }
0x158: {  	[sflag:s12] =	ssyncadd.s32 $0xFFFFFF80  }
0x159: {  	_ =	swait.ge [sflag:s11], $0x800  }
0x15a: {  	[sflag:s11] =	ssyncset.done $0x0  }
0x15b: {  	[sflag:s11] =	ssyncadd.s32 $0xFFFFF800  }
0x15c: {  	_ =	swait.ge [sflag:s12], $0x80  }
0x15d: {  	[sflag:s12] =	ssyncset.done $0x0  }
0x15e: {  	[sflag:s12] =	ssyncadd.s32 $0xFFFFFF80  }
0x15f: {  	_ =	swait.ge [sflag:s11], $0x800  }
0x160: {  	[sflag:s11] =	ssyncset.done $0x0  }
0x161: {  	[sflag:s11] =	ssyncadd.s32 $0xFFFFF800  }
0x162: {  	_ =	swait.ge [sflag:s12], $0x80  }
0x163: {  	v47 =	vld [tilespmem:$0x1FFE0]  }
0x164: {  	v54 =	vld [tilespmem:$0x1FE60]  }
0x165: {  	v55 =	vld [tilespmem:$0x1FE70]  }
0x166: {  	[sflag:s12] =	ssyncset.done $0x0;
	v56 =	vld [tilespmem:$0x1FE80]  }
0x167: {  	v13 =	vld [tilespmem:$0x1FEA0];
	[sflag:s12] =	ssyncadd.s32 $0xFFFFFF80  }
0x168: {  	v33 =	vld [tilespmem:$0xF100]  }
0x169: {  	v31 =	vld [tilespmem:$0xF110]  }
0x16a: {  	v30 =	vld [tilespmem:$0xF120]  }
0x16b: {  	v62 =	vld [tilespmem:$0xF130]  }
0x16c: {  	v48 =	vld [tilespmem:$0xF140]  }
0x16d: {  	v49 =	vld [tilespmem:$0xF150]  }
0x16e: {  	v4 =	vld [tilespmem:$0xE080]  }
0x16f: {  	v6 =	vld [tilespmem:$0xE220]  }
0x170: {  	v63 =	vld [tilespmem:$0xE3C0]  }
0x171: {  	v7 =	vld [tilespmem:$0xE560]  }
0x172: {  	v52 =	vld [tilespmem:$0xE700]  }
0x173: {  	v22 =	vld [tilespmem:$0xE8A0]  }
0x174: {  	v45 =	vld [tilespmem:$0xEA40]  }
0x175: {  	v39 =	vld [tilespmem:$0xEBE0]  }
0x176: {  	v38 =	vld [tilespmem:$0xED80]  }
0x177: {  	v37 =	vld [tilespmem:$0xEF20]  }
0x178: {  	v2 =	vld [tilespmem:$0xE090]  }
0x179: {  	v3 =	vld [tilespmem:$0xE230]  }
0x17a: {  	v34 =	vsub.s32 v1, v26;
	v1 =	vld [tilespmem:$0xE3D0]  }
0x17b: {  	v43 =	vld [tilespmem:$0xE570]  }
0x17c: {  	v14 =	vld [tilespmem:$0xE710]  }
0x17d: {  	v16 =	vld [tilespmem:$0xE8B0]  }
0x17e: {  	v41 =	vld [tilespmem:$0xEA50]  }
0x17f: {  	v17 =	vld [tilespmem:$0xEBF0]  }
0x180: {  	v19 =	vld [tilespmem:$0xED90]  }
0x181: {  	v20 =	vld [tilespmem:$0xEF30]  }
0x182: {  	v21 =	vld [tilespmem:$0xE0A0]  }
0x183: {  	v25 =	vld [tilespmem:$0xE240]  }
0x184: {  	v24 =	vld [tilespmem:$0xE3E0]  }
0x185: {  	v29 =	vld [tilespmem:$0xE580]  }
0x186: {  	v26 =	vld [tilespmem:$0xE720]  }
0x187: {  	v51 =	vld [tilespmem:$0xEC00]  }
0x188: {  	v53 =	vld [tilespmem:$0xEDA0]  }
0x189: {  	v58 =	vld [tilespmem:$0xE250]  }
0x18a: {  	v57 =	vld [tilespmem:$0xE8D0]  }
0x18b: {  	v9 =	vld [tilespmem:$0xEA70]  }
0x18c: {  	v8 =	vbroadcast v34, $0x2;
	v10 =	vld [tilespmem:$0xEC10]  }
0x18d: {  	v46 =	vbroadcast v34, $0x0;
	v18 =	vbroadcast v34, $0x3;
	v12 =	vld [tilespmem:$0xEF50]  }
0x18e: {  	v11 =	vadd.s32 v55, v8;
	v8 =	vld [tilespmem:$0x1FE90]  }
0x18f: {  	v0 =	vadd.s32 v47, v46;
	v23 =	vadd.s32 v56, v18;
	v56 =	vld [tilespmem:$0xE260]  }
0x190: {  	[tilespmem:$0x1FA70] =	vst v57;
	v57 =	vld [tilespmem:$0x1FEC0]  }
0x191: {  	[tilespmem:$0x1FA80] =	vst v9;
	v9 =	vld [tilespmem:$0x1FED0]  }
0x192: {  	[tilespmem:$0x1FA90] =	vst v10;
	v10 =	vld [tilespmem:$0xE5A0]  }
0x193: {  	[tilespmem:$0x1FAB0] =	vst v12;
	v12 =	vld [tilespmem:$0xE8E0]  }
0x194: {  	v50 =	vbroadcast v34, $0x1;
	v36 =	vld.idx.msk [tilespmem:v0+s9+$0x0], $0xffff  }
0x195: {  	v15 =	vld.idx.msk [tilespmem:v11+s9+$0x0], $0xffff  }
0x196: {  	v0 =	vadd.s32 v54, v50;
	v54 =	vld [tilespmem:$0x1FEB0]  }
0x197: {  	v32 =	vbroadcast v34, $0x4;
	[tilespmem:$0x1FE40] =	vst v48;
	v48 =	vld.idx.msk [tilespmem:v23+s9+$0x0], $0xffff  }
0x198: {  	v40 =	vbroadcast v34, $0x5;
	v11 =	vld [tilespmem:$0xEDB0]  }
0x199: {  	v42 =	vbroadcast v34, $0x6;
	v32 =	vadd.s32 v8, v32;
	v50 =	vld [tilespmem:$0xE0C0]  }
0x19a: {  	v27 =	vadd.s32 v13, v40;
	v8 =	vld [tilespmem:$0xE400]  }
0x19b: {  	v5 =	vld.idx.msk [tilespmem:v0+s9+$0x0], $0xffff;
	v42 =	vadd.s32 v54, v42  }
0x19c: {  	[tilespmem:$0x1FB00] =	vst v12;
	v12 =	vld [tilespmem:$0xE8F0]  }
0x19d: {  	v28 =	vbroadcast v34, $0x7;
	[tilespmem:$0x1FAD0] =	vst v56;
	v56 =	vld [tilespmem:$0xEC20]  }
0x19e: {  	v44 =	vbroadcast v34, $0x8;
	v47 =	vld.idx.msk [tilespmem:v32+s9+$0x0], $0xffff  }
0x19f: {  	v46 =	vld.idx.msk [tilespmem:v27+s9+$0x0], $0xffff;
	v40 =	vadd.s32 v57, v28;
	[tilespmem:$0x1FAA0] =	vst v11;
	v11 =	vmul.f32 v36, v36  }
0x1a0: {  	[tilespmem:$0x1FAC0] =	vst v50;
	v50 =	vadd.s32 v9, v44;
	v44 =	vld.idx.msk [tilespmem:v42+s9+$0x0], $0xffff;
	v54 =	vmul.f32 v5, v5  }
0x1a1: {  	v13 =	vmul.f32 v15, v15;
	(xrf2) =	vadd.scan.msk.f32 $0xffff, v11;
	[tilespmem:$0x1FB60] =	vst v12;
	v12 =	vld [tilespmem:$0xEC30]  }
0x1a2: {  	v27 =	vld [tilespmem:$0xEA80];
	v28 =	vmul.f32 v48, v48;
	(xrf2) =	vadd.scan.msk.f32 $0xffff, v54  }
0x1a3: {  	v57 =	vld [tilespmem:$0xEF60];
	[tilespmem:$0x1FB20] =	vst v56;
	v56 =	vmul.f32 v47, v47;
	(xrf2) =	vadd.scan.msk.f32 $0xffff, v13  }
0x1a4: {  	[tilespmem:$0x1FAE0] =	vst v8;
	v8 =	vmul.f32 v46, v46;
	v42 =	vld.idx.msk [tilespmem:v40+s9+$0x0], $0xffff;
	(xrf2) =	vadd.scan.msk.f32 $0xffff, v28  }
0x1a5: {  	v59 =	vld [tilespmem:$0xE3F0];
	[tilespmem:$0x1FAF0] =	vst v10;
	(xrf2) =	vadd.scan.msk.f32 $0xffff, v56;
	v10 =	vmul.f32 v44, v44  }
0x1a6: {  	[tilespmem:$0x1FB80] =	vst v12;
	v12 =	vld [tilespmem:$0xEF70];
	(xrf2) =	vadd.scan.msk.f32 $0xffff, v8  }
0x1a7: {  	v61 =	vld [tilespmem:$0xE590];
	(xrf2) =	vadd.scan.msk.f32 $0xffff, v10  }
0x1a8: {  	v60 =	vld [tilespmem:$0xE730];
	[tilespmem:$0x1FB10] =	vst v27  }
0x1a9: {  	v27 =	vld [tilespmem:$0xEA90];
	[tilespmem:$0x1FB30] =	vst v57;
	v57 =	vmul.f32 v42, v42  }
0x1aa: {  	v11 =	vld [tilespmem:$0xE270]  }
0x1ab: {  	v13, _, _ =	vpop (xrf2);
	[tilespmem:$0x1FBA0] =	vst v12;
	v12 =	vld [tilespmem:$0xE280];
	(xrf2) =	vadd.scan.msk.f32 $0xffff, v57  }
0x1ac: {  	v18 =	vld [tilespmem:$0xEA60];
	(v2sf) =	vpush v13, $0xF;
	v28, _, _ =	vpop (xrf2)  }
0x1ad: {  	v9 =	vld [tilespmem:$0xE0D0];
	(v2sf) =	vpush v28, $0xF;
	v13, _, _ =	vpop (xrf2)  }
0x1ae: {  	[tilespmem:$0x1FB70] =	vst v27;
	v27 =	vld [tilespmem:$0xEDD0];
	(v2sf) =	vpush v13, $0xF;
	v28, _, _ =	vpop (xrf2)  }
0x1af: {  	[tilespmem:$0x1FB50] =	vst v11;
	v11 =	vld [tilespmem:$0xEAA0];
	(v2sf) =	vpush v28, $0xF;
	v13, _, _ =	vpop (xrf2)  }
0x1b0: {  	[tilespmem:$0x1FBC0] =	vst v12;
	v12 =	vld [tilespmem:$0xEC40];
	(v2sf) =	vpush v13, $0xF;
	v28, _, _ =	vpop (xrf2)  }
0x1b1: {  	v55 =	vld [tilespmem:$0xEF40];
	(v2sf) =	vpush v28, $0xF;
	v13, _, _ =	vpop (xrf2)  }
0x1b2: {  	[tilespmem:$0x1FB40] =	vst v9;
	(v2sf) =	vpush v13, $0xF;
	v13 =	vld [tilespmem:$0xEDE0]  }
0x1b3: {  	v4 =	vmul.f32 v4, v36;
	v9 =	vld [tilespmem:$0xE760];
	[tilespmem:$0x1FB90] =	vst v27  }
0x1b4: {  	v27 =	vld [tilespmem:$0xE0E0];
	[tilespmem:$0x1FC10] =	vst v11  }
0x1b5: {  	v11 =	vld [tilespmem:$0xE910];
	[tilespmem:$0x1FC20] =	vst v12;
	v12 =	vadd.f32 $0.0e+00, v4;
	v8, _, _ =	vpop (xrf2)  }
0x1b6: {  	v4 =	vmul.f32 v6, v36;
	v6 =	vmul.f32 v63, v36;
	(v2sf) =	vpush v8, $0xF;
	v8 =	vld [tilespmem:$0xE5D0]  }
0x1b7: {  	[tilespmem:$0x1FC30] =	vst v13;
	v13 =	vld [tilespmem:$0xE430]  }
0x1b8: {  	v40 =	vld.idx.msk [tilespmem:v50+s9+$0x0], $0xffff;
	[tilespmem:$0x1FBF0] =	vst v9;
	v9 =	vmul.f32 v1, v5;
	v63 =	vadd.f32 $0.0e+00, v4;
	v4 =	vadd.f32 $0.0e+00, v6  }
0x1b9: {  	[tilespmem:$0x1FBB0] =	vst v27;
	v27 =	vld [tilespmem:$0xE420]  }
0x1ba: {  	v2 =	vmul.f32 v2, v5;
	[tilespmem:$0x1FC80] =	vst v11;
	v11 =	vadd.f32 v9, v4;
	v4 =	vld [tilespmem:$0x1FEE0]  }
0x1bb: {  	[tilespmem:$0x1FC60] =	vst v8;
	v8 =	vld [tilespmem:$0x1FEF0]  }
0x1bc: {  	[tilespmem:$0x1FC50] =	vst v13;
	v13 =	vadd.f32 v2, v12;
	v2 =	vmul.f32 v7, v36;
	v7 =	vld [tilespmem:$0xEAB0]  }
0x1bd: {  	[tilespmem:$0x1FE50] =	vst v49;
	v49 =	vld [tilespmem:$0xE8C0];
	v3 =	vmul.f32 v3, v5  }
0x1be: {  	v23 =	vld [tilespmem:$0xE0B0];
	[tilespmem:$0x1FBD0] =	vst v27;
	v27 =	vmul.f32 v40, v40;
	v6 =	vbroadcast v34, $0x9  }
0x1bf: {  	v32 =	vld [tilespmem:$0xE740];
	v12 =	vadd.f32 v3, v63;
	v63 =	vbroadcast v34, $0xA  }
0x1c0: {  	(xrf2) =	vadd.scan.msk.f32 $0xffff, v27;
	v9 =	vadd.s32 v4, v6;
	v4 =	vld [tilespmem:$0x1FF00]  }
0x1c1: {  	[tilespmem:$0x1FC90] =	vst v7;
	v7 =	vadd.s32 v8, v63;
	v63 =	vld [tilespmem:$0xEC50]  }
0x1c2: {  	v50 =	vld [tilespmem:$0xEDC0]  }
0x1c3: {  	v28 =	vld [tilespmem:$0xE5C0];
	v6 =	vbroadcast v34, $0xB  }
0x1c4: {  	v3 =	vmul.f32 v22, v36;
	v22 =	vld [tilespmem:$0x1FF10]  }
0x1c5: {  	v8 =	vadd.s32 v4, v6;
	v6 =	vld [tilespmem:$0xEDF0]  }
0x1c6: {  	v54 =	vld [tilespmem:$0xE410];
	[tilespmem:$0x1FCA0] =	vst v63;
	v63 =	vbroadcast v34, $0xC  }
0x1c7: {  	v56 =	vld [tilespmem:$0xE5B0]  }
0x1c8: {  	v10 =	vld [tilespmem:$0xE900]  }
0x1c9: {  	[tilespmem:$0x1FBE0] =	vst v28;
	v28 =	vld [tilespmem:$0xEF80]  }
0x1ca: {  	v4 =	vld [tilespmem:$0x1FF20];
	[tilespmem:$0x1FCB0] =	vst v6;
	v6 =	vadd.s32 v22, v63;
	v63, _, _ =	vpop (xrf2)  }
0x1cb: {  	[tilespmem:$0x1FCD0] =	vst v63;
	v63 =	vld [tilespmem:$0x1FF30]  }
0x1cc: {  	v57 =	vld [tilespmem:$0xE750]  }
0x1cd: {  	v0 =	vbroadcast v34, $0xD;
	[tilespmem:$0x1FC00] =	vst v10;
	v10 =	vld [tilespmem:$0xE770]  }
0x1ce: {  	v1 =	vbroadcast v34, $0xE;
	v27 =	vld [tilespmem:$0xE0F0]  }
0x1cf: {  	[tilespmem:$0x1FC40] =	vst v28;
	v28 =	vld [tilespmem:$0xE290];
	v4 =	vadd.s32 v4, v0  }
0x1d0: {  	v52 =	vmul.f32 v52, v36;
	v1 =	vadd.s32 v63, v1;
	v63 =	vld [tilespmem:$0x1FF40]  }
0x1d1: {  	v0 =	vmul.f32 v45, v36;
	v45 =	vld.idx.msk [tilespmem:v9+s9+$0x0], $0xffff  }
0x1d2: {  	v52 =	vadd.f32 $0.0e+00, v52;
	v14 =	vmul.f32 v14, v5;
	v9 =	vmul.f32 v43, v5;
	v43 =	vld.idx.msk [tilespmem:v7+s9+$0x0], $0xffff  }
0x1d3: {  	[tilespmem:$0x1FC70] =	vst v10;
	v10 =	vadd.f32 $0.0e+00, v2;
	v2 =	vbroadcast v34, $0xF;
	v3 =	vadd.f32 $0.0e+00, v3;
	v22 =	vld [tilespmem:$0xEF90]  }
0x1d4: {  	v7 =	vmul.f32 v16, v5;
	v16 =	vmul.f32 v38, v36;
	v0 =	vadd.f32 $0.0e+00, v0;
	v38 =	vld.idx.msk [tilespmem:v4+s9+$0x0], $0xffff  }
0x1d5: {  	v4 =	vmul.f32 v37, v36;
	v2 =	vadd.s32 v63, v2;
	v63 =	vmul.f32 v41, v5;
	v41 =	vld.idx.msk [tilespmem:v8+s9+$0x0], $0xffff  }
0x1d6: {  	v8 =	vadd.f32 v9, v10;
	v9 =	vadd.f32 v14, v52;
	v14 =	vmul.f32 v39, v36;
	v39 =	vld.idx.msk [tilespmem:v6+s9+$0x0], $0xffff  }
0x1d7: {  	v4 =	vadd.f32 $0.0e+00, v4;
	v52 =	vadd.f32 $0.0e+00, v36;
	v37 =	vld.idx.msk [tilespmem:v1+s9+$0x0], $0xffff  }
0x1d8: {  	v1 =	vadd.f32 $0.0e+00, v16;
	v6 =	vld [tilespmem:$0xE450];
	v0 =	vadd.f32 v63, v0;
	v63 =	vmul.f32 v19, v5  }
0x1d9: {  	v10 =	vadd.f32 $0.0e+00, v14;
	v16 =	vadd.f32 v5, v52;
	v52 =	vld [tilespmem:$0xE100]  }
0x1da: {  	v19 =	vmul.f32 v20, v5;
	v20 =	vld [tilespmem:$0xE2A0];
	v14 =	vadd.f32 v63, v1;
	v63 =	vmul.f32 v21, v15  }
0x1db: {  	v21 =	vmul.f32 v25, v15;
	v25 =	vmul.f32 v24, v15;
	v24 =	vld [tilespmem:$0xE5E0]  }
0x1dc: {  	v7 =	vadd.f32 v7, v3;
	v3 =	vmul.f32 v17, v5;
	v17 =	vadd.f32 v19, v4;
	v4 =	vld [tilespmem:$0xEAC0]  }
0x1dd: {  	v36 =	vld.idx.msk [tilespmem:v2+s9+$0x0], $0xffff  }
0x1de: {  	[tilespmem:$0x1FD80] =	vst v6;
	v6 =	vld [tilespmem:$0xEC70]  }
0x1df: {  	v13 =	vadd.f32 v63, v13;
	v63 =	vmul.f32 v26, v15;
	v26 =	vld [tilespmem:$0xE780]  }
0x1e0: {  	v11 =	vadd.f32 v25, v11;
	v25 =	vmul.f32 v49, v15;
	v49 =	vld [tilespmem:$0xE920]  }
0x1e1: {  	v29 =	vmul.f32 v29, v15;
	[tilespmem:$0x1FCC0] =	vst v52;
	v52 =	vld [tilespmem:$0xE440]  }
0x1e2: {  	[tilespmem:$0x1FCE0] =	vst v20;
	v20 =	vadd.f32 v21, v12;
	v12 =	vld [tilespmem:$0x1FAB0]  }
0x1e3: {  	v21 =	vadd.f32 v29, v8;
	v29 =	vmul.f32 v18, v15;
	v18 =	vadd.f32 v25, v7;
	v25 =	vld [tilespmem:$0xEC60]  }
0x1e4: {  	v19 =	vadd.f32 v63, v9;
	v63 =	vmul.f32 v53, v15;
	v53 =	vld [tilespmem:$0xEFA0]  }
0x1e5: {  	v7 =	vld [tilespmem:$0x1FA90]  }
0x1e6: {  	v51 =	vmul.f32 v51, v15;
	v10 =	vadd.f32 v3, v10;
	v9 =	vld [tilespmem:$0x1FAA0]  }
0x1e7: {  	v5 =	vmul.f32 v55, v15;
	v0 =	vadd.f32 v29, v0;
	v29 =	vld [tilespmem:$0xEE00]  }
0x1e8: {  	v55 =	vmul.f32 v61, v48;
	[tilespmem:$0x1FCF0] =	vst v24;
	v24 =	vadd.f32 v51, v10;
	v51 =	vmul.f32 v59, v48;
	v59 =	vld [tilespmem:$0xE110]  }
0x1e9: {  	[tilespmem:$0x1FD20] =	vst v4;
	v4 =	vld [tilespmem:$0x1FA80]  }
0x1ea: {  	v21 =	vadd.f32 v55, v21;
	v55 =	vld [tilespmem:$0xE930]  }
0x1eb: {  	v14 =	vadd.f32 v63, v14;
	v63 =	vld [tilespmem:$0xE2B0];
	[tilespmem:$0x1FDD0] =	vst v6  }
0x1ec: {  	v6 =	vmul.f32 v57, v46;
	v57 =	vld [tilespmem:$0xEAF0];
	[tilespmem:$0x1FD00] =	vst v26;
	v26 =	vmul.f32 v23, v48  }
0x1ed: {  	[tilespmem:$0x1FD10] =	vst v49;
	v49 =	vmul.f32 v58, v48;
	v58 =	vmul.f32 v60, v48;
	v60 =	vld [tilespmem:$0x1FA70]  }
0x1ee: {  	v23 =	vadd.f32 v51, v11;
	v11 =	vld [tilespmem:$0xE5F0]  }
0x1ef: {  	v16 =	vadd.f32 v15, v16;
	[tilespmem:$0x1FD30] =	vst v25;
	v25 =	vadd.f32 v26, v13;
	v13 =	vld [tilespmem:$0xE790]  }
0x1f0: {  	v19 =	vadd.f32 v58, v19;
	v58 =	vld [tilespmem:$0x1FAD0]  }
0x1f1: {  	v10 =	vmul.f32 v9, v48;
	v26 =	vadd.f32 v48, v16;
	v16 =	vld [tilespmem:$0xE120]  }
0x1f2: {  	v17 =	vadd.f32 v5, v17;
	v5 =	vmul.f32 v4, v48;
	v4 =	vld [tilespmem:$0x1FAF0]  }
0x1f3: {  	v20 =	vadd.f32 v49, v20;
	v8 =	vmul.f32 v7, v48;
	v49 =	vadd.f32 v10, v14;
	v14 =	vld [tilespmem:$0x1FAC0]  }
0x1f4: {  	[tilespmem:$0x1FD70] =	vst v63;
	v63 =	vld [tilespmem:$0xEAD0]  }
0x1f5: {  	v51 =	vadd.f32 v8, v24;
	v8 =	vld [tilespmem:$0x1FB00]  }
0x1f6: {  	v32 =	vmul.f32 v32, v47;
	v10 =	vld [tilespmem:$0xEE10]  }
0x1f7: {  	v24 =	vld [tilespmem:$0xEFB0]  }
0x1f8: {  	v32 =	vadd.f32 v32, v19;
	v19 =	vld [tilespmem:$0x1FB30]  }
0x1f9: {  	v50 =	vmul.f32 v50, v47;
	v61 =	vmul.f32 v60, v48;
	v60 =	vld [tilespmem:$0x1FAE0]  }
0x1fa: {  	[tilespmem:$0x1FD90] =	vst v11;
	v11 =	vld [tilespmem:$0x1FB10]  }
0x1fb: {  	v48 =	vmul.f32 v12, v48;
	v49 =	vadd.f32 v50, v49;
	v50 =	vld [tilespmem:$0xE460]  }
0x1fc: {  	[tilespmem:$0x1FDA0] =	vst v13;
	v13 =	vld [tilespmem:$0x1FB20]  }
0x1fd: {  	v48 =	vadd.f32 v48, v17;
	v17 =	vld [tilespmem:$0xE2C0]  }
0x1fe: {  	[tilespmem:$0x1FD40] =	vst v29;
	v29 =	vadd.f32 v61, v18;
	v18 =	vld [tilespmem:$0xE7A0]  }
0x1ff: {  	v0 =	vadd.f32 v5, v0;
	v5 =	vmul.f32 v4, v47;
	v4 =	vld [tilespmem:$0xE600]  }
0x200: {  	[tilespmem:$0x1FD60] =	vst v59;
	v59 =	vmul.f32 v58, v47;
	v9 =	vmul.f32 v8, v47;
	v8 =	vld [tilespmem:$0x1FB60]  }
0x201: {  	[tilespmem:$0x1FDE0] =	vst v10;
	v10 =	vld [tilespmem:$0x1FB70]  }
0x202: {  	v7 =	vadd.f32 v59, v20;
	v20 =	vmul.f32 v19, v47;
	v19 =	vld [tilespmem:$0xEAE0]  }
0x203: {  	[tilespmem:$0x1FDB0] =	vst v55;
	v55 =	vadd.f32 v5, v21;
	v21 =	vld [tilespmem:$0x1FB40]  }
0x204: {  	v61 =	vmul.f32 v60, v47;
	v60 =	vld [tilespmem:$0x1FB50]  }
0x205: {  	v12 =	vmul.f32 v11, v47;
	v48 =	vadd.f32 v20, v48;
	v20 =	vld [tilespmem:$0xE940]  }
0x206: {  	v15 =	vmul.f32 v14, v47;
	[tilespmem:$0x1FDF0] =	vst v50;
	v50 =	vld [tilespmem:$0xE2D0];
	v14 =	vmul.f32 v13, v47  }
0x207: {  	v0 =	vadd.f32 v12, v0;
	v12 =	vld [tilespmem:$0x1FB80]  }
0x208: {  	v51 =	vadd.f32 v14, v51;
	v14 =	vld [tilespmem:$0x1FB90]  }
0x209: {  	v29 =	vadd.f32 v9, v29;
	v9 =	vmul.f32 v8, v46;
	v8 =	vld [tilespmem:$0x1FBE0]  }
0x20a: {  	v11 =	vmul.f32 v10, v46;
	v10 =	vld [tilespmem:$0x1FC00]  }
0x20b: {  	[tilespmem:$0x1FD50] =	vst v53;
	v53 =	vadd.f32 v61, v23;
	v23 =	vmul.f32 v21, v46;
	v21 =	vld [tilespmem:$0x1FBA0]  }
0x20c: {  	v25 =	vadd.f32 v15, v25;
	v58 =	vadd.f32 v9, v29;
	v29 =	vld [tilespmem:$0x1FBC0]  }
0x20d: {  	v9 =	vld [tilespmem:$0x1FBF0]  }
0x20e: {  	[tilespmem:$0x1FDC0] =	vst v63;
	v63 =	vmul.f32 v54, v46;
	v54 =	vadd.f32 v23, v25;
	v23 =	vld [tilespmem:$0xEC80]  }
0x20f: {  	v61 =	vmul.f32 v60, v46;
	v13 =	vmul.f32 v12, v46;
	v25 =	vld [tilespmem:$0x1FBB0]  }
0x210: {  	v59 =	vadd.f32 v47, v26;
	v12 =	vld [tilespmem:$0xE470]  }
0x211: {  	v7 =	vadd.f32 v61, v7;
	v61 =	vadd.f32 v13, v51;
	v51 =	vld [tilespmem:$0x1FBD0]  }
0x212: {  	v15 =	vmul.f32 v14, v46;
	v13 =	vld [tilespmem:$0x1FC10]  }
0x213: {  	v5 =	vmul.f32 v56, v46;
	v59 =	vadd.f32 v46, v59;
	v46 =	vmul.f32 v21, v46;
	v21 =	vld [tilespmem:$0xEE20]  }
0x214: {  	v60 =	vadd.f32 v15, v49;
	v49 =	vld [tilespmem:$0xEFC0]  }
0x215: {  	v55 =	vadd.f32 v5, v55;
	v2 =	vadd.f32 v11, v0;
	v0 =	vmul.f32 v8, v44;
	v15 =	vld [tilespmem:$0x1FC20]  }
0x216: {  	v56 =	vadd.f32 v6, v32;
	v11 =	vmul.f32 v10, v44;
	v32 =	vmul.f32 v29, v44;
	v29 =	vld [tilespmem:$0x1FC30]  }
0x217: {  	s20 =	spop (v2sf);
	v6 =	vadd.f32 v0, v55;
	v55 =	vld [tilespmem:$0xE950]  }
0x218: {  	s19 =	spop (v2sf);
	v58 =	vadd.f32 v11, v58;
	v11 =	vld [tilespmem:$0x1FC50]  }
0x219: {  	s18 =	spop (v2sf);
	v26 =	vmul.f32 v25, v44;
	v25 =	vld [tilespmem:$0xE610]  }
0x21a: {  	s17 =	spop (v2sf);
	v3 =	vadd.f32 v46, v48;
	v46 =	vld [tilespmem:$0x1FC40]  }
0x21b: {  	s29 =	spop (v2sf);
	v53 =	vadd.f32 v63, v53;
	v63 =	vmul.f32 v51, v44;
	v51 =	vld [tilespmem:$0xE130]  }
0x21c: {  	s30 =	spop (v2sf);
	v14 =	vmul.f32 v13, v44;
	v13 =	vld [tilespmem:$0x1FC60]  }
0x21d: {  	s31 =	spop (v2sf);
	[tilespmem:$0x1FE00] =	vst v4;
	v5 =	vadd.f32 v63, v53;
	v53 =	vld [tilespmem:$0xE7B0]  }
0x21e: {  	s5 =	spop (v2sf);
	v47 =	vmul.f32 v27, v42;
	[tilespmem:$0x1FE10] =	vst v12;
	v54 =	vadd.f32 v26, v54;
	v63 =	vld [tilespmem:$0xEC90]  }
0x21f: {  	v12 =	vadd.f32 v14, v2;
	v14 =	vld [tilespmem:$0x1FC70]  }
0x220: {  	v1 =	vmul.f32 v9, v44;
	v0 =	vmul.f32 v11, v42;
	v11 =	vadd.f32 v47, v54;
	v54 =	vld [tilespmem:$0xEE30]  }
0x221: {  	v26 =	vmul.f32 v15, v44;
	v15 =	vld [tilespmem:$0x1FC80]  }
0x222: {  	v4 =	vadd.f32 v32, v7;
	v7 =	vadd.f32 v1, v56;
	v56 =	vld [tilespmem:$0xEFD0]  }
0x223: {  	v27 =	vld [tilespmem:$0x1FC90]  }
0x224: {  	v32 =	vmul.f32 v29, v44;
	v29 =	vld [tilespmem:$0x1FCA0]  }
0x225: {  	v47 =	vld [tilespmem:$0x1FCC0]  }
0x226: {  	v59 =	vadd.f32 v44, v59;
	v44 =	vmul.f32 v46, v44;
	v46 =	vld [tilespmem:$0x1FCB0]  }
0x227: {  	v9 =	vadd.f32 v32, v60;
	v60 =	vld [tilespmem:$0xE140]  }
0x228: {  	v61 =	vadd.f32 v26, v61;
	v26 =	vmul.f32 v45, v45;
	v8 =	vadd.f32 v44, v3;
	v44 =	vld [tilespmem:$0xE480]  }
0x229: {  	v48 =	vmul.f32 v28, v42;
	v1 =	vmul.f32 v13, v42;
	v13 =	vld [tilespmem:$0x1FCD0]  }
0x22a: {  	(xrf2) =	vadd.scan.msk.f32 $0xffff, v26;
	v26 =	vld [tilespmem:$0x1FCF0]  }
0x22b: {  	v4 =	vadd.f32 v48, v4;
	v48 =	vmul.f32 v47, v40;
	v47 =	vld [tilespmem:$0xE7C0]  }
0x22c: {  	v2 =	vmul.f32 v14, v42;
	v14 =	vld [tilespmem:$0x1FCE0]  }
0x22d: {  	v5 =	vadd.f32 v0, v5;
	v0 =	vmul.f32 v15, v42;
	v28 =	vmul.f32 v27, v42;
	v27 =	vld [tilespmem:$0x1FD00]  }
0x22e: {  	v32 =	vmul.f32 v29, v42;
	v29 =	vld [tilespmem:$0x1FD20]  }
0x22f: {  	v10 =	vadd.f32 v2, v7;
	v7 =	vadd.f32 v0, v58;
	v58 =	vld [tilespmem:$0xE2E0]  }
0x230: {  	v0 =	vmul.f32 v46, v42;
	v3 =	vadd.f32 v28, v12;
	v12 =	vadd.f32 v32, v61;
	v61 =	vld [tilespmem:$0xE620]  }
0x231: {  	v59 =	vadd.f32 v42, v59;
	v42 =	vmul.f32 v22, v42;
	v22 =	vmul.f32 v52, v40;
	v52 =	vld [tilespmem:$0xE960]  }
0x232: {  	v32 =	vld [tilespmem:$0xEB00]  }
0x233: {  	v28 =	vld [tilespmem:$0x1FD10]  }
0x234: {  	v6 =	vadd.f32 v1, v6;
	v1 =	vmul.f32 v26, v40;
	v26 =	vld [tilespmem:$0x1FD40]  }
0x235: {  	v15 =	vmul.f32 v14, v40;
	v2 =	vmul.f32 v27, v40;
	v27 =	vld [tilespmem:$0x1FD50]  }
0x236: {  	v11 =	vadd.f32 v48, v11;
	v48 =	vld [tilespmem:$0xECA0]  }
0x237: {  	v4 =	vadd.f32 v15, v4;
	v15 =	vadd.f32 v2, v10;
	v10 =	vld [tilespmem:$0x1FD30]  }
0x238: {  	v9 =	vadd.f32 v0, v9;
	v8 =	vadd.f32 v42, v8;
	v42 =	vld [tilespmem:$0xEE40];
	v0 =	vmul.f32 v28, v40  }
0x239: {  	(v2sf) =	vpush v13, $0xF;
	v46 =	vmul.f32 v29, v40;
	v29 =	vld [tilespmem:$0xEFE0];
	v14 =	vadd.f32 v1, v6  }
0x23a: {  	v28 =	vld [tilespmem:$0x1FD60];
	v13 =	vadd.f32 v0, v7;
	v0 =	vmul.f32 v26, v40;
	v1 =	vmul.f32 v27, v40  }
0x23b: {  	v5 =	vadd.f32 v22, v5;
	v6 =	vmul.f32 v43, v43;
	v27 =	vld [tilespmem:$0x1FD90]  }
0x23c: {  	v22 =	vmul.f32 v10, v40;
	v10 =	vadd.f32 v0, v9;
	v9 =	vadd.f32 v1, v8;
	v8 =	vld [tilespmem:$0x1FDB0]  }
0x23d: {  	(xrf2) =	vadd.scan.msk.f32 $0xffff, v6;
	v6 =	vadd.f32 v46, v3;
	v46 =	vld [tilespmem:$0xE2F0]  }
0x23e: {  	v26 =	vld [tilespmem:$0x1FD80]  }
0x23f: {  	v59 =	vadd.f32 v40, v59;
	v40 =	vld [tilespmem:$0xE150];
	v7 =	vmul.f32 v28, v45  }
0x240: {  	v12 =	vadd.f32 v22, v12;
	v22 =	vld [tilespmem:$0x1FD70]  }
0x241: {  	v11 =	vadd.f32 v7, v11;
	v7 =	vld [tilespmem:$0x1FDA0];
	v2 =	vmul.f32 v27, v45;
	v27 =	vmul.f32 v8, v45  }
0x242: {  	v28 =	vld [tilespmem:$0xE490]  }
0x243: {  	v24 =	vmul.f32 v24, v45;
	v13 =	vadd.f32 v27, v13;
	v27 =	vld [tilespmem:$0x1FDC0]  }
0x244: {  	v3, _, _ =	vpop (xrf2);
	v1 =	vmul.f32 v26, v45;
	v26 =	vld [tilespmem:$0xE630]  }
0x245: {  	(v2sf) =	vpush v3, $0xF;
	v9 =	vadd.f32 v24, v9;
	v24 =	vld [tilespmem:$0x1FDF0]  }
0x246: {  	v0 =	vmul.f32 v22, v45;
	v3 =	vmul.f32 v7, v45;
	v7 =	vadd.f32 v2, v14;
	v2 =	vld [tilespmem:$0x1FDE0]  }
0x247: {  	v8 =	vld [tilespmem:$0xE970]  }
0x248: {  	v4 =	vadd.f32 v0, v4;
	v0 =	vmul.f32 v27, v45;
	v27 =	vld [tilespmem:$0x1FDD0]  }
0x249: {  	v22 =	vld [tilespmem:$0xE7D0];
	v14 =	vmul.f32 v41, v41  }
0x24a: {  	v3 =	vadd.f32 v3, v15;
	v15 =	vld [tilespmem:$0xEB10]  }
0x24b: {  	v59 =	vadd.f32 v45, v59;
	(xrf2) =	vadd.scan.msk.f32 $0xffff, v14;
	v14 =	vld [tilespmem:$0xEE50];
	v2 =	vmul.f32 v2, v45  }
0x24c: {  	v19 =	vmul.f32 v19, v43;
	v5 =	vadd.f32 v1, v5;
	v0 =	vadd.f32 v0, v6;
	v6 =	vld [tilespmem:$0xE160]  }
0x24d: {  	v2 =	vadd.f32 v2, v10;
	v10 =	vmul.f32 v17, v43;
	v17 =	vld [tilespmem:$0xE300];
	v1 =	vmul.f32 v27, v45;
	v45, _, _ =	vpop (xrf2)  }
0x24e: {  	(v2sf) =	vpush v45, $0xF;
	v45 =	vld [tilespmem:$0x1FE00]  }
0x24f: {  	v0 =	vadd.f32 v19, v0;
	v19 =	vld [tilespmem:$0xE980]  }
0x250: {  	v27 =	vld [tilespmem:$0xECB0];
	v1 =	vadd.f32 v1, v12;
	v12 =	vmul.f32 v16, v43  }
0x251: {  	v16 =	vld [tilespmem:$0xEFF0]  }
0x252: {  	v11 =	vadd.f32 v12, v11;
	v12 =	vmul.f32 v24, v43;
	v24 =	vmul.f32 v18, v43;
	v18 =	vld [tilespmem:$0xE4A0]  }
0x253: {  	v4 =	vadd.f32 v10, v4;
	v10 =	vmul.f32 v45, v43;
	v45 =	vmul.f32 v20, v43;
	v20 =	vld [tilespmem:$0xE640]  }
0x254: {  	v5 =	vadd.f32 v12, v5;
	v3 =	vadd.f32 v24, v3;
	v12 =	vld [tilespmem:$0xE7E0]  }
0x255: {  	v24 =	vld [tilespmem:$0xEE60];
	v7 =	vadd.f32 v10, v7;
	v10 =	vadd.f32 v45, v13  }
0x256: {  	v13 =	vmul.f32 v23, v43;
	v45 =	vadd.f32 v43, v59;
	v59 =	vmul.f32 v21, v43;
	v21 =	vld [tilespmem:$0xEB20]  }
0x257: {  	v43 =	vmul.f32 v49, v43;
	v49 =	vmul.f32 v39, v39;
	v23 =	vld [tilespmem:$0xECC0]  }
0x258: {  	v1 =	vadd.f32 v13, v1;
	v13 =	vmul.f32 v51, v41;
	v51 =	vld [tilespmem:$0x1FE10]  }
0x259: {  	v9 =	vadd.f32 v43, v9;
	v43 =	vmul.f32 v50, v41;
	(xrf2) =	vadd.scan.msk.f32 $0xffff, v49;
	v49 =	vld [tilespmem:$0xF000]  }
0x25a: {  	v50 =	vmul.f32 v53, v41;
	v53 =	vld [tilespmem:$0xE310]  }
0x25b: {  	v54 =	vmul.f32 v54, v41;
	v2 =	vadd.f32 v59, v2;
	v4 =	vadd.f32 v43, v4;
	v43 =	vld [tilespmem:$0xE4B0]  }
0x25c: {  	v3 =	vadd.f32 v50, v3;
	v50 =	vld [tilespmem:$0xE650]  }
0x25d: {  	v47 =	vmul.f32 v47, v39;
	v59, _, _ =	vpop (xrf2);
	v2 =	vadd.f32 v54, v2;
	v54 =	vld [tilespmem:$0xEB30]  }
0x25e: {  	v42 =	vmul.f32 v42, v39;
	(v2sf) =	vpush v59, $0xF;
	v59 =	vmul.f32 v25, v41;
	v25 =	vld [tilespmem:$0xE170]  }
0x25f: {  	v3 =	vadd.f32 v47, v3;
	v47 =	vld [tilespmem:$0xE180]  }
0x260: {  	v2 =	vadd.f32 v42, v2;
	v42 =	vld [tilespmem:$0xE9A0]  }
0x261: {  	v22 =	vmul.f32 v22, v38;
	v14 =	vmul.f32 v14, v38;
	v7 =	vadd.f32 v59, v7;
	v59 =	vld [tilespmem:$0x1FE20]  }
0x262: {  	v11 =	vadd.f32 v13, v11;
	v13 =	vmul.f32 v51, v41;
	v51 =	vmul.f32 v63, v41;
	v63 =	vld [tilespmem:$0x1FF50]  }
0x263: {  	v57 =	vmul.f32 v57, v41;
	v3 =	vadd.f32 v22, v3;
	v22 =	vld [tilespmem:$0xEE80]  }
0x264: {  	v52 =	vmul.f32 v52, v39;
	v45 =	vadd.f32 v41, v45;
	v2 =	vadd.f32 v14, v2;
	v14 =	vld [tilespmem:$0xE190]  }
0x265: {  	v5 =	vadd.f32 v13, v5;
	v13 =	vmul.f32 v55, v41;
	v55 =	vld [tilespmem:$0xE7F0];
	v41 =	vmul.f32 v56, v41  }
0x266: {  	v56 =	vmul.f32 v60, v39;
	v60 =	vmul.f32 v58, v39;
	v58 =	vld [tilespmem:$0xEE70]  }
0x267: {  	v32 =	vmul.f32 v32, v39;
	v10 =	vadd.f32 v13, v10;
	v13 =	vadd.f32 v57, v0;
	v57 =	vld [tilespmem:$0xE990]  }
0x268: {  	v29 =	vmul.f32 v29, v39;
	v9 =	vadd.f32 v41, v9;
	v41 =	vmul.f32 v44, v39;
	v44 =	vld [tilespmem:$0xECD0]  }
0x269: {  	v28 =	vmul.f32 v28, v38;
	v11 =	vadd.f32 v56, v11;
	v56 =	vmul.f32 v40, v38;
	v40 =	vld [tilespmem:$0xE4C0]  }
0x26a: {  	v26 =	vmul.f32 v26, v38;
	v8 =	vmul.f32 v8, v38;
	v35 =	vsub.s32 v59, v35;
	v59 =	vld [tilespmem:$0xF010]  }
0x26b: {  	v15 =	vmul.f32 v15, v38;
	v10 =	vadd.f32 v52, v10;
	v52 =	vmul.f32 v48, v39;
	v48 =	vld [tilespmem:$0xE320]  }
0x26c: {  	v6 =	vmul.f32 v6, v37;
	v45 =	vadd.f32 v39, v45;
	v5 =	vadd.f32 v41, v5;
	v41 =	vld [tilespmem:$0xE660]  }
0x26d: {  	v1 =	vadd.f32 v51, v1;
	v0 =	vbroadcast v35, $0x0;
	v9 =	vadd.f32 v29, v9;
	v29 =	vld [tilespmem:$0xEB40]  }
0x26e: {  	v4 =	vadd.f32 v60, v4;
	v11 =	vadd.f32 v56, v11;
	v56 =	vmul.f32 v27, v38;
	v27 =	vld [tilespmem:$0xF020]  }
0x26f: {  	v13 =	vadd.f32 v32, v13;
	v0 =	vadd.s32 v63, v0;
	v63 =	vmul.f32 v61, v39;
	v39 =	vld [tilespmem:$0xE800]  }
0x270: {  	v25 =	vmul.f32 v25, v36;
	v32 =	vadd.f32 v52, v1;
	v6 =	vadd.f32 v6, v11;
	v11 =	vld [tilespmem:$0xE670]  }
0x271: {  	v60 =	vmul.f32 v38, v38;
	v5 =	vadd.f32 v28, v5;
	v13 =	vadd.f32 v15, v13;
	v15 =	vld [tilespmem:$0xE810]  }
0x272: {  	v61, _, _ =	vpop (xrf2);
	v8 =	vadd.f32 v8, v10;
	v28 =	vadd.f32 v38, v45;
	v45 =	vmul.f32 v19, v37;
	v19 =	vld [tilespmem:$0xECF0]  }
0x273: {  	(v2sf) =	vpush v61, $0xF;
	v61 =	vmul.f32 v46, v38;
	v46 =	vmul.f32 v21, v37;
	v21 =	vld [tilespmem:$0xE9B0]  }
0x274: {  	(xrf2) =	vadd.scan.msk.f32 $0xffff, v60;
	v7 =	vadd.f32 v63, v7;
	v10 =	vadd.f32 v56, v32;
	v32 =	vmul.f32 v20, v37;
	v20 =	vld [tilespmem:$0xE4D0]  }
0x275: {  	v63 =	vmul.f32 v37, v37;
	v6 =	vadd.f32 v25, v6;
	v25 =	vld [tilespmem:$0xE1A0];
	v4 =	vadd.f32 v61, v4  }
0x276: {  	v61 =	vmul.f32 v17, v37;
	v17 =	vld [tilespmem:$0xE330];
	v13 =	vadd.f32 v46, v13;
	v46 =	vmul.f32 v53, v36  }
0x277: {  	v53 =	vmul.f32 v57, v36;
	v57 =	vmul.f32 v44, v36;
	v44 =	vld [tilespmem:$0xF040]  }
0x278: {  	(xrf2) =	vadd.scan.msk.f32 $0xffff, v63;
	v63 =	vld [tilespmem:$0x1FF60]  }
0x279: {  	v12 =	vmul.f32 v12, v37;
	v51 =	vmul.f32 v36, v36;
	v7 =	vadd.f32 v26, v7;
	v26 =	vld [tilespmem:$0xECE0]  }
0x27a: {  	v0 =	vld.idx.msk [tilespmem:v0+s9+$0x0], $0xffff  }
0x27b: {  	v16 =	vmul.f32 v16, v38;
	v3 =	vadd.f32 v12, v3;
	(xrf2) =	vadd.scan.msk.f32 $0xffff, v51;
	v4 =	vadd.f32 v61, v4;
	v51 =	vld [tilespmem:$0x1FF70]  }
0x27c: {  	v60 =	vbroadcast v35, $0x1;
	v61 =	vadd.f32 v37, v28;
	v7 =	vadd.f32 v32, v7;
	v32 =	vld [tilespmem:$0xEB50]  }
0x27d: {  	v54 =	vmul.f32 v54, v36;
	v9 =	vadd.f32 v16, v9;
	v4 =	vadd.f32 v46, v4;
	v46 =	vld [tilespmem:$0xE9C0]  }
0x27e: {  	v38 =	vbroadcast v35, $0x2;
	v12 =	vadd.f32 v36, v61;
	v61 =	vld [tilespmem:$0x1FF80];
	v52, _, _ =	vpop (xrf2);
	v1 =	vadd.s32 v63, v60  }
0x27f: {  	(v2sf) =	vpush v52, $0xF;
	v63 =	vmul.f32 v18, v37;
	v52 =	vmul.f32 v23, v37;
	v23 =	vld [tilespmem:$0xEE90]  }
0x280: {  	v13 =	vadd.f32 v54, v13;
	v16 =	vadd.s32 v51, v38;
	v56 =	vmul.f32 v0, v0;
	v38 =	vld [tilespmem:$0xE340]  }
0x281: {  	v54 =	vmul.f32 v48, v0;
	v48 =	vld [tilespmem:$0xED00];
	v5 =	vadd.f32 v63, v5;
	v63 =	vmul.f32 v49, v37  }
0x282: {  	v49 =	vmul.f32 v43, v36;
	v43 =	vld [tilespmem:$0xE820];
	(xrf2) =	vadd.scan.msk.f32 $0xffff, v56;
	v56 =	vbroadcast v35, $0x3  }
0x283: {  	v26 =	vmul.f32 v26, v0;
	v10 =	vadd.f32 v52, v10;
	v1 =	vld.idx.msk [tilespmem:v1+s9+$0x0], $0xffff  }
0x284: {  	v52 =	vmul.f32 v55, v36;
	v60, _, _ =	vpop (xrf2);
	v28 =	vadd.s32 v61, v56;
	v56 =	vmul.f32 v41, v0;
	v41 =	vld [tilespmem:$0xEEA0]  }
0x285: {  	v10 =	vadd.f32 v57, v10;
	(v2sf) =	vpush v60, $0xF;
	v60 =	vmul.f32 v24, v37;
	v37 =	vld [tilespmem:$0xF030]  }
0x286: {  	v39 =	vmul.f32 v39, v0;
	v3 =	vadd.f32 v52, v3;
	v24 =	vld [tilespmem:$0xE680]  }
0x287: {  	v10 =	vadd.f32 v26, v10;
	v26 =	vld [tilespmem:$0xE690]  }
0x288: {  	v8 =	vadd.f32 v45, v8;
	v45, _, _ =	vpop (xrf2);
	v3 =	vadd.f32 v39, v3;
	v39 =	vld [tilespmem:$0xE9E0]  }
0x289: {  	(v2sf) =	vpush v45, $0xF;
	v45 =	vld [tilespmem:$0xE4E0];
	v18 =	vadd.f32 v60, v2;
	v60 =	vmul.f32 v58, v36  }
0x28a: {  	v51 =	vmul.f32 v50, v36;
	v2 =	vld.idx.msk [tilespmem:v16+s9+$0x0], $0xffff  }
0x28b: {  	v9 =	vadd.f32 v63, v9;
	v36 =	vmul.f32 v59, v36;
	v63 =	vadd.f32 v60, v18;
	v18 =	vld [tilespmem:$0xEB60]  }
0x28c: {  	v28 =	vld.idx.msk [tilespmem:v28+s9+$0x0], $0xffff  }
0x28d: {  	v9 =	vadd.f32 v36, v9;
	v36 =	vld [tilespmem:$0xE350]  }
0x28e: {  	v61 =	vmul.f32 v14, v1;
	v14 =	vld [tilespmem:$0xE830]  }
0x28f: {  	v8 =	vadd.f32 v53, v8;
	v53 =	vmul.f32 v47, v0;
	v47 =	vmul.f32 v15, v1;
	v15 =	vld [tilespmem:$0xEB70]  }
0x290: {  	v7 =	vadd.f32 v51, v7;
	v55 =	vmul.f32 v1, v1;
	v51 =	vmul.f32 v19, v1;
	v19 =	vld [tilespmem:$0xF050]  }
0x291: {  	v29 =	vmul.f32 v29, v0;
	v5 =	vadd.f32 v49, v5;
	v49 =	vmul.f32 v21, v1;
	v21 =	vld [tilespmem:$0xEEC0]  }
0x292: {  	v22 =	vmul.f32 v22, v0;
	(xrf2) =	vadd.scan.msk.f32 $0xffff, v55;
	v55 =	vmul.f32 v40, v0;
	v40 =	vld [tilespmem:$0xE1B0]  }
0x293: {  	v12 =	vadd.f32 v0, v12;
	v57 =	vmul.f32 v42, v0;
	v0 =	vmul.f32 v27, v0;
	v27 =	vld [tilespmem:$0xE4F0]  }
0x294: {  	v4 =	vadd.f32 v54, v4;
	v17 =	vmul.f32 v17, v1;
	v16 =	vadd.f32 v22, v63;
	v22 =	vld [tilespmem:$0xE9D0]  }
0x295: {  	v13 =	vadd.f32 v29, v13;
	v50 =	vmul.f32 v32, v1;
	v63 =	vld [tilespmem:$0x1FF90]  }
0x296: {  	v7 =	vadd.f32 v56, v7;
	v42 =	vmul.f32 v11, v1;
	v4 =	vadd.f32 v17, v4;
	v17 =	vld [tilespmem:$0xE1C0]  }
0x297: {  	v11 =	vadd.f32 v50, v13;
	v13 =	vld [tilespmem:$0xE500]  }
0x298: {  	v7 =	vadd.f32 v42, v7;
	v42 =	vld [tilespmem:$0xEB80]  }
0x299: {  	v6 =	vadd.f32 v53, v6;
	v8 =	vadd.f32 v57, v8;
	v53 =	vmul.f32 v25, v2;
	v25 =	vld [tilespmem:$0xE360]  }
0x29a: {  	v57 =	vmul.f32 v45, v2;
	v45 =	vld [tilespmem:$0x1FFA0]  }
0x29b: {  	v20 =	vmul.f32 v20, v1;
	v8 =	vadd.f32 v49, v8;
	v49 =	vmul.f32 v41, v2;
	v41 =	vld [tilespmem:$0xED30]  }
0x29c: {  	v12 =	vadd.f32 v1, v12;
	v52, _, _ =	vpop (xrf2);
	v58 =	vmul.f32 v2, v2;
	v0 =	vadd.f32 v0, v9;
	v9 =	vld [tilespmem:$0xEEB0]  }
0x29d: {  	(v2sf) =	vpush v52, $0xF;
	v52 =	vmul.f32 v23, v1;
	v1 =	vmul.f32 v37, v1;
	v37 =	vld [tilespmem:$0xE840]  }
0x29e: {  	v5 =	vadd.f32 v55, v5;
	v55 =	vmul.f32 v38, v2;
	v38 =	vld [tilespmem:$0xF060]  }
0x29f: {  	v6 =	vadd.f32 v61, v6;
	(xrf2) =	vadd.scan.msk.f32 $0xffff, v58;
	v58 =	vmul.f32 v24, v2;
	v24 =	vld [tilespmem:$0xE6A0]  }
0x2a0: {  	v60 =	vbroadcast v35, $0x4;
	v5 =	vadd.f32 v20, v5;
	v20 =	vld [tilespmem:$0xED10]  }
0x2a1: {  	v56 =	vadd.f32 v53, v6;
	v18 =	vmul.f32 v18, v2;
	v4 =	vadd.f32 v55, v4;
	v55 =	vld [tilespmem:$0x1FFB0]  }
0x2a2: {  	v29 =	vadd.s32 v63, v60;
	v60 =	vmul.f32 v43, v2;
	v53 =	vmul.f32 v27, v28;
	v27 =	vld [tilespmem:$0xE1D0]  }
0x2a3: {  	v12 =	vadd.f32 v2, v12;
	v63 =	vmul.f32 v46, v2;
	v50 =	vmul.f32 v40, v28;
	v40 =	vld [tilespmem:$0xEB90]  }
0x2a4: {  	v16 =	vadd.f32 v52, v16;
	v46 =	vmul.f32 v48, v2;
	v2 =	vmul.f32 v44, v2;
	v44 =	vld [tilespmem:$0xEED0]  }
0x2a5: {  	v5 =	vadd.f32 v57, v5;
	v57 =	vmul.f32 v22, v28;
	v22 =	vld [tilespmem:$0xE510]  }
0x2a6: {  	v16 =	vadd.f32 v49, v16;
	v49 =	vld [tilespmem:$0xE1E0]  }
0x2a7: {  	v61 =	vmul.f32 v28, v28;
	v48 =	vadd.f32 v63, v8;
	v8 =	vld [tilespmem:$0xED20]  }
0x2a8: {  	v0 =	vadd.f32 v1, v0;
	v1 =	vadd.f32 v50, v56;
	v56 =	vmul.f32 v14, v28;
	v14 =	vld [tilespmem:$0xE850]  }
0x2a9: {  	v3 =	vadd.f32 v47, v3;
	v10 =	vadd.f32 v51, v10;
	v63 =	vld [tilespmem:$0xE9F0]  }
0x2aa: {  	v52 =	vbroadcast v35, $0x6;
	(xrf2) =	vadd.scan.msk.f32 $0xffff, v61;
	v0 =	vadd.f32 v2, v0;
	v2 =	vadd.f32 v53, v5;
	v53 =	vld [tilespmem:$0xE520]  }
0x2ab: {  	v51 =	vmul.f32 v36, v28;
	v7 =	vadd.f32 v58, v7;
	v58 =	vmul.f32 v20, v28;
	v20 =	vld [tilespmem:$0xE6B0]  }
0x2ac: {  	v12 =	vadd.f32 v28, v12;
	v3 =	vadd.f32 v60, v3;
	v32 =	vadd.s32 v55, v52;
	v52 =	vld [tilespmem:$0xE380];
	v59, _, _ =	vpop (xrf2)  }
0x2ad: {  	v11 =	vadd.f32 v18, v11;
	v23 =	vld.idx.msk [tilespmem:v29+s9+$0x0], $0xffff;
	(v2sf) =	vpush v59, $0xF;
	v59 =	vbroadcast v35, $0x5  }
0x2ae: {  	v15 =	vmul.f32 v15, v28;
	v4 =	vadd.f32 v51, v4;
	v3 =	vadd.f32 v56, v3;
	v56 =	vld [tilespmem:$0xE6C0]  }
0x2af: {  	v10 =	vadd.f32 v46, v10;
	v54, _, _ =	vpop (xrf2);
	v29 =	vadd.s32 v45, v59;
	v59 =	vadd.f32 v57, v48;
	v57 =	vld [tilespmem:$0xE860]  }
0x2b0: {  	v9 =	vmul.f32 v9, v28;
	(v2sf) =	vpush v54, $0xF;
	v54 =	vmul.f32 v26, v28;
	v26 =	vld [tilespmem:$0xE370]  }
0x2b1: {  	v11 =	vadd.f32 v15, v11;
	v50 =	vbroadcast v35, $0x7;
	v28 =	vmul.f32 v19, v28;
	v6 =	vld.idx.msk [tilespmem:v32+s9+$0x0], $0xffff  }
0x2b2: {  	v9 =	vadd.f32 v9, v16;
	v47 =	vmul.f32 v23, v23;
	v55 =	vmul.f32 v38, v23;
	v38 =	vld [tilespmem:$0xEEE0]  }
0x2b3: {  	v10 =	vadd.f32 v58, v10;
	v17 =	vmul.f32 v17, v23;
	v46 =	vmul.f32 v39, v23;
	v39 =	vld [tilespmem:$0xF080]  }
0x2b4: {  	v61, _, _ =	vpop (xrf2);
	v36 =	vmul.f32 v25, v23;
	v13 =	vmul.f32 v13, v23;
	v7 =	vadd.f32 v54, v7;
	v54 =	vld [tilespmem:$0x1FFC0]  }
0x2b5: {  	v43 =	vmul.f32 v24, v23;
	v45 =	vmul.f32 v37, v23;
	(v2sf) =	vpush v61, $0xF;
	v61 =	vld [tilespmem:$0xEBA0]  }
0x2b6: {  	v51 =	vmul.f32 v42, v23;
	v12 =	vadd.f32 v23, v12;
	v0 =	vadd.f32 v28, v0;
	v28 =	vld [tilespmem:$0xEEF0]  }
0x2b7: {  	v8 =	vmul.f32 v8, v23;
	(xrf2) =	vadd.scan.msk.f32 $0xffff, v47;
	v4 =	vadd.f32 v36, v4;
	v2 =	vadd.f32 v13, v2;
	v47 =	vld [tilespmem:$0xF070]  }
0x2b8: {  	v21 =	vmul.f32 v21, v23;
	v3 =	vadd.f32 v45, v3;
	v5 =	vadd.f32 v46, v59;
	v29 =	vld.idx.msk [tilespmem:v29+s9+$0x0], $0xffff  }
0x2b9: {  	v45 =	vld [tilespmem:$0xE390];
	v7 =	vadd.f32 v43, v7;
	v48 =	vmul.f32 v6, v6;
	v43 =	vmul.f32 v49, v6  }
0x2ba: {  	v11 =	vadd.f32 v51, v11;
	v46 =	vld [tilespmem:$0xE530];
	v16 =	vmul.f32 v53, v6;
	v23 =	vmul.f32 v56, v6  }
0x2bb: {  	v8 =	vadd.f32 v8, v10;
	v51 =	vld [tilespmem:$0x1FFD0];
	v10 =	vmul.f32 v57, v6;
	v53 =	vbroadcast v35, $0x9  }
0x2bc: {  	v9 =	vadd.f32 v21, v9;
	v36 =	vld [tilespmem:$0x1FFE0];
	v21 =	vmul.f32 v38, v6;
	v57 =	vmul.f32 v61, v6  }
0x2bd: {  	v13 =	vadd.f32 v55, v0;
	v55 =	vld [tilespmem:$0x1FE20];
	v60 =	vmul.f32 v29, v29;
	v59 =	vmul.f32 v27, v29  }
0x2be: {  	v49 =	vld [tilespmem:$0xE6D0];
	v26 =	vmul.f32 v26, v29;
	v22 =	vmul.f32 v22, v29  }
0x2bf: {  	v56 =	vld [tilespmem:$0x1FFF0];
	v20 =	vmul.f32 v20, v29;
	v18 =	vmul.f32 v63, v29  }
0x2c0: {  	v1 =	vadd.f32 v17, v1;
	v61 =	vld [tilespmem:$0x1FE60];
	v37 =	vmul.f32 v40, v29;
	v17 =	vmul.f32 v44, v29  }
0x2c1: {  	v63 =	vld [tilespmem:$0xED40];
	v40 =	vmul.f32 v47, v29;
	v47 =	vbroadcast v35, $0x8;
	(xrf2) =	vadd.scan.msk.f32 $0xffff, v60  }
0x2c2: {  	v15 =	vmul.f32 v41, v29;
	v12 =	vadd.f32 v29, v12;
	v41 =	vld [tilespmem:$0xE1F0];
	v1 =	vadd.f32 v59, v1  }
0x2c3: {  	v60 =	vld [tilespmem:$0xEA00];
	v4 =	vadd.f32 v26, v4;
	v9 =	vadd.f32 v17, v9;
	v17 =	vadd.s32 v51, v47;
	v32, _, _ =	vpop (xrf2)  }
0x2c4: {  	v2 =	vadd.f32 v22, v2;
	v59 =	vld [tilespmem:$0x1FE30];
	(v2sf) =	vpush v32, $0xF;
	v32 =	vadd.s32 v54, v50  }
0x2c5: {  	v14 =	vmul.f32 v14, v29;
	v7 =	vadd.f32 v20, v7;
	v11 =	vadd.f32 v37, v11;
	v37 =	vld [tilespmem:$0xE540]  }
0x2c6: {  	v13 =	vadd.f32 v40, v13;
	v40 =	vld [tilespmem:$0xE210];
	v16 =	vadd.f32 v16, v2;
	v2 =	vadd.s32 v56, v53  }
0x2c7: {  	v3 =	vadd.f32 v14, v3;
	v5 =	vadd.f32 v18, v5;
	(xrf2) =	vadd.scan.msk.f32 $0xffff, v48;
	v20 =	vmul.f32 v63, v6;
	v63 =	vld [tilespmem:$0xE3A0]  }
0x2c8: {  	v27 =	vand.u32 $0x7F, v55;
	v8 =	vadd.f32 v15, v8;
	v22 =	vadd.f32 v43, v1;
	v1 =	vld.idx.msk [tilespmem:v17+s9+$0x0], $0xffff  }
0x2c9: {  	v12 =	vadd.f32 v6, v12;
	v48 =	vmul.f32 v52, v6;
	v7 =	vadd.f32 v23, v7;
	v0 =	vld.idx.msk [tilespmem:v32+s9+$0x0], $0xffff  }
0x2ca: {  	v3 =	vadd.f32 v10, v3;
	v54 =	vand.u32 $0xFFFFFF80, v35;
	v52 =	vmul.f32 v60, v6;
	v60 =	vld [tilespmem:$0xE200]  }
0x2cb: {  	s20 =	sadd.f32 $0.0e+00, s20;
	v11 =	vadd.f32 v57, v11;
	v9 =	vadd.f32 v21, v9;
	v27 =	vor.u32 v27, v54;
	v2 =	vld.idx.msk [tilespmem:v2+s9+$0x0], $0xffff;
	v58, _, _ =	vpop (xrf2)  }
0x2cc: {  	v47 =	vld [tilespmem:$0xE6E0];
	v32 =	vand.u32 $0x7F, v59;
	(v2sf) =	vpush v58, $0xF;
	v58 =	vand.u32 $0xFFFFFF80, v34  }
0x2cd: {  	s19 =	sadd.f32 s19, s20;
	v26 =	vld [tilespmem:$0xEA10];
	v4 =	vadd.f32 v48, v4;
	v27 =	vadd.s32 v61, v27;
	v17 =	vor.u32 v32, v58  }
0x2ce: {  	v50 =	vld [tilespmem:$0xE870];
	v6 =	vmul.f32 v39, v6;
	v44 =	vmul.f32 v0, v0;
	v17 =	vadd.s32 v36, v17  }
0x2cf: {  	s18 =	sadd.f32 s18, s19;
	v51 =	vld [tilespmem:$0xE880];
	v8 =	vadd.f32 v20, v8;
	v43 =	vmul.f32 v60, v1;
	v48 =	vmul.f32 v63, v1  }
0x2d0: {  	v10 =	vld [tilespmem:$0xEBB0];
	v5 =	vadd.f32 v52, v5;
	v52 =	vmul.f32 v37, v1;
	v21 =	vmul.f32 v40, v2;
	(xrf2) =	vadd.scan.msk.f32 $0xffff, v44  }
0x2d1: {  	s17 =	sadd.f32 s17, s18;
	v23 =	vld [tilespmem:$0xED50];
	v42, _, _ =	vpop (xrf2);
	v58 =	vmul.f32 v47, v1;
	v15 =	vmul.f32 v41, v0;
	v12 =	vadd.f32 v0, v12  }
0x2d2: {  	(v2sf) =	vpush v42, $0xF;
	v39 =	vmul.f32 v45, v0;
	v14 =	vmul.f32 v46, v0;
	v41 =	vld.idx.msk [tilespmem:v27+s2+$0x0], $0xffff  }
0x2d3: {  	s16 =	sadd.f32 s29, s17;
	v19 =	vmul.f32 v49, v0;
	v45 =	vmul.f32 v50, v0;
	v12 =	vadd.f32 v1, v12;
	v42 =	vld.idx.msk [tilespmem:v17+s2+$0x0], $0xffff  }
0x2d4: {  	v6 =	vadd.f32 v6, v13;
	v46 =	vmul.f32 v1, v1;
	v49 =	vmul.f32 v2, v2;
	v44 =	vld [tilespmem:$0xE3B0]  }
0x2d5: {  	s15 =	sadd.f32 s30, s16;
	v53 =	vld [tilespmem:$0xE6F0];
	v56 =	vmul.f32 v26, v0;
	v15 =	vadd.f32 v15, v22;
	v12 =	vadd.f32 v2, v12  }
0x2d6: {  	v50 =	vld [tilespmem:$0xE550];
	v10 =	vmul.f32 v10, v0;
	v4 =	vadd.f32 v39, v4;
	v14 =	vadd.f32 v14, v16  }
0x2d7: {  	s14 =	sadd.f32 s31, s15;
	v57 =	vld [tilespmem:$0xE890];
	(xrf2) =	vadd.scan.msk.f32 $0xffff, v46;
	v15 =	vadd.f32 v43, v15;
	v22 =	vnsel vm0, $0x0, v41;
	v12 =	vmul.f32 v12, v12  }
0x2d8: {  	v54 =	vld [tilespmem:$0xEA20];
	v25 =	vmul.f32 v28, v0;
	v7 =	vadd.f32 v19, v7;
	(xrf2) =	vadd.scan.msk.f32 $0xffff, v49;
	v13 =	vadd.f32 v22, v42  }
0x2d9: {  	s13 =	sadd.f32 s5, s14;
	v28 =	vld [tilespmem:$0xEF00];
	v4 =	vadd.f32 v48, v4;
	v15 =	vadd.f32 v21, v15;
	v55 =	vmul.f32 v44, v2;
	(xrf2) =	vadd.scan.msk.f32 $0xffff, v12  }
0x2da: {  	s6 =	spop (v2sf);
	v59 =	vld [tilespmem:$0xEBC0];
	v24 =	vmul.f32 v23, v0;
	v3 =	vadd.f32 v45, v3;
	v5 =	vadd.f32 v56, v5;
	v38, _, _ =	vpop (xrf2);
	(xrf2) =	vadd.scan.msk.f32 $0xffff, v13  }
0x2db: {  	s13 =	sadd.f32 s6, s13;
	v63 =	vld [tilespmem:$0xEA30];
	v14 =	vadd.f32 v52, v14;
	v60 =	vmul.f32 v50, v2;
	v4 =	vadd.f32 v55, v4;
	(xrf2) =	vadd.scan.msk.f32 $0xffff, v15  }
0x2dc: {  	s10 =	spop (v2sf);
	v61 =	vmul.f32 v51, v1;
	v37 =	vld [tilespmem:$0xF0A0];
	v10 =	vadd.f32 v10, v11;
	v8 =	vadd.f32 v24, v8  }
0x2dd: {  	s13 =	sadd.f32 s10, s13;
	v27 =	vld [tilespmem:$0xED60];
	v7 =	vadd.f32 v58, v7;
	v14 =	vadd.f32 v60, v14;
	v22 =	vmul.f32 v53, v2;
	(xrf2) =	vadd.scan.msk.f32 $0xffff, v4  }
0x2de: {  	s15 =	spop (v2sf);
	v26 =	vld [tilespmem:$0xEBD0];
	v9 =	vadd.f32 v25, v9;
	v43 =	vmul.f32 v28, v1;
	v12 =	vmul.f32 v54, v1  }
0x2df: {  	s13 =	sadd.f32 s15, s13;
	v3 =	vadd.f32 v61, v3;
	v21 =	vld [tilespmem:$0xF090];
	v7 =	vadd.f32 v22, v7;
	v13 =	vmul.f32 v57, v2;
	(xrf2) =	vadd.scan.msk.f32 $0xffff, v14  }
0x2e0: {  	s16 =	spop (v2sf);
	v34 =	vld [tilespmem:$0xED70];
	v32 =	vmul.f32 v63, v2;
	v48 =	vadd.f32 v43, v9;
	v5 =	vadd.f32 v12, v5  }
0x2e1: {  	s13 =	sadd.f32 s16, s13;
	v39 =	vld [tilespmem:$0xEF10];
	(v2sf) =	vpush v38, $0xF;
	v15 =	vmul.f32 v59, v1;
	v29, _, _ =	vpop (xrf2);
	v3 =	vadd.f32 v13, v3;
	(xrf2) =	vadd.scan.msk.f32 $0xffff, v7  }
0x2e2: {  	s17 =	spop (v2sf);
	v49 =	vld [tilespmem:$0x1FE40];
	v42 =	vmul.f32 v27, v1;
	v5 =	vadd.f32 v32, v5;
	v35, _, _ =	vpop (xrf2);
	(v2sf) =	vpush v29, $0xF  }
0x2e3: {  	s13 =	sadd.f32 s17, s13;
	v38 =	vmul.f32 v26, v2;
	v36 =	vadd.f32 v15, v10;
	(v2sf) =	vpush v35, $0xF;
	v40, _, _ =	vpop (xrf2);
	(xrf2) =	vadd.scan.msk.f32 $0xffff, v3  }
0x2e4: {  	s18 =	spop (v2sf);
	v44 =	vld [tilespmem:$0xF0B0];
	v0 =	vmul.f32 v21, v0;
	v46 =	vadd.f32 v42, v8;
	(v2sf) =	vpush v40, $0xF;
	v41, _, _ =	vpop (xrf2)  }
0x2e5: {  	s13 =	sadd.f32 s18, s13;
	v47 =	vmul.f32 v34, v2;
	v4 =	vadd.f32 v38, v36;
	(v2sf) =	vpush v41, $0xF;
	v45, _, _ =	vpop (xrf2);
	(xrf2) =	vadd.scan.msk.f32 $0xffff, v5  }
0x2e6: {  	s19 =	spop (v2sf);
	v0 =	vadd.f32 v0, v6;
	v1 =	vmul.f32 v37, v1;
	(v2sf) =	vpush v45, $0xF  }
0x2e7: {  	s13 =	sadd.f32 s19, s13;
	v52 =	vmul.f32 v39, v2;
	v51 =	vadd.f32 v47, v46;
	v50, _, _ =	vpop (xrf2);
	(xrf2) =	vadd.scan.msk.f32 $0xffff, v4;
	(v2sf) =	vpush v49, $0x4  }
0x2e8: {  	s20 =	spop (v2sf);
	v0 =	vadd.f32 v1, v0;
	(v2sf) =	vpush v50, $0xF  }
0x2e9: {  	s13 =	sadd.f32 s20, s13;
	s21 =	spop (v2sf);
	v2 =	vmul.f32 v44, v2;
	v3 =	vadd.f32 v52, v48;
	v53, _, _ =	vpop (xrf2);
	(xrf2) =	vadd.scan.msk.f32 $0xffff, v51;
	(v2sf) =	vpush v49, $0x5  }
0x2ea: {  	s22 =	spop (v2sf);
	(v2sf) =	vpush v53, $0xF  }
0x2eb: {  	s13 =	sadd.f32 s21, s13;
	s23 =	spop (v2sf);
	v0 =	vadd.f32 v2, v0;
	v54, _, _ =	vpop (xrf2);
	(xrf2) =	vadd.scan.msk.f32 $0xffff, v3;
	(v2sf) =	vpush v49, $0x6  }
0x2ec: {  	s24 =	spop (v2sf);
	(v2sf) =	vpush v54, $0xF  }
0x2ed: {  	s13 =	sadd.f32 s22, s13;
	s25 =	spop (v2sf);
	v55, _, _ =	vpop (xrf2);
	(xrf2) =	vadd.scan.msk.f32 $0xffff, v0;
	(v2sf) =	vpush v49, $0x7  }
0x2ee: {  	s26 =	spop (v2sf);
	(v2sf) =	vpush v55, $0xF  }
0x2ef: {  	s17 =	sadd.f32 s23, s13;
	s28 =	spop (v2sf);
	v56, _, _ =	vpop (xrf2);
	(v2sf) =	vpush v49, $0x8  }
0x2f0: {  	s29 =	spop (v2sf);
	(v2sf) =	vpush v56, $0xF  }
0x2f1: {  	s14 =	sadd.f32 s24, s17;
	s30 =	spop (v2sf);
	v57, _, _ =	vpop (xrf2);
	(v2sf) =	vpush v49, $0x9  }
0x2f2: {  	s21 =	spop (v2sf);
	(v2sf) =	vpush v57, $0xF  }
0x2f3: {  	s14 =	sadd.f32 s25, s14;
	s22 =	spop (v2sf);
	v58, _, _ =	vpop (xrf2);
	(v2sf) =	vpush v49, $0xA  }
0x2f4: {  	s10 =	spop (v2sf);
	(v2sf) =	vpush v58, $0xF  }
0x2f5: {  	s14 =	sadd.f32 s26, s14;
	v59, _, _ =	vpop (xrf2);
	s13 =	spop (v2sf);
	(v2sf) =	vpush v49, $0xB  }
0x2f6: {  	s31 =	spop (v2sf);
	(v2sf) =	vpush v59, $0xF  }
0x2f7: {  	s14 =	sadd.f32 s28, s14;
	v60, _, _ =	vpop (xrf2);
	s23 =	spop (v2sf);
	(v2sf) =	vpush v49, $0xC  }
0x2f8: {  	s2 =	spop (v2sf);
	(v2sf) =	vpush v60, $0xF  }
0x2f9: {  	s14 =	sadd.f32 s29, s14;
	s24 =	spop (v2sf);
	(v2sf) =	vpush v49, $0xD  }
0x2fa: {  	s5 =	spop (v2sf);
	(v2sf) =	vpush v49, $0xE  }
0x2fb: {  	s14 =	sadd.f32 s30, s14;
	s25 =	spop (v2sf);
	(v2sf) =	vpush v33, $0x0  }
0x2fc: {  	s6 =	spop (v2sf)  }
0x2fd: {  	s14 =	sadd.f32 s21, s14;
	(v2sf) =	vpush v33, $0x5;
	s26 =	spop (v2sf)  }
0x2fe: {  	[smem:$0x7E0] =	sst s10;
	s10 =	spop (v2sf)  }
0x2ff: {  	s14 =	ssub.f32 s22, s14;
	s28 =	spop (v2sf)  }
0x300: {  	s17 =	sadd.f32 s13, s31;
	s29 =	spop (v2sf);
	(v2sf) =	vpush v33, $0xA  }
0x301: {  	s16 =	sadd.f32 s23, s2;
	s30 =	spop (v2sf);
	(v2sf) =	vpush v33, $0xF  }
0x302: {  	s21 =	smax.f32 s17, $0.0e+00;
	s23 =	spop (v2sf)  }
0x303: {  	s16 =	smax.f32 s16, $0.0e+00;
	(v2sf) =	vpush v31, $0x4;
	s31 =	spop (v2sf)  }
0x304: {  	s2 =	sadd.f32 s24, s5;
	s24 =	spop (v2sf)  }
0x305: {  	s15 =	sadd.f32 s25, s6;
	(v2sf) =	vpush v31, $0x9;
	s25 =	spop (v2sf)  }
0x306: {  	s13 =	smov.u32 s0;
	s18 =	smax.f32 s2, $0.0e+00;
	(v2sf) =	vpush v31, $0xE;
	s0 =	spop (v2sf)  }
0x307: {  	s17 =	smax.f32 s15, $0.0e+00;
	(v2sf) =	vpush v30, $0x3;
	s2 =	spop (v2sf)  }
0x308: {  	s5 =	sadd.f32 s26, s10;
	(v2sf) =	vpush v30, $0x8;
	s26 =	spop (v2sf)  }
0x309: {  	s6 =	sadd.f32 s28, s29;
	(v2sf) =	vpush v30, $0xD;
	s10 =	spop (v2sf)  }
0x30a: {  	s22 =	smax.f32 s5, $0.0e+00;
	(v2sf) =	vpush v49, $0xF;
	s29 =	spop (v2sf)  }
0x30b: {  	s19 =	smax.f32 s6, $0.0e+00;
	(v2sf) =	vpush v33, $0x1;
	s15 =	smul.f32 s21, s29  }
0x30c: {  	s23 =	sadd.f32 s30, s23;
	s5 =	spop (v2sf)  }
0x30d: {  	(v2sf) =	vpush v33, $0x6;
	s28 =	smul.f32 s16, s5;
	s15 =	sadd.f32 s15, s10  }
0x30e: {  	s20 =	smax.f32 s23, $0.0e+00;
	s24 =	sadd.f32 s31, s24  }
0x30f: {  	s6 =	spop (v2sf);
	s15 =	sadd.f32 s28, s15;
	(v2sf) =	vpush v33, $0xB  }
0x310: {  	s23 =	smul.f32 s18, s6;
	s10 =	spop (v2sf)  }
0x311: {  	s0 =	sadd.f32 s25, s0;
	s28 =	smul.f32 s17, s10  }
0x312: {  	(v2sf) =	vpush v31, $0x0;
	s29 =	spop (v2sf);
	s15 =	sadd.f32 s23, s15  }
0x313: {  	s2 =	sadd.f32 s2, s26;
	(v2sf) =	vpush v31, $0x5;
	s30 =	smul.f32 s22, s29  }
0x314: {  	v61 =	vld [tilespmem:$0x1FE50];
	s31 =	spop (v2sf);
	(v2sf) =	vpush v31, $0xA;
	s25 =	sadd.f32 s28, s15  }
0x315: {  	s23 =	smax.f32 s24, $0.0e+00;
	s5 =	spop (v2sf);
	(v2sf) =	vpush v31, $0xF  }
0x316: {  	s24 =	sadd.f32 s30, s25;
	s25 =	spop (v2sf);
	(v2sf) =	vpush v30, $0x4  }
0x317: {  	s15 =	smax.f32 s0, $0.0e+00;
	s29 =	spop (v2sf);
	(v2sf) =	vpush v30, $0x9  }
0x318: {  	s28 =	smul.f32 s19, s31;
	s26 =	spop (v2sf);
	(v2sf) =	vpush v30, $0xE  }
0x319: {  	s0 =	smul.f32 s20, s5;
	s6 =	spop (v2sf);
	(v2sf) =	vpush v61, $0x0  }
0x31a: {  	s25 =	smul.f32 s23, s25;
	s10 =	spop (v2sf);
	(v2sf) =	vpush v33, $0x2  }
0x31b: {  	s28 =	sadd.f32 s28, s24;
	s24 =	smax.f32 s2, $0.0e+00  }
0x31c: {  	s31 =	smul.f32 s21, s10;
	s5 =	spop (v2sf);
	(v2sf) =	vpush v33, $0x7  }
0x31d: {  	s0 =	sadd.f32 s0, s28;
	s28 =	smul.f32 s16, s5  }
0x31e: {  	s2 =	sadd.f32 s31, s6;
	s6 =	spop (v2sf);
	(v2sf) =	vpush v33, $0xC  }
0x31f: {  	s29 =	smul.f32 s15, s29;
	s0 =	sadd.f32 s25, s0  }
0x320: {  	s26 =	smul.f32 s24, s26;
	s2 =	sadd.f32 s28, s2  }
0x321: {  	s10 =	smul.f32 s18, s6;
	s30 =	spop (v2sf);
	(v2sf) =	vpush v31, $0x1  }
0x322: {  	s25 =	smul.f32 s17, s30;
	s31 =	spop (v2sf);
	(v2sf) =	vpush v31, $0x6  }
0x323: {  	s2 =	sadd.f32 s10, s2;
	s6 =	spop (v2sf)  }
0x324: {  	(v2sf) =	vpush v31, $0xB;
	s10 =	smul.f32 s22, s31;
	s5 =	spop (v2sf)  }
0x325: {  	(v2sf) =	vpush v30, $0x0;
	s2 =	sadd.f32 s25, s2;
	s28 =	spop (v2sf)  }
0x326: {  	s0 =	sadd.f32 s29, s0;
	(v2sf) =	vpush v30, $0x5;
	s31 =	spop (v2sf)  }
0x327: {  	s2 =	sadd.f32 s10, s2;
	(v2sf) =	vpush v30, $0xA;
	s10 =	spop (v2sf)  }
0x328: {  	s29 =	smul.f32 s19, s6;
	(v2sf) =	vpush v30, $0xF;
	s6 =	spop (v2sf)  }
0x329: {  	s25 =	sadd.f32 s26, s0;
	(v2sf) =	vpush v61, $0x1;
	s26 =	spop (v2sf)  }
0x32a: {  	s2 =	sadd.f32 s29, s2;
	(v2sf) =	vpush v33, $0x3;
	s0 =	smul.f32 s21, s26  }
0x32b: {  	s26 =	smul.f32 s20, s5;
	s30 =	spop (v2sf)  }
0x32c: {  	(v2sf) =	vpush v33, $0x8;
	s5 =	smul.f32 s16, s30;
	s0 =	sadd.f32 s0, s6  }
0x32d: {  	s10 =	smul.f32 s24, s10;
	s29 =	spop (v2sf)  }
0x32e: {  	(v2sf) =	vpush v33, $0xD;
	s0 =	sadd.f32 s5, s0;
	s30 =	smul.f32 s18, s29  }
0x32f: {  	s2 =	sadd.f32 s26, s2;
	s5 =	smul.f32 s23, s28  }
0x330: {  	s29 =	spop (v2sf);
	(v2sf) =	vpush v31, $0x2;
	s0 =	sadd.f32 s30, s0  }
0x331: {  	s30 =	smul.f32 s17, s29;
	s29 =	spop (v2sf)  }
0x332: {  	s2 =	sadd.f32 s5, s2;
	(v2sf) =	vpush v31, $0x7;
	s6 =	smul.f32 s22, s29  }
0x333: {  	s0 =	sadd.f32 s30, s0;
	s30 =	spop (v2sf)  }
0x334: {  	s5 =	smul.f32 s15, s31;
	(v2sf) =	vpush v31, $0xC;
	s31 =	spop (v2sf)  }
0x335: {  	(v2sf) =	vpush v30, $0x1;
	s0 =	sadd.f32 s6, s0;
	s6 =	spop (v2sf)  }
0x336: {  	s28 =	smul.f32 s19, s30;
	(v2sf) =	vpush v30, $0x6;
	s29 =	spop (v2sf)  }
0x337: {  	s2 =	sadd.f32 s5, s2;
	(v2sf) =	vpush v30, $0xB;
	s30 =	spop (v2sf)  }
0x338: {  	(v2sf) =	vpush v62, $0x0;
	s0 =	sadd.f32 s28, s0;
	s28 =	spop (v2sf)  }
0x339: {  	s31 =	smul.f32 s20, s31;
	(v2sf) =	vpush v61, $0x2;
	s5 =	spop (v2sf)  }
0x33a: {  	s26 =	sadd.f32 s10, s2;
	(v2sf) =	vpush v33, $0x4;
	s5 =	smul.f32 s21, s5  }
0x33b: {  	s6 =	smul.f32 s23, s6;
	s10 =	spop (v2sf);
	(v2sf) =	vpush v33, $0x9  }
0x33c: {  	s2 =	sadd.f32 s5, s28;
	s5 =	smul.f32 s16, s10  }
0x33d: {  	s0 =	sadd.f32 s31, s0;
	s31 =	spop (v2sf)  }
0x33e: {  	(v2sf) =	vpush v33, $0xE;
	s2 =	sadd.f32 s5, s2;
	s10 =	smul.f32 s18, s31  }
0x33f: {  	s28 =	spop (v2sf);
	s31 =	smul.f32 s15, s29  }
0x340: {  	s0 =	sadd.f32 s6, s0;
	s28 =	smul.f32 s17, s28  }
0x341: {  	(v2sf) =	vpush v31, $0x3;
	s2 =	sadd.f32 s10, s2;
	s29 =	spop (v2sf)  }
0x342: {  	s0 =	sadd.f32 s31, s0;
	s6 =	smul.f32 s22, s29  }
0x343: {  	(v2sf) =	vpush v31, $0x8;
	s29 =	smul.f32 s24, s30;
	s31 =	spop (v2sf)  }
0x344: {  	s2 =	sadd.f32 s28, s2;
	s5 =	spop (v2sf)  }
0x345: {  	(v2sf) =	vpush v31, $0xD;
	s10 =	smul.f32 s19, s31;
	s28 =	spop (v2sf)  }
0x346: {  	(v2sf) =	vpush v30, $0x2;
	s0 =	sadd.f32 s29, s0;
	s30 =	spop (v2sf)  }
0x347: {  	s2 =	sadd.f32 s6, s2;
	s6 =	spop (v2sf)  }
0x348: {  	(v2sf) =	vpush v30, $0x7;
	s5 =	smul.f32 s20, s5;
	s31 =	spop (v2sf)  }
0x349: {  	(v2sf) =	vpush v30, $0xC;
	s2 =	sadd.f32 s10, s2;
	s29 =	spop (v2sf)  }
0x34a: {  	(v2sf) =	vpush v62, $0x1;
	s21 =	smul.f32 s21, s29;
	s29 =	spop (v2sf)  }
0x34b: {  	s0 =	smax.f32 s0, $0.0e+00;
	(v2sf) =	vpush v61, $0x3;
	s16 =	smul.f32 s16, s29  }
0x34c: {  	(v2sf) =	vpush v62, $0x2;
	s2 =	sadd.f32 s5, s2;
	s29 =	smul.f32 s23, s28  }
0x34d: {  	s10 =	sadd.f32 s21, s31;
	s21 =	spop (v2sf);
	(v2sf) =	vpush v62, $0x5  }
0x34e: {  	s30 =	smul.f32 s15, s30;
	s2 =	sadd.f32 s29, s2  }
0x34f: {  	s6 =	smul.f32 s24, s6;
	s10 =	sadd.f32 s16, s10  }
0x350: {  	s5 =	smul.f32 s18, s21;
	s31 =	spop (v2sf)  }
0x351: {  	(v2sf) =	vpush v62, $0x8;
	s21 =	smul.f32 s17, s31;
	s2 =	sadd.f32 s30, s2  }
0x352: {  	(v2sf) =	vpush v62, $0xB;
	s5 =	sadd.f32 s5, s10;
	s28 =	spop (v2sf)  }
0x353: {  	(v2sf) =	vpush v62, $0xE;
	s29 =	smul.f32 s22, s28;
	s2 =	sadd.f32 s6, s2  }
0x354: {  	s5 =	sadd.f32 s21, s5;
	s31 =	spop (v2sf)  }
0x355: {  	(v2sf) =	vpush v61, $0x4;
	s17 =	smul.f32 s19, s31;
	s18 =	spop (v2sf)  }
0x356: {  	(v2sf) =	vpush v62, $0x3;
	s2 =	smax.f32 s2, $0.0e+00;
	s5 =	sadd.f32 s29, s5  }
0x357: {  	s19 =	spop (v2sf);
	s21 =	smul.f32 s20, s18;
	(v2sf) =	vpush v62, $0x6  }
0x358: {  	s5 =	sadd.f32 s17, s5;
	s17 =	spop (v2sf)  }
0x359: {  	s20 =	smax.f32 s25, $0.0e+00;
	(v2sf) =	vpush v62, $0x9;
	s18 =	spop (v2sf)  }
0x35a: {  	s10 =	smul.f32 s23, s19;
	(v2sf) =	vpush v62, $0xC;
	s22 =	spop (v2sf)  }
0x35b: {  	s5 =	sadd.f32 s21, s5;
	(v2sf) =	vpush v62, $0xF;
	s28 =	spop (v2sf)  }
0x35c: {  	s30 =	smul.f32 s20, s28;
	s29 =	spop (v2sf);
	(v2sf) =	vpush v61, $0x5  }
0x35d: {  	s15 =	smul.f32 s15, s17;
	s5 =	sadd.f32 s10, s5  }
0x35e: {  	s21 =	smax.f32 s26, $0.0e+00;
	s10 =	sadd.f32 s30, s22  }
0x35f: {  	s18 =	smul.f32 s24, s18;
	s5 =	sadd.f32 s15, s5  }
0x360: {  	s31 =	spop (v2sf);
	(v2sf) =	vpush v62, $0x4;
	s6 =	smul.f32 s21, s29  }
0x361: {  	s22 =	spop (v2sf);
	(v2sf) =	vpush v62, $0x7;
	s23 =	smul.f32 s0, s31  }
0x362: {  	s5 =	sadd.f32 s18, s5;
	s17 =	spop (v2sf);
	(v2sf) =	vpush v62, $0xA  }
0x363: {  	s6 =	sadd.f32 s10, s6;
	s26 =	smul.f32 s2, s22  }
0x364: {  	s5 =	smax.f32 s5, $0.0e+00;
	s25 =	spop (v2sf)  }
0x365: {  	(v2sf) =	vpush v62, $0xD;
	s6 =	sadd.f32 s6, s23;
	s28 =	spop (v2sf)  }
0x366: {  	s17 =	smul.f32 s5, s17;
	s29 =	spop (v2sf)  }
0x367: {  	(v2sf) =	vpush v49, $0x0;
	s6 =	sadd.f32 s6, s26;
	s16 =	smul.f32 s20, s28  }
0x368: {  	(v2sf) =	vpush v61, $0x6;
	s23 =	smul.f32 s21, s29;
	s30 =	spop (v2sf)  }
0x369: {  	(v2sf) =	vpush v49, $0x1;
	s15 =	sadd.f32 s16, s25;
	s31 =	spop (v2sf)  }
0x36a: {  	s10 =	smul.f32 s0, s30;
	s22 =	spop (v2sf)  }
0x36b: {  	s15 =	sadd.f32 s15, s23;
	s24 =	spop (v2sf);
	(v2sf) =	vpush v49, $0x2  }
0x36c: {  	s6 =	sadd.f32 s6, s17  }
0x36d: {  	s31 =	smul.f32 s2, s31;
	s10 =	sadd.f32 s15, s10;
	(v2sf) =	vpush v49, $0x3  }
0x36e: {  	s6 =	smax.f32 s6, $0.0e+00;
	s18 =	smul.f32 s5, s22  }
0x36f: {  	s10 =	sadd.f32 s10, s31;
	s25 =	spop (v2sf)  }
0x370: {  	s26 =	smul.f32 s20, s25;
	s28 =	spop (v2sf);
	(v2sf) =	vpush v61, $0x7  }
0x371: {  	s17 =	smul.f32 s21, s28;
	s29 =	spop (v2sf)  }
0x372: {  	s16 =	sadd.f32 s26, s24;
	s0 =	smul.f32 s0, s29  }
0x373: {  	s10 =	sadd.f32 s10, s18;
	s24 =	smul.f32 $5.000000000e-01, s14  }
0x374: {  	s30 =	spop (v2sf);
	s16 =	sadd.f32 s16, s17  }
0x375: {  	s25 =	sld [smem:$0x7E0];
	s2 =	smul.f32 s2, s30  }
0x376: {  	s17 =	spop (v2sf);
	s0 =	sadd.f32 s16, s0  }
0x377: {  	s19 =	spop (v2sf);
	s5 =	smul.f32 s5, s17  }
0x378: {  	s20 =	spop (v2sf);
	s0 =	sadd.f32 s0, s2  }
0x379: {  	s22 =	smax.f32 s10, $0.0e+00;
	s6 =	smul.f32 s6, s20  }
0x37a: {  	s0 =	sadd.f32 s0, s5;
	s21 =	spop (v2sf)  }
0x37b: {  	s2 =	sadd.f32 s6, s19;
	s5 =	smul.f32 s22, s21  }
0x37c: {  	s0 =	smax.f32 s0, $0.0e+00;
	s23 =	spop (v2sf)  }
0x37d: {  	s0 =	smul.f32 s0, s23;
	s2 =	sadd.f32 s2, s5  }
0x37e: {  	s5 =	sadd.f32 s25, s24  }
0x37f: {  	s26 =	spop (v2sf);
	s0 =	sadd.f32 s2, s0  }
0x380: {  	s2 =	sadd.f32 s5, s26;
	_ =	sdelay $0x1  }
0x381: {  	s0 =	sadd.f32 s0, s2  }
0x382: {  	s29 =	sld [smem:$0x7FD]  }
0x383: {  	p0 =	sne.s32 s13, $0x1;
	v63 =	vmov s0  }
.Ltmp1:
0x384: {  	s28 =	rddreg [dreg:$0x7];
	s30 =	simm.s32 $0x3;
	[tilespmem:$0xF180] =	vst v63;
	(pc) =	sbr.rel @p0 .LBB2_2-.Ltmp1, $4  }
0x385: {  	[hbm4b:s28+s3] =	stream.linear.scatter [tilespmem:s29], [sflag:$0x3], $0x80, $0x38;
	[tilespmem:$0xF200] =	vst v63  }
0x386: {  	_ =	swait.ge [sflag:s30], $0x80  }
0x387: {  	s31 =	simm.s32 $0x3;
	[sflag:s30] =	ssyncset.done $0x0  }
0x388: {  	s0 =	sadd.s32 $0xFFFFFFFF, s13;
	[sflag:s31] =	ssyncadd.s32 $0xFFFFFF80  }
.LBB2_3:
0x389: {  	_ =	sfence.sel $0x180000  }
0x38a: {  	[bflag:$0x0] =	sbarrier.arrive $0xFFFF  }
0x38b: {  	_ =	strace $0x90000047  }
0x38c: {  	s0 =	stileid.u32;
	[bflag:$0x2] =	sbarrier.arrive $0xFFFF  }
0x38d: {  	p0 =	sne.s32 s0, $0x0;
	s0 =	rddreg [dreg:$0x3]  }
0x38e: {  	s0 =	sadd.s32 @!p0 $0x100000, s0  }
0x38f: {  	[sflag:s0] =	ssyncadd.tile.s32 @!p0 $0x1;
	_ =	shalt  }
.Lfunc_end2:
_tile_overlayer_lowered:
.L_overlay_start_2:
0x390: {  	(tag) =	ssettag $0x2  }
0x391: {  	s0 =	rddreg [dreg:$0x0];
	s2 =	stileid.u32  }
0x392: {  	s1 =	rddreg [dreg:$0x1];
	p0 =	sne.s32 s2, $0x0  }
0x393: {  	s3 =	rddreg [dreg:$0x2];
	[bflag:$0x3] =	sbarrier.arrive $0xFFFF;
	s2 =	simm.s32 @!p0 $0x1C03  }
0x394: {  	[timem:s3], [sflag:s2] =	dma.local @!p0 [hbm:s0], s1  }
0x395: {  	s0 =	simm.s32 @!p0 $0x3  }
0x396: {  	_ =	swait.ge @!p0 [sflag:s0], s1  }
0x397: {  	s1 =	ssub.s32 @!p0 $0x0, s1;
	[sflag:s0] =	ssyncset.done @!p0 $0x0  }
0x398: {  	[sflag:s0] =	ssyncadd.s32 @!p0 s1  }
0x399: {  	[bflag:$0x3] =	sbarrier.arrive $0xFFFF  }
0x39a: {  	_ =	shalt  }

</sc_bundles>
